<compile_context>
chip_gen: v7x
topology: tpu7x:2x2x1
jax: 0.10.2.dev20260603
libtpu: 0.0.44.dev20260713+nightly
codegen_flags: <defaults>
</compile_context>

<pallas_src>
import functools

import jax
import jax.numpy as jnp
from jax import lax
from jax.experimental import pallas as pl
from jax.experimental.pallas import tpu as pltpu
from jax.experimental.pallas import tpu_sc as plsc

_N = 10000
_NP = 10240
_E = 320000
_D = 128
_NC = 2
_HD = _D // _NC
_NS = 16
_EPT = _E // _NS
_CHUNK = 125
_NCHUNK = _EPT // _CHUNK
_RPT = _NP // _NS
_ZR = 128
_CW = 8
_NPC = 10112
_RPTC = _NPC // _NS
_LANES = 16

_f32 = jnp.float32


def _nbuf(with_cnt):
    return 4


def _fill_rows(ref, nrows, ncol16, value):
    v = jnp.full((_LANES,), value, _f32)

    def body(k, _):
        i = k // ncol16
        j = k % ncol16
        ref[i, pl.ds(j * _LANES, _LANES)] = v
        return 0

    lax.fori_loop(0, nrows * ncol16, body, 0)


def _segsum_body(with_cnt, *refs):
    nbuf = _nbuf(with_cnt)
    if with_cnt:
        (p_hbm, src_hbm, dst_hbm, zo_hbm, out_hbm, cnt_hbm,
         src_v, dst_v, *rest) = refs
        rows = rest[:nbuf]
        zbuf_v, zo_v, acc_s, cnt_s = rest[nbuf:nbuf + 4]
        sems = rest[nbuf + 4:]
    else:
        (p_hbm, src_hbm, dst_hbm, out_hbm,
         src_v, dst_v, *rest) = refs
        rows = rest[:nbuf]
        zbuf_v, acc_s = rest[nbuf:nbuf + 2]
        sems = rest[nbuf + 2:]
    bufs = tuple(zip(rows, sems))

    c = lax.axis_index("c")
    s = lax.axis_index("s")

    rpt = _RPTC if with_cnt else _RPT
    pieces = [(k * _ZR, min(_ZR, rpt - k * _ZR))
              for k in range((rpt + _ZR - 1) // _ZR)]
    _fill_rows(zbuf_v, _ZR, _HD // _LANES, 0.0)
    for off, ln in pieces:
        pltpu.sync_copy(zbuf_v.at[pl.ds(0, ln)],
                        acc_s.at[pl.ds(s * rpt + off, ln)])
    if with_cnt:
        pltpu.sync_copy(zo_hbm, zo_v)
        ones_v = zo_v.at[pl.ds(_ZR, _CHUNK)]

        @pl.when(c == 0)
        def _():
            for off, ln in pieces:
                pltpu.sync_copy(zo_v.at[pl.ds(0, ln)],
                                cnt_s.at[pl.ds(s * rpt + off, ln)])

    plsc.subcore_barrier()

    pltpu.sync_copy(src_hbm.at[c].at[s], src_v)
    pltpu.sync_copy(dst_hbm.at[s], dst_v)
    my_p = p_hbm

    def gath(j, b):
        pltpu.async_copy(my_p.at[src_v.at[j]], bufs[b][0], bufs[b][1])

    def gwait(b):
        pltpu.make_async_copy(my_p.at[src_v.at[0]], bufs[b][0], bufs[b][1]).wait()

    def scat(j, b):
        pltpu.sync_copy(bufs[b][0], acc_s.at[dst_v.at[j]], add=True)
        if with_cnt:
            @pl.when(c == 0)
            def _():
                pltpu.sync_copy(ones_v, cnt_s.at[dst_v.at[j]], add=True)

    for b in range(nbuf - 1):
        gath(b, b)

    def body(k, _):
        j = k * nbuf
        for u in range(nbuf):
            gath(j + nbuf - 1 + u, (nbuf - 1 + u) % nbuf)
            gwait(u)
            scat(j + u, u)
        return 0

    lax.fori_loop(0, (_NCHUNK - nbuf) // nbuf, body, 0)
    j = _NCHUNK - nbuf
    gath(j + nbuf - 1, nbuf - 1)
    for u in range(nbuf):
        gwait(u)
        scat(j + u, u)

    plsc.subcore_barrier()

    @pl.when(c == 0)
    def _():
        pltpu.sync_copy(acc_s.at[pl.ds(s * rpt, rpt)],
                        out_hbm.at[pl.ds(s * rpt, rpt), pl.ds(0, _HD)])

    @pl.when(c == 1)
    def _():
        pltpu.sync_copy(acc_s.at[pl.ds(s * rpt, rpt)],
                        out_hbm.at[pl.ds(s * rpt, rpt), pl.ds(_HD, _HD)])
    if with_cnt:
        @pl.when((c == 0) & (s == 0))
        def _():
            pltpu.sync_copy(cnt_s, cnt_hbm)


@functools.lru_cache(maxsize=None)
def _make_sc_segsum(with_cnt):
    mesh = plsc.VectorSubcoreMesh(core_axis_name="c", subcore_axis_name="s",
                                  num_cores=_NC, num_subcores=_NS)
    nbuf = _nbuf(with_cnt)
    np_acc = _NPC if with_cnt else _NP
    out_type = [jax.ShapeDtypeStruct((np_acc, _D), _f32)]
    scratch = [
        pltpu.VMEM((_NCHUNK, _CHUNK), jnp.int32),
        pltpu.VMEM((_NCHUNK, _CHUNK), jnp.int32),
    ]
    for _ in range(nbuf):
        scratch.append(pltpu.VMEM((_CHUNK, _HD), _f32))
    scratch.append(pltpu.VMEM((_ZR, _HD), _f32))
    if with_cnt:
        out_type.append(jax.ShapeDtypeStruct((_NPC, _CW), _f32))
        scratch.append(pltpu.VMEM((_ZR + _CHUNK, _CW), _f32))
    scratch.append(pltpu.VMEM_SHARED((np_acc, _HD), _f32))
    if with_cnt:
        scratch.append(pltpu.VMEM_SHARED((_NPC, _CW), _f32))
    for _ in range(nbuf):
        scratch.append(pltpu.SemaphoreType.DMA)

    return pl.kernel(
        functools.partial(_segsum_body, with_cnt),
        out_type=tuple(out_type),
        mesh=mesh,
        scratch_types=tuple(scratch),
        compiler_params=pltpu.CompilerParams(use_tc_tiling_on_sc=False),
        name="sc_segsum_cnt" if with_cnt else "sc_segsum",
    )


_BR = 1024


def _tc_in_body(x_ref, w_ref, b_ref, p_ref, q_ref):
    y = jnp.dot(x_ref[...], w_ref[...], preferred_element_type=_f32)
    p_ref[...] = y[:, :_D]
    q_ref[...] = y[:, _D:] + b_ref[...]


def _tc_in(x, wl, wr, b):
    return pl.pallas_call(
        _tc_in_body,
        grid=(_NP // _BR,),
        in_specs=[
            pl.BlockSpec((_BR, _D), lambda i: (i, 0)),
            pl.BlockSpec((_D, 2 * _D), lambda i: (0, 0)),
            pl.BlockSpec((1, _D), lambda i: (0, 0)),
        ],
        out_specs=[
            pl.BlockSpec((_BR, _D), lambda i: (i, 0)),
            pl.BlockSpec((_BR, _D), lambda i: (i, 0)),
        ],
        out_shape=[
            jax.ShapeDtypeStruct((_NP, _D), _f32),
            jax.ShapeDtypeStruct((_NP, _D), _f32),
        ],
    )(x, jnp.concatenate([wl, wr], axis=1), b.reshape(1, _D))


def _relu_mean(s_ref, cnt_ref, q_ref):
    ssum = s_ref[...]
    cnt = cnt_ref[:, 0:1]
    mean = ssum / jnp.maximum(cnt, 1.0)
    return jnp.maximum(mean + q_ref[...], 0.0)


def _tc_mid_body(s_ref, cnt_ref, q_ref, w_ref, b_ref, p_ref, q2_ref):
    h = _relu_mean(s_ref, cnt_ref, q_ref)
    y = jnp.dot(h, w_ref[...], preferred_element_type=_f32)
    p_ref[...] = y[:, :_D]
    q2_ref[...] = y[:, _D:] + b_ref[...]


def _tc_mid(s, cnt, q, wl, wr, b):
    return pl.pallas_call(
        _tc_mid_body,
        grid=(_NP // _BR,),
        in_specs=[
            pl.BlockSpec((_BR, _D), lambda i: (i, 0)),
            pl.BlockSpec((_BR, _CW), lambda i: (i, 0)),
            pl.BlockSpec((_BR, _D), lambda i: (i, 0)),
            pl.BlockSpec((_D, 2 * _D), lambda i: (0, 0)),
            pl.BlockSpec((1, _D), lambda i: (0, 0)),
        ],
        out_specs=[
            pl.BlockSpec((_BR, _D), lambda i: (i, 0)),
            pl.BlockSpec((_BR, _D), lambda i: (i, 0)),
        ],
        out_shape=[
            jax.ShapeDtypeStruct((_NP, _D), _f32),
            jax.ShapeDtypeStruct((_NP, _D), _f32),
        ],
    )(s, cnt, q, jnp.concatenate([wl, wr], axis=1), b.reshape(1, _D))


def _tc_out_body(s_ref, cnt_ref, q_ref, h_ref):
    h_ref[...] = _relu_mean(s_ref, cnt_ref, q_ref)


def _tc_out(s, cnt, q):
    return pl.pallas_call(
        _tc_out_body,
        grid=(_NP // _BR,),
        in_specs=[
            pl.BlockSpec((_BR, _D), lambda i: (i, 0)),
            pl.BlockSpec((_BR, _CW), lambda i: (i, 0)),
            pl.BlockSpec((_BR, _D), lambda i: (i, 0)),
        ],
        out_specs=pl.BlockSpec((_BR, _D), lambda i: (i, 0)),
        out_shape=jax.ShapeDtypeStruct((_N, _D), _f32),
    )(s, cnt, q)


def kernel(x, edge_index, Wl1, Wr1, b1, Wl2, Wr2, b2, Wl3, Wr3, b3):
    sr = edge_index[0].astype(jnp.int32).reshape(_NS, _NCHUNK, _CHUNK)
    src2 = jnp.stack([2 * sr, 2 * sr + 1])
    dst = edge_index[1].astype(jnp.int32).reshape(_NS, _NCHUNK, _CHUNK)

    zo = jnp.concatenate([jnp.zeros((_ZR, _CW), _f32),
                          jnp.ones((_CHUNK, _CW), _f32)])
    p1, q1 = _tc_in(x, Wl1, Wr1, b1)
    s1, cnt = _make_sc_segsum(True)(p1.reshape(2 * _NP, _HD), src2, dst, zo)
    p2, q2 = _tc_mid(s1, cnt, q1, Wl2, Wr2, b2)
    (s2,) = _make_sc_segsum(False)(p2.reshape(2 * _NP, _HD), src2, dst)
    p3, q3 = _tc_mid(s2, cnt, q2, Wl3, Wr3, b3)
    (s3,) = _make_sc_segsum(False)(p3.reshape(2 * _NP, _HD), src2, dst)
    return _tc_out(s3, cnt, q3)

# --- scband reference (transcript-rebuilt; emitter-appended) ---
"""Pipeline reference for scband-gnn-47794396070377 (READ-ONLY COPY).

The authoritative reference and input builder live on the scoring server;
editing this copy changes nothing except your own understanding.
"""

import jax, jax.numpy as jnp
import numpy as np

N = 10000
E = 320000
D_IN = 128
D_HID = 128
D_OUT = 128

def setup_inputs(seed: int = 0) -> dict:
    key = jax.random.key(seed)
    ks = jax.random.split(key, 12)
    x = jax.random.normal(ks[0], (N, D_IN), dtype=jnp.float32)
    edge_index = jax.random.randint(ks[1], (2, E), 0, N, dtype=jnp.int64)
    def w(k, fan_in, fan_out):
        s = 1.0 / np.sqrt(fan_in)
        return jax.random.uniform(k, (fan_in, fan_out), minval=-s, maxval=s, dtype=jnp.float32)
    Wl1 = w(ks[2], D_IN, D_HID); Wr1 = w(ks[3], D_IN, D_HID); b1 = jnp.zeros((D_HID,), jnp.float32)
    Wl2 = w(ks[4], D_HID, D_HID); Wr2 = w(ks[5], D_HID, D_HID); b2 = jnp.zeros((D_HID,), jnp.float32)
    Wl3 = w(ks[6], D_HID, D_OUT); Wr3 = w(ks[7], D_HID, D_OUT); b3 = jnp.zeros((D_OUT,), jnp.float32)
    return {"x": x, "edge_index": edge_index, "Wl1": Wl1, "Wr1": Wr1, "b1": b1,
            "Wl2": Wl2, "Wr2": Wr2, "b2": b2, "Wl3": Wl3, "Wr3": Wr3, "b3": b3}

def _sage(x, src, dst, Wl, Wr, b, n_nodes):
    # PyG SAGEConv with mean aggregation: out = lin_l(mean_j x_j) + lin_r(x)
    msg = jnp.take(x, src, axis=0)
    agg = jax.ops.segment_sum(msg, dst, num_segments=n_nodes)
    cnt = jax.ops.segment_sum(jnp.ones((src.shape[0],), jnp.float32), dst, num_segments=n_nodes)
    mean = agg / jnp.clip(cnt, 1.0)[:, None]
    return mean @ Wl + b + x @ Wr

def reference(x, edge_index, Wl1, Wr1, b1, Wl2, Wr2, b2, Wl3, Wr3, b3):
    src = edge_index[0]
    dst = edge_index[1]
    h = jax.nn.relu(_sage(x, src, dst, Wl1, Wr1, b1, N))
    h = jax.nn.relu(_sage(h, src, dst, Wl2, Wr2, b2, N))
    h = jax.nn.relu(_sage(h, src, dst, Wl3, Wr3, b3, N))
    return h

if __name__ == "__main__":
    import jax
    _d = setup_inputs()
    print(jax.jit(kernel)(*tuple(_d.values())))

</pallas_src>

<mosaic_0001>
#map = affine_map<(d0, d1) -> (0, 0)>
#map1 = affine_map<(d0, d1) -> (0, 0, 0, 0)>
#map2 = affine_map<(d0, d1) -> (0, 0, 0)>
module attributes {stable_mosaic.version = 14 : i64} {
  func.func @sc_segsum_cnt(%arg0: i32, %arg1: i32, %arg2: memref<20480x64xf32, #tpu.memory_space<hbm>>, %arg3: memref<2x16x160x125xi32, #tpu.memory_space<hbm>>, %arg4: memref<16x160x125xi32, #tpu.memory_space<hbm>>, %arg5: memref<253x8xf32, #tpu.memory_space<hbm>>, %arg6: memref<10112x128xf32, #tpu.memory_space<hbm>>, %arg7: memref<10112x8xf32, #tpu.memory_space<hbm>>, %arg8: memref<160x125xi32, #tpu.memory_space<vmem>>, %arg9: memref<160x125xi32, #tpu.memory_space<vmem>>, %arg10: memref<125x64xf32, #tpu.memory_space<vmem>>, %arg11: memref<125x64xf32, #tpu.memory_space<vmem>>, %arg12: memref<125x64xf32, #tpu.memory_space<vmem>>, %arg13: memref<125x64xf32, #tpu.memory_space<vmem>>, %arg14: memref<128x64xf32, #tpu.memory_space<vmem>>, %arg15: memref<253x8xf32, #tpu.memory_space<vmem>>, %arg16: memref<10112x64xf32, #tpu.memory_space<vmem_shared>>, %arg17: memref<10112x8xf32, #tpu.memory_space<vmem_shared>>, %arg18: memref<!tpu.dma_semaphore, #tpu.memory_space<semaphore_mem>>, %arg19: memref<!tpu.dma_semaphore, #tpu.memory_space<semaphore_mem>>, %arg20: memref<!tpu.dma_semaphore, #tpu.memory_space<semaphore_mem>>, %arg21: memref<!tpu.dma_semaphore, #tpu.memory_space<semaphore_mem>>) attributes {dimension_semantics = [#tpu.dimension_semantics<core_parallel>, #tpu.dimension_semantics<subcore_parallel>], iteration_bounds = array<i64: 2, 16>, scalar_prefetch = 0 : i64, scratch_operands = 14 : i64, tpu.core_type = #tpu.core_type<sc_vector_subcore>, window_params = [{transform_indices = #map}, {transform_indices = #map1}, {transform_indices = #map2}, {transform_indices = #map}, {transform_indices = #map}, {transform_indices = #map}]} {
    %broadcast_in_dim3A = arith.constant 0.000000e+00 : f32
    %broadcast_in_dim3A_0 = vector.broadcast %broadcast_in_dim3A : f32 to vector<16xf32>
    %scan3A = arith.constant 0 : i32
    %scan3A_1 = arith.constant 0 : i32
    %scan3A_2 = arith.constant 512 : i32
    %scan3A_3 = arith.addi %scan3A_1, %scan3A_2 : i32
    %scan3A_4 = arith.constant 1 : i32
    %scan3A_5 = scf.for %scan3A_129 = %scan3A_1 to %scan3A_3 step %scan3A_4 iter_args(%scan3A_130 = %scan3A) -> (i32)  : i32 {
      %jit3A = arith.constant 4 : i32
      %div3A = arith.divsi %scan3A_129, %jit3A : i32
      %sign3A = arith.constant 0 : i32
      %sign3A_131 = arith.cmpi sgt, %scan3A_129, %sign3A : i32
      %sign3A_132 = arith.extui %sign3A_131 : i1 to i32
      %sign3A_133 = arith.constant 0 : i32
      %sign3A_134 = arith.cmpi slt, %scan3A_129, %sign3A_133 : i32
      %sign3A_135 = arith.extui %sign3A_134 : i1 to i32
      %sign3A_136 = arith.subi %sign3A_132, %sign3A_135 : i32
      %sign3A_137 = arith.constant 0 : i32
      %sign3A_138 = arith.cmpi sgt, %jit3A, %sign3A_137 : i32
      %sign3A_139 = arith.extui %sign3A_138 : i1 to i32
      %sign3A_140 = arith.constant 0 : i32
      %sign3A_141 = arith.cmpi slt, %jit3A, %sign3A_140 : i32
      %sign3A_142 = arith.extui %sign3A_141 : i1 to i32
      %sign3A_143 = arith.subi %sign3A_139, %sign3A_142 : i32
      %ne3A = arith.cmpi ne, %sign3A_136, %sign3A_143 : i32
      %rem3A = arith.remsi %scan3A_129, %jit3A : i32
      %ne3A_144 = arith.constant 0 : i32
      %ne3A_145 = arith.cmpi ne, %rem3A, %ne3A_144 : i32
      %and3A_146 = arith.andi %ne3A, %ne3A_145 : i1
      %sub3A = arith.constant 1 : i32
      %sub3A_147 = arith.subi %div3A, %sub3A : i32
      %select_n3A = arith.select %and3A_146, %sub3A_147, %div3A : i32
      %jit3A_148 = arith.constant 4 : i32
      %eq3A_149 = arith.constant 0 : i32
      %eq3A_150 = arith.cmpi eq, %jit3A_148, %eq3A_149 : i32
      %jit3A_151 = arith.constant 1 : i32
      %select_n3A_152 = arith.select %eq3A_150, %jit3A_151, %jit3A_148 : i32
      %rem3A_153 = arith.remsi %scan3A_129, %select_n3A_152 : i32
      %ne3A_154 = arith.constant 0 : i32
      %ne3A_155 = arith.cmpi ne, %rem3A_153, %ne3A_154 : i32
      %lt3A = arith.constant 0 : i32
      %lt3A_156 = arith.cmpi slt, %rem3A_153, %lt3A : i32
      %lt3A_157 = arith.constant 0 : i32
      %lt3A_158 = arith.cmpi slt, %select_n3A_152, %lt3A_157 : i32
      %ne3A_159 = arith.xori %lt3A_156, %lt3A_158 : i1
      %and3A_160 = arith.andi %ne3A_159, %ne3A_155 : i1
      %add3A_161 = arith.addi %rem3A_153, %select_n3A_152 : i32
      %select_n3A_162 = arith.select %and3A_160, %add3A_161, %rem3A_153 : i32
      %mul3A_163 = arith.constant 16 : i32
      %mul3A_164 = arith.muli %select_n3A_162, %mul3A_163 : i32
      %swap3A = arith.index_cast %select_n3A : i32 to index
      %swap3A_165 = arith.index_cast %mul3A_164 : i32 to index
      %swap3A_166 = tpu.vector_load %arg14[%swap3A, %swap3A_165] {strides = array<i32>} : memref<128x64xf32, #tpu.memory_space<vmem>>, vector<1x16xf32>,
      %swap3A_167 = vector.shape_cast %swap3A_166 : vector<1x16xf32> to vector<16xf32>
      %swap3A_168 = vector.shape_cast %broadcast_in_dim3A_0 : vector<16xf32> to vector<1x16xf32>
      tpu.vector_store %arg14[%swap3A, %swap3A_165], %swap3A_168 {strides = array<i32>} : memref<128x64xf32, #tpu.memory_space<vmem>>, vector<1x16xf32>,
      %scan3A_169 = arith.constant 0 : i32
      scf.yield %scan3A_169 : i32
    }
    %scan3A_6 = arith.constant 512 : i32
    %mul3A = arith.constant 632 : i32
    %mul3A_7 = arith.muli %arg1, %mul3A : i32
    %add3A = arith.constant 0 : i32
    %add3A_8 = arith.addi %mul3A_7, %add3A : i32
    "tpu.region"() ({
      %run_scoped3A_129 = tpu.sem_alloc : memref<!tpu.dma_semaphore, #tpu.memory_space<semaphore_mem>>
      %dma_start3A_130 = arith.constant 0 : i32
      %dma_start3A_131 = arith.constant 0 : i32
      %dma_start3A_132 = tpu.memref_slice %arg14[%dma_start3A_130, %dma_start3A_131] : memref<128x64xf32, #tpu.memory_space<vmem>> -> memref<128x64xf32, #tpu.memory_space<vmem>>
      %dma_start3A_133 = arith.constant 0 : i32
      %dma_start3A_134 = tpu.memref_slice %arg16[%add3A_8, %dma_start3A_133] : memref<10112x64xf32, #tpu.memory_space<vmem_shared>> -> memref<128x64xf32, #tpu.memory_space<vmem_shared>>
      %dma_start3A_135 = arith.constant 0 : i32
      %dma_start3A_136 = tpu.memref_slice %arg16[%add3A_8, %dma_start3A_135] : memref<10112x64xf32, #tpu.memory_space<vmem_shared>> -> memref<128x64xf32, #tpu.memory_space<vmem_shared>>
      %dma_start3A_137 = arith.constant 0 : i32
      %dma_start3A_138 = arith.constant 0 : i32
      %dma_start3A_139 = tpu.memref_slice %arg14[%dma_start3A_137, %dma_start3A_138] : memref<128x64xf32, #tpu.memory_space<vmem>> -> memref<128x64xf32, #tpu.memory_space<vmem>>
      tpu.enqueue_dma source(%dma_start3A_139 : memref<128x64xf32, #tpu.memory_space<vmem>>) target(%dma_start3A_136 : memref<128x64xf32, #tpu.memory_space<vmem_shared>>) target_semaphore(%run_scoped3A_129 : memref<!tpu.dma_semaphore, #tpu.memory_space<semaphore_mem>>)
      %dma_wait3A_140 = arith.constant 0 : i32
      %dma_wait3A_141 = arith.constant 0 : i32
      %dma_wait3A_142 = tpu.memref_slice %arg14[%dma_wait3A_140, %dma_wait3A_141] : memref<128x64xf32, #tpu.memory_space<vmem>> -> memref<128x64xf32, #tpu.memory_space<vmem>>
      %dma_wait3A_143 = arith.constant 0 : i32
      %dma_wait3A_144 = tpu.memref_slice %arg16[%add3A_8, %dma_wait3A_143] : memref<10112x64xf32, #tpu.memory_space<vmem_shared>> -> memref<128x64xf32, #tpu.memory_space<vmem_shared>>
      %dma_wait3A_145 = arith.constant 0 : i32
      %dma_wait3A_146 = tpu.memref_slice %arg16[%add3A_8, %dma_wait3A_145] : memref<10112x64xf32, #tpu.memory_space<vmem_shared>> -> memref<128x64xf32, #tpu.memory_space<vmem_shared>>
      %dma_wait3A_147 = arith.constant 0 : i32
      %dma_wait3A_148 = arith.constant 0 : i32
      %dma_wait3A_149 = tpu.memref_slice %arg14[%dma_wait3A_147, %dma_wait3A_148] : memref<128x64xf32, #tpu.memory_space<vmem>> -> memref<128x64xf32, #tpu.memory_space<vmem>>
      tpu.wait_dma2 semaphore(%run_scoped3A_129 : memref<!tpu.dma_semaphore, #tpu.memory_space<semaphore_mem>>) src(%dma_wait3A_149 : memref<128x64xf32, #tpu.memory_space<vmem>>) dst(%dma_wait3A_146 : memref<128x64xf32, #tpu.memory_space<vmem_shared>>)
      tpu.yield
    }) : () -> ()
    %mul3A_9 = arith.constant 632 : i32
    %mul3A_10 = arith.muli %arg1, %mul3A_9 : i32
    %add3A_11 = arith.constant 128 : i32
    %add3A_12 = arith.addi %mul3A_10, %add3A_11 : i32
    "tpu.region"() ({
      %run_scoped3A_129 = tpu.sem_alloc : memref<!tpu.dma_semaphore, #tpu.memory_space<semaphore_mem>>
      %dma_start3A_130 = arith.constant 0 : i32
      %dma_start3A_131 = arith.constant 0 : i32
      %dma_start3A_132 = tpu.memref_slice %arg14[%dma_start3A_130, %dma_start3A_131] : memref<128x64xf32, #tpu.memory_space<vmem>> -> memref<128x64xf32, #tpu.memory_space<vmem>>
      %dma_start3A_133 = arith.constant 0 : i32
      %dma_start3A_134 = tpu.memref_slice %arg16[%add3A_12, %dma_start3A_133] : memref<10112x64xf32, #tpu.memory_space<vmem_shared>> -> memref<128x64xf32, #tpu.memory_space<vmem_shared>>
      %dma_start3A_135 = arith.constant 0 : i32
      %dma_start3A_136 = tpu.memref_slice %arg16[%add3A_12, %dma_start3A_135] : memref<10112x64xf32, #tpu.memory_space<vmem_shared>> -> memref<128x64xf32, #tpu.memory_space<vmem_shared>>
      %dma_start3A_137 = arith.constant 0 : i32
      %dma_start3A_138 = arith.constant 0 : i32
      %dma_start3A_139 = tpu.memref_slice %arg14[%dma_start3A_137, %dma_start3A_138] : memref<128x64xf32, #tpu.memory_space<vmem>> -> memref<128x64xf32, #tpu.memory_space<vmem>>
      tpu.enqueue_dma source(%dma_start3A_139 : memref<128x64xf32, #tpu.memory_space<vmem>>) target(%dma_start3A_136 : memref<128x64xf32, #tpu.memory_space<vmem_shared>>) target_semaphore(%run_scoped3A_129 : memref<!tpu.dma_semaphore, #tpu.memory_space<semaphore_mem>>)
      %dma_wait3A_140 = arith.constant 0 : i32
      %dma_wait3A_141 = arith.constant 0 : i32
      %dma_wait3A_142 = tpu.memref_slice %arg14[%dma_wait3A_140, %dma_wait3A_141] : memref<128x64xf32, #tpu.memory_space<vmem>> -> memref<128x64xf32, #tpu.memory_space<vmem>>
      %dma_wait3A_143 = arith.constant 0 : i32
      %dma_wait3A_144 = tpu.memref_slice %arg16[%add3A_12, %dma_wait3A_143] : memref<10112x64xf32, #tpu.memory_space<vmem_shared>> -> memref<128x64xf32, #tpu.memory_space<vmem_shared>>
      %dma_wait3A_145 = arith.constant 0 : i32
      %dma_wait3A_146 = tpu.memref_slice %arg16[%add3A_12, %dma_wait3A_145] : memref<10112x64xf32, #tpu.memory_space<vmem_shared>> -> memref<128x64xf32, #tpu.memory_space<vmem_shared>>
      %dma_wait3A_147 = arith.constant 0 : i32
      %dma_wait3A_148 = arith.constant 0 : i32
      %dma_wait3A_149 = tpu.memref_slice %arg14[%dma_wait3A_147, %dma_wait3A_148] : memref<128x64xf32, #tpu.memory_space<vmem>> -> memref<128x64xf32, #tpu.memory_space<vmem>>
      tpu.wait_dma2 semaphore(%run_scoped3A_129 : memref<!tpu.dma_semaphore, #tpu.memory_space<semaphore_mem>>) src(%dma_wait3A_149 : memref<128x64xf32, #tpu.memory_space<vmem>>) dst(%dma_wait3A_146 : memref<128x64xf32, #tpu.memory_space<vmem_shared>>)
      tpu.yield
    }) : () -> ()
    %mul3A_13 = arith.constant 632 : i32
    %mul3A_14 = arith.muli %arg1, %mul3A_13 : i32
    %add3A_15 = arith.constant 256 : i32
    %add3A_16 = arith.addi %mul3A_14, %add3A_15 : i32
    "tpu.region"() ({
      %run_scoped3A_129 = tpu.sem_alloc : memref<!tpu.dma_semaphore, #tpu.memory_space<semaphore_mem>>
      %dma_start3A_130 = arith.constant 0 : i32
      %dma_start3A_131 = arith.constant 0 : i32
      %dma_start3A_132 = tpu.memref_slice %arg14[%dma_start3A_130, %dma_start3A_131] : memref<128x64xf32, #tpu.memory_space<vmem>> -> memref<128x64xf32, #tpu.memory_space<vmem>>
      %dma_start3A_133 = arith.constant 0 : i32
      %dma_start3A_134 = tpu.memref_slice %arg16[%add3A_16, %dma_start3A_133] : memref<10112x64xf32, #tpu.memory_space<vmem_shared>> -> memref<128x64xf32, #tpu.memory_space<vmem_shared>>
      %dma_start3A_135 = arith.constant 0 : i32
      %dma_start3A_136 = tpu.memref_slice %arg16[%add3A_16, %dma_start3A_135] : memref<10112x64xf32, #tpu.memory_space<vmem_shared>> -> memref<128x64xf32, #tpu.memory_space<vmem_shared>>
      %dma_start3A_137 = arith.constant 0 : i32
      %dma_start3A_138 = arith.constant 0 : i32
      %dma_start3A_139 = tpu.memref_slice %arg14[%dma_start3A_137, %dma_start3A_138] : memref<128x64xf32, #tpu.memory_space<vmem>> -> memref<128x64xf32, #tpu.memory_space<vmem>>
      tpu.enqueue_dma source(%dma_start3A_139 : memref<128x64xf32, #tpu.memory_space<vmem>>) target(%dma_start3A_136 : memref<128x64xf32, #tpu.memory_space<vmem_shared>>) target_semaphore(%run_scoped3A_129 : memref<!tpu.dma_semaphore, #tpu.memory_space<semaphore_mem>>)
      %dma_wait3A_140 = arith.constant 0 : i32
      %dma_wait3A_141 = arith.constant 0 : i32
      %dma_wait3A_142 = tpu.memref_slice %arg14[%dma_wait3A_140, %dma_wait3A_141] : memref<128x64xf32, #tpu.memory_space<vmem>> -> memref<128x64xf32, #tpu.memory_space<vmem>>
      %dma_wait3A_143 = arith.constant 0 : i32
      %dma_wait3A_144 = tpu.memref_slice %arg16[%add3A_16, %dma_wait3A_143] : memref<10112x64xf32, #tpu.memory_space<vmem_shared>> -> memref<128x64xf32, #tpu.memory_space<vmem_shared>>
      %dma_wait3A_145 = arith.constant 0 : i32
      %dma_wait3A_146 = tpu.memref_slice %arg16[%add3A_16, %dma_wait3A_145] : memref<10112x64xf32, #tpu.memory_space<vmem_shared>> -> memref<128x64xf32, #tpu.memory_space<vmem_shared>>
      %dma_wait3A_147 = arith.constant 0 : i32
      %dma_wait3A_148 = arith.constant 0 : i32
      %dma_wait3A_149 = tpu.memref_slice %arg14[%dma_wait3A_147, %dma_wait3A_148] : memref<128x64xf32, #tpu.memory_space<vmem>> -> memref<128x64xf32, #tpu.memory_space<vmem>>
      tpu.wait_dma2 semaphore(%run_scoped3A_129 : memref<!tpu.dma_semaphore, #tpu.memory_space<semaphore_mem>>) src(%dma_wait3A_149 : memref<128x64xf32, #tpu.memory_space<vmem>>) dst(%dma_wait3A_146 : memref<128x64xf32, #tpu.memory_space<vmem_shared>>)
      tpu.yield
    }) : () -> ()
    %mul3A_17 = arith.constant 632 : i32
    %mul3A_18 = arith.muli %arg1, %mul3A_17 : i32
    %add3A_19 = arith.constant 384 : i32
    %add3A_20 = arith.addi %mul3A_18, %add3A_19 : i32
    "tpu.region"() ({
      %run_scoped3A_129 = tpu.sem_alloc : memref<!tpu.dma_semaphore, #tpu.memory_space<semaphore_mem>>
      %dma_start3A_130 = arith.constant 0 : i32
      %dma_start3A_131 = arith.constant 0 : i32
      %dma_start3A_132 = tpu.memref_slice %arg14[%dma_start3A_130, %dma_start3A_131] : memref<128x64xf32, #tpu.memory_space<vmem>> -> memref<128x64xf32, #tpu.memory_space<vmem>>
      %dma_start3A_133 = arith.constant 0 : i32
      %dma_start3A_134 = tpu.memref_slice %arg16[%add3A_20, %dma_start3A_133] : memref<10112x64xf32, #tpu.memory_space<vmem_shared>> -> memref<128x64xf32, #tpu.memory_space<vmem_shared>>
      %dma_start3A_135 = arith.constant 0 : i32
      %dma_start3A_136 = tpu.memref_slice %arg16[%add3A_20, %dma_start3A_135] : memref<10112x64xf32, #tpu.memory_space<vmem_shared>> -> memref<128x64xf32, #tpu.memory_space<vmem_shared>>
      %dma_start3A_137 = arith.constant 0 : i32
      %dma_start3A_138 = arith.constant 0 : i32
      %dma_start3A_139 = tpu.memref_slice %arg14[%dma_start3A_137, %dma_start3A_138] : memref<128x64xf32, #tpu.memory_space<vmem>> -> memref<128x64xf32, #tpu.memory_space<vmem>>
      tpu.enqueue_dma source(%dma_start3A_139 : memref<128x64xf32, #tpu.memory_space<vmem>>) target(%dma_start3A_136 : memref<128x64xf32, #tpu.memory_space<vmem_shared>>) target_semaphore(%run_scoped3A_129 : memref<!tpu.dma_semaphore, #tpu.memory_space<semaphore_mem>>)
      %dma_wait3A_140 = arith.constant 0 : i32
      %dma_wait3A_141 = arith.constant 0 : i32
      %dma_wait3A_142 = tpu.memref_slice %arg14[%dma_wait3A_140, %dma_wait3A_141] : memref<128x64xf32, #tpu.memory_space<vmem>> -> memref<128x64xf32, #tpu.memory_space<vmem>>
      %dma_wait3A_143 = arith.constant 0 : i32
      %dma_wait3A_144 = tpu.memref_slice %arg16[%add3A_20, %dma_wait3A_143] : memref<10112x64xf32, #tpu.memory_space<vmem_shared>> -> memref<128x64xf32, #tpu.memory_space<vmem_shared>>
      %dma_wait3A_145 = arith.constant 0 : i32
      %dma_wait3A_146 = tpu.memref_slice %arg16[%add3A_20, %dma_wait3A_145] : memref<10112x64xf32, #tpu.memory_space<vmem_shared>> -> memref<128x64xf32, #tpu.memory_space<vmem_shared>>
      %dma_wait3A_147 = arith.constant 0 : i32
      %dma_wait3A_148 = arith.constant 0 : i32
      %dma_wait3A_149 = tpu.memref_slice %arg14[%dma_wait3A_147, %dma_wait3A_148] : memref<128x64xf32, #tpu.memory_space<vmem>> -> memref<128x64xf32, #tpu.memory_space<vmem>>
      tpu.wait_dma2 semaphore(%run_scoped3A_129 : memref<!tpu.dma_semaphore, #tpu.memory_space<semaphore_mem>>) src(%dma_wait3A_149 : memref<128x64xf32, #tpu.memory_space<vmem>>) dst(%dma_wait3A_146 : memref<128x64xf32, #tpu.memory_space<vmem_shared>>)
      tpu.yield
    }) : () -> ()
    %mul3A_21 = arith.constant 632 : i32
    %mul3A_22 = arith.muli %arg1, %mul3A_21 : i32
    %add3A_23 = arith.constant 512 : i32
    %add3A_24 = arith.addi %mul3A_22, %add3A_23 : i32
    "tpu.region"() ({
      %run_scoped3A_129 = tpu.sem_alloc : memref<!tpu.dma_semaphore, #tpu.memory_space<semaphore_mem>>
      %dma_start3A_130 = arith.constant 0 : i32
      %dma_start3A_131 = arith.constant 0 : i32
      %dma_start3A_132 = tpu.memref_slice %arg14[%dma_start3A_130, %dma_start3A_131] : memref<128x64xf32, #tpu.memory_space<vmem>> -> memref<120x64xf32, #tpu.memory_space<vmem>>
      %dma_start3A_133 = arith.constant 0 : i32
      %dma_start3A_134 = tpu.memref_slice %arg16[%add3A_24, %dma_start3A_133] : memref<10112x64xf32, #tpu.memory_space<vmem_shared>> -> memref<120x64xf32, #tpu.memory_space<vmem_shared>>
      %dma_start3A_135 = arith.constant 0 : i32
      %dma_start3A_136 = tpu.memref_slice %arg16[%add3A_24, %dma_start3A_135] : memref<10112x64xf32, #tpu.memory_space<vmem_shared>> -> memref<120x64xf32, #tpu.memory_space<vmem_shared>>
      %dma_start3A_137 = arith.constant 0 : i32
      %dma_start3A_138 = arith.constant 0 : i32
      %dma_start3A_139 = tpu.memref_slice %arg14[%dma_start3A_137, %dma_start3A_138] : memref<128x64xf32, #tpu.memory_space<vmem>> -> memref<120x64xf32, #tpu.memory_space<vmem>>
      tpu.enqueue_dma source(%dma_start3A_139 : memref<120x64xf32, #tpu.memory_space<vmem>>) target(%dma_start3A_136 : memref<120x64xf32, #tpu.memory_space<vmem_shared>>) target_semaphore(%run_scoped3A_129 : memref<!tpu.dma_semaphore, #tpu.memory_space<semaphore_mem>>)
      %dma_wait3A_140 = arith.constant 0 : i32
      %dma_wait3A_141 = arith.constant 0 : i32
      %dma_wait3A_142 = tpu.memref_slice %arg14[%dma_wait3A_140, %dma_wait3A_141] : memref<128x64xf32, #tpu.memory_space<vmem>> -> memref<120x64xf32, #tpu.memory_space<vmem>>
      %dma_wait3A_143 = arith.constant 0 : i32
      %dma_wait3A_144 = tpu.memref_slice %arg16[%add3A_24, %dma_wait3A_143] : memref<10112x64xf32, #tpu.memory_space<vmem_shared>> -> memref<120x64xf32, #tpu.memory_space<vmem_shared>>
      %dma_wait3A_145 = arith.constant 0 : i32
      %dma_wait3A_146 = tpu.memref_slice %arg16[%add3A_24, %dma_wait3A_145] : memref<10112x64xf32, #tpu.memory_space<vmem_shared>> -> memref<120x64xf32, #tpu.memory_space<vmem_shared>>
      %dma_wait3A_147 = arith.constant 0 : i32
      %dma_wait3A_148 = arith.constant 0 : i32
      %dma_wait3A_149 = tpu.memref_slice %arg14[%dma_wait3A_147, %dma_wait3A_148] : memref<128x64xf32, #tpu.memory_space<vmem>> -> memref<120x64xf32, #tpu.memory_space<vmem>>
      tpu.wait_dma2 semaphore(%run_scoped3A_129 : memref<!tpu.dma_semaphore, #tpu.memory_space<semaphore_mem>>) src(%dma_wait3A_149 : memref<120x64xf32, #tpu.memory_space<vmem>>) dst(%dma_wait3A_146 : memref<120x64xf32, #tpu.memory_space<vmem_shared>>)
      tpu.yield
    }) : () -> ()
    "tpu.region"() ({
      %run_scoped3A_129 = tpu.sem_alloc : memref<!tpu.dma_semaphore, #tpu.memory_space<semaphore_mem>>
      tpu.enqueue_dma source(%arg5 : memref<253x8xf32, #tpu.memory_space<hbm>>) target(%arg15 : memref<253x8xf32, #tpu.memory_space<vmem>>) target_semaphore(%run_scoped3A_129 : memref<!tpu.dma_semaphore, #tpu.memory_space<semaphore_mem>>)
      tpu.wait_dma2 semaphore(%run_scoped3A_129 : memref<!tpu.dma_semaphore, #tpu.memory_space<semaphore_mem>>) src(%arg5 : memref<253x8xf32, #tpu.memory_space<hbm>>) dst(%arg15 : memref<253x8xf32, #tpu.memory_space<vmem>>)
      tpu.yield
    }) : () -> ()
    %eq3A = arith.constant 0 : i32
    %eq3A_25 = arith.cmpi eq, %arg0, %eq3A : i32
    %convert_element_type3A = arith.extui %eq3A_25 : i1 to i32
    %cond3A = arith.constant 0 : i32
    %cond3A_26 = arith.cmpi ne, %convert_element_type3A, %cond3A : i32
    scf.if %cond3A_26 {
      %mul3A_129 = arith.constant 632 : i32
      %mul3A_130 = arith.muli %arg1, %mul3A_129 : i32
      %add3A_131 = arith.constant 0 : i32
      %add3A_132 = arith.addi %mul3A_130, %add3A_131 : i32
      "tpu.region"() ({
        %run_scoped3A_149 = tpu.sem_alloc : memref<!tpu.dma_semaphore, #tpu.memory_space<semaphore_mem>>
        %dma_start3A_150 = arith.constant 0 : i32
        %dma_start3A_151 = arith.constant 0 : i32
        %dma_start3A_152 = tpu.memref_slice %arg15[%dma_start3A_150, %dma_start3A_151] : memref<253x8xf32, #tpu.memory_space<vmem>> -> memref<128x8xf32, #tpu.memory_space<vmem>>
        %dma_start3A_153 = arith.constant 0 : i32
        %dma_start3A_154 = tpu.memref_slice %arg17[%add3A_132, %dma_start3A_153] : memref<10112x8xf32, #tpu.memory_space<vmem_shared>> -> memref<128x8xf32, #tpu.memory_space<vmem_shared>>
        %dma_start3A_155 = arith.constant 0 : i32
        %dma_start3A_156 = tpu.memref_slice %arg17[%add3A_132, %dma_start3A_155] : memref<10112x8xf32, #tpu.memory_space<vmem_shared>> -> memref<128x8xf32, #tpu.memory_space<vmem_shared>>
        %dma_start3A_157 = arith.constant 0 : i32
        %dma_start3A_158 = arith.constant 0 : i32
        %dma_start3A_159 = tpu.memref_slice %arg15[%dma_start3A_157, %dma_start3A_158] : memref<253x8xf32, #tpu.memory_space<vmem>> -> memref<128x8xf32, #tpu.memory_space<vmem>>
        tpu.enqueue_dma source(%dma_start3A_159 : memref<128x8xf32, #tpu.memory_space<vmem>>) target(%dma_start3A_156 : memref<128x8xf32, #tpu.memory_space<vmem_shared>>) target_semaphore(%run_scoped3A_149 : memref<!tpu.dma_semaphore, #tpu.memory_space<semaphore_mem>>)
        %dma_wait3A_160 = arith.constant 0 : i32
        %dma_wait3A_161 = arith.constant 0 : i32
        %dma_wait3A_162 = tpu.memref_slice %arg15[%dma_wait3A_160, %dma_wait3A_161] : memref<253x8xf32, #tpu.memory_space<vmem>> -> memref<128x8xf32, #tpu.memory_space<vmem>>
        %dma_wait3A_163 = arith.constant 0 : i32
        %dma_wait3A_164 = tpu.memref_slice %arg17[%add3A_132, %dma_wait3A_163] : memref<10112x8xf32, #tpu.memory_space<vmem_shared>> -> memref<128x8xf32, #tpu.memory_space<vmem_shared>>
        %dma_wait3A_165 = arith.constant 0 : i32
        %dma_wait3A_166 = tpu.memref_slice %arg17[%add3A_132, %dma_wait3A_165] : memref<10112x8xf32, #tpu.memory_space<vmem_shared>> -> memref<128x8xf32, #tpu.memory_space<vmem_shared>>
        %dma_wait3A_167 = arith.constant 0 : i32
        %dma_wait3A_168 = arith.constant 0 : i32
        %dma_wait3A_169 = tpu.memref_slice %arg15[%dma_wait3A_167, %dma_wait3A_168] : memref<253x8xf32, #tpu.memory_space<vmem>> -> memref<128x8xf32, #tpu.memory_space<vmem>>
        tpu.wait_dma2 semaphore(%run_scoped3A_149 : memref<!tpu.dma_semaphore, #tpu.memory_space<semaphore_mem>>) src(%dma_wait3A_169 : memref<128x8xf32, #tpu.memory_space<vmem>>) dst(%dma_wait3A_166 : memref<128x8xf32, #tpu.memory_space<vmem_shared>>)
        tpu.yield
      }) : () -> ()
      %mul3A_133 = arith.constant 632 : i32
      %mul3A_134 = arith.muli %arg1, %mul3A_133 : i32
      %add3A_135 = arith.constant 128 : i32
      %add3A_136 = arith.addi %mul3A_134, %add3A_135 : i32
      "tpu.region"() ({
        %run_scoped3A_149 = tpu.sem_alloc : memref<!tpu.dma_semaphore, #tpu.memory_space<semaphore_mem>>
        %dma_start3A_150 = arith.constant 0 : i32
        %dma_start3A_151 = arith.constant 0 : i32
        %dma_start3A_152 = tpu.memref_slice %arg15[%dma_start3A_150, %dma_start3A_151] : memref<253x8xf32, #tpu.memory_space<vmem>> -> memref<128x8xf32, #tpu.memory_space<vmem>>
        %dma_start3A_153 = arith.constant 0 : i32
        %dma_start3A_154 = tpu.memref_slice %arg17[%add3A_136, %dma_start3A_153] : memref<10112x8xf32, #tpu.memory_space<vmem_shared>> -> memref<128x8xf32, #tpu.memory_space<vmem_shared>>
        %dma_start3A_155 = arith.constant 0 : i32
        %dma_start3A_156 = tpu.memref_slice %arg17[%add3A_136, %dma_start3A_155] : memref<10112x8xf32, #tpu.memory_space<vmem_shared>> -> memref<128x8xf32, #tpu.memory_space<vmem_shared>>
        %dma_start3A_157 = arith.constant 0 : i32
        %dma_start3A_158 = arith.constant 0 : i32
        %dma_start3A_159 = tpu.memref_slice %arg15[%dma_start3A_157, %dma_start3A_158] : memref<253x8xf32, #tpu.memory_space<vmem>> -> memref<128x8xf32, #tpu.memory_space<vmem>>
        tpu.enqueue_dma source(%dma_start3A_159 : memref<128x8xf32, #tpu.memory_space<vmem>>) target(%dma_start3A_156 : memref<128x8xf32, #tpu.memory_space<vmem_shared>>) target_semaphore(%run_scoped3A_149 : memref<!tpu.dma_semaphore, #tpu.memory_space<semaphore_mem>>)
        %dma_wait3A_160 = arith.constant 0 : i32
        %dma_wait3A_161 = arith.constant 0 : i32
        %dma_wait3A_162 = tpu.memref_slice %arg15[%dma_wait3A_160, %dma_wait3A_161] : memref<253x8xf32, #tpu.memory_space<vmem>> -> memref<128x8xf32, #tpu.memory_space<vmem>>
        %dma_wait3A_163 = arith.constant 0 : i32
        %dma_wait3A_164 = tpu.memref_slice %arg17[%add3A_136, %dma_wait3A_163] : memref<10112x8xf32, #tpu.memory_space<vmem_shared>> -> memref<128x8xf32, #tpu.memory_space<vmem_shared>>
        %dma_wait3A_165 = arith.constant 0 : i32
        %dma_wait3A_166 = tpu.memref_slice %arg17[%add3A_136, %dma_wait3A_165] : memref<10112x8xf32, #tpu.memory_space<vmem_shared>> -> memref<128x8xf32, #tpu.memory_space<vmem_shared>>
        %dma_wait3A_167 = arith.constant 0 : i32
        %dma_wait3A_168 = arith.constant 0 : i32
        %dma_wait3A_169 = tpu.memref_slice %arg15[%dma_wait3A_167, %dma_wait3A_168] : memref<253x8xf32, #tpu.memory_space<vmem>> -> memref<128x8xf32, #tpu.memory_space<vmem>>
        tpu.wait_dma2 semaphore(%run_scoped3A_149 : memref<!tpu.dma_semaphore, #tpu.memory_space<semaphore_mem>>) src(%dma_wait3A_169 : memref<128x8xf32, #tpu.memory_space<vmem>>) dst(%dma_wait3A_166 : memref<128x8xf32, #tpu.memory_space<vmem_shared>>)
        tpu.yield
      }) : () -> ()
      %mul3A_137 = arith.constant 632 : i32
      %mul3A_138 = arith.muli %arg1, %mul3A_137 : i32
      %add3A_139 = arith.constant 256 : i32
      %add3A_140 = arith.addi %mul3A_138, %add3A_139 : i32
      "tpu.region"() ({
        %run_scoped3A_149 = tpu.sem_alloc : memref<!tpu.dma_semaphore, #tpu.memory_space<semaphore_mem>>
        %dma_start3A_150 = arith.constant 0 : i32
        %dma_start3A_151 = arith.constant 0 : i32
        %dma_start3A_152 = tpu.memref_slice %arg15[%dma_start3A_150, %dma_start3A_151] : memref<253x8xf32, #tpu.memory_space<vmem>> -> memref<128x8xf32, #tpu.memory_space<vmem>>
        %dma_start3A_153 = arith.constant 0 : i32
        %dma_start3A_154 = tpu.memref_slice %arg17[%add3A_140, %dma_start3A_153] : memref<10112x8xf32, #tpu.memory_space<vmem_shared>> -> memref<128x8xf32, #tpu.memory_space<vmem_shared>>
        %dma_start3A_155 = arith.constant 0 : i32
        %dma_start3A_156 = tpu.memref_slice %arg17[%add3A_140, %dma_start3A_155] : memref<10112x8xf32, #tpu.memory_space<vmem_shared>> -> memref<128x8xf32, #tpu.memory_space<vmem_shared>>
        %dma_start3A_157 = arith.constant 0 : i32
        %dma_start3A_158 = arith.constant 0 : i32
        %dma_start3A_159 = tpu.memref_slice %arg15[%dma_start3A_157, %dma_start3A_158] : memref<253x8xf32, #tpu.memory_space<vmem>> -> memref<128x8xf32, #tpu.memory_space<vmem>>
        tpu.enqueue_dma source(%dma_start3A_159 : memref<128x8xf32, #tpu.memory_space<vmem>>) target(%dma_start3A_156 : memref<128x8xf32, #tpu.memory_space<vmem_shared>>) target_semaphore(%run_scoped3A_149 : memref<!tpu.dma_semaphore, #tpu.memory_space<semaphore_mem>>)
        %dma_wait3A_160 = arith.constant 0 : i32
        %dma_wait3A_161 = arith.constant 0 : i32
        %dma_wait3A_162 = tpu.memref_slice %arg15[%dma_wait3A_160, %dma_wait3A_161] : memref<253x8xf32, #tpu.memory_space<vmem>> -> memref<128x8xf32, #tpu.memory_space<vmem>>
        %dma_wait3A_163 = arith.constant 0 : i32
        %dma_wait3A_164 = tpu.memref_slice %arg17[%add3A_140, %dma_wait3A_163] : memref<10112x8xf32, #tpu.memory_space<vmem_shared>> -> memref<128x8xf32, #tpu.memory_space<vmem_shared>>
        %dma_wait3A_165 = arith.constant 0 : i32
        %dma_wait3A_166 = tpu.memref_slice %arg17[%add3A_140, %dma_wait3A_165] : memref<10112x8xf32, #tpu.memory_space<vmem_shared>> -> memref<128x8xf32, #tpu.memory_space<vmem_shared>>
        %dma_wait3A_167 = arith.constant 0 : i32
        %dma_wait3A_168 = arith.constant 0 : i32
        %dma_wait3A_169 = tpu.memref_slice %arg15[%dma_wait3A_167, %dma_wait3A_168] : memref<253x8xf32, #tpu.memory_space<vmem>> -> memref<128x8xf32, #tpu.memory_space<vmem>>
        tpu.wait_dma2 semaphore(%run_scoped3A_149 : memref<!tpu.dma_semaphore, #tpu.memory_space<semaphore_mem>>) src(%dma_wait3A_169 : memref<128x8xf32, #tpu.memory_space<vmem>>) dst(%dma_wait3A_166 : memref<128x8xf32, #tpu.memory_space<vmem_shared>>)
        tpu.yield
      }) : () -> ()
      %mul3A_141 = arith.constant 632 : i32
      %mul3A_142 = arith.muli %arg1, %mul3A_141 : i32
      %add3A_143 = arith.constant 384 : i32
      %add3A_144 = arith.addi %mul3A_142, %add3A_143 : i32
      "tpu.region"() ({
        %run_scoped3A_149 = tpu.sem_alloc : memref<!tpu.dma_semaphore, #tpu.memory_space<semaphore_mem>>
        %dma_start3A_150 = arith.constant 0 : i32
        %dma_start3A_151 = arith.constant 0 : i32
        %dma_start3A_152 = tpu.memref_slice %arg15[%dma_start3A_150, %dma_start3A_151] : memref<253x8xf32, #tpu.memory_space<vmem>> -> memref<128x8xf32, #tpu.memory_space<vmem>>
        %dma_start3A_153 = arith.constant 0 : i32
        %dma_start3A_154 = tpu.memref_slice %arg17[%add3A_144, %dma_start3A_153] : memref<10112x8xf32, #tpu.memory_space<vmem_shared>> -> memref<128x8xf32, #tpu.memory_space<vmem_shared>>
        %dma_start3A_155 = arith.constant 0 : i32
        %dma_start3A_156 = tpu.memref_slice %arg17[%add3A_144, %dma_start3A_155] : memref<10112x8xf32, #tpu.memory_space<vmem_shared>> -> memref<128x8xf32, #tpu.memory_space<vmem_shared>>
        %dma_start3A_157 = arith.constant 0 : i32
        %dma_start3A_158 = arith.constant 0 : i32
        %dma_start3A_159 = tpu.memref_slice %arg15[%dma_start3A_157, %dma_start3A_158] : memref<253x8xf32, #tpu.memory_space<vmem>> -> memref<128x8xf32, #tpu.memory_space<vmem>>
        tpu.enqueue_dma source(%dma_start3A_159 : memref<128x8xf32, #tpu.memory_space<vmem>>) target(%dma_start3A_156 : memref<128x8xf32, #tpu.memory_space<vmem_shared>>) target_semaphore(%run_scoped3A_149 : memref<!tpu.dma_semaphore, #tpu.memory_space<semaphore_mem>>)
        %dma_wait3A_160 = arith.constant 0 : i32
        %dma_wait3A_161 = arith.constant 0 : i32
        %dma_wait3A_162 = tpu.memref_slice %arg15[%dma_wait3A_160, %dma_wait3A_161] : memref<253x8xf32, #tpu.memory_space<vmem>> -> memref<128x8xf32, #tpu.memory_space<vmem>>
        %dma_wait3A_163 = arith.constant 0 : i32
        %dma_wait3A_164 = tpu.memref_slice %arg17[%add3A_144, %dma_wait3A_163] : memref<10112x8xf32, #tpu.memory_space<vmem_shared>> -> memref<128x8xf32, #tpu.memory_space<vmem_shared>>
        %dma_wait3A_165 = arith.constant 0 : i32
        %dma_wait3A_166 = tpu.memref_slice %arg17[%add3A_144, %dma_wait3A_165] : memref<10112x8xf32, #tpu.memory_space<vmem_shared>> -> memref<128x8xf32, #tpu.memory_space<vmem_shared>>
        %dma_wait3A_167 = arith.constant 0 : i32
        %dma_wait3A_168 = arith.constant 0 : i32
        %dma_wait3A_169 = tpu.memref_slice %arg15[%dma_wait3A_167, %dma_wait3A_168] : memref<253x8xf32, #tpu.memory_space<vmem>> -> memref<128x8xf32, #tpu.memory_space<vmem>>
        tpu.wait_dma2 semaphore(%run_scoped3A_149 : memref<!tpu.dma_semaphore, #tpu.memory_space<semaphore_mem>>) src(%dma_wait3A_169 : memref<128x8xf32, #tpu.memory_space<vmem>>) dst(%dma_wait3A_166 : memref<128x8xf32, #tpu.memory_space<vmem_shared>>)
        tpu.yield
      }) : () -> ()
      %mul3A_145 = arith.constant 632 : i32
      %mul3A_146 = arith.muli %arg1, %mul3A_145 : i32
      %add3A_147 = arith.constant 512 : i32
      %add3A_148 = arith.addi %mul3A_146, %add3A_147 : i32
      "tpu.region"() ({
        %run_scoped3A_149 = tpu.sem_alloc : memref<!tpu.dma_semaphore, #tpu.memory_space<semaphore_mem>>
        %dma_start3A_150 = arith.constant 0 : i32
        %dma_start3A_151 = arith.constant 0 : i32
        %dma_start3A_152 = tpu.memref_slice %arg15[%dma_start3A_150, %dma_start3A_151] : memref<253x8xf32, #tpu.memory_space<vmem>> -> memref<120x8xf32, #tpu.memory_space<vmem>>
        %dma_start3A_153 = arith.constant 0 : i32
        %dma_start3A_154 = tpu.memref_slice %arg17[%add3A_148, %dma_start3A_153] : memref<10112x8xf32, #tpu.memory_space<vmem_shared>> -> memref<120x8xf32, #tpu.memory_space<vmem_shared>>
        %dma_start3A_155 = arith.constant 0 : i32
        %dma_start3A_156 = tpu.memref_slice %arg17[%add3A_148, %dma_start3A_155] : memref<10112x8xf32, #tpu.memory_space<vmem_shared>> -> memref<120x8xf32, #tpu.memory_space<vmem_shared>>
        %dma_start3A_157 = arith.constant 0 : i32
        %dma_start3A_158 = arith.constant 0 : i32
        %dma_start3A_159 = tpu.memref_slice %arg15[%dma_start3A_157, %dma_start3A_158] : memref<253x8xf32, #tpu.memory_space<vmem>> -> memref<120x8xf32, #tpu.memory_space<vmem>>
        tpu.enqueue_dma source(%dma_start3A_159 : memref<120x8xf32, #tpu.memory_space<vmem>>) target(%dma_start3A_156 : memref<120x8xf32, #tpu.memory_space<vmem_shared>>) target_semaphore(%run_scoped3A_149 : memref<!tpu.dma_semaphore, #tpu.memory_space<semaphore_mem>>)
        %dma_wait3A_160 = arith.constant 0 : i32
        %dma_wait3A_161 = arith.constant 0 : i32
        %dma_wait3A_162 = tpu.memref_slice %arg15[%dma_wait3A_160, %dma_wait3A_161] : memref<253x8xf32, #tpu.memory_space<vmem>> -> memref<120x8xf32, #tpu.memory_space<vmem>>
        %dma_wait3A_163 = arith.constant 0 : i32
        %dma_wait3A_164 = tpu.memref_slice %arg17[%add3A_148, %dma_wait3A_163] : memref<10112x8xf32, #tpu.memory_space<vmem_shared>> -> memref<120x8xf32, #tpu.memory_space<vmem_shared>>
        %dma_wait3A_165 = arith.constant 0 : i32
        %dma_wait3A_166 = tpu.memref_slice %arg17[%add3A_148, %dma_wait3A_165] : memref<10112x8xf32, #tpu.memory_space<vmem_shared>> -> memref<120x8xf32, #tpu.memory_space<vmem_shared>>
        %dma_wait3A_167 = arith.constant 0 : i32
        %dma_wait3A_168 = arith.constant 0 : i32
        %dma_wait3A_169 = tpu.memref_slice %arg15[%dma_wait3A_167, %dma_wait3A_168] : memref<253x8xf32, #tpu.memory_space<vmem>> -> memref<120x8xf32, #tpu.memory_space<vmem>>
        tpu.wait_dma2 semaphore(%run_scoped3A_149 : memref<!tpu.dma_semaphore, #tpu.memory_space<semaphore_mem>>) src(%dma_wait3A_169 : memref<120x8xf32, #tpu.memory_space<vmem>>) dst(%dma_wait3A_166 : memref<120x8xf32, #tpu.memory_space<vmem_shared>>)
        tpu.yield
      }) : () -> ()
    } else {
    }
    %barrier3A = arith.constant 0 : index
    tpu.barrier barrier_id(%barrier3A)
    "tpu.region"() ({
      %run_scoped3A_129 = tpu.sem_alloc : memref<!tpu.dma_semaphore, #tpu.memory_space<semaphore_mem>>
      %dma_start3A_130 = arith.constant 0 : i32
      %dma_start3A_131 = arith.constant 0 : i32
      %dma_start3A_132 = arith.constant 0 : i32
      %dma_start3A_133 = tpu.memref_slice %arg3[%arg0, %dma_start3A_130, %dma_start3A_131, %dma_start3A_132] : memref<2x16x160x125xi32, #tpu.memory_space<hbm>> -> memref<1x16x160x125xi32, #tpu.memory_space<hbm>>
      %dma_start3A_134 = tpu.memref_squeeze %dma_start3A_133 : memref<1x16x160x125xi32, #tpu.memory_space<hbm>> -> memref<16x160x125xi32, #tpu.memory_space<hbm>>
      %dma_start3A_135 = arith.constant 0 : i32
      %dma_start3A_136 = arith.constant 0 : i32
      %dma_start3A_137 = tpu.memref_slice %dma_start3A_134[%arg1, %dma_start3A_135, %dma_start3A_136] : memref<16x160x125xi32, #tpu.memory_space<hbm>> -> memref<1x160x125xi32, #tpu.memory_space<hbm>>
      %dma_start3A_138 = tpu.memref_squeeze %dma_start3A_137 : memref<1x160x125xi32, #tpu.memory_space<hbm>> -> memref<160x125xi32, #tpu.memory_space<hbm>>
      %dma_start3A_139 = arith.constant 0 : i32
      %dma_start3A_140 = arith.constant 0 : i32
      %dma_start3A_141 = arith.constant 0 : i32
      %dma_start3A_142 = tpu.memref_slice %arg3[%arg0, %dma_start3A_139, %dma_start3A_140, %dma_start3A_141] : memref<2x16x160x125xi32, #tpu.memory_space<hbm>> -> memref<1x16x160x125xi32, #tpu.memory_space<hbm>>
      %dma_start3A_143 = tpu.memref_squeeze %dma_start3A_142 : memref<1x16x160x125xi32, #tpu.memory_space<hbm>> -> memref<16x160x125xi32, #tpu.memory_space<hbm>>
      %dma_start3A_144 = arith.constant 0 : i32
      %dma_start3A_145 = arith.constant 0 : i32
      %dma_start3A_146 = tpu.memref_slice %dma_start3A_143[%arg1, %dma_start3A_144, %dma_start3A_145] : memref<16x160x125xi32, #tpu.memory_space<hbm>> -> memref<1x160x125xi32, #tpu.memory_space<hbm>>
      %dma_start3A_147 = tpu.memref_squeeze %dma_start3A_146 : memref<1x160x125xi32, #tpu.memory_space<hbm>> -> memref<160x125xi32, #tpu.memory_space<hbm>>
      tpu.enqueue_dma source(%dma_start3A_147 : memref<160x125xi32, #tpu.memory_space<hbm>>) target(%arg8 : memref<160x125xi32, #tpu.memory_space<vmem>>) target_semaphore(%run_scoped3A_129 : memref<!tpu.dma_semaphore, #tpu.memory_space<semaphore_mem>>)
      %dma_wait3A_148 = arith.constant 0 : i32
      %dma_wait3A_149 = arith.constant 0 : i32
      %dma_wait3A_150 = arith.constant 0 : i32
      %dma_wait3A_151 = tpu.memref_slice %arg3[%arg0, %dma_wait3A_148, %dma_wait3A_149, %dma_wait3A_150] : memref<2x16x160x125xi32, #tpu.memory_space<hbm>> -> memref<1x16x160x125xi32, #tpu.memory_space<hbm>>
      %dma_wait3A_152 = tpu.memref_squeeze %dma_wait3A_151 : memref<1x16x160x125xi32, #tpu.memory_space<hbm>> -> memref<16x160x125xi32, #tpu.memory_space<hbm>>
      %dma_wait3A_153 = arith.constant 0 : i32
      %dma_wait3A_154 = arith.constant 0 : i32
      %dma_wait3A_155 = tpu.memref_slice %dma_wait3A_152[%arg1, %dma_wait3A_153, %dma_wait3A_154] : memref<16x160x125xi32, #tpu.memory_space<hbm>> -> memref<1x160x125xi32, #tpu.memory_space<hbm>>
      %dma_wait3A_156 = tpu.memref_squeeze %dma_wait3A_155 : memref<1x160x125xi32, #tpu.memory_space<hbm>> -> memref<160x125xi32, #tpu.memory_space<hbm>>
      %dma_wait3A_157 = arith.constant 0 : i32
      %dma_wait3A_158 = arith.constant 0 : i32
      %dma_wait3A_159 = arith.constant 0 : i32
      %dma_wait3A_160 = tpu.memref_slice %arg3[%arg0, %dma_wait3A_157, %dma_wait3A_158, %dma_wait3A_159] : memref<2x16x160x125xi32, #tpu.memory_space<hbm>> -> memref<1x16x160x125xi32, #tpu.memory_space<hbm>>
      %dma_wait3A_161 = tpu.memref_squeeze %dma_wait3A_160 : memref<1x16x160x125xi32, #tpu.memory_space<hbm>> -> memref<16x160x125xi32, #tpu.memory_space<hbm>>
      %dma_wait3A_162 = arith.constant 0 : i32
      %dma_wait3A_163 = arith.constant 0 : i32
      %dma_wait3A_164 = tpu.memref_slice %dma_wait3A_161[%arg1, %dma_wait3A_162, %dma_wait3A_163] : memref<16x160x125xi32, #tpu.memory_space<hbm>> -> memref<1x160x125xi32, #tpu.memory_space<hbm>>
      %dma_wait3A_165 = tpu.memref_squeeze %dma_wait3A_164 : memref<1x160x125xi32, #tpu.memory_space<hbm>> -> memref<160x125xi32, #tpu.memory_space<hbm>>
      tpu.wait_dma2 semaphore(%run_scoped3A_129 : memref<!tpu.dma_semaphore, #tpu.memory_space<semaphore_mem>>) src(%dma_wait3A_165 : memref<160x125xi32, #tpu.memory_space<hbm>>) dst(%arg8 : memref<160x125xi32, #tpu.memory_space<vmem>>)
      tpu.yield
    }) : () -> ()
    "tpu.region"() ({
      %run_scoped3A_129 = tpu.sem_alloc : memref<!tpu.dma_semaphore, #tpu.memory_space<semaphore_mem>>
      %dma_start3A_130 = arith.constant 0 : i32
      %dma_start3A_131 = arith.constant 0 : i32
      %dma_start3A_132 = tpu.memref_slice %arg4[%arg1, %dma_start3A_130, %dma_start3A_131] : memref<16x160x125xi32, #tpu.memory_space<hbm>> -> memref<1x160x125xi32, #tpu.memory_space<hbm>>
      %dma_start3A_133 = tpu.memref_squeeze %dma_start3A_132 : memref<1x160x125xi32, #tpu.memory_space<hbm>> -> memref<160x125xi32, #tpu.memory_space<hbm>>
      %dma_start3A_134 = arith.constant 0 : i32
      %dma_start3A_135 = arith.constant 0 : i32
      %dma_start3A_136 = tpu.memref_slice %arg4[%arg1, %dma_start3A_134, %dma_start3A_135] : memref<16x160x125xi32, #tpu.memory_space<hbm>> -> memref<1x160x125xi32, #tpu.memory_space<hbm>>
      %dma_start3A_137 = tpu.memref_squeeze %dma_start3A_136 : memref<1x160x125xi32, #tpu.memory_space<hbm>> -> memref<160x125xi32, #tpu.memory_space<hbm>>
      tpu.enqueue_dma source(%dma_start3A_137 : memref<160x125xi32, #tpu.memory_space<hbm>>) target(%arg9 : memref<160x125xi32, #tpu.memory_space<vmem>>) target_semaphore(%run_scoped3A_129 : memref<!tpu.dma_semaphore, #tpu.memory_space<semaphore_mem>>)
      %dma_wait3A_138 = arith.constant 0 : i32
      %dma_wait3A_139 = arith.constant 0 : i32
      %dma_wait3A_140 = tpu.memref_slice %arg4[%arg1, %dma_wait3A_138, %dma_wait3A_139] : memref<16x160x125xi32, #tpu.memory_space<hbm>> -> memref<1x160x125xi32, #tpu.memory_space<hbm>>
      %dma_wait3A_141 = tpu.memref_squeeze %dma_wait3A_140 : memref<1x160x125xi32, #tpu.memory_space<hbm>> -> memref<160x125xi32, #tpu.memory_space<hbm>>
      %dma_wait3A_142 = arith.constant 0 : i32
      %dma_wait3A_143 = arith.constant 0 : i32
      %dma_wait3A_144 = tpu.memref_slice %arg4[%arg1, %dma_wait3A_142, %dma_wait3A_143] : memref<16x160x125xi32, #tpu.memory_space<hbm>> -> memref<1x160x125xi32, #tpu.memory_space<hbm>>
      %dma_wait3A_145 = tpu.memref_squeeze %dma_wait3A_144 : memref<1x160x125xi32, #tpu.memory_space<hbm>> -> memref<160x125xi32, #tpu.memory_space<hbm>>
      tpu.wait_dma2 semaphore(%run_scoped3A_129 : memref<!tpu.dma_semaphore, #tpu.memory_space<semaphore_mem>>) src(%dma_wait3A_145 : memref<160x125xi32, #tpu.memory_space<hbm>>) dst(%arg9 : memref<160x125xi32, #tpu.memory_space<vmem>>)
      tpu.yield
    }) : () -> ()
    %dma_start3A = arith.constant 0 : i32
    %dma_start3A_27 = arith.constant 0 : i32
    %dma_start3A_28 = tpu.memref_slice %arg8[%dma_start3A, %dma_start3A_27] : memref<160x125xi32, #tpu.memory_space<vmem>> -> memref<1x125xi32, #tpu.memory_space<vmem>>
    %dma_start3A_29 = tpu.memref_squeeze %dma_start3A_28 : memref<1x125xi32, #tpu.memory_space<vmem>> -> memref<125xi32, #tpu.memory_space<vmem>>
    %dma_start3A_30 = arith.constant 0 : i32
    %dma_start3A_31 = arith.constant 0 : i32
    %dma_start3A_32 = tpu.memref_slice %arg2[%dma_start3A_30, %dma_start3A_31] : memref<20480x64xf32, #tpu.memory_space<hbm>> -> memref<20480x64xf32, #tpu.memory_space<hbm>>
    tpu.enqueue_indirect_dma source(%dma_start3A_32 : memref<20480x64xf32, #tpu.memory_space<hbm>>) target(%arg10 : memref<125x64xf32, #tpu.memory_space<vmem>>) offsets(%dma_start3A_29 : memref<125xi32, #tpu.memory_space<vmem>>) semaphore(%arg18 : memref<!tpu.dma_semaphore, #tpu.memory_space<semaphore_mem>>)
    %dma_start3A_33 = arith.constant 1 : i32
    %dma_start3A_34 = arith.constant 0 : i32
    %dma_start3A_35 = tpu.memref_slice %arg8[%dma_start3A_33, %dma_start3A_34] : memref<160x125xi32, #tpu.memory_space<vmem>> -> memref<1x125xi32, #tpu.memory_space<vmem>>
    %dma_start3A_36 = tpu.memref_squeeze %dma_start3A_35 : memref<1x125xi32, #tpu.memory_space<vmem>> -> memref<125xi32, #tpu.memory_space<vmem>>
    %dma_start3A_37 = arith.constant 0 : i32
    %dma_start3A_38 = arith.constant 0 : i32
    %dma_start3A_39 = tpu.memref_slice %arg2[%dma_start3A_37, %dma_start3A_38] : memref<20480x64xf32, #tpu.memory_space<hbm>> -> memref<20480x64xf32, #tpu.memory_space<hbm>>
    tpu.enqueue_indirect_dma source(%dma_start3A_39 : memref<20480x64xf32, #tpu.memory_space<hbm>>) target(%arg11 : memref<125x64xf32, #tpu.memory_space<vmem>>) offsets(%dma_start3A_36 : memref<125xi32, #tpu.memory_space<vmem>>) semaphore(%arg19 : memref<!tpu.dma_semaphore, #tpu.memory_space<semaphore_mem>>)
    %dma_start3A_40 = arith.constant 2 : i32
    %dma_start3A_41 = arith.constant 0 : i32
    %dma_start3A_42 = tpu.memref_slice %arg8[%dma_start3A_40, %dma_start3A_41] : memref<160x125xi32, #tpu.memory_space<vmem>> -> memref<1x125xi32, #tpu.memory_space<vmem>>
    %dma_start3A_43 = tpu.memref_squeeze %dma_start3A_42 : memref<1x125xi32, #tpu.memory_space<vmem>> -> memref<125xi32, #tpu.memory_space<vmem>>
    %dma_start3A_44 = arith.constant 0 : i32
    %dma_start3A_45 = arith.constant 0 : i32
    %dma_start3A_46 = tpu.memref_slice %arg2[%dma_start3A_44, %dma_start3A_45] : memref<20480x64xf32, #tpu.memory_space<hbm>> -> memref<20480x64xf32, #tpu.memory_space<hbm>>
    tpu.enqueue_indirect_dma source(%dma_start3A_46 : memref<20480x64xf32, #tpu.memory_space<hbm>>) target(%arg12 : memref<125x64xf32, #tpu.memory_space<vmem>>) offsets(%dma_start3A_43 : memref<125xi32, #tpu.memory_space<vmem>>) semaphore(%arg20 : memref<!tpu.dma_semaphore, #tpu.memory_space<semaphore_mem>>)
    %scan3A_47 = arith.constant 0 : i32
    %scan3A_48 = arith.constant 0 : i32
    %scan3A_49 = arith.constant 39 : i32
    %scan3A_50 = arith.addi %scan3A_48, %scan3A_49 : i32
    %scan3A_51 = arith.constant 1 : i32
    %scan3A_52 = scf.for %scan3A_129 = %scan3A_48 to %scan3A_50 step %scan3A_51 iter_args(%scan3A_130 = %scan3A_47) -> (i32)  : i32 {
      %mul3A_131 = arith.constant 4 : i32
      %mul3A_132 = arith.muli %scan3A_129, %mul3A_131 : i32
      %add3A_133 = arith.constant 4 : i32
      %add3A_134 = arith.addi %mul3A_132, %add3A_133 : i32
      %sub3A = arith.constant 1 : i32
      %sub3A_135 = arith.subi %add3A_134, %sub3A : i32
      %add3A_136 = arith.constant 0 : i32
      %add3A_137 = arith.addi %sub3A_135, %add3A_136 : i32
      %dma_start3A_138 = arith.constant 0 : i32
      %dma_start3A_139 = tpu.memref_slice %arg8[%add3A_137, %dma_start3A_138] : memref<160x125xi32, #tpu.memory_space<vmem>> -> memref<1x125xi32, #tpu.memory_space<vmem>>
      %dma_start3A_140 = tpu.memref_squeeze %dma_start3A_139 : memref<1x125xi32, #tpu.memory_space<vmem>> -> memref<125xi32, #tpu.memory_space<vmem>>
      %dma_start3A_141 = arith.constant 0 : i32
      %dma_start3A_142 = arith.constant 0 : i32
      %dma_start3A_143 = tpu.memref_slice %arg2[%dma_start3A_141, %dma_start3A_142] : memref<20480x64xf32, #tpu.memory_space<hbm>> -> memref<20480x64xf32, #tpu.memory_space<hbm>>
      tpu.enqueue_indirect_dma source(%dma_start3A_143 : memref<20480x64xf32, #tpu.memory_space<hbm>>) target(%arg13 : memref<125x64xf32, #tpu.memory_space<vmem>>) offsets(%dma_start3A_140 : memref<125xi32, #tpu.memory_space<vmem>>) semaphore(%arg21 : memref<!tpu.dma_semaphore, #tpu.memory_space<semaphore_mem>>)
      %dma_wait3A_144 = arith.constant 0 : i32
      %dma_wait3A_145 = arith.constant 0 : i32
      %dma_wait3A_146 = tpu.memref_slice %arg8[%dma_wait3A_144, %dma_wait3A_145] : memref<160x125xi32, #tpu.memory_space<vmem>> -> memref<1x125xi32, #tpu.memory_space<vmem>>
      %dma_wait3A_147 = tpu.memref_squeeze %dma_wait3A_146 : memref<1x125xi32, #tpu.memory_space<vmem>> -> memref<125xi32, #tpu.memory_space<vmem>>
      %dma_wait3A_148 = arith.constant 0 : i32
      %dma_wait3A_149 = arith.constant 0 : i32
      %dma_wait3A_150 = tpu.memref_slice %arg2[%dma_wait3A_148, %dma_wait3A_149] : memref<20480x64xf32, #tpu.memory_space<hbm>> -> memref<20480x64xf32, #tpu.memory_space<hbm>>
      tpu.wait_indirect_dma semaphore(%arg18 : memref<!tpu.dma_semaphore, #tpu.memory_space<semaphore_mem>>) src(%dma_wait3A_150 : memref<20480x64xf32, #tpu.memory_space<hbm>>) dst(%arg10 : memref<125x64xf32, #tpu.memory_space<vmem>>)
      %add3A_151 = arith.constant 0 : i32
      %add3A_152 = arith.addi %mul3A_132, %add3A_151 : i32
      "tpu.region"() ({
        %run_scoped3A_237 = tpu.sem_alloc : memref<!tpu.dma_semaphore, #tpu.memory_space<semaphore_mem>>
        %dma_start3A_238 = arith.constant 0 : i32
        %dma_start3A_239 = tpu.memref_slice %arg9[%add3A_152, %dma_start3A_238] : memref<160x125xi32, #tpu.memory_space<vmem>> -> memref<1x125xi32, #tpu.memory_space<vmem>>
        %dma_start3A_240 = tpu.memref_squeeze %dma_start3A_239 : memref<1x125xi32, #tpu.memory_space<vmem>> -> memref<125xi32, #tpu.memory_space<vmem>>
        %dma_start3A_241 = arith.constant 0 : i32
        %dma_start3A_242 = arith.constant 0 : i32
        %dma_start3A_243 = tpu.memref_slice %arg16[%dma_start3A_241, %dma_start3A_242] : memref<10112x64xf32, #tpu.memory_space<vmem_shared>> -> memref<10112x64xf32, #tpu.memory_space<vmem_shared>>
        tpu.enqueue_indirect_dma source(%arg10 : memref<125x64xf32, #tpu.memory_space<vmem>>) target(%dma_start3A_243 : memref<10112x64xf32, #tpu.memory_space<vmem_shared>>) offsets(%dma_start3A_240 : memref<125xi32, #tpu.memory_space<vmem>>) semaphore(%run_scoped3A_237 : memref<!tpu.dma_semaphore, #tpu.memory_space<semaphore_mem>>) {add = true}
        %dma_wait3A_244 = arith.constant 0 : i32
        %dma_wait3A_245 = tpu.memref_slice %arg9[%add3A_152, %dma_wait3A_244] : memref<160x125xi32, #tpu.memory_space<vmem>> -> memref<1x125xi32, #tpu.memory_space<vmem>>
        %dma_wait3A_246 = tpu.memref_squeeze %dma_wait3A_245 : memref<1x125xi32, #tpu.memory_space<vmem>> -> memref<125xi32, #tpu.memory_space<vmem>>
        %dma_wait3A_247 = arith.constant 0 : i32
        %dma_wait3A_248 = arith.constant 0 : i32
        %dma_wait3A_249 = tpu.memref_slice %arg16[%dma_wait3A_247, %dma_wait3A_248] : memref<10112x64xf32, #tpu.memory_space<vmem_shared>> -> memref<10112x64xf32, #tpu.memory_space<vmem_shared>>
        tpu.wait_indirect_dma semaphore(%run_scoped3A_237 : memref<!tpu.dma_semaphore, #tpu.memory_space<semaphore_mem>>) src(%arg10 : memref<125x64xf32, #tpu.memory_space<vmem>>) dst(%dma_wait3A_249 : memref<10112x64xf32, #tpu.memory_space<vmem_shared>>)
        tpu.yield
      }) : () -> ()
      %eq3A_153 = arith.constant 0 : i32
      %eq3A_154 = arith.cmpi eq, %arg0, %eq3A_153 : i32
      %convert_element_type3A_155 = arith.extui %eq3A_154 : i1 to i32
      %cond3A_156 = arith.constant 0 : i32
      %cond3A_157 = arith.cmpi ne, %convert_element_type3A_155, %cond3A_156 : i32
      scf.if %cond3A_157 {
        "tpu.region"() ({
          %run_scoped3A_237 = tpu.sem_alloc : memref<!tpu.dma_semaphore, #tpu.memory_space<semaphore_mem>>
          %dma_start3A_238 = arith.constant 128 : i32
          %dma_start3A_239 = arith.constant 0 : i32
          %dma_start3A_240 = tpu.memref_slice %arg15[%dma_start3A_238, %dma_start3A_239] : memref<253x8xf32, #tpu.memory_space<vmem>> -> memref<125x8xf32, #tpu.memory_space<vmem>>
          %dma_start3A_241 = arith.constant 0 : i32
          %dma_start3A_242 = tpu.memref_slice %arg9[%add3A_152, %dma_start3A_241] : memref<160x125xi32, #tpu.memory_space<vmem>> -> memref<1x125xi32, #tpu.memory_space<vmem>>
          %dma_start3A_243 = tpu.memref_squeeze %dma_start3A_242 : memref<1x125xi32, #tpu.memory_space<vmem>> -> memref<125xi32, #tpu.memory_space<vmem>>
          %dma_start3A_244 = arith.constant 0 : i32
          %dma_start3A_245 = arith.constant 0 : i32
          %dma_start3A_246 = tpu.memref_slice %arg17[%dma_start3A_244, %dma_start3A_245] : memref<10112x8xf32, #tpu.memory_space<vmem_shared>> -> memref<10112x8xf32, #tpu.memory_space<vmem_shared>>
          tpu.enqueue_indirect_dma source(%dma_start3A_240 : memref<125x8xf32, #tpu.memory_space<vmem>>) target(%dma_start3A_246 : memref<10112x8xf32, #tpu.memory_space<vmem_shared>>) offsets(%dma_start3A_243 : memref<125xi32, #tpu.memory_space<vmem>>) semaphore(%run_scoped3A_237 : memref<!tpu.dma_semaphore, #tpu.memory_space<semaphore_mem>>) {add = true}
          %dma_wait3A_247 = arith.constant 128 : i32
          %dma_wait3A_248 = arith.constant 0 : i32
          %dma_wait3A_249 = tpu.memref_slice %arg15[%dma_wait3A_247, %dma_wait3A_248] : memref<253x8xf32, #tpu.memory_space<vmem>> -> memref<125x8xf32, #tpu.memory_space<vmem>>
          %dma_wait3A_250 = arith.constant 0 : i32
          %dma_wait3A_251 = tpu.memref_slice %arg9[%add3A_152, %dma_wait3A_250] : memref<160x125xi32, #tpu.memory_space<vmem>> -> memref<1x125xi32, #tpu.memory_space<vmem>>
          %dma_wait3A_252 = tpu.memref_squeeze %dma_wait3A_251 : memref<1x125xi32, #tpu.memory_space<vmem>> -> memref<125xi32, #tpu.memory_space<vmem>>
          %dma_wait3A_253 = arith.constant 0 : i32
          %dma_wait3A_254 = arith.constant 0 : i32
          %dma_wait3A_255 = tpu.memref_slice %arg17[%dma_wait3A_253, %dma_wait3A_254] : memref<10112x8xf32, #tpu.memory_space<vmem_shared>> -> memref<10112x8xf32, #tpu.memory_space<vmem_shared>>
          tpu.wait_indirect_dma semaphore(%run_scoped3A_237 : memref<!tpu.dma_semaphore, #tpu.memory_space<semaphore_mem>>) src(%dma_wait3A_249 : memref<125x8xf32, #tpu.memory_space<vmem>>) dst(%dma_wait3A_255 : memref<10112x8xf32, #tpu.memory_space<vmem_shared>>)
          tpu.yield
        }) : () -> ()
      } else {
      }
      %add3A_158 = arith.constant 4 : i32
      %add3A_159 = arith.addi %mul3A_132, %add3A_158 : i32
      %sub3A_160 = arith.constant 1 : i32
      %sub3A_161 = arith.subi %add3A_159, %sub3A_160 : i32
      %add3A_162 = arith.constant 1 : i32
      %add3A_163 = arith.addi %sub3A_161, %add3A_162 : i32
      %dma_start3A_164 = arith.constant 0 : i32
      %dma_start3A_165 = tpu.memref_slice %arg8[%add3A_163, %dma_start3A_164] : memref<160x125xi32, #tpu.memory_space<vmem>> -> memref<1x125xi32, #tpu.memory_space<vmem>>
      %dma_start3A_166 = tpu.memref_squeeze %dma_start3A_165 : memref<1x125xi32, #tpu.memory_space<vmem>> -> memref<125xi32, #tpu.memory_space<vmem>>
      %dma_start3A_167 = arith.constant 0 : i32
      %dma_start3A_168 = arith.constant 0 : i32
      %dma_start3A_169 = tpu.memref_slice %arg2[%dma_start3A_167, %dma_start3A_168] : memref<20480x64xf32, #tpu.memory_space<hbm>> -> memref<20480x64xf32, #tpu.memory_space<hbm>>
      tpu.enqueue_indirect_dma source(%dma_start3A_169 : memref<20480x64xf32, #tpu.memory_space<hbm>>) target(%arg10 : memref<125x64xf32, #tpu.memory_space<vmem>>) offsets(%dma_start3A_166 : memref<125xi32, #tpu.memory_space<vmem>>) semaphore(%arg18 : memref<!tpu.dma_semaphore, #tpu.memory_space<semaphore_mem>>)
      %dma_wait3A_170 = arith.constant 0 : i32
      %dma_wait3A_171 = arith.constant 0 : i32
      %dma_wait3A_172 = tpu.memref_slice %arg8[%dma_wait3A_170, %dma_wait3A_171] : memref<160x125xi32, #tpu.memory_space<vmem>> -> memref<1x125xi32, #tpu.memory_space<vmem>>
      %dma_wait3A_173 = tpu.memref_squeeze %dma_wait3A_172 : memref<1x125xi32, #tpu.memory_space<vmem>> -> memref<125xi32, #tpu.memory_space<vmem>>
      %dma_wait3A_174 = arith.constant 0 : i32
      %dma_wait3A_175 = arith.constant 0 : i32
      %dma_wait3A_176 = tpu.memref_slice %arg2[%dma_wait3A_174, %dma_wait3A_175] : memref<20480x64xf32, #tpu.memory_space<hbm>> -> memref<20480x64xf32, #tpu.memory_space<hbm>>
      tpu.wait_indirect_dma semaphore(%arg19 : memref<!tpu.dma_semaphore, #tpu.memory_space<semaphore_mem>>) src(%dma_wait3A_176 : memref<20480x64xf32, #tpu.memory_space<hbm>>) dst(%arg11 : memref<125x64xf32, #tpu.memory_space<vmem>>)
      %add3A_177 = arith.constant 1 : i32
      %add3A_178 = arith.addi %mul3A_132, %add3A_177 : i32
      "tpu.region"() ({
        %run_scoped3A_237 = tpu.sem_alloc : memref<!tpu.dma_semaphore, #tpu.memory_space<semaphore_mem>>
        %dma_start3A_238 = arith.constant 0 : i32
        %dma_start3A_239 = tpu.memref_slice %arg9[%add3A_178, %dma_start3A_238] : memref<160x125xi32, #tpu.memory_space<vmem>> -> memref<1x125xi32, #tpu.memory_space<vmem>>
        %dma_start3A_240 = tpu.memref_squeeze %dma_start3A_239 : memref<1x125xi32, #tpu.memory_space<vmem>> -> memref<125xi32, #tpu.memory_space<vmem>>
        %dma_start3A_241 = arith.constant 0 : i32
        %dma_start3A_242 = arith.constant 0 : i32
        %dma_start3A_243 = tpu.memref_slice %arg16[%dma_start3A_241, %dma_start3A_242] : memref<10112x64xf32, #tpu.memory_space<vmem_shared>> -> memref<10112x64xf32, #tpu.memory_space<vmem_shared>>
        tpu.enqueue_indirect_dma source(%arg11 : memref<125x64xf32, #tpu.memory_space<vmem>>) target(%dma_start3A_243 : memref<10112x64xf32, #tpu.memory_space<vmem_shared>>) offsets(%dma_start3A_240 : memref<125xi32, #tpu.memory_space<vmem>>) semaphore(%run_scoped3A_237 : memref<!tpu.dma_semaphore, #tpu.memory_space<semaphore_mem>>) {add = true}
        %dma_wait3A_244 = arith.constant 0 : i32
        %dma_wait3A_245 = tpu.memref_slice %arg9[%add3A_178, %dma_wait3A_244] : memref<160x125xi32, #tpu.memory_space<vmem>> -> memref<1x125xi32, #tpu.memory_space<vmem>>
        %dma_wait3A_246 = tpu.memref_squeeze %dma_wait3A_245 : memref<1x125xi32, #tpu.memory_space<vmem>> -> memref<125xi32, #tpu.memory_space<vmem>>
        %dma_wait3A_247 = arith.constant 0 : i32
        %dma_wait3A_248 = arith.constant 0 : i32
        %dma_wait3A_249 = tpu.memref_slice %arg16[%dma_wait3A_247, %dma_wait3A_248] : memref<10112x64xf32, #tpu.memory_space<vmem_shared>> -> memref<10112x64xf32, #tpu.memory_space<vmem_shared>>
        tpu.wait_indirect_dma semaphore(%run_scoped3A_237 : memref<!tpu.dma_semaphore, #tpu.memory_space<semaphore_mem>>) src(%arg11 : memref<125x64xf32, #tpu.memory_space<vmem>>) dst(%dma_wait3A_249 : memref<10112x64xf32, #tpu.memory_space<vmem_shared>>)
        tpu.yield
      }) : () -> ()
      %eq3A_179 = arith.constant 0 : i32
      %eq3A_180 = arith.cmpi eq, %arg0, %eq3A_179 : i32
      %convert_element_type3A_181 = arith.extui %eq3A_180 : i1 to i32
      %cond3A_182 = arith.constant 0 : i32
      %cond3A_183 = arith.cmpi ne, %convert_element_type3A_181, %cond3A_182 : i32
      scf.if %cond3A_183 {
        "tpu.region"() ({
          %run_scoped3A_237 = tpu.sem_alloc : memref<!tpu.dma_semaphore, #tpu.memory_space<semaphore_mem>>
          %dma_start3A_238 = arith.constant 128 : i32
          %dma_start3A_239 = arith.constant 0 : i32
          %dma_start3A_240 = tpu.memref_slice %arg15[%dma_start3A_238, %dma_start3A_239] : memref<253x8xf32, #tpu.memory_space<vmem>> -> memref<125x8xf32, #tpu.memory_space<vmem>>
          %dma_start3A_241 = arith.constant 0 : i32
          %dma_start3A_242 = tpu.memref_slice %arg9[%add3A_178, %dma_start3A_241] : memref<160x125xi32, #tpu.memory_space<vmem>> -> memref<1x125xi32, #tpu.memory_space<vmem>>
          %dma_start3A_243 = tpu.memref_squeeze %dma_start3A_242 : memref<1x125xi32, #tpu.memory_space<vmem>> -> memref<125xi32, #tpu.memory_space<vmem>>
          %dma_start3A_244 = arith.constant 0 : i32
          %dma_start3A_245 = arith.constant 0 : i32
          %dma_start3A_246 = tpu.memref_slice %arg17[%dma_start3A_244, %dma_start3A_245] : memref<10112x8xf32, #tpu.memory_space<vmem_shared>> -> memref<10112x8xf32, #tpu.memory_space<vmem_shared>>
          tpu.enqueue_indirect_dma source(%dma_start3A_240 : memref<125x8xf32, #tpu.memory_space<vmem>>) target(%dma_start3A_246 : memref<10112x8xf32, #tpu.memory_space<vmem_shared>>) offsets(%dma_start3A_243 : memref<125xi32, #tpu.memory_space<vmem>>) semaphore(%run_scoped3A_237 : memref<!tpu.dma_semaphore, #tpu.memory_space<semaphore_mem>>) {add = true}
          %dma_wait3A_247 = arith.constant 128 : i32
          %dma_wait3A_248 = arith.constant 0 : i32
          %dma_wait3A_249 = tpu.memref_slice %arg15[%dma_wait3A_247, %dma_wait3A_248] : memref<253x8xf32, #tpu.memory_space<vmem>> -> memref<125x8xf32, #tpu.memory_space<vmem>>
          %dma_wait3A_250 = arith.constant 0 : i32
          %dma_wait3A_251 = tpu.memref_slice %arg9[%add3A_178, %dma_wait3A_250] : memref<160x125xi32, #tpu.memory_space<vmem>> -> memref<1x125xi32, #tpu.memory_space<vmem>>
          %dma_wait3A_252 = tpu.memref_squeeze %dma_wait3A_251 : memref<1x125xi32, #tpu.memory_space<vmem>> -> memref<125xi32, #tpu.memory_space<vmem>>
          %dma_wait3A_253 = arith.constant 0 : i32
          %dma_wait3A_254 = arith.constant 0 : i32
          %dma_wait3A_255 = tpu.memref_slice %arg17[%dma_wait3A_253, %dma_wait3A_254] : memref<10112x8xf32, #tpu.memory_space<vmem_shared>> -> memref<10112x8xf32, #tpu.memory_space<vmem_shared>>
          tpu.wait_indirect_dma semaphore(%run_scoped3A_237 : memref<!tpu.dma_semaphore, #tpu.memory_space<semaphore_mem>>) src(%dma_wait3A_249 : memref<125x8xf32, #tpu.memory_space<vmem>>) dst(%dma_wait3A_255 : memref<10112x8xf32, #tpu.memory_space<vmem_shared>>)
          tpu.yield
        }) : () -> ()
      } else {
      }
      %add3A_184 = arith.constant 4 : i32
      %add3A_185 = arith.addi %mul3A_132, %add3A_184 : i32
      %sub3A_186 = arith.constant 1 : i32
      %sub3A_187 = arith.subi %add3A_185, %sub3A_186 : i32
      %add3A_188 = arith.constant 2 : i32
      %add3A_189 = arith.addi %sub3A_187, %add3A_188 : i32
      %dma_start3A_190 = arith.constant 0 : i32
      %dma_start3A_191 = tpu.memref_slice %arg8[%add3A_189, %dma_start3A_190] : memref<160x125xi32, #tpu.memory_space<vmem>> -> memref<1x125xi32, #tpu.memory_space<vmem>>
      %dma_start3A_192 = tpu.memref_squeeze %dma_start3A_191 : memref<1x125xi32, #tpu.memory_space<vmem>> -> memref<125xi32, #tpu.memory_space<vmem>>
      %dma_start3A_193 = arith.constant 0 : i32
      %dma_start3A_194 = arith.constant 0 : i32
      %dma_start3A_195 = tpu.memref_slice %arg2[%dma_start3A_193, %dma_start3A_194] : memref<20480x64xf32, #tpu.memory_space<hbm>> -> memref<20480x64xf32, #tpu.memory_space<hbm>>
      tpu.enqueue_indirect_dma source(%dma_start3A_195 : memref<20480x64xf32, #tpu.memory_space<hbm>>) target(%arg11 : memref<125x64xf32, #tpu.memory_space<vmem>>) offsets(%dma_start3A_192 : memref<125xi32, #tpu.memory_space<vmem>>) semaphore(%arg19 : memref<!tpu.dma_semaphore, #tpu.memory_space<semaphore_mem>>)
      %dma_wait3A_196 = arith.constant 0 : i32
      %dma_wait3A_197 = arith.constant 0 : i32
      %dma_wait3A_198 = tpu.memref_slice %arg8[%dma_wait3A_196, %dma_wait3A_197] : memref<160x125xi32, #tpu.memory_space<vmem>> -> memref<1x125xi32, #tpu.memory_space<vmem>>
      %dma_wait3A_199 = tpu.memref_squeeze %dma_wait3A_198 : memref<1x125xi32, #tpu.memory_space<vmem>> -> memref<125xi32, #tpu.memory_space<vmem>>
      %dma_wait3A_200 = arith.constant 0 : i32
      %dma_wait3A_201 = arith.constant 0 : i32
      %dma_wait3A_202 = tpu.memref_slice %arg2[%dma_wait3A_200, %dma_wait3A_201] : memref<20480x64xf32, #tpu.memory_space<hbm>> -> memref<20480x64xf32, #tpu.memory_space<hbm>>
      tpu.wait_indirect_dma semaphore(%arg20 : memref<!tpu.dma_semaphore, #tpu.memory_space<semaphore_mem>>) src(%dma_wait3A_202 : memref<20480x64xf32, #tpu.memory_space<hbm>>) dst(%arg12 : memref<125x64xf32, #tpu.memory_space<vmem>>)
      %add3A_203 = arith.constant 2 : i32
      %add3A_204 = arith.addi %mul3A_132, %add3A_203 : i32
      "tpu.region"() ({
        %run_scoped3A_237 = tpu.sem_alloc : memref<!tpu.dma_semaphore, #tpu.memory_space<semaphore_mem>>
        %dma_start3A_238 = arith.constant 0 : i32
        %dma_start3A_239 = tpu.memref_slice %arg9[%add3A_204, %dma_start3A_238] : memref<160x125xi32, #tpu.memory_space<vmem>> -> memref<1x125xi32, #tpu.memory_space<vmem>>
        %dma_start3A_240 = tpu.memref_squeeze %dma_start3A_239 : memref<1x125xi32, #tpu.memory_space<vmem>> -> memref<125xi32, #tpu.memory_space<vmem>>
        %dma_start3A_241 = arith.constant 0 : i32
        %dma_start3A_242 = arith.constant 0 : i32
        %dma_start3A_243 = tpu.memref_slice %arg16[%dma_start3A_241, %dma_start3A_242] : memref<10112x64xf32, #tpu.memory_space<vmem_shared>> -> memref<10112x64xf32, #tpu.memory_space<vmem_shared>>
        tpu.enqueue_indirect_dma source(%arg12 : memref<125x64xf32, #tpu.memory_space<vmem>>) target(%dma_start3A_243 : memref<10112x64xf32, #tpu.memory_space<vmem_shared>>) offsets(%dma_start3A_240 : memref<125xi32, #tpu.memory_space<vmem>>) semaphore(%run_scoped3A_237 : memref<!tpu.dma_semaphore, #tpu.memory_space<semaphore_mem>>) {add = true}
        %dma_wait3A_244 = arith.constant 0 : i32
        %dma_wait3A_245 = tpu.memref_slice %arg9[%add3A_204, %dma_wait3A_244] : memref<160x125xi32, #tpu.memory_space<vmem>> -> memref<1x125xi32, #tpu.memory_space<vmem>>
        %dma_wait3A_246 = tpu.memref_squeeze %dma_wait3A_245 : memref<1x125xi32, #tpu.memory_space<vmem>> -> memref<125xi32, #tpu.memory_space<vmem>>
        %dma_wait3A_247 = arith.constant 0 : i32
        %dma_wait3A_248 = arith.constant 0 : i32
        %dma_wait3A_249 = tpu.memref_slice %arg16[%dma_wait3A_247, %dma_wait3A_248] : memref<10112x64xf32, #tpu.memory_space<vmem_shared>> -> memref<10112x64xf32, #tpu.memory_space<vmem_shared>>
        tpu.wait_indirect_dma semaphore(%run_scoped3A_237 : memref<!tpu.dma_semaphore, #tpu.memory_space<semaphore_mem>>) src(%arg12 : memref<125x64xf32, #tpu.memory_space<vmem>>) dst(%dma_wait3A_249 : memref<10112x64xf32, #tpu.memory_space<vmem_shared>>)
        tpu.yield
      }) : () -> ()
      %eq3A_205 = arith.constant 0 : i32
      %eq3A_206 = arith.cmpi eq, %arg0, %eq3A_205 : i32
      %convert_element_type3A_207 = arith.extui %eq3A_206 : i1 to i32
      %cond3A_208 = arith.constant 0 : i32
      %cond3A_209 = arith.cmpi ne, %convert_element_type3A_207, %cond3A_208 : i32
      scf.if %cond3A_209 {
        "tpu.region"() ({
          %run_scoped3A_237 = tpu.sem_alloc : memref<!tpu.dma_semaphore, #tpu.memory_space<semaphore_mem>>
          %dma_start3A_238 = arith.constant 128 : i32
          %dma_start3A_239 = arith.constant 0 : i32
          %dma_start3A_240 = tpu.memref_slice %arg15[%dma_start3A_238, %dma_start3A_239] : memref<253x8xf32, #tpu.memory_space<vmem>> -> memref<125x8xf32, #tpu.memory_space<vmem>>
          %dma_start3A_241 = arith.constant 0 : i32
          %dma_start3A_242 = tpu.memref_slice %arg9[%add3A_204, %dma_start3A_241] : memref<160x125xi32, #tpu.memory_space<vmem>> -> memref<1x125xi32, #tpu.memory_space<vmem>>
          %dma_start3A_243 = tpu.memref_squeeze %dma_start3A_242 : memref<1x125xi32, #tpu.memory_space<vmem>> -> memref<125xi32, #tpu.memory_space<vmem>>
          %dma_start3A_244 = arith.constant 0 : i32
          %dma_start3A_245 = arith.constant 0 : i32
          %dma_start3A_246 = tpu.memref_slice %arg17[%dma_start3A_244, %dma_start3A_245] : memref<10112x8xf32, #tpu.memory_space<vmem_shared>> -> memref<10112x8xf32, #tpu.memory_space<vmem_shared>>
          tpu.enqueue_indirect_dma source(%dma_start3A_240 : memref<125x8xf32, #tpu.memory_space<vmem>>) target(%dma_start3A_246 : memref<10112x8xf32, #tpu.memory_space<vmem_shared>>) offsets(%dma_start3A_243 : memref<125xi32, #tpu.memory_space<vmem>>) semaphore(%run_scoped3A_237 : memref<!tpu.dma_semaphore, #tpu.memory_space<semaphore_mem>>) {add = true}
          %dma_wait3A_247 = arith.constant 128 : i32
          %dma_wait3A_248 = arith.constant 0 : i32
          %dma_wait3A_249 = tpu.memref_slice %arg15[%dma_wait3A_247, %dma_wait3A_248] : memref<253x8xf32, #tpu.memory_space<vmem>> -> memref<125x8xf32, #tpu.memory_space<vmem>>
          %dma_wait3A_250 = arith.constant 0 : i32
          %dma_wait3A_251 = tpu.memref_slice %arg9[%add3A_204, %dma_wait3A_250] : memref<160x125xi32, #tpu.memory_space<vmem>> -> memref<1x125xi32, #tpu.memory_space<vmem>>
          %dma_wait3A_252 = tpu.memref_squeeze %dma_wait3A_251 : memref<1x125xi32, #tpu.memory_space<vmem>> -> memref<125xi32, #tpu.memory_space<vmem>>
          %dma_wait3A_253 = arith.constant 0 : i32
          %dma_wait3A_254 = arith.constant 0 : i32
          %dma_wait3A_255 = tpu.memref_slice %arg17[%dma_wait3A_253, %dma_wait3A_254] : memref<10112x8xf32, #tpu.memory_space<vmem_shared>> -> memref<10112x8xf32, #tpu.memory_space<vmem_shared>>
          tpu.wait_indirect_dma semaphore(%run_scoped3A_237 : memref<!tpu.dma_semaphore, #tpu.memory_space<semaphore_mem>>) src(%dma_wait3A_249 : memref<125x8xf32, #tpu.memory_space<vmem>>) dst(%dma_wait3A_255 : memref<10112x8xf32, #tpu.memory_space<vmem_shared>>)
          tpu.yield
        }) : () -> ()
      } else {
      }
      %add3A_210 = arith.constant 4 : i32
      %add3A_211 = arith.addi %mul3A_132, %add3A_210 : i32
      %sub3A_212 = arith.constant 1 : i32
      %sub3A_213 = arith.subi %add3A_211, %sub3A_212 : i32
      %add3A_214 = arith.constant 3 : i32
      %add3A_215 = arith.addi %sub3A_213, %add3A_214 : i32
      %dma_start3A_216 = arith.constant 0 : i32
      %dma_start3A_217 = tpu.memref_slice %arg8[%add3A_215, %dma_start3A_216] : memref<160x125xi32, #tpu.memory_space<vmem>> -> memref<1x125xi32, #tpu.memory_space<vmem>>
      %dma_start3A_218 = tpu.memref_squeeze %dma_start3A_217 : memref<1x125xi32, #tpu.memory_space<vmem>> -> memref<125xi32, #tpu.memory_space<vmem>>
      %dma_start3A_219 = arith.constant 0 : i32
      %dma_start3A_220 = arith.constant 0 : i32
      %dma_start3A_221 = tpu.memref_slice %arg2[%dma_start3A_219, %dma_start3A_220] : memref<20480x64xf32, #tpu.memory_space<hbm>> -> memref<20480x64xf32, #tpu.memory_space<hbm>>
      tpu.enqueue_indirect_dma source(%dma_start3A_221 : memref<20480x64xf32, #tpu.memory_space<hbm>>) target(%arg12 : memref<125x64xf32, #tpu.memory_space<vmem>>) offsets(%dma_start3A_218 : memref<125xi32, #tpu.memory_space<vmem>>) semaphore(%arg20 : memref<!tpu.dma_semaphore, #tpu.memory_space<semaphore_mem>>)
      %dma_wait3A_222 = arith.constant 0 : i32
      %dma_wait3A_223 = arith.constant 0 : i32
      %dma_wait3A_224 = tpu.memref_slice %arg8[%dma_wait3A_222, %dma_wait3A_223] : memref<160x125xi32, #tpu.memory_space<vmem>> -> memref<1x125xi32, #tpu.memory_space<vmem>>
      %dma_wait3A_225 = tpu.memref_squeeze %dma_wait3A_224 : memref<1x125xi32, #tpu.memory_space<vmem>> -> memref<125xi32, #tpu.memory_space<vmem>>
      %dma_wait3A_226 = arith.constant 0 : i32
      %dma_wait3A_227 = arith.constant 0 : i32
      %dma_wait3A_228 = tpu.memref_slice %arg2[%dma_wait3A_226, %dma_wait3A_227] : memref<20480x64xf32, #tpu.memory_space<hbm>> -> memref<20480x64xf32, #tpu.memory_space<hbm>>
      tpu.wait_indirect_dma semaphore(%arg21 : memref<!tpu.dma_semaphore, #tpu.memory_space<semaphore_mem>>) src(%dma_wait3A_228 : memref<20480x64xf32, #tpu.memory_space<hbm>>) dst(%arg13 : memref<125x64xf32, #tpu.memory_space<vmem>>)
      %add3A_229 = arith.constant 3 : i32
      %add3A_230 = arith.addi %mul3A_132, %add3A_229 : i32
      "tpu.region"() ({
        %run_scoped3A_237 = tpu.sem_alloc : memref<!tpu.dma_semaphore, #tpu.memory_space<semaphore_mem>>
        %dma_start3A_238 = arith.constant 0 : i32
        %dma_start3A_239 = tpu.memref_slice %arg9[%add3A_230, %dma_start3A_238] : memref<160x125xi32, #tpu.memory_space<vmem>> -> memref<1x125xi32, #tpu.memory_space<vmem>>
        %dma_start3A_240 = tpu.memref_squeeze %dma_start3A_239 : memref<1x125xi32, #tpu.memory_space<vmem>> -> memref<125xi32, #tpu.memory_space<vmem>>
        %dma_start3A_241 = arith.constant 0 : i32
        %dma_start3A_242 = arith.constant 0 : i32
        %dma_start3A_243 = tpu.memref_slice %arg16[%dma_start3A_241, %dma_start3A_242] : memref<10112x64xf32, #tpu.memory_space<vmem_shared>> -> memref<10112x64xf32, #tpu.memory_space<vmem_shared>>
        tpu.enqueue_indirect_dma source(%arg13 : memref<125x64xf32, #tpu.memory_space<vmem>>) target(%dma_start3A_243 : memref<10112x64xf32, #tpu.memory_space<vmem_shared>>) offsets(%dma_start3A_240 : memref<125xi32, #tpu.memory_space<vmem>>) semaphore(%run_scoped3A_237 : memref<!tpu.dma_semaphore, #tpu.memory_space<semaphore_mem>>) {add = true}
        %dma_wait3A_244 = arith.constant 0 : i32
        %dma_wait3A_245 = tpu.memref_slice %arg9[%add3A_230, %dma_wait3A_244] : memref<160x125xi32, #tpu.memory_space<vmem>> -> memref<1x125xi32, #tpu.memory_space<vmem>>
        %dma_wait3A_246 = tpu.memref_squeeze %dma_wait3A_245 : memref<1x125xi32, #tpu.memory_space<vmem>> -> memref<125xi32, #tpu.memory_space<vmem>>
        %dma_wait3A_247 = arith.constant 0 : i32
        %dma_wait3A_248 = arith.constant 0 : i32
        %dma_wait3A_249 = tpu.memref_slice %arg16[%dma_wait3A_247, %dma_wait3A_248] : memref<10112x64xf32, #tpu.memory_space<vmem_shared>> -> memref<10112x64xf32, #tpu.memory_space<vmem_shared>>
        tpu.wait_indirect_dma semaphore(%run_scoped3A_237 : memref<!tpu.dma_semaphore, #tpu.memory_space<semaphore_mem>>) src(%arg13 : memref<125x64xf32, #tpu.memory_space<vmem>>) dst(%dma_wait3A_249 : memref<10112x64xf32, #tpu.memory_space<vmem_shared>>)
        tpu.yield
      }) : () -> ()
      %eq3A_231 = arith.constant 0 : i32
      %eq3A_232 = arith.cmpi eq, %arg0, %eq3A_231 : i32
      %convert_element_type3A_233 = arith.extui %eq3A_232 : i1 to i32
      %cond3A_234 = arith.constant 0 : i32
      %cond3A_235 = arith.cmpi ne, %convert_element_type3A_233, %cond3A_234 : i32
      scf.if %cond3A_235 {
        "tpu.region"() ({
          %run_scoped3A_237 = tpu.sem_alloc : memref<!tpu.dma_semaphore, #tpu.memory_space<semaphore_mem>>
          %dma_start3A_238 = arith.constant 128 : i32
          %dma_start3A_239 = arith.constant 0 : i32
          %dma_start3A_240 = tpu.memref_slice %arg15[%dma_start3A_238, %dma_start3A_239] : memref<253x8xf32, #tpu.memory_space<vmem>> -> memref<125x8xf32, #tpu.memory_space<vmem>>
          %dma_start3A_241 = arith.constant 0 : i32
          %dma_start3A_242 = tpu.memref_slice %arg9[%add3A_230, %dma_start3A_241] : memref<160x125xi32, #tpu.memory_space<vmem>> -> memref<1x125xi32, #tpu.memory_space<vmem>>
          %dma_start3A_243 = tpu.memref_squeeze %dma_start3A_242 : memref<1x125xi32, #tpu.memory_space<vmem>> -> memref<125xi32, #tpu.memory_space<vmem>>
          %dma_start3A_244 = arith.constant 0 : i32
          %dma_start3A_245 = arith.constant 0 : i32
          %dma_start3A_246 = tpu.memref_slice %arg17[%dma_start3A_244, %dma_start3A_245] : memref<10112x8xf32, #tpu.memory_space<vmem_shared>> -> memref<10112x8xf32, #tpu.memory_space<vmem_shared>>
          tpu.enqueue_indirect_dma source(%dma_start3A_240 : memref<125x8xf32, #tpu.memory_space<vmem>>) target(%dma_start3A_246 : memref<10112x8xf32, #tpu.memory_space<vmem_shared>>) offsets(%dma_start3A_243 : memref<125xi32, #tpu.memory_space<vmem>>) semaphore(%run_scoped3A_237 : memref<!tpu.dma_semaphore, #tpu.memory_space<semaphore_mem>>) {add = true}
          %dma_wait3A_247 = arith.constant 128 : i32
          %dma_wait3A_248 = arith.constant 0 : i32
          %dma_wait3A_249 = tpu.memref_slice %arg15[%dma_wait3A_247, %dma_wait3A_248] : memref<253x8xf32, #tpu.memory_space<vmem>> -> memref<125x8xf32, #tpu.memory_space<vmem>>
          %dma_wait3A_250 = arith.constant 0 : i32
          %dma_wait3A_251 = tpu.memref_slice %arg9[%add3A_230, %dma_wait3A_250] : memref<160x125xi32, #tpu.memory_space<vmem>> -> memref<1x125xi32, #tpu.memory_space<vmem>>
          %dma_wait3A_252 = tpu.memref_squeeze %dma_wait3A_251 : memref<1x125xi32, #tpu.memory_space<vmem>> -> memref<125xi32, #tpu.memory_space<vmem>>
          %dma_wait3A_253 = arith.constant 0 : i32
          %dma_wait3A_254 = arith.constant 0 : i32
          %dma_wait3A_255 = tpu.memref_slice %arg17[%dma_wait3A_253, %dma_wait3A_254] : memref<10112x8xf32, #tpu.memory_space<vmem_shared>> -> memref<10112x8xf32, #tpu.memory_space<vmem_shared>>
          tpu.wait_indirect_dma semaphore(%run_scoped3A_237 : memref<!tpu.dma_semaphore, #tpu.memory_space<semaphore_mem>>) src(%dma_wait3A_249 : memref<125x8xf32, #tpu.memory_space<vmem>>) dst(%dma_wait3A_255 : memref<10112x8xf32, #tpu.memory_space<vmem_shared>>)
          tpu.yield
        }) : () -> ()
      } else {
      }
      %scan3A_236 = arith.constant 0 : i32
      scf.yield %scan3A_236 : i32
    }
    %scan3A_53 = arith.constant 39 : i32
    %dma_start3A_54 = arith.constant 159 : i32
    %dma_start3A_55 = arith.constant 0 : i32
    %dma_start3A_56 = tpu.memref_slice %arg8[%dma_start3A_54, %dma_start3A_55] : memref<160x125xi32, #tpu.memory_space<vmem>> -> memref<1x125xi32, #tpu.memory_space<vmem>>
    %dma_start3A_57 = tpu.memref_squeeze %dma_start3A_56 : memref<1x125xi32, #tpu.memory_space<vmem>> -> memref<125xi32, #tpu.memory_space<vmem>>
    %dma_start3A_58 = arith.constant 0 : i32
    %dma_start3A_59 = arith.constant 0 : i32
    %dma_start3A_60 = tpu.memref_slice %arg2[%dma_start3A_58, %dma_start3A_59] : memref<20480x64xf32, #tpu.memory_space<hbm>> -> memref<20480x64xf32, #tpu.memory_space<hbm>>
    tpu.enqueue_indirect_dma source(%dma_start3A_60 : memref<20480x64xf32, #tpu.memory_space<hbm>>) target(%arg13 : memref<125x64xf32, #tpu.memory_space<vmem>>) offsets(%dma_start3A_57 : memref<125xi32, #tpu.memory_space<vmem>>) semaphore(%arg21 : memref<!tpu.dma_semaphore, #tpu.memory_space<semaphore_mem>>)
    %dma_wait3A = arith.constant 0 : i32
    %dma_wait3A_61 = arith.constant 0 : i32
    %dma_wait3A_62 = tpu.memref_slice %arg8[%dma_wait3A, %dma_wait3A_61] : memref<160x125xi32, #tpu.memory_space<vmem>> -> memref<1x125xi32, #tpu.memory_space<vmem>>
    %dma_wait3A_63 = tpu.memref_squeeze %dma_wait3A_62 : memref<1x125xi32, #tpu.memory_space<vmem>> -> memref<125xi32, #tpu.memory_space<vmem>>
    %dma_wait3A_64 = arith.constant 0 : i32
    %dma_wait3A_65 = arith.constant 0 : i32
    %dma_wait3A_66 = tpu.memref_slice %arg2[%dma_wait3A_64, %dma_wait3A_65] : memref<20480x64xf32, #tpu.memory_space<hbm>> -> memref<20480x64xf32, #tpu.memory_space<hbm>>
    tpu.wait_indirect_dma semaphore(%arg18 : memref<!tpu.dma_semaphore, #tpu.memory_space<semaphore_mem>>) src(%dma_wait3A_66 : memref<20480x64xf32, #tpu.memory_space<hbm>>) dst(%arg10 : memref<125x64xf32, #tpu.memory_space<vmem>>)
    %run_scoped3A = arith.constant 156 : i32
    "tpu.region"() ({
      %run_scoped3A_129 = tpu.sem_alloc : memref<!tpu.dma_semaphore, #tpu.memory_space<semaphore_mem>>
      %dma_start3A_130 = arith.constant 0 : i32
      %dma_start3A_131 = tpu.memref_slice %arg9[%run_scoped3A, %dma_start3A_130] : memref<160x125xi32, #tpu.memory_space<vmem>> -> memref<1x125xi32, #tpu.memory_space<vmem>>
      %dma_start3A_132 = tpu.memref_squeeze %dma_start3A_131 : memref<1x125xi32, #tpu.memory_space<vmem>> -> memref<125xi32, #tpu.memory_space<vmem>>
      %dma_start3A_133 = arith.constant 0 : i32
      %dma_start3A_134 = arith.constant 0 : i32
      %dma_start3A_135 = tpu.memref_slice %arg16[%dma_start3A_133, %dma_start3A_134] : memref<10112x64xf32, #tpu.memory_space<vmem_shared>> -> memref<10112x64xf32, #tpu.memory_space<vmem_shared>>
      tpu.enqueue_indirect_dma source(%arg10 : memref<125x64xf32, #tpu.memory_space<vmem>>) target(%dma_start3A_135 : memref<10112x64xf32, #tpu.memory_space<vmem_shared>>) offsets(%dma_start3A_132 : memref<125xi32, #tpu.memory_space<vmem>>) semaphore(%run_scoped3A_129 : memref<!tpu.dma_semaphore, #tpu.memory_space<semaphore_mem>>) {add = true}
      %dma_wait3A_136 = arith.constant 0 : i32
      %dma_wait3A_137 = tpu.memref_slice %arg9[%run_scoped3A, %dma_wait3A_136] : memref<160x125xi32, #tpu.memory_space<vmem>> -> memref<1x125xi32, #tpu.memory_space<vmem>>
      %dma_wait3A_138 = tpu.memref_squeeze %dma_wait3A_137 : memref<1x125xi32, #tpu.memory_space<vmem>> -> memref<125xi32, #tpu.memory_space<vmem>>
      %dma_wait3A_139 = arith.constant 0 : i32
      %dma_wait3A_140 = arith.constant 0 : i32
      %dma_wait3A_141 = tpu.memref_slice %arg16[%dma_wait3A_139, %dma_wait3A_140] : memref<10112x64xf32, #tpu.memory_space<vmem_shared>> -> memref<10112x64xf32, #tpu.memory_space<vmem_shared>>
      tpu.wait_indirect_dma semaphore(%run_scoped3A_129 : memref<!tpu.dma_semaphore, #tpu.memory_space<semaphore_mem>>) src(%arg10 : memref<125x64xf32, #tpu.memory_space<vmem>>) dst(%dma_wait3A_141 : memref<10112x64xf32, #tpu.memory_space<vmem_shared>>)
      tpu.yield
    }) : () -> ()
    %eq3A_67 = arith.constant 0 : i32
    %eq3A_68 = arith.cmpi eq, %arg0, %eq3A_67 : i32
    %convert_element_type3A_69 = arith.extui %eq3A_68 : i1 to i32
    %cond3A_70 = arith.constant 0 : i32
    %cond3A_71 = arith.cmpi ne, %convert_element_type3A_69, %cond3A_70 : i32
    scf.if %cond3A_71 {
      %run_scoped3A_129 = arith.constant 156 : i32
      "tpu.region"() ({
        %run_scoped3A_130 = tpu.sem_alloc : memref<!tpu.dma_semaphore, #tpu.memory_space<semaphore_mem>>
        %dma_start3A_131 = arith.constant 128 : i32
        %dma_start3A_132 = arith.constant 0 : i32
        %dma_start3A_133 = tpu.memref_slice %arg15[%dma_start3A_131, %dma_start3A_132] : memref<253x8xf32, #tpu.memory_space<vmem>> -> memref<125x8xf32, #tpu.memory_space<vmem>>
        %dma_start3A_134 = arith.constant 0 : i32
        %dma_start3A_135 = tpu.memref_slice %arg9[%run_scoped3A_129, %dma_start3A_134] : memref<160x125xi32, #tpu.memory_space<vmem>> -> memref<1x125xi32, #tpu.memory_space<vmem>>
        %dma_start3A_136 = tpu.memref_squeeze %dma_start3A_135 : memref<1x125xi32, #tpu.memory_space<vmem>> -> memref<125xi32, #tpu.memory_space<vmem>>
        %dma_start3A_137 = arith.constant 0 : i32
        %dma_start3A_138 = arith.constant 0 : i32
        %dma_start3A_139 = tpu.memref_slice %arg17[%dma_start3A_137, %dma_start3A_138] : memref<10112x8xf32, #tpu.memory_space<vmem_shared>> -> memref<10112x8xf32, #tpu.memory_space<vmem_shared>>
        tpu.enqueue_indirect_dma source(%dma_start3A_133 : memref<125x8xf32, #tpu.memory_space<vmem>>) target(%dma_start3A_139 : memref<10112x8xf32, #tpu.memory_space<vmem_shared>>) offsets(%dma_start3A_136 : memref<125xi32, #tpu.memory_space<vmem>>) semaphore(%run_scoped3A_130 : memref<!tpu.dma_semaphore, #tpu.memory_space<semaphore_mem>>) {add = true}
        %dma_wait3A_140 = arith.constant 128 : i32
        %dma_wait3A_141 = arith.constant 0 : i32
        %dma_wait3A_142 = tpu.memref_slice %arg15[%dma_wait3A_140, %dma_wait3A_141] : memref<253x8xf32, #tpu.memory_space<vmem>> -> memref<125x8xf32, #tpu.memory_space<vmem>>
        %dma_wait3A_143 = arith.constant 0 : i32
        %dma_wait3A_144 = tpu.memref_slice %arg9[%run_scoped3A_129, %dma_wait3A_143] : memref<160x125xi32, #tpu.memory_space<vmem>> -> memref<1x125xi32, #tpu.memory_space<vmem>>
        %dma_wait3A_145 = tpu.memref_squeeze %dma_wait3A_144 : memref<1x125xi32, #tpu.memory_space<vmem>> -> memref<125xi32, #tpu.memory_space<vmem>>
        %dma_wait3A_146 = arith.constant 0 : i32
        %dma_wait3A_147 = arith.constant 0 : i32
        %dma_wait3A_148 = tpu.memref_slice %arg17[%dma_wait3A_146, %dma_wait3A_147] : memref<10112x8xf32, #tpu.memory_space<vmem_shared>> -> memref<10112x8xf32, #tpu.memory_space<vmem_shared>>
        tpu.wait_indirect_dma semaphore(%run_scoped3A_130 : memref<!tpu.dma_semaphore, #tpu.memory_space<semaphore_mem>>) src(%dma_wait3A_142 : memref<125x8xf32, #tpu.memory_space<vmem>>) dst(%dma_wait3A_148 : memref<10112x8xf32, #tpu.memory_space<vmem_shared>>)
        tpu.yield
      }) : () -> ()
    } else {
    }
    %dma_wait3A_72 = arith.constant 0 : i32
    %dma_wait3A_73 = arith.constant 0 : i32
    %dma_wait3A_74 = tpu.memref_slice %arg8[%dma_wait3A_72, %dma_wait3A_73] : memref<160x125xi32, #tpu.memory_space<vmem>> -> memref<1x125xi32, #tpu.memory_space<vmem>>
    %dma_wait3A_75 = tpu.memref_squeeze %dma_wait3A_74 : memref<1x125xi32, #tpu.memory_space<vmem>> -> memref<125xi32, #tpu.memory_space<vmem>>
    %dma_wait3A_76 = arith.constant 0 : i32
    %dma_wait3A_77 = arith.constant 0 : i32
    %dma_wait3A_78 = tpu.memref_slice %arg2[%dma_wait3A_76, %dma_wait3A_77] : memref<20480x64xf32, #tpu.memory_space<hbm>> -> memref<20480x64xf32, #tpu.memory_space<hbm>>
    tpu.wait_indirect_dma semaphore(%arg19 : memref<!tpu.dma_semaphore, #tpu.memory_space<semaphore_mem>>) src(%dma_wait3A_78 : memref<20480x64xf32, #tpu.memory_space<hbm>>) dst(%arg11 : memref<125x64xf32, #tpu.memory_space<vmem>>)
    %run_scoped3A_79 = arith.constant 157 : i32
    "tpu.region"() ({
      %run_scoped3A_129 = tpu.sem_alloc : memref<!tpu.dma_semaphore, #tpu.memory_space<semaphore_mem>>
      %dma_start3A_130 = arith.constant 0 : i32
      %dma_start3A_131 = tpu.memref_slice %arg9[%run_scoped3A_79, %dma_start3A_130] : memref<160x125xi32, #tpu.memory_space<vmem>> -> memref<1x125xi32, #tpu.memory_space<vmem>>
      %dma_start3A_132 = tpu.memref_squeeze %dma_start3A_131 : memref<1x125xi32, #tpu.memory_space<vmem>> -> memref<125xi32, #tpu.memory_space<vmem>>
      %dma_start3A_133 = arith.constant 0 : i32
      %dma_start3A_134 = arith.constant 0 : i32
      %dma_start3A_135 = tpu.memref_slice %arg16[%dma_start3A_133, %dma_start3A_134] : memref<10112x64xf32, #tpu.memory_space<vmem_shared>> -> memref<10112x64xf32, #tpu.memory_space<vmem_shared>>
      tpu.enqueue_indirect_dma source(%arg11 : memref<125x64xf32, #tpu.memory_space<vmem>>) target(%dma_start3A_135 : memref<10112x64xf32, #tpu.memory_space<vmem_shared>>) offsets(%dma_start3A_132 : memref<125xi32, #tpu.memory_space<vmem>>) semaphore(%run_scoped3A_129 : memref<!tpu.dma_semaphore, #tpu.memory_space<semaphore_mem>>) {add = true}
      %dma_wait3A_136 = arith.constant 0 : i32
      %dma_wait3A_137 = tpu.memref_slice %arg9[%run_scoped3A_79, %dma_wait3A_136] : memref<160x125xi32, #tpu.memory_space<vmem>> -> memref<1x125xi32, #tpu.memory_space<vmem>>
      %dma_wait3A_138 = tpu.memref_squeeze %dma_wait3A_137 : memref<1x125xi32, #tpu.memory_space<vmem>> -> memref<125xi32, #tpu.memory_space<vmem>>
      %dma_wait3A_139 = arith.constant 0 : i32
      %dma_wait3A_140 = arith.constant 0 : i32
      %dma_wait3A_141 = tpu.memref_slice %arg16[%dma_wait3A_139, %dma_wait3A_140] : memref<10112x64xf32, #tpu.memory_space<vmem_shared>> -> memref<10112x64xf32, #tpu.memory_space<vmem_shared>>
      tpu.wait_indirect_dma semaphore(%run_scoped3A_129 : memref<!tpu.dma_semaphore, #tpu.memory_space<semaphore_mem>>) src(%arg11 : memref<125x64xf32, #tpu.memory_space<vmem>>) dst(%dma_wait3A_141 : memref<10112x64xf32, #tpu.memory_space<vmem_shared>>)
      tpu.yield
    }) : () -> ()
    %eq3A_80 = arith.constant 0 : i32
    %eq3A_81 = arith.cmpi eq, %arg0, %eq3A_80 : i32
    %convert_element_type3A_82 = arith.extui %eq3A_81 : i1 to i32
    %cond3A_83 = arith.constant 0 : i32
    %cond3A_84 = arith.cmpi ne, %convert_element_type3A_82, %cond3A_83 : i32
    scf.if %cond3A_84 {
      %run_scoped3A_129 = arith.constant 157 : i32
      "tpu.region"() ({
        %run_scoped3A_130 = tpu.sem_alloc : memref<!tpu.dma_semaphore, #tpu.memory_space<semaphore_mem>>
        %dma_start3A_131 = arith.constant 128 : i32
        %dma_start3A_132 = arith.constant 0 : i32
        %dma_start3A_133 = tpu.memref_slice %arg15[%dma_start3A_131, %dma_start3A_132] : memref<253x8xf32, #tpu.memory_space<vmem>> -> memref<125x8xf32, #tpu.memory_space<vmem>>
        %dma_start3A_134 = arith.constant 0 : i32
        %dma_start3A_135 = tpu.memref_slice %arg9[%run_scoped3A_129, %dma_start3A_134] : memref<160x125xi32, #tpu.memory_space<vmem>> -> memref<1x125xi32, #tpu.memory_space<vmem>>
        %dma_start3A_136 = tpu.memref_squeeze %dma_start3A_135 : memref<1x125xi32, #tpu.memory_space<vmem>> -> memref<125xi32, #tpu.memory_space<vmem>>
        %dma_start3A_137 = arith.constant 0 : i32
        %dma_start3A_138 = arith.constant 0 : i32
        %dma_start3A_139 = tpu.memref_slice %arg17[%dma_start3A_137, %dma_start3A_138] : memref<10112x8xf32, #tpu.memory_space<vmem_shared>> -> memref<10112x8xf32, #tpu.memory_space<vmem_shared>>
        tpu.enqueue_indirect_dma source(%dma_start3A_133 : memref<125x8xf32, #tpu.memory_space<vmem>>) target(%dma_start3A_139 : memref<10112x8xf32, #tpu.memory_space<vmem_shared>>) offsets(%dma_start3A_136 : memref<125xi32, #tpu.memory_space<vmem>>) semaphore(%run_scoped3A_130 : memref<!tpu.dma_semaphore, #tpu.memory_space<semaphore_mem>>) {add = true}
        %dma_wait3A_140 = arith.constant 128 : i32
        %dma_wait3A_141 = arith.constant 0 : i32
        %dma_wait3A_142 = tpu.memref_slice %arg15[%dma_wait3A_140, %dma_wait3A_141] : memref<253x8xf32, #tpu.memory_space<vmem>> -> memref<125x8xf32, #tpu.memory_space<vmem>>
        %dma_wait3A_143 = arith.constant 0 : i32
        %dma_wait3A_144 = tpu.memref_slice %arg9[%run_scoped3A_129, %dma_wait3A_143] : memref<160x125xi32, #tpu.memory_space<vmem>> -> memref<1x125xi32, #tpu.memory_space<vmem>>
        %dma_wait3A_145 = tpu.memref_squeeze %dma_wait3A_144 : memref<1x125xi32, #tpu.memory_space<vmem>> -> memref<125xi32, #tpu.memory_space<vmem>>
        %dma_wait3A_146 = arith.constant 0 : i32
        %dma_wait3A_147 = arith.constant 0 : i32
        %dma_wait3A_148 = tpu.memref_slice %arg17[%dma_wait3A_146, %dma_wait3A_147] : memref<10112x8xf32, #tpu.memory_space<vmem_shared>> -> memref<10112x8xf32, #tpu.memory_space<vmem_shared>>
        tpu.wait_indirect_dma semaphore(%run_scoped3A_130 : memref<!tpu.dma_semaphore, #tpu.memory_space<semaphore_mem>>) src(%dma_wait3A_142 : memref<125x8xf32, #tpu.memory_space<vmem>>) dst(%dma_wait3A_148 : memref<10112x8xf32, #tpu.memory_space<vmem_shared>>)
        tpu.yield
      }) : () -> ()
    } else {
    }
    %dma_wait3A_85 = arith.constant 0 : i32
    %dma_wait3A_86 = arith.constant 0 : i32
    %dma_wait3A_87 = tpu.memref_slice %arg8[%dma_wait3A_85, %dma_wait3A_86] : memref<160x125xi32, #tpu.memory_space<vmem>> -> memref<1x125xi32, #tpu.memory_space<vmem>>
    %dma_wait3A_88 = tpu.memref_squeeze %dma_wait3A_87 : memref<1x125xi32, #tpu.memory_space<vmem>> -> memref<125xi32, #tpu.memory_space<vmem>>
    %dma_wait3A_89 = arith.constant 0 : i32
    %dma_wait3A_90 = arith.constant 0 : i32
    %dma_wait3A_91 = tpu.memref_slice %arg2[%dma_wait3A_89, %dma_wait3A_90] : memref<20480x64xf32, #tpu.memory_space<hbm>> -> memref<20480x64xf32, #tpu.memory_space<hbm>>
    tpu.wait_indirect_dma semaphore(%arg20 : memref<!tpu.dma_semaphore, #tpu.memory_space<semaphore_mem>>) src(%dma_wait3A_91 : memref<20480x64xf32, #tpu.memory_space<hbm>>) dst(%arg12 : memref<125x64xf32, #tpu.memory_space<vmem>>)
    %run_scoped3A_92 = arith.constant 158 : i32
    "tpu.region"() ({
      %run_scoped3A_129 = tpu.sem_alloc : memref<!tpu.dma_semaphore, #tpu.memory_space<semaphore_mem>>
      %dma_start3A_130 = arith.constant 0 : i32
      %dma_start3A_131 = tpu.memref_slice %arg9[%run_scoped3A_92, %dma_start3A_130] : memref<160x125xi32, #tpu.memory_space<vmem>> -> memref<1x125xi32, #tpu.memory_space<vmem>>
      %dma_start3A_132 = tpu.memref_squeeze %dma_start3A_131 : memref<1x125xi32, #tpu.memory_space<vmem>> -> memref<125xi32, #tpu.memory_space<vmem>>
      %dma_start3A_133 = arith.constant 0 : i32
      %dma_start3A_134 = arith.constant 0 : i32
      %dma_start3A_135 = tpu.memref_slice %arg16[%dma_start3A_133, %dma_start3A_134] : memref<10112x64xf32, #tpu.memory_space<vmem_shared>> -> memref<10112x64xf32, #tpu.memory_space<vmem_shared>>
      tpu.enqueue_indirect_dma source(%arg12 : memref<125x64xf32, #tpu.memory_space<vmem>>) target(%dma_start3A_135 : memref<10112x64xf32, #tpu.memory_space<vmem_shared>>) offsets(%dma_start3A_132 : memref<125xi32, #tpu.memory_space<vmem>>) semaphore(%run_scoped3A_129 : memref<!tpu.dma_semaphore, #tpu.memory_space<semaphore_mem>>) {add = true}
      %dma_wait3A_136 = arith.constant 0 : i32
      %dma_wait3A_137 = tpu.memref_slice %arg9[%run_scoped3A_92, %dma_wait3A_136] : memref<160x125xi32, #tpu.memory_space<vmem>> -> memref<1x125xi32, #tpu.memory_space<vmem>>
      %dma_wait3A_138 = tpu.memref_squeeze %dma_wait3A_137 : memref<1x125xi32, #tpu.memory_space<vmem>> -> memref<125xi32, #tpu.memory_space<vmem>>
      %dma_wait3A_139 = arith.constant 0 : i32
      %dma_wait3A_140 = arith.constant 0 : i32
      %dma_wait3A_141 = tpu.memref_slice %arg16[%dma_wait3A_139, %dma_wait3A_140] : memref<10112x64xf32, #tpu.memory_space<vmem_shared>> -> memref<10112x64xf32, #tpu.memory_space<vmem_shared>>
      tpu.wait_indirect_dma semaphore(%run_scoped3A_129 : memref<!tpu.dma_semaphore, #tpu.memory_space<semaphore_mem>>) src(%arg12 : memref<125x64xf32, #tpu.memory_space<vmem>>) dst(%dma_wait3A_141 : memref<10112x64xf32, #tpu.memory_space<vmem_shared>>)
      tpu.yield
    }) : () -> ()
    %eq3A_93 = arith.constant 0 : i32
    %eq3A_94 = arith.cmpi eq, %arg0, %eq3A_93 : i32
    %convert_element_type3A_95 = arith.extui %eq3A_94 : i1 to i32
    %cond3A_96 = arith.constant 0 : i32
    %cond3A_97 = arith.cmpi ne, %convert_element_type3A_95, %cond3A_96 : i32
    scf.if %cond3A_97 {
      %run_scoped3A_129 = arith.constant 158 : i32
      "tpu.region"() ({
        %run_scoped3A_130 = tpu.sem_alloc : memref<!tpu.dma_semaphore, #tpu.memory_space<semaphore_mem>>
        %dma_start3A_131 = arith.constant 128 : i32
        %dma_start3A_132 = arith.constant 0 : i32
        %dma_start3A_133 = tpu.memref_slice %arg15[%dma_start3A_131, %dma_start3A_132] : memref<253x8xf32, #tpu.memory_space<vmem>> -> memref<125x8xf32, #tpu.memory_space<vmem>>
        %dma_start3A_134 = arith.constant 0 : i32
        %dma_start3A_135 = tpu.memref_slice %arg9[%run_scoped3A_129, %dma_start3A_134] : memref<160x125xi32, #tpu.memory_space<vmem>> -> memref<1x125xi32, #tpu.memory_space<vmem>>
        %dma_start3A_136 = tpu.memref_squeeze %dma_start3A_135 : memref<1x125xi32, #tpu.memory_space<vmem>> -> memref<125xi32, #tpu.memory_space<vmem>>
        %dma_start3A_137 = arith.constant 0 : i32
        %dma_start3A_138 = arith.constant 0 : i32
        %dma_start3A_139 = tpu.memref_slice %arg17[%dma_start3A_137, %dma_start3A_138] : memref<10112x8xf32, #tpu.memory_space<vmem_shared>> -> memref<10112x8xf32, #tpu.memory_space<vmem_shared>>
        tpu.enqueue_indirect_dma source(%dma_start3A_133 : memref<125x8xf32, #tpu.memory_space<vmem>>) target(%dma_start3A_139 : memref<10112x8xf32, #tpu.memory_space<vmem_shared>>) offsets(%dma_start3A_136 : memref<125xi32, #tpu.memory_space<vmem>>) semaphore(%run_scoped3A_130 : memref<!tpu.dma_semaphore, #tpu.memory_space<semaphore_mem>>) {add = true}
        %dma_wait3A_140 = arith.constant 128 : i32
        %dma_wait3A_141 = arith.constant 0 : i32
        %dma_wait3A_142 = tpu.memref_slice %arg15[%dma_wait3A_140, %dma_wait3A_141] : memref<253x8xf32, #tpu.memory_space<vmem>> -> memref<125x8xf32, #tpu.memory_space<vmem>>
        %dma_wait3A_143 = arith.constant 0 : i32
        %dma_wait3A_144 = tpu.memref_slice %arg9[%run_scoped3A_129, %dma_wait3A_143] : memref<160x125xi32, #tpu.memory_space<vmem>> -> memref<1x125xi32, #tpu.memory_space<vmem>>
        %dma_wait3A_145 = tpu.memref_squeeze %dma_wait3A_144 : memref<1x125xi32, #tpu.memory_space<vmem>> -> memref<125xi32, #tpu.memory_space<vmem>>
        %dma_wait3A_146 = arith.constant 0 : i32
        %dma_wait3A_147 = arith.constant 0 : i32
        %dma_wait3A_148 = tpu.memref_slice %arg17[%dma_wait3A_146, %dma_wait3A_147] : memref<10112x8xf32, #tpu.memory_space<vmem_shared>> -> memref<10112x8xf32, #tpu.memory_space<vmem_shared>>
        tpu.wait_indirect_dma semaphore(%run_scoped3A_130 : memref<!tpu.dma_semaphore, #tpu.memory_space<semaphore_mem>>) src(%dma_wait3A_142 : memref<125x8xf32, #tpu.memory_space<vmem>>) dst(%dma_wait3A_148 : memref<10112x8xf32, #tpu.memory_space<vmem_shared>>)
        tpu.yield
      }) : () -> ()
    } else {
    }
    %dma_wait3A_98 = arith.constant 0 : i32
    %dma_wait3A_99 = arith.constant 0 : i32
    %dma_wait3A_100 = tpu.memref_slice %arg8[%dma_wait3A_98, %dma_wait3A_99] : memref<160x125xi32, #tpu.memory_space<vmem>> -> memref<1x125xi32, #tpu.memory_space<vmem>>
    %dma_wait3A_101 = tpu.memref_squeeze %dma_wait3A_100 : memref<1x125xi32, #tpu.memory_space<vmem>> -> memref<125xi32, #tpu.memory_space<vmem>>
    %dma_wait3A_102 = arith.constant 0 : i32
    %dma_wait3A_103 = arith.constant 0 : i32
    %dma_wait3A_104 = tpu.memref_slice %arg2[%dma_wait3A_102, %dma_wait3A_103] : memref<20480x64xf32, #tpu.memory_space<hbm>> -> memref<20480x64xf32, #tpu.memory_space<hbm>>
    tpu.wait_indirect_dma semaphore(%arg21 : memref<!tpu.dma_semaphore, #tpu.memory_space<semaphore_mem>>) src(%dma_wait3A_104 : memref<20480x64xf32, #tpu.memory_space<hbm>>) dst(%arg13 : memref<125x64xf32, #tpu.memory_space<vmem>>)
    %run_scoped3A_105 = arith.constant 159 : i32
    "tpu.region"() ({
      %run_scoped3A_129 = tpu.sem_alloc : memref<!tpu.dma_semaphore, #tpu.memory_space<semaphore_mem>>
      %dma_start3A_130 = arith.constant 0 : i32
      %dma_start3A_131 = tpu.memref_slice %arg9[%run_scoped3A_105, %dma_start3A_130] : memref<160x125xi32, #tpu.memory_space<vmem>> -> memref<1x125xi32, #tpu.memory_space<vmem>>
      %dma_start3A_132 = tpu.memref_squeeze %dma_start3A_131 : memref<1x125xi32, #tpu.memory_space<vmem>> -> memref<125xi32, #tpu.memory_space<vmem>>
      %dma_start3A_133 = arith.constant 0 : i32
      %dma_start3A_134 = arith.constant 0 : i32
      %dma_start3A_135 = tpu.memref_slice %arg16[%dma_start3A_133, %dma_start3A_134] : memref<10112x64xf32, #tpu.memory_space<vmem_shared>> -> memref<10112x64xf32, #tpu.memory_space<vmem_shared>>
      tpu.enqueue_indirect_dma source(%arg13 : memref<125x64xf32, #tpu.memory_space<vmem>>) target(%dma_start3A_135 : memref<10112x64xf32, #tpu.memory_space<vmem_shared>>) offsets(%dma_start3A_132 : memref<125xi32, #tpu.memory_space<vmem>>) semaphore(%run_scoped3A_129 : memref<!tpu.dma_semaphore, #tpu.memory_space<semaphore_mem>>) {add = true}
      %dma_wait3A_136 = arith.constant 0 : i32
      %dma_wait3A_137 = tpu.memref_slice %arg9[%run_scoped3A_105, %dma_wait3A_136] : memref<160x125xi32, #tpu.memory_space<vmem>> -> memref<1x125xi32, #tpu.memory_space<vmem>>
      %dma_wait3A_138 = tpu.memref_squeeze %dma_wait3A_137 : memref<1x125xi32, #tpu.memory_space<vmem>> -> memref<125xi32, #tpu.memory_space<vmem>>
      %dma_wait3A_139 = arith.constant 0 : i32
      %dma_wait3A_140 = arith.constant 0 : i32
      %dma_wait3A_141 = tpu.memref_slice %arg16[%dma_wait3A_139, %dma_wait3A_140] : memref<10112x64xf32, #tpu.memory_space<vmem_shared>> -> memref<10112x64xf32, #tpu.memory_space<vmem_shared>>
      tpu.wait_indirect_dma semaphore(%run_scoped3A_129 : memref<!tpu.dma_semaphore, #tpu.memory_space<semaphore_mem>>) src(%arg13 : memref<125x64xf32, #tpu.memory_space<vmem>>) dst(%dma_wait3A_141 : memref<10112x64xf32, #tpu.memory_space<vmem_shared>>)
      tpu.yield
    }) : () -> ()
    %eq3A_106 = arith.constant 0 : i32
    %eq3A_107 = arith.cmpi eq, %arg0, %eq3A_106 : i32
    %convert_element_type3A_108 = arith.extui %eq3A_107 : i1 to i32
    %cond3A_109 = arith.constant 0 : i32
    %cond3A_110 = arith.cmpi ne, %convert_element_type3A_108, %cond3A_109 : i32
    scf.if %cond3A_110 {
      %run_scoped3A_129 = arith.constant 159 : i32
      "tpu.region"() ({
        %run_scoped3A_130 = tpu.sem_alloc : memref<!tpu.dma_semaphore, #tpu.memory_space<semaphore_mem>>
        %dma_start3A_131 = arith.constant 128 : i32
        %dma_start3A_132 = arith.constant 0 : i32
        %dma_start3A_133 = tpu.memref_slice %arg15[%dma_start3A_131, %dma_start3A_132] : memref<253x8xf32, #tpu.memory_space<vmem>> -> memref<125x8xf32, #tpu.memory_space<vmem>>
        %dma_start3A_134 = arith.constant 0 : i32
        %dma_start3A_135 = tpu.memref_slice %arg9[%run_scoped3A_129, %dma_start3A_134] : memref<160x125xi32, #tpu.memory_space<vmem>> -> memref<1x125xi32, #tpu.memory_space<vmem>>
        %dma_start3A_136 = tpu.memref_squeeze %dma_start3A_135 : memref<1x125xi32, #tpu.memory_space<vmem>> -> memref<125xi32, #tpu.memory_space<vmem>>
        %dma_start3A_137 = arith.constant 0 : i32
        %dma_start3A_138 = arith.constant 0 : i32
        %dma_start3A_139 = tpu.memref_slice %arg17[%dma_start3A_137, %dma_start3A_138] : memref<10112x8xf32, #tpu.memory_space<vmem_shared>> -> memref<10112x8xf32, #tpu.memory_space<vmem_shared>>
        tpu.enqueue_indirect_dma source(%dma_start3A_133 : memref<125x8xf32, #tpu.memory_space<vmem>>) target(%dma_start3A_139 : memref<10112x8xf32, #tpu.memory_space<vmem_shared>>) offsets(%dma_start3A_136 : memref<125xi32, #tpu.memory_space<vmem>>) semaphore(%run_scoped3A_130 : memref<!tpu.dma_semaphore, #tpu.memory_space<semaphore_mem>>) {add = true}
        %dma_wait3A_140 = arith.constant 128 : i32
        %dma_wait3A_141 = arith.constant 0 : i32
        %dma_wait3A_142 = tpu.memref_slice %arg15[%dma_wait3A_140, %dma_wait3A_141] : memref<253x8xf32, #tpu.memory_space<vmem>> -> memref<125x8xf32, #tpu.memory_space<vmem>>
        %dma_wait3A_143 = arith.constant 0 : i32
        %dma_wait3A_144 = tpu.memref_slice %arg9[%run_scoped3A_129, %dma_wait3A_143] : memref<160x125xi32, #tpu.memory_space<vmem>> -> memref<1x125xi32, #tpu.memory_space<vmem>>
        %dma_wait3A_145 = tpu.memref_squeeze %dma_wait3A_144 : memref<1x125xi32, #tpu.memory_space<vmem>> -> memref<125xi32, #tpu.memory_space<vmem>>
        %dma_wait3A_146 = arith.constant 0 : i32
        %dma_wait3A_147 = arith.constant 0 : i32
        %dma_wait3A_148 = tpu.memref_slice %arg17[%dma_wait3A_146, %dma_wait3A_147] : memref<10112x8xf32, #tpu.memory_space<vmem_shared>> -> memref<10112x8xf32, #tpu.memory_space<vmem_shared>>
        tpu.wait_indirect_dma semaphore(%run_scoped3A_130 : memref<!tpu.dma_semaphore, #tpu.memory_space<semaphore_mem>>) src(%dma_wait3A_142 : memref<125x8xf32, #tpu.memory_space<vmem>>) dst(%dma_wait3A_148 : memref<10112x8xf32, #tpu.memory_space<vmem_shared>>)
        tpu.yield
      }) : () -> ()
    } else {
    }
    %barrier3A_111 = arith.constant 0 : index
    tpu.barrier barrier_id(%barrier3A_111)
    %eq3A_112 = arith.constant 0 : i32
    %eq3A_113 = arith.cmpi eq, %arg0, %eq3A_112 : i32
    %convert_element_type3A_114 = arith.extui %eq3A_113 : i1 to i32
    %cond3A_115 = arith.constant 0 : i32
    %cond3A_116 = arith.cmpi ne, %convert_element_type3A_114, %cond3A_115 : i32
    scf.if %cond3A_116 {
      %mul3A_129 = arith.constant 632 : i32
      %mul3A_130 = arith.muli %arg1, %mul3A_129 : i32
      %mul3A_131 = arith.constant 632 : i32
      %mul3A_132 = arith.muli %arg1, %mul3A_131 : i32
      "tpu.region"() ({
        %run_scoped3A_133 = tpu.sem_alloc : memref<!tpu.dma_semaphore, #tpu.memory_space<semaphore_mem>>
        %dma_start3A_134 = arith.constant 0 : i32
        %dma_start3A_135 = tpu.memref_slice %arg6[%mul3A_132, %dma_start3A_134] : memref<10112x128xf32, #tpu.memory_space<hbm>> -> memref<632x64xf32, #tpu.memory_space<hbm>>
        %dma_start3A_136 = arith.constant 0 : i32
        %dma_start3A_137 = tpu.memref_slice %arg16[%mul3A_130, %dma_start3A_136] : memref<10112x64xf32, #tpu.memory_space<vmem_shared>> -> memref<632x64xf32, #tpu.memory_space<vmem_shared>>
        tpu.enqueue_dma source(%dma_start3A_137 : memref<632x64xf32, #tpu.memory_space<vmem_shared>>) target(%dma_start3A_135 : memref<632x64xf32, #tpu.memory_space<hbm>>) target_semaphore(%run_scoped3A_133 : memref<!tpu.dma_semaphore, #tpu.memory_space<semaphore_mem>>)
        %dma_wait3A_138 = arith.constant 0 : i32
        %dma_wait3A_139 = tpu.memref_slice %arg6[%mul3A_132, %dma_wait3A_138] : memref<10112x128xf32, #tpu.memory_space<hbm>> -> memref<632x64xf32, #tpu.memory_space<hbm>>
        %dma_wait3A_140 = arith.constant 0 : i32
        %dma_wait3A_141 = tpu.memref_slice %arg16[%mul3A_130, %dma_wait3A_140] : memref<10112x64xf32, #tpu.memory_space<vmem_shared>> -> memref<632x64xf32, #tpu.memory_space<vmem_shared>>
        tpu.wait_dma2 semaphore(%run_scoped3A_133 : memref<!tpu.dma_semaphore, #tpu.memory_space<semaphore_mem>>) src(%dma_wait3A_141 : memref<632x64xf32, #tpu.memory_space<vmem_shared>>) dst(%dma_wait3A_139 : memref<632x64xf32, #tpu.memory_space<hbm>>)
        tpu.yield
      }) : () -> ()
    } else {
    }
    %eq3A_117 = arith.constant 1 : i32
    %eq3A_118 = arith.cmpi eq, %arg0, %eq3A_117 : i32
    %convert_element_type3A_119 = arith.extui %eq3A_118 : i1 to i32
    %cond3A_120 = arith.constant 0 : i32
    %cond3A_121 = arith.cmpi ne, %convert_element_type3A_119, %cond3A_120 : i32
    scf.if %cond3A_121 {
      %mul3A_129 = arith.constant 632 : i32
      %mul3A_130 = arith.muli %arg1, %mul3A_129 : i32
      %mul3A_131 = arith.constant 632 : i32
      %mul3A_132 = arith.muli %arg1, %mul3A_131 : i32
      "tpu.region"() ({
        %run_scoped3A_133 = tpu.sem_alloc : memref<!tpu.dma_semaphore, #tpu.memory_space<semaphore_mem>>
        %dma_start3A_134 = arith.constant 64 : i32
        %dma_start3A_135 = tpu.memref_slice %arg6[%mul3A_132, %dma_start3A_134] : memref<10112x128xf32, #tpu.memory_space<hbm>> -> memref<632x64xf32, #tpu.memory_space<hbm>>
        %dma_start3A_136 = arith.constant 0 : i32
        %dma_start3A_137 = tpu.memref_slice %arg16[%mul3A_130, %dma_start3A_136] : memref<10112x64xf32, #tpu.memory_space<vmem_shared>> -> memref<632x64xf32, #tpu.memory_space<vmem_shared>>
        tpu.enqueue_dma source(%dma_start3A_137 : memref<632x64xf32, #tpu.memory_space<vmem_shared>>) target(%dma_start3A_135 : memref<632x64xf32, #tpu.memory_space<hbm>>) target_semaphore(%run_scoped3A_133 : memref<!tpu.dma_semaphore, #tpu.memory_space<semaphore_mem>>)
        %dma_wait3A_138 = arith.constant 64 : i32
        %dma_wait3A_139 = tpu.memref_slice %arg6[%mul3A_132, %dma_wait3A_138] : memref<10112x128xf32, #tpu.memory_space<hbm>> -> memref<632x64xf32, #tpu.memory_space<hbm>>
        %dma_wait3A_140 = arith.constant 0 : i32
        %dma_wait3A_141 = tpu.memref_slice %arg16[%mul3A_130, %dma_wait3A_140] : memref<10112x64xf32, #tpu.memory_space<vmem_shared>> -> memref<632x64xf32, #tpu.memory_space<vmem_shared>>
        tpu.wait_dma2 semaphore(%run_scoped3A_133 : memref<!tpu.dma_semaphore, #tpu.memory_space<semaphore_mem>>) src(%dma_wait3A_141 : memref<632x64xf32, #tpu.memory_space<vmem_shared>>) dst(%dma_wait3A_139 : memref<632x64xf32, #tpu.memory_space<hbm>>)
        tpu.yield
      }) : () -> ()
    } else {
    }
    %eq3A_122 = arith.constant 0 : i32
    %eq3A_123 = arith.cmpi eq, %arg0, %eq3A_122 : i32
    %eq3A_124 = arith.constant 0 : i32
    %eq3A_125 = arith.cmpi eq, %arg1, %eq3A_124 : i32
    %and3A = arith.andi %eq3A_123, %eq3A_125 : i1
    %convert_element_type3A_126 = arith.extui %and3A : i1 to i32
    %cond3A_127 = arith.constant 0 : i32
    %cond3A_128 = arith.cmpi ne, %convert_element_type3A_126, %cond3A_127 : i32
    scf.if %cond3A_128 {
      "tpu.region"() ({
        %run_scoped3A_129 = tpu.sem_alloc : memref<!tpu.dma_semaphore, #tpu.memory_space<semaphore_mem>>
        tpu.enqueue_dma source(%arg17 : memref<10112x8xf32, #tpu.memory_space<vmem_shared>>) target(%arg7 : memref<10112x8xf32, #tpu.memory_space<hbm>>) target_semaphore(%run_scoped3A_129 : memref<!tpu.dma_semaphore, #tpu.memory_space<semaphore_mem>>)
        tpu.wait_dma2 semaphore(%run_scoped3A_129 : memref<!tpu.dma_semaphore, #tpu.memory_space<semaphore_mem>>) src(%arg17 : memref<10112x8xf32, #tpu.memory_space<vmem_shared>>) dst(%arg7 : memref<10112x8xf32, #tpu.memory_space<hbm>>)
        tpu.yield
      }) : () -> ()
    } else {
    }
    return
  }
}

#map = affine_map<(d0, d1) -> (0, 0)>
#map1 = affine_map<(d0, d1) -> (0, 0, 0, 0)>
#map2 = affine_map<(d0, d1) -> (0, 0, 0)>
module attributes {stable_mosaic.version = 14 : i64} {
  func.func @sc_segsum(%arg0: i32, %arg1: i32, %arg2: memref<20480x64xf32, #tpu.memory_space<hbm>>, %arg3: memref<2x16x160x125xi32, #tpu.memory_space<hbm>>, %arg4: memref<16x160x125xi32, #tpu.memory_space<hbm>>, %arg5: memref<10240x128xf32, #tpu.memory_space<hbm>>, %arg6: memref<160x125xi32, #tpu.memory_space<vmem>>, %arg7: memref<160x125xi32, #tpu.memory_space<vmem>>, %arg8: memref<125x64xf32, #tpu.memory_space<vmem>>, %arg9: memref<125x64xf32, #tpu.memory_space<vmem>>, %arg10: memref<125x64xf32, #tpu.memory_space<vmem>>, %arg11: memref<125x64xf32, #tpu.memory_space<vmem>>, %arg12: memref<128x64xf32, #tpu.memory_space<vmem>>, %arg13: memref<10240x64xf32, #tpu.memory_space<vmem_shared>>, %arg14: memref<!tpu.dma_semaphore, #tpu.memory_space<semaphore_mem>>, %arg15: memref<!tpu.dma_semaphore, #tpu.memory_space<semaphore_mem>>, %arg16: memref<!tpu.dma_semaphore, #tpu.memory_space<semaphore_mem>>, %arg17: memref<!tpu.dma_semaphore, #tpu.memory_space<semaphore_mem>>) attributes {dimension_semantics = [#tpu.dimension_semantics<core_parallel>, #tpu.dimension_semantics<subcore_parallel>], iteration_bounds = array<i64: 2, 16>, scalar_prefetch = 0 : i64, scratch_operands = 12 : i64, tpu.core_type = #tpu.core_type<sc_vector_subcore>, window_params = [{transform_indices = #map}, {transform_indices = #map1}, {transform_indices = #map2}, {transform_indices = #map}]} {
    %broadcast_in_dim3A = arith.constant 0.000000e+00 : f32
    %broadcast_in_dim3A_0 = vector.broadcast %broadcast_in_dim3A : f32 to vector<16xf32>
    %scan3A = arith.constant 0 : i32
    %scan3A_1 = arith.constant 0 : i32
    %scan3A_2 = arith.constant 512 : i32
    %scan3A_3 = arith.addi %scan3A_1, %scan3A_2 : i32
    %scan3A_4 = arith.constant 1 : i32
    %scan3A_5 = scf.for %scan3A_97 = %scan3A_1 to %scan3A_3 step %scan3A_4 iter_args(%scan3A_98 = %scan3A) -> (i32)  : i32 {
      %jit3A = arith.constant 4 : i32
      %div3A = arith.divsi %scan3A_97, %jit3A : i32
      %sign3A = arith.constant 0 : i32
      %sign3A_99 = arith.cmpi sgt, %scan3A_97, %sign3A : i32
      %sign3A_100 = arith.extui %sign3A_99 : i1 to i32
      %sign3A_101 = arith.constant 0 : i32
      %sign3A_102 = arith.cmpi slt, %scan3A_97, %sign3A_101 : i32
      %sign3A_103 = arith.extui %sign3A_102 : i1 to i32
      %sign3A_104 = arith.subi %sign3A_100, %sign3A_103 : i32
      %sign3A_105 = arith.constant 0 : i32
      %sign3A_106 = arith.cmpi sgt, %jit3A, %sign3A_105 : i32
      %sign3A_107 = arith.extui %sign3A_106 : i1 to i32
      %sign3A_108 = arith.constant 0 : i32
      %sign3A_109 = arith.cmpi slt, %jit3A, %sign3A_108 : i32
      %sign3A_110 = arith.extui %sign3A_109 : i1 to i32
      %sign3A_111 = arith.subi %sign3A_107, %sign3A_110 : i32
      %ne3A = arith.cmpi ne, %sign3A_104, %sign3A_111 : i32
      %rem3A = arith.remsi %scan3A_97, %jit3A : i32
      %ne3A_112 = arith.constant 0 : i32
      %ne3A_113 = arith.cmpi ne, %rem3A, %ne3A_112 : i32
      %and3A = arith.andi %ne3A, %ne3A_113 : i1
      %sub3A = arith.constant 1 : i32
      %sub3A_114 = arith.subi %div3A, %sub3A : i32
      %select_n3A = arith.select %and3A, %sub3A_114, %div3A : i32
      %jit3A_115 = arith.constant 4 : i32
      %eq3A_116 = arith.constant 0 : i32
      %eq3A_117 = arith.cmpi eq, %jit3A_115, %eq3A_116 : i32
      %jit3A_118 = arith.constant 1 : i32
      %select_n3A_119 = arith.select %eq3A_117, %jit3A_118, %jit3A_115 : i32
      %rem3A_120 = arith.remsi %scan3A_97, %select_n3A_119 : i32
      %ne3A_121 = arith.constant 0 : i32
      %ne3A_122 = arith.cmpi ne, %rem3A_120, %ne3A_121 : i32
      %lt3A = arith.constant 0 : i32
      %lt3A_123 = arith.cmpi slt, %rem3A_120, %lt3A : i32
      %lt3A_124 = arith.constant 0 : i32
      %lt3A_125 = arith.cmpi slt, %select_n3A_119, %lt3A_124 : i32
      %ne3A_126 = arith.xori %lt3A_123, %lt3A_125 : i1
      %and3A_127 = arith.andi %ne3A_126, %ne3A_122 : i1
      %add3A_128 = arith.addi %rem3A_120, %select_n3A_119 : i32
      %select_n3A_129 = arith.select %and3A_127, %add3A_128, %rem3A_120 : i32
      %mul3A_130 = arith.constant 16 : i32
      %mul3A_131 = arith.muli %select_n3A_129, %mul3A_130 : i32
      %swap3A = arith.index_cast %select_n3A : i32 to index
      %swap3A_132 = arith.index_cast %mul3A_131 : i32 to index
      %swap3A_133 = tpu.vector_load %arg12[%swap3A, %swap3A_132] {strides = array<i32>} : memref<128x64xf32, #tpu.memory_space<vmem>>, vector<1x16xf32>,
      %swap3A_134 = vector.shape_cast %swap3A_133 : vector<1x16xf32> to vector<16xf32>
      %swap3A_135 = vector.shape_cast %broadcast_in_dim3A_0 : vector<16xf32> to vector<1x16xf32>
      tpu.vector_store %arg12[%swap3A, %swap3A_132], %swap3A_135 {strides = array<i32>} : memref<128x64xf32, #tpu.memory_space<vmem>>, vector<1x16xf32>,
      %scan3A_136 = arith.constant 0 : i32
      scf.yield %scan3A_136 : i32
    }
    %scan3A_6 = arith.constant 512 : i32
    %mul3A = arith.constant 640 : i32
    %mul3A_7 = arith.muli %arg1, %mul3A : i32
    %add3A = arith.constant 0 : i32
    %add3A_8 = arith.addi %mul3A_7, %add3A : i32
    "tpu.region"() ({
      %run_scoped3A_97 = tpu.sem_alloc : memref<!tpu.dma_semaphore, #tpu.memory_space<semaphore_mem>>
      %dma_start3A_98 = arith.constant 0 : i32
      %dma_start3A_99 = arith.constant 0 : i32
      %dma_start3A_100 = tpu.memref_slice %arg12[%dma_start3A_98, %dma_start3A_99] : memref<128x64xf32, #tpu.memory_space<vmem>> -> memref<128x64xf32, #tpu.memory_space<vmem>>
      %dma_start3A_101 = arith.constant 0 : i32
      %dma_start3A_102 = tpu.memref_slice %arg13[%add3A_8, %dma_start3A_101] : memref<10240x64xf32, #tpu.memory_space<vmem_shared>> -> memref<128x64xf32, #tpu.memory_space<vmem_shared>>
      %dma_start3A_103 = arith.constant 0 : i32
      %dma_start3A_104 = tpu.memref_slice %arg13[%add3A_8, %dma_start3A_103] : memref<10240x64xf32, #tpu.memory_space<vmem_shared>> -> memref<128x64xf32, #tpu.memory_space<vmem_shared>>
      %dma_start3A_105 = arith.constant 0 : i32
      %dma_start3A_106 = arith.constant 0 : i32
      %dma_start3A_107 = tpu.memref_slice %arg12[%dma_start3A_105, %dma_start3A_106] : memref<128x64xf32, #tpu.memory_space<vmem>> -> memref<128x64xf32, #tpu.memory_space<vmem>>
      tpu.enqueue_dma source(%dma_start3A_107 : memref<128x64xf32, #tpu.memory_space<vmem>>) target(%dma_start3A_104 : memref<128x64xf32, #tpu.memory_space<vmem_shared>>) target_semaphore(%run_scoped3A_97 : memref<!tpu.dma_semaphore, #tpu.memory_space<semaphore_mem>>)
      %dma_wait3A_108 = arith.constant 0 : i32
      %dma_wait3A_109 = arith.constant 0 : i32
      %dma_wait3A_110 = tpu.memref_slice %arg12[%dma_wait3A_108, %dma_wait3A_109] : memref<128x64xf32, #tpu.memory_space<vmem>> -> memref<128x64xf32, #tpu.memory_space<vmem>>
      %dma_wait3A_111 = arith.constant 0 : i32
      %dma_wait3A_112 = tpu.memref_slice %arg13[%add3A_8, %dma_wait3A_111] : memref<10240x64xf32, #tpu.memory_space<vmem_shared>> -> memref<128x64xf32, #tpu.memory_space<vmem_shared>>
      %dma_wait3A_113 = arith.constant 0 : i32
      %dma_wait3A_114 = tpu.memref_slice %arg13[%add3A_8, %dma_wait3A_113] : memref<10240x64xf32, #tpu.memory_space<vmem_shared>> -> memref<128x64xf32, #tpu.memory_space<vmem_shared>>
      %dma_wait3A_115 = arith.constant 0 : i32
      %dma_wait3A_116 = arith.constant 0 : i32
      %dma_wait3A_117 = tpu.memref_slice %arg12[%dma_wait3A_115, %dma_wait3A_116] : memref<128x64xf32, #tpu.memory_space<vmem>> -> memref<128x64xf32, #tpu.memory_space<vmem>>
      tpu.wait_dma2 semaphore(%run_scoped3A_97 : memref<!tpu.dma_semaphore, #tpu.memory_space<semaphore_mem>>) src(%dma_wait3A_117 : memref<128x64xf32, #tpu.memory_space<vmem>>) dst(%dma_wait3A_114 : memref<128x64xf32, #tpu.memory_space<vmem_shared>>)
      tpu.yield
    }) : () -> ()
    %mul3A_9 = arith.constant 640 : i32
    %mul3A_10 = arith.muli %arg1, %mul3A_9 : i32
    %add3A_11 = arith.constant 128 : i32
    %add3A_12 = arith.addi %mul3A_10, %add3A_11 : i32
    "tpu.region"() ({
      %run_scoped3A_97 = tpu.sem_alloc : memref<!tpu.dma_semaphore, #tpu.memory_space<semaphore_mem>>
      %dma_start3A_98 = arith.constant 0 : i32
      %dma_start3A_99 = arith.constant 0 : i32
      %dma_start3A_100 = tpu.memref_slice %arg12[%dma_start3A_98, %dma_start3A_99] : memref<128x64xf32, #tpu.memory_space<vmem>> -> memref<128x64xf32, #tpu.memory_space<vmem>>
      %dma_start3A_101 = arith.constant 0 : i32
      %dma_start3A_102 = tpu.memref_slice %arg13[%add3A_12, %dma_start3A_101] : memref<10240x64xf32, #tpu.memory_space<vmem_shared>> -> memref<128x64xf32, #tpu.memory_space<vmem_shared>>
      %dma_start3A_103 = arith.constant 0 : i32
      %dma_start3A_104 = tpu.memref_slice %arg13[%add3A_12, %dma_start3A_103] : memref<10240x64xf32, #tpu.memory_space<vmem_shared>> -> memref<128x64xf32, #tpu.memory_space<vmem_shared>>
      %dma_start3A_105 = arith.constant 0 : i32
      %dma_start3A_106 = arith.constant 0 : i32
      %dma_start3A_107 = tpu.memref_slice %arg12[%dma_start3A_105, %dma_start3A_106] : memref<128x64xf32, #tpu.memory_space<vmem>> -> memref<128x64xf32, #tpu.memory_space<vmem>>
      tpu.enqueue_dma source(%dma_start3A_107 : memref<128x64xf32, #tpu.memory_space<vmem>>) target(%dma_start3A_104 : memref<128x64xf32, #tpu.memory_space<vmem_shared>>) target_semaphore(%run_scoped3A_97 : memref<!tpu.dma_semaphore, #tpu.memory_space<semaphore_mem>>)
      %dma_wait3A_108 = arith.constant 0 : i32
      %dma_wait3A_109 = arith.constant 0 : i32
      %dma_wait3A_110 = tpu.memref_slice %arg12[%dma_wait3A_108, %dma_wait3A_109] : memref<128x64xf32, #tpu.memory_space<vmem>> -> memref<128x64xf32, #tpu.memory_space<vmem>>
      %dma_wait3A_111 = arith.constant 0 : i32
      %dma_wait3A_112 = tpu.memref_slice %arg13[%add3A_12, %dma_wait3A_111] : memref<10240x64xf32, #tpu.memory_space<vmem_shared>> -> memref<128x64xf32, #tpu.memory_space<vmem_shared>>
      %dma_wait3A_113 = arith.constant 0 : i32
      %dma_wait3A_114 = tpu.memref_slice %arg13[%add3A_12, %dma_wait3A_113] : memref<10240x64xf32, #tpu.memory_space<vmem_shared>> -> memref<128x64xf32, #tpu.memory_space<vmem_shared>>
      %dma_wait3A_115 = arith.constant 0 : i32
      %dma_wait3A_116 = arith.constant 0 : i32
      %dma_wait3A_117 = tpu.memref_slice %arg12[%dma_wait3A_115, %dma_wait3A_116] : memref<128x64xf32, #tpu.memory_space<vmem>> -> memref<128x64xf32, #tpu.memory_space<vmem>>
      tpu.wait_dma2 semaphore(%run_scoped3A_97 : memref<!tpu.dma_semaphore, #tpu.memory_space<semaphore_mem>>) src(%dma_wait3A_117 : memref<128x64xf32, #tpu.memory_space<vmem>>) dst(%dma_wait3A_114 : memref<128x64xf32, #tpu.memory_space<vmem_shared>>)
      tpu.yield
    }) : () -> ()
    %mul3A_13 = arith.constant 640 : i32
    %mul3A_14 = arith.muli %arg1, %mul3A_13 : i32
    %add3A_15 = arith.constant 256 : i32
    %add3A_16 = arith.addi %mul3A_14, %add3A_15 : i32
    "tpu.region"() ({
      %run_scoped3A_97 = tpu.sem_alloc : memref<!tpu.dma_semaphore, #tpu.memory_space<semaphore_mem>>
      %dma_start3A_98 = arith.constant 0 : i32
      %dma_start3A_99 = arith.constant 0 : i32
      %dma_start3A_100 = tpu.memref_slice %arg12[%dma_start3A_98, %dma_start3A_99] : memref<128x64xf32, #tpu.memory_space<vmem>> -> memref<128x64xf32, #tpu.memory_space<vmem>>
      %dma_start3A_101 = arith.constant 0 : i32
      %dma_start3A_102 = tpu.memref_slice %arg13[%add3A_16, %dma_start3A_101] : memref<10240x64xf32, #tpu.memory_space<vmem_shared>> -> memref<128x64xf32, #tpu.memory_space<vmem_shared>>
      %dma_start3A_103 = arith.constant 0 : i32
      %dma_start3A_104 = tpu.memref_slice %arg13[%add3A_16, %dma_start3A_103] : memref<10240x64xf32, #tpu.memory_space<vmem_shared>> -> memref<128x64xf32, #tpu.memory_space<vmem_shared>>
      %dma_start3A_105 = arith.constant 0 : i32
      %dma_start3A_106 = arith.constant 0 : i32
      %dma_start3A_107 = tpu.memref_slice %arg12[%dma_start3A_105, %dma_start3A_106] : memref<128x64xf32, #tpu.memory_space<vmem>> -> memref<128x64xf32, #tpu.memory_space<vmem>>
      tpu.enqueue_dma source(%dma_start3A_107 : memref<128x64xf32, #tpu.memory_space<vmem>>) target(%dma_start3A_104 : memref<128x64xf32, #tpu.memory_space<vmem_shared>>) target_semaphore(%run_scoped3A_97 : memref<!tpu.dma_semaphore, #tpu.memory_space<semaphore_mem>>)
      %dma_wait3A_108 = arith.constant 0 : i32
      %dma_wait3A_109 = arith.constant 0 : i32
      %dma_wait3A_110 = tpu.memref_slice %arg12[%dma_wait3A_108, %dma_wait3A_109] : memref<128x64xf32, #tpu.memory_space<vmem>> -> memref<128x64xf32, #tpu.memory_space<vmem>>
      %dma_wait3A_111 = arith.constant 0 : i32
      %dma_wait3A_112 = tpu.memref_slice %arg13[%add3A_16, %dma_wait3A_111] : memref<10240x64xf32, #tpu.memory_space<vmem_shared>> -> memref<128x64xf32, #tpu.memory_space<vmem_shared>>
      %dma_wait3A_113 = arith.constant 0 : i32
      %dma_wait3A_114 = tpu.memref_slice %arg13[%add3A_16, %dma_wait3A_113] : memref<10240x64xf32, #tpu.memory_space<vmem_shared>> -> memref<128x64xf32, #tpu.memory_space<vmem_shared>>
      %dma_wait3A_115 = arith.constant 0 : i32
      %dma_wait3A_116 = arith.constant 0 : i32
      %dma_wait3A_117 = tpu.memref_slice %arg12[%dma_wait3A_115, %dma_wait3A_116] : memref<128x64xf32, #tpu.memory_space<vmem>> -> memref<128x64xf32, #tpu.memory_space<vmem>>
      tpu.wait_dma2 semaphore(%run_scoped3A_97 : memref<!tpu.dma_semaphore, #tpu.memory_space<semaphore_mem>>) src(%dma_wait3A_117 : memref<128x64xf32, #tpu.memory_space<vmem>>) dst(%dma_wait3A_114 : memref<128x64xf32, #tpu.memory_space<vmem_shared>>)
      tpu.yield
    }) : () -> ()
    %mul3A_17 = arith.constant 640 : i32
    %mul3A_18 = arith.muli %arg1, %mul3A_17 : i32
    %add3A_19 = arith.constant 384 : i32
    %add3A_20 = arith.addi %mul3A_18, %add3A_19 : i32
    "tpu.region"() ({
      %run_scoped3A_97 = tpu.sem_alloc : memref<!tpu.dma_semaphore, #tpu.memory_space<semaphore_mem>>
      %dma_start3A_98 = arith.constant 0 : i32
      %dma_start3A_99 = arith.constant 0 : i32
      %dma_start3A_100 = tpu.memref_slice %arg12[%dma_start3A_98, %dma_start3A_99] : memref<128x64xf32, #tpu.memory_space<vmem>> -> memref<128x64xf32, #tpu.memory_space<vmem>>
      %dma_start3A_101 = arith.constant 0 : i32
      %dma_start3A_102 = tpu.memref_slice %arg13[%add3A_20, %dma_start3A_101] : memref<10240x64xf32, #tpu.memory_space<vmem_shared>> -> memref<128x64xf32, #tpu.memory_space<vmem_shared>>
      %dma_start3A_103 = arith.constant 0 : i32
      %dma_start3A_104 = tpu.memref_slice %arg13[%add3A_20, %dma_start3A_103] : memref<10240x64xf32, #tpu.memory_space<vmem_shared>> -> memref<128x64xf32, #tpu.memory_space<vmem_shared>>
      %dma_start3A_105 = arith.constant 0 : i32
      %dma_start3A_106 = arith.constant 0 : i32
      %dma_start3A_107 = tpu.memref_slice %arg12[%dma_start3A_105, %dma_start3A_106] : memref<128x64xf32, #tpu.memory_space<vmem>> -> memref<128x64xf32, #tpu.memory_space<vmem>>
      tpu.enqueue_dma source(%dma_start3A_107 : memref<128x64xf32, #tpu.memory_space<vmem>>) target(%dma_start3A_104 : memref<128x64xf32, #tpu.memory_space<vmem_shared>>) target_semaphore(%run_scoped3A_97 : memref<!tpu.dma_semaphore, #tpu.memory_space<semaphore_mem>>)
      %dma_wait3A_108 = arith.constant 0 : i32
      %dma_wait3A_109 = arith.constant 0 : i32
      %dma_wait3A_110 = tpu.memref_slice %arg12[%dma_wait3A_108, %dma_wait3A_109] : memref<128x64xf32, #tpu.memory_space<vmem>> -> memref<128x64xf32, #tpu.memory_space<vmem>>
      %dma_wait3A_111 = arith.constant 0 : i32
      %dma_wait3A_112 = tpu.memref_slice %arg13[%add3A_20, %dma_wait3A_111] : memref<10240x64xf32, #tpu.memory_space<vmem_shared>> -> memref<128x64xf32, #tpu.memory_space<vmem_shared>>
      %dma_wait3A_113 = arith.constant 0 : i32
      %dma_wait3A_114 = tpu.memref_slice %arg13[%add3A_20, %dma_wait3A_113] : memref<10240x64xf32, #tpu.memory_space<vmem_shared>> -> memref<128x64xf32, #tpu.memory_space<vmem_shared>>
      %dma_wait3A_115 = arith.constant 0 : i32
      %dma_wait3A_116 = arith.constant 0 : i32
      %dma_wait3A_117 = tpu.memref_slice %arg12[%dma_wait3A_115, %dma_wait3A_116] : memref<128x64xf32, #tpu.memory_space<vmem>> -> memref<128x64xf32, #tpu.memory_space<vmem>>
      tpu.wait_dma2 semaphore(%run_scoped3A_97 : memref<!tpu.dma_semaphore, #tpu.memory_space<semaphore_mem>>) src(%dma_wait3A_117 : memref<128x64xf32, #tpu.memory_space<vmem>>) dst(%dma_wait3A_114 : memref<128x64xf32, #tpu.memory_space<vmem_shared>>)
      tpu.yield
    }) : () -> ()
    %mul3A_21 = arith.constant 640 : i32
    %mul3A_22 = arith.muli %arg1, %mul3A_21 : i32
    %add3A_23 = arith.constant 512 : i32
    %add3A_24 = arith.addi %mul3A_22, %add3A_23 : i32
    "tpu.region"() ({
      %run_scoped3A_97 = tpu.sem_alloc : memref<!tpu.dma_semaphore, #tpu.memory_space<semaphore_mem>>
      %dma_start3A_98 = arith.constant 0 : i32
      %dma_start3A_99 = arith.constant 0 : i32
      %dma_start3A_100 = tpu.memref_slice %arg12[%dma_start3A_98, %dma_start3A_99] : memref<128x64xf32, #tpu.memory_space<vmem>> -> memref<128x64xf32, #tpu.memory_space<vmem>>
      %dma_start3A_101 = arith.constant 0 : i32
      %dma_start3A_102 = tpu.memref_slice %arg13[%add3A_24, %dma_start3A_101] : memref<10240x64xf32, #tpu.memory_space<vmem_shared>> -> memref<128x64xf32, #tpu.memory_space<vmem_shared>>
      %dma_start3A_103 = arith.constant 0 : i32
      %dma_start3A_104 = tpu.memref_slice %arg13[%add3A_24, %dma_start3A_103] : memref<10240x64xf32, #tpu.memory_space<vmem_shared>> -> memref<128x64xf32, #tpu.memory_space<vmem_shared>>
      %dma_start3A_105 = arith.constant 0 : i32
      %dma_start3A_106 = arith.constant 0 : i32
      %dma_start3A_107 = tpu.memref_slice %arg12[%dma_start3A_105, %dma_start3A_106] : memref<128x64xf32, #tpu.memory_space<vmem>> -> memref<128x64xf32, #tpu.memory_space<vmem>>
      tpu.enqueue_dma source(%dma_start3A_107 : memref<128x64xf32, #tpu.memory_space<vmem>>) target(%dma_start3A_104 : memref<128x64xf32, #tpu.memory_space<vmem_shared>>) target_semaphore(%run_scoped3A_97 : memref<!tpu.dma_semaphore, #tpu.memory_space<semaphore_mem>>)
      %dma_wait3A_108 = arith.constant 0 : i32
      %dma_wait3A_109 = arith.constant 0 : i32
      %dma_wait3A_110 = tpu.memref_slice %arg12[%dma_wait3A_108, %dma_wait3A_109] : memref<128x64xf32, #tpu.memory_space<vmem>> -> memref<128x64xf32, #tpu.memory_space<vmem>>
      %dma_wait3A_111 = arith.constant 0 : i32
      %dma_wait3A_112 = tpu.memref_slice %arg13[%add3A_24, %dma_wait3A_111] : memref<10240x64xf32, #tpu.memory_space<vmem_shared>> -> memref<128x64xf32, #tpu.memory_space<vmem_shared>>
      %dma_wait3A_113 = arith.constant 0 : i32
      %dma_wait3A_114 = tpu.memref_slice %arg13[%add3A_24, %dma_wait3A_113] : memref<10240x64xf32, #tpu.memory_space<vmem_shared>> -> memref<128x64xf32, #tpu.memory_space<vmem_shared>>
      %dma_wait3A_115 = arith.constant 0 : i32
      %dma_wait3A_116 = arith.constant 0 : i32
      %dma_wait3A_117 = tpu.memref_slice %arg12[%dma_wait3A_115, %dma_wait3A_116] : memref<128x64xf32, #tpu.memory_space<vmem>> -> memref<128x64xf32, #tpu.memory_space<vmem>>
      tpu.wait_dma2 semaphore(%run_scoped3A_97 : memref<!tpu.dma_semaphore, #tpu.memory_space<semaphore_mem>>) src(%dma_wait3A_117 : memref<128x64xf32, #tpu.memory_space<vmem>>) dst(%dma_wait3A_114 : memref<128x64xf32, #tpu.memory_space<vmem_shared>>)
      tpu.yield
    }) : () -> ()
    %barrier3A = arith.constant 0 : index
    tpu.barrier barrier_id(%barrier3A)
    "tpu.region"() ({
      %run_scoped3A_97 = tpu.sem_alloc : memref<!tpu.dma_semaphore, #tpu.memory_space<semaphore_mem>>
      %dma_start3A_98 = arith.constant 0 : i32
      %dma_start3A_99 = arith.constant 0 : i32
      %dma_start3A_100 = arith.constant 0 : i32
      %dma_start3A_101 = tpu.memref_slice %arg3[%arg0, %dma_start3A_98, %dma_start3A_99, %dma_start3A_100] : memref<2x16x160x125xi32, #tpu.memory_space<hbm>> -> memref<1x16x160x125xi32, #tpu.memory_space<hbm>>
      %dma_start3A_102 = tpu.memref_squeeze %dma_start3A_101 : memref<1x16x160x125xi32, #tpu.memory_space<hbm>> -> memref<16x160x125xi32, #tpu.memory_space<hbm>>
      %dma_start3A_103 = arith.constant 0 : i32
      %dma_start3A_104 = arith.constant 0 : i32
      %dma_start3A_105 = tpu.memref_slice %dma_start3A_102[%arg1, %dma_start3A_103, %dma_start3A_104] : memref<16x160x125xi32, #tpu.memory_space<hbm>> -> memref<1x160x125xi32, #tpu.memory_space<hbm>>
      %dma_start3A_106 = tpu.memref_squeeze %dma_start3A_105 : memref<1x160x125xi32, #tpu.memory_space<hbm>> -> memref<160x125xi32, #tpu.memory_space<hbm>>
      %dma_start3A_107 = arith.constant 0 : i32
      %dma_start3A_108 = arith.constant 0 : i32
      %dma_start3A_109 = arith.constant 0 : i32
      %dma_start3A_110 = tpu.memref_slice %arg3[%arg0, %dma_start3A_107, %dma_start3A_108, %dma_start3A_109] : memref<2x16x160x125xi32, #tpu.memory_space<hbm>> -> memref<1x16x160x125xi32, #tpu.memory_space<hbm>>
      %dma_start3A_111 = tpu.memref_squeeze %dma_start3A_110 : memref<1x16x160x125xi32, #tpu.memory_space<hbm>> -> memref<16x160x125xi32, #tpu.memory_space<hbm>>
      %dma_start3A_112 = arith.constant 0 : i32
      %dma_start3A_113 = arith.constant 0 : i32
      %dma_start3A_114 = tpu.memref_slice %dma_start3A_111[%arg1, %dma_start3A_112, %dma_start3A_113] : memref<16x160x125xi32, #tpu.memory_space<hbm>> -> memref<1x160x125xi32, #tpu.memory_space<hbm>>
      %dma_start3A_115 = tpu.memref_squeeze %dma_start3A_114 : memref<1x160x125xi32, #tpu.memory_space<hbm>> -> memref<160x125xi32, #tpu.memory_space<hbm>>
      tpu.enqueue_dma source(%dma_start3A_115 : memref<160x125xi32, #tpu.memory_space<hbm>>) target(%arg6 : memref<160x125xi32, #tpu.memory_space<vmem>>) target_semaphore(%run_scoped3A_97 : memref<!tpu.dma_semaphore, #tpu.memory_space<semaphore_mem>>)
      %dma_wait3A_116 = arith.constant 0 : i32
      %dma_wait3A_117 = arith.constant 0 : i32
      %dma_wait3A_118 = arith.constant 0 : i32
      %dma_wait3A_119 = tpu.memref_slice %arg3[%arg0, %dma_wait3A_116, %dma_wait3A_117, %dma_wait3A_118] : memref<2x16x160x125xi32, #tpu.memory_space<hbm>> -> memref<1x16x160x125xi32, #tpu.memory_space<hbm>>
      %dma_wait3A_120 = tpu.memref_squeeze %dma_wait3A_119 : memref<1x16x160x125xi32, #tpu.memory_space<hbm>> -> memref<16x160x125xi32, #tpu.memory_space<hbm>>
      %dma_wait3A_121 = arith.constant 0 : i32
      %dma_wait3A_122 = arith.constant 0 : i32
      %dma_wait3A_123 = tpu.memref_slice %dma_wait3A_120[%arg1, %dma_wait3A_121, %dma_wait3A_122] : memref<16x160x125xi32, #tpu.memory_space<hbm>> -> memref<1x160x125xi32, #tpu.memory_space<hbm>>
      %dma_wait3A_124 = tpu.memref_squeeze %dma_wait3A_123 : memref<1x160x125xi32, #tpu.memory_space<hbm>> -> memref<160x125xi32, #tpu.memory_space<hbm>>
      %dma_wait3A_125 = arith.constant 0 : i32
      %dma_wait3A_126 = arith.constant 0 : i32
      %dma_wait3A_127 = arith.constant 0 : i32
      %dma_wait3A_128 = tpu.memref_slice %arg3[%arg0, %dma_wait3A_125, %dma_wait3A_126, %dma_wait3A_127] : memref<2x16x160x125xi32, #tpu.memory_space<hbm>> -> memref<1x16x160x125xi32, #tpu.memory_space<hbm>>
      %dma_wait3A_129 = tpu.memref_squeeze %dma_wait3A_128 : memref<1x16x160x125xi32, #tpu.memory_space<hbm>> -> memref<16x160x125xi32, #tpu.memory_space<hbm>>
      %dma_wait3A_130 = arith.constant 0 : i32
      %dma_wait3A_131 = arith.constant 0 : i32
      %dma_wait3A_132 = tpu.memref_slice %dma_wait3A_129[%arg1, %dma_wait3A_130, %dma_wait3A_131] : memref<16x160x125xi32, #tpu.memory_space<hbm>> -> memref<1x160x125xi32, #tpu.memory_space<hbm>>
      %dma_wait3A_133 = tpu.memref_squeeze %dma_wait3A_132 : memref<1x160x125xi32, #tpu.memory_space<hbm>> -> memref<160x125xi32, #tpu.memory_space<hbm>>
      tpu.wait_dma2 semaphore(%run_scoped3A_97 : memref<!tpu.dma_semaphore, #tpu.memory_space<semaphore_mem>>) src(%dma_wait3A_133 : memref<160x125xi32, #tpu.memory_space<hbm>>) dst(%arg6 : memref<160x125xi32, #tpu.memory_space<vmem>>)
      tpu.yield
    }) : () -> ()
    "tpu.region"() ({
      %run_scoped3A_97 = tpu.sem_alloc : memref<!tpu.dma_semaphore, #tpu.memory_space<semaphore_mem>>
      %dma_start3A_98 = arith.constant 0 : i32
      %dma_start3A_99 = arith.constant 0 : i32
      %dma_start3A_100 = tpu.memref_slice %arg4[%arg1, %dma_start3A_98, %dma_start3A_99] : memref<16x160x125xi32, #tpu.memory_space<hbm>> -> memref<1x160x125xi32, #tpu.memory_space<hbm>>
      %dma_start3A_101 = tpu.memref_squeeze %dma_start3A_100 : memref<1x160x125xi32, #tpu.memory_space<hbm>> -> memref<160x125xi32, #tpu.memory_space<hbm>>
      %dma_start3A_102 = arith.constant 0 : i32
      %dma_start3A_103 = arith.constant 0 : i32
      %dma_start3A_104 = tpu.memref_slice %arg4[%arg1, %dma_start3A_102, %dma_start3A_103] : memref<16x160x125xi32, #tpu.memory_space<hbm>> -> memref<1x160x125xi32, #tpu.memory_space<hbm>>
      %dma_start3A_105 = tpu.memref_squeeze %dma_start3A_104 : memref<1x160x125xi32, #tpu.memory_space<hbm>> -> memref<160x125xi32, #tpu.memory_space<hbm>>
      tpu.enqueue_dma source(%dma_start3A_105 : memref<160x125xi32, #tpu.memory_space<hbm>>) target(%arg7 : memref<160x125xi32, #tpu.memory_space<vmem>>) target_semaphore(%run_scoped3A_97 : memref<!tpu.dma_semaphore, #tpu.memory_space<semaphore_mem>>)
      %dma_wait3A_106 = arith.constant 0 : i32
      %dma_wait3A_107 = arith.constant 0 : i32
      %dma_wait3A_108 = tpu.memref_slice %arg4[%arg1, %dma_wait3A_106, %dma_wait3A_107] : memref<16x160x125xi32, #tpu.memory_space<hbm>> -> memref<1x160x125xi32, #tpu.memory_space<hbm>>
      %dma_wait3A_109 = tpu.memref_squeeze %dma_wait3A_108 : memref<1x160x125xi32, #tpu.memory_space<hbm>> -> memref<160x125xi32, #tpu.memory_space<hbm>>
      %dma_wait3A_110 = arith.constant 0 : i32
      %dma_wait3A_111 = arith.constant 0 : i32
      %dma_wait3A_112 = tpu.memref_slice %arg4[%arg1, %dma_wait3A_110, %dma_wait3A_111] : memref<16x160x125xi32, #tpu.memory_space<hbm>> -> memref<1x160x125xi32, #tpu.memory_space<hbm>>
      %dma_wait3A_113 = tpu.memref_squeeze %dma_wait3A_112 : memref<1x160x125xi32, #tpu.memory_space<hbm>> -> memref<160x125xi32, #tpu.memory_space<hbm>>
      tpu.wait_dma2 semaphore(%run_scoped3A_97 : memref<!tpu.dma_semaphore, #tpu.memory_space<semaphore_mem>>) src(%dma_wait3A_113 : memref<160x125xi32, #tpu.memory_space<hbm>>) dst(%arg7 : memref<160x125xi32, #tpu.memory_space<vmem>>)
      tpu.yield
    }) : () -> ()
    %dma_start3A = arith.constant 0 : i32
    %dma_start3A_25 = arith.constant 0 : i32
    %dma_start3A_26 = tpu.memref_slice %arg6[%dma_start3A, %dma_start3A_25] : memref<160x125xi32, #tpu.memory_space<vmem>> -> memref<1x125xi32, #tpu.memory_space<vmem>>
    %dma_start3A_27 = tpu.memref_squeeze %dma_start3A_26 : memref<1x125xi32, #tpu.memory_space<vmem>> -> memref<125xi32, #tpu.memory_space<vmem>>
    %dma_start3A_28 = arith.constant 0 : i32
    %dma_start3A_29 = arith.constant 0 : i32
    %dma_start3A_30 = tpu.memref_slice %arg2[%dma_start3A_28, %dma_start3A_29] : memref<20480x64xf32, #tpu.memory_space<hbm>> -> memref<20480x64xf32, #tpu.memory_space<hbm>>
    tpu.enqueue_indirect_dma source(%dma_start3A_30 : memref<20480x64xf32, #tpu.memory_space<hbm>>) target(%arg8 : memref<125x64xf32, #tpu.memory_space<vmem>>) offsets(%dma_start3A_27 : memref<125xi32, #tpu.memory_space<vmem>>) semaphore(%arg14 : memref<!tpu.dma_semaphore, #tpu.memory_space<semaphore_mem>>)
    %dma_start3A_31 = arith.constant 1 : i32
    %dma_start3A_32 = arith.constant 0 : i32
    %dma_start3A_33 = tpu.memref_slice %arg6[%dma_start3A_31, %dma_start3A_32] : memref<160x125xi32, #tpu.memory_space<vmem>> -> memref<1x125xi32, #tpu.memory_space<vmem>>
    %dma_start3A_34 = tpu.memref_squeeze %dma_start3A_33 : memref<1x125xi32, #tpu.memory_space<vmem>> -> memref<125xi32, #tpu.memory_space<vmem>>
    %dma_start3A_35 = arith.constant 0 : i32
    %dma_start3A_36 = arith.constant 0 : i32
    %dma_start3A_37 = tpu.memref_slice %arg2[%dma_start3A_35, %dma_start3A_36] : memref<20480x64xf32, #tpu.memory_space<hbm>> -> memref<20480x64xf32, #tpu.memory_space<hbm>>
    tpu.enqueue_indirect_dma source(%dma_start3A_37 : memref<20480x64xf32, #tpu.memory_space<hbm>>) target(%arg9 : memref<125x64xf32, #tpu.memory_space<vmem>>) offsets(%dma_start3A_34 : memref<125xi32, #tpu.memory_space<vmem>>) semaphore(%arg15 : memref<!tpu.dma_semaphore, #tpu.memory_space<semaphore_mem>>)
    %dma_start3A_38 = arith.constant 2 : i32
    %dma_start3A_39 = arith.constant 0 : i32
    %dma_start3A_40 = tpu.memref_slice %arg6[%dma_start3A_38, %dma_start3A_39] : memref<160x125xi32, #tpu.memory_space<vmem>> -> memref<1x125xi32, #tpu.memory_space<vmem>>
    %dma_start3A_41 = tpu.memref_squeeze %dma_start3A_40 : memref<1x125xi32, #tpu.memory_space<vmem>> -> memref<125xi32, #tpu.memory_space<vmem>>
    %dma_start3A_42 = arith.constant 0 : i32
    %dma_start3A_43 = arith.constant 0 : i32
    %dma_start3A_44 = tpu.memref_slice %arg2[%dma_start3A_42, %dma_start3A_43] : memref<20480x64xf32, #tpu.memory_space<hbm>> -> memref<20480x64xf32, #tpu.memory_space<hbm>>
    tpu.enqueue_indirect_dma source(%dma_start3A_44 : memref<20480x64xf32, #tpu.memory_space<hbm>>) target(%arg10 : memref<125x64xf32, #tpu.memory_space<vmem>>) offsets(%dma_start3A_41 : memref<125xi32, #tpu.memory_space<vmem>>) semaphore(%arg16 : memref<!tpu.dma_semaphore, #tpu.memory_space<semaphore_mem>>)
    %scan3A_45 = arith.constant 0 : i32
    %scan3A_46 = arith.constant 0 : i32
    %scan3A_47 = arith.constant 39 : i32
    %scan3A_48 = arith.addi %scan3A_46, %scan3A_47 : i32
    %scan3A_49 = arith.constant 1 : i32
    %scan3A_50 = scf.for %scan3A_97 = %scan3A_46 to %scan3A_48 step %scan3A_49 iter_args(%scan3A_98 = %scan3A_45) -> (i32)  : i32 {
      %mul3A_99 = arith.constant 4 : i32
      %mul3A_100 = arith.muli %scan3A_97, %mul3A_99 : i32
      %add3A_101 = arith.constant 4 : i32
      %add3A_102 = arith.addi %mul3A_100, %add3A_101 : i32
      %sub3A = arith.constant 1 : i32
      %sub3A_103 = arith.subi %add3A_102, %sub3A : i32
      %add3A_104 = arith.constant 0 : i32
      %add3A_105 = arith.addi %sub3A_103, %add3A_104 : i32
      %dma_start3A_106 = arith.constant 0 : i32
      %dma_start3A_107 = tpu.memref_slice %arg6[%add3A_105, %dma_start3A_106] : memref<160x125xi32, #tpu.memory_space<vmem>> -> memref<1x125xi32, #tpu.memory_space<vmem>>
      %dma_start3A_108 = tpu.memref_squeeze %dma_start3A_107 : memref<1x125xi32, #tpu.memory_space<vmem>> -> memref<125xi32, #tpu.memory_space<vmem>>
      %dma_start3A_109 = arith.constant 0 : i32
      %dma_start3A_110 = arith.constant 0 : i32
      %dma_start3A_111 = tpu.memref_slice %arg2[%dma_start3A_109, %dma_start3A_110] : memref<20480x64xf32, #tpu.memory_space<hbm>> -> memref<20480x64xf32, #tpu.memory_space<hbm>>
      tpu.enqueue_indirect_dma source(%dma_start3A_111 : memref<20480x64xf32, #tpu.memory_space<hbm>>) target(%arg11 : memref<125x64xf32, #tpu.memory_space<vmem>>) offsets(%dma_start3A_108 : memref<125xi32, #tpu.memory_space<vmem>>) semaphore(%arg17 : memref<!tpu.dma_semaphore, #tpu.memory_space<semaphore_mem>>)
      %dma_wait3A_112 = arith.constant 0 : i32
      %dma_wait3A_113 = arith.constant 0 : i32
      %dma_wait3A_114 = tpu.memref_slice %arg6[%dma_wait3A_112, %dma_wait3A_113] : memref<160x125xi32, #tpu.memory_space<vmem>> -> memref<1x125xi32, #tpu.memory_space<vmem>>
      %dma_wait3A_115 = tpu.memref_squeeze %dma_wait3A_114 : memref<1x125xi32, #tpu.memory_space<vmem>> -> memref<125xi32, #tpu.memory_space<vmem>>
      %dma_wait3A_116 = arith.constant 0 : i32
      %dma_wait3A_117 = arith.constant 0 : i32
      %dma_wait3A_118 = tpu.memref_slice %arg2[%dma_wait3A_116, %dma_wait3A_117] : memref<20480x64xf32, #tpu.memory_space<hbm>> -> memref<20480x64xf32, #tpu.memory_space<hbm>>
      tpu.wait_indirect_dma semaphore(%arg14 : memref<!tpu.dma_semaphore, #tpu.memory_space<semaphore_mem>>) src(%dma_wait3A_118 : memref<20480x64xf32, #tpu.memory_space<hbm>>) dst(%arg8 : memref<125x64xf32, #tpu.memory_space<vmem>>)
      %add3A_119 = arith.constant 0 : i32
      %add3A_120 = arith.addi %mul3A_100, %add3A_119 : i32
      "tpu.region"() ({
        %run_scoped3A_185 = tpu.sem_alloc : memref<!tpu.dma_semaphore, #tpu.memory_space<semaphore_mem>>
        %dma_start3A_186 = arith.constant 0 : i32
        %dma_start3A_187 = tpu.memref_slice %arg7[%add3A_120, %dma_start3A_186] : memref<160x125xi32, #tpu.memory_space<vmem>> -> memref<1x125xi32, #tpu.memory_space<vmem>>
        %dma_start3A_188 = tpu.memref_squeeze %dma_start3A_187 : memref<1x125xi32, #tpu.memory_space<vmem>> -> memref<125xi32, #tpu.memory_space<vmem>>
        %dma_start3A_189 = arith.constant 0 : i32
        %dma_start3A_190 = arith.constant 0 : i32
        %dma_start3A_191 = tpu.memref_slice %arg13[%dma_start3A_189, %dma_start3A_190] : memref<10240x64xf32, #tpu.memory_space<vmem_shared>> -> memref<10240x64xf32, #tpu.memory_space<vmem_shared>>
        tpu.enqueue_indirect_dma source(%arg8 : memref<125x64xf32, #tpu.memory_space<vmem>>) target(%dma_start3A_191 : memref<10240x64xf32, #tpu.memory_space<vmem_shared>>) offsets(%dma_start3A_188 : memref<125xi32, #tpu.memory_space<vmem>>) semaphore(%run_scoped3A_185 : memref<!tpu.dma_semaphore, #tpu.memory_space<semaphore_mem>>) {add = true}
        %dma_wait3A_192 = arith.constant 0 : i32
        %dma_wait3A_193 = tpu.memref_slice %arg7[%add3A_120, %dma_wait3A_192] : memref<160x125xi32, #tpu.memory_space<vmem>> -> memref<1x125xi32, #tpu.memory_space<vmem>>
        %dma_wait3A_194 = tpu.memref_squeeze %dma_wait3A_193 : memref<1x125xi32, #tpu.memory_space<vmem>> -> memref<125xi32, #tpu.memory_space<vmem>>
        %dma_wait3A_195 = arith.constant 0 : i32
        %dma_wait3A_196 = arith.constant 0 : i32
        %dma_wait3A_197 = tpu.memref_slice %arg13[%dma_wait3A_195, %dma_wait3A_196] : memref<10240x64xf32, #tpu.memory_space<vmem_shared>> -> memref<10240x64xf32, #tpu.memory_space<vmem_shared>>
        tpu.wait_indirect_dma semaphore(%run_scoped3A_185 : memref<!tpu.dma_semaphore, #tpu.memory_space<semaphore_mem>>) src(%arg8 : memref<125x64xf32, #tpu.memory_space<vmem>>) dst(%dma_wait3A_197 : memref<10240x64xf32, #tpu.memory_space<vmem_shared>>)
        tpu.yield
      }) : () -> ()
      %add3A_121 = arith.constant 4 : i32
      %add3A_122 = arith.addi %mul3A_100, %add3A_121 : i32
      %sub3A_123 = arith.constant 1 : i32
      %sub3A_124 = arith.subi %add3A_122, %sub3A_123 : i32
      %add3A_125 = arith.constant 1 : i32
      %add3A_126 = arith.addi %sub3A_124, %add3A_125 : i32
      %dma_start3A_127 = arith.constant 0 : i32
      %dma_start3A_128 = tpu.memref_slice %arg6[%add3A_126, %dma_start3A_127] : memref<160x125xi32, #tpu.memory_space<vmem>> -> memref<1x125xi32, #tpu.memory_space<vmem>>
      %dma_start3A_129 = tpu.memref_squeeze %dma_start3A_128 : memref<1x125xi32, #tpu.memory_space<vmem>> -> memref<125xi32, #tpu.memory_space<vmem>>
      %dma_start3A_130 = arith.constant 0 : i32
      %dma_start3A_131 = arith.constant 0 : i32
      %dma_start3A_132 = tpu.memref_slice %arg2[%dma_start3A_130, %dma_start3A_131] : memref<20480x64xf32, #tpu.memory_space<hbm>> -> memref<20480x64xf32, #tpu.memory_space<hbm>>
      tpu.enqueue_indirect_dma source(%dma_start3A_132 : memref<20480x64xf32, #tpu.memory_space<hbm>>) target(%arg8 : memref<125x64xf32, #tpu.memory_space<vmem>>) offsets(%dma_start3A_129 : memref<125xi32, #tpu.memory_space<vmem>>) semaphore(%arg14 : memref<!tpu.dma_semaphore, #tpu.memory_space<semaphore_mem>>)
      %dma_wait3A_133 = arith.constant 0 : i32
      %dma_wait3A_134 = arith.constant 0 : i32
      %dma_wait3A_135 = tpu.memref_slice %arg6[%dma_wait3A_133, %dma_wait3A_134] : memref<160x125xi32, #tpu.memory_space<vmem>> -> memref<1x125xi32, #tpu.memory_space<vmem>>
      %dma_wait3A_136 = tpu.memref_squeeze %dma_wait3A_135 : memref<1x125xi32, #tpu.memory_space<vmem>> -> memref<125xi32, #tpu.memory_space<vmem>>
      %dma_wait3A_137 = arith.constant 0 : i32
      %dma_wait3A_138 = arith.constant 0 : i32
      %dma_wait3A_139 = tpu.memref_slice %arg2[%dma_wait3A_137, %dma_wait3A_138] : memref<20480x64xf32, #tpu.memory_space<hbm>> -> memref<20480x64xf32, #tpu.memory_space<hbm>>
      tpu.wait_indirect_dma semaphore(%arg15 : memref<!tpu.dma_semaphore, #tpu.memory_space<semaphore_mem>>) src(%dma_wait3A_139 : memref<20480x64xf32, #tpu.memory_space<hbm>>) dst(%arg9 : memref<125x64xf32, #tpu.memory_space<vmem>>)
      %add3A_140 = arith.constant 1 : i32
      %add3A_141 = arith.addi %mul3A_100, %add3A_140 : i32
      "tpu.region"() ({
        %run_scoped3A_185 = tpu.sem_alloc : memref<!tpu.dma_semaphore, #tpu.memory_space<semaphore_mem>>
        %dma_start3A_186 = arith.constant 0 : i32
        %dma_start3A_187 = tpu.memref_slice %arg7[%add3A_141, %dma_start3A_186] : memref<160x125xi32, #tpu.memory_space<vmem>> -> memref<1x125xi32, #tpu.memory_space<vmem>>
        %dma_start3A_188 = tpu.memref_squeeze %dma_start3A_187 : memref<1x125xi32, #tpu.memory_space<vmem>> -> memref<125xi32, #tpu.memory_space<vmem>>
        %dma_start3A_189 = arith.constant 0 : i32
        %dma_start3A_190 = arith.constant 0 : i32
        %dma_start3A_191 = tpu.memref_slice %arg13[%dma_start3A_189, %dma_start3A_190] : memref<10240x64xf32, #tpu.memory_space<vmem_shared>> -> memref<10240x64xf32, #tpu.memory_space<vmem_shared>>
        tpu.enqueue_indirect_dma source(%arg9 : memref<125x64xf32, #tpu.memory_space<vmem>>) target(%dma_start3A_191 : memref<10240x64xf32, #tpu.memory_space<vmem_shared>>) offsets(%dma_start3A_188 : memref<125xi32, #tpu.memory_space<vmem>>) semaphore(%run_scoped3A_185 : memref<!tpu.dma_semaphore, #tpu.memory_space<semaphore_mem>>) {add = true}
        %dma_wait3A_192 = arith.constant 0 : i32
        %dma_wait3A_193 = tpu.memref_slice %arg7[%add3A_141, %dma_wait3A_192] : memref<160x125xi32, #tpu.memory_space<vmem>> -> memref<1x125xi32, #tpu.memory_space<vmem>>
        %dma_wait3A_194 = tpu.memref_squeeze %dma_wait3A_193 : memref<1x125xi32, #tpu.memory_space<vmem>> -> memref<125xi32, #tpu.memory_space<vmem>>
        %dma_wait3A_195 = arith.constant 0 : i32
        %dma_wait3A_196 = arith.constant 0 : i32
        %dma_wait3A_197 = tpu.memref_slice %arg13[%dma_wait3A_195, %dma_wait3A_196] : memref<10240x64xf32, #tpu.memory_space<vmem_shared>> -> memref<10240x64xf32, #tpu.memory_space<vmem_shared>>
        tpu.wait_indirect_dma semaphore(%run_scoped3A_185 : memref<!tpu.dma_semaphore, #tpu.memory_space<semaphore_mem>>) src(%arg9 : memref<125x64xf32, #tpu.memory_space<vmem>>) dst(%dma_wait3A_197 : memref<10240x64xf32, #tpu.memory_space<vmem_shared>>)
        tpu.yield
      }) : () -> ()
      %add3A_142 = arith.constant 4 : i32
      %add3A_143 = arith.addi %mul3A_100, %add3A_142 : i32
      %sub3A_144 = arith.constant 1 : i32
      %sub3A_145 = arith.subi %add3A_143, %sub3A_144 : i32
      %add3A_146 = arith.constant 2 : i32
      %add3A_147 = arith.addi %sub3A_145, %add3A_146 : i32
      %dma_start3A_148 = arith.constant 0 : i32
      %dma_start3A_149 = tpu.memref_slice %arg6[%add3A_147, %dma_start3A_148] : memref<160x125xi32, #tpu.memory_space<vmem>> -> memref<1x125xi32, #tpu.memory_space<vmem>>
      %dma_start3A_150 = tpu.memref_squeeze %dma_start3A_149 : memref<1x125xi32, #tpu.memory_space<vmem>> -> memref<125xi32, #tpu.memory_space<vmem>>
      %dma_start3A_151 = arith.constant 0 : i32
      %dma_start3A_152 = arith.constant 0 : i32
      %dma_start3A_153 = tpu.memref_slice %arg2[%dma_start3A_151, %dma_start3A_152] : memref<20480x64xf32, #tpu.memory_space<hbm>> -> memref<20480x64xf32, #tpu.memory_space<hbm>>
      tpu.enqueue_indirect_dma source(%dma_start3A_153 : memref<20480x64xf32, #tpu.memory_space<hbm>>) target(%arg9 : memref<125x64xf32, #tpu.memory_space<vmem>>) offsets(%dma_start3A_150 : memref<125xi32, #tpu.memory_space<vmem>>) semaphore(%arg15 : memref<!tpu.dma_semaphore, #tpu.memory_space<semaphore_mem>>)
      %dma_wait3A_154 = arith.constant 0 : i32
      %dma_wait3A_155 = arith.constant 0 : i32
      %dma_wait3A_156 = tpu.memref_slice %arg6[%dma_wait3A_154, %dma_wait3A_155] : memref<160x125xi32, #tpu.memory_space<vmem>> -> memref<1x125xi32, #tpu.memory_space<vmem>>
      %dma_wait3A_157 = tpu.memref_squeeze %dma_wait3A_156 : memref<1x125xi32, #tpu.memory_space<vmem>> -> memref<125xi32, #tpu.memory_space<vmem>>
      %dma_wait3A_158 = arith.constant 0 : i32
      %dma_wait3A_159 = arith.constant 0 : i32
      %dma_wait3A_160 = tpu.memref_slice %arg2[%dma_wait3A_158, %dma_wait3A_159] : memref<20480x64xf32, #tpu.memory_space<hbm>> -> memref<20480x64xf32, #tpu.memory_space<hbm>>
      tpu.wait_indirect_dma semaphore(%arg16 : memref<!tpu.dma_semaphore, #tpu.memory_space<semaphore_mem>>) src(%dma_wait3A_160 : memref<20480x64xf32, #tpu.memory_space<hbm>>) dst(%arg10 : memref<125x64xf32, #tpu.memory_space<vmem>>)
      %add3A_161 = arith.constant 2 : i32
      %add3A_162 = arith.addi %mul3A_100, %add3A_161 : i32
      "tpu.region"() ({
        %run_scoped3A_185 = tpu.sem_alloc : memref<!tpu.dma_semaphore, #tpu.memory_space<semaphore_mem>>
        %dma_start3A_186 = arith.constant 0 : i32
        %dma_start3A_187 = tpu.memref_slice %arg7[%add3A_162, %dma_start3A_186] : memref<160x125xi32, #tpu.memory_space<vmem>> -> memref<1x125xi32, #tpu.memory_space<vmem>>
        %dma_start3A_188 = tpu.memref_squeeze %dma_start3A_187 : memref<1x125xi32, #tpu.memory_space<vmem>> -> memref<125xi32, #tpu.memory_space<vmem>>
        %dma_start3A_189 = arith.constant 0 : i32
        %dma_start3A_190 = arith.constant 0 : i32
        %dma_start3A_191 = tpu.memref_slice %arg13[%dma_start3A_189, %dma_start3A_190] : memref<10240x64xf32, #tpu.memory_space<vmem_shared>> -> memref<10240x64xf32, #tpu.memory_space<vmem_shared>>
        tpu.enqueue_indirect_dma source(%arg10 : memref<125x64xf32, #tpu.memory_space<vmem>>) target(%dma_start3A_191 : memref<10240x64xf32, #tpu.memory_space<vmem_shared>>) offsets(%dma_start3A_188 : memref<125xi32, #tpu.memory_space<vmem>>) semaphore(%run_scoped3A_185 : memref<!tpu.dma_semaphore, #tpu.memory_space<semaphore_mem>>) {add = true}
        %dma_wait3A_192 = arith.constant 0 : i32
        %dma_wait3A_193 = tpu.memref_slice %arg7[%add3A_162, %dma_wait3A_192] : memref<160x125xi32, #tpu.memory_space<vmem>> -> memref<1x125xi32, #tpu.memory_space<vmem>>
        %dma_wait3A_194 = tpu.memref_squeeze %dma_wait3A_193 : memref<1x125xi32, #tpu.memory_space<vmem>> -> memref<125xi32, #tpu.memory_space<vmem>>
        %dma_wait3A_195 = arith.constant 0 : i32
        %dma_wait3A_196 = arith.constant 0 : i32
        %dma_wait3A_197 = tpu.memref_slice %arg13[%dma_wait3A_195, %dma_wait3A_196] : memref<10240x64xf32, #tpu.memory_space<vmem_shared>> -> memref<10240x64xf32, #tpu.memory_space<vmem_shared>>
        tpu.wait_indirect_dma semaphore(%run_scoped3A_185 : memref<!tpu.dma_semaphore, #tpu.memory_space<semaphore_mem>>) src(%arg10 : memref<125x64xf32, #tpu.memory_space<vmem>>) dst(%dma_wait3A_197 : memref<10240x64xf32, #tpu.memory_space<vmem_shared>>)
        tpu.yield
      }) : () -> ()
      %add3A_163 = arith.constant 4 : i32
      %add3A_164 = arith.addi %mul3A_100, %add3A_163 : i32
      %sub3A_165 = arith.constant 1 : i32
      %sub3A_166 = arith.subi %add3A_164, %sub3A_165 : i32
      %add3A_167 = arith.constant 3 : i32
      %add3A_168 = arith.addi %sub3A_166, %add3A_167 : i32
      %dma_start3A_169 = arith.constant 0 : i32
      %dma_start3A_170 = tpu.memref_slice %arg6[%add3A_168, %dma_start3A_169] : memref<160x125xi32, #tpu.memory_space<vmem>> -> memref<1x125xi32, #tpu.memory_space<vmem>>
      %dma_start3A_171 = tpu.memref_squeeze %dma_start3A_170 : memref<1x125xi32, #tpu.memory_space<vmem>> -> memref<125xi32, #tpu.memory_space<vmem>>
      %dma_start3A_172 = arith.constant 0 : i32
      %dma_start3A_173 = arith.constant 0 : i32
      %dma_start3A_174 = tpu.memref_slice %arg2[%dma_start3A_172, %dma_start3A_173] : memref<20480x64xf32, #tpu.memory_space<hbm>> -> memref<20480x64xf32, #tpu.memory_space<hbm>>
      tpu.enqueue_indirect_dma source(%dma_start3A_174 : memref<20480x64xf32, #tpu.memory_space<hbm>>) target(%arg10 : memref<125x64xf32, #tpu.memory_space<vmem>>) offsets(%dma_start3A_171 : memref<125xi32, #tpu.memory_space<vmem>>) semaphore(%arg16 : memref<!tpu.dma_semaphore, #tpu.memory_space<semaphore_mem>>)
      %dma_wait3A_175 = arith.constant 0 : i32
      %dma_wait3A_176 = arith.constant 0 : i32
      %dma_wait3A_177 = tpu.memref_slice %arg6[%dma_wait3A_175, %dma_wait3A_176] : memref<160x125xi32, #tpu.memory_space<vmem>> -> memref<1x125xi32, #tpu.memory_space<vmem>>
      %dma_wait3A_178 = tpu.memref_squeeze %dma_wait3A_177 : memref<1x125xi32, #tpu.memory_space<vmem>> -> memref<125xi32, #tpu.memory_space<vmem>>
      %dma_wait3A_179 = arith.constant 0 : i32
      %dma_wait3A_180 = arith.constant 0 : i32
      %dma_wait3A_181 = tpu.memref_slice %arg2[%dma_wait3A_179, %dma_wait3A_180] : memref<20480x64xf32, #tpu.memory_space<hbm>> -> memref<20480x64xf32, #tpu.memory_space<hbm>>
      tpu.wait_indirect_dma semaphore(%arg17 : memref<!tpu.dma_semaphore, #tpu.memory_space<semaphore_mem>>) src(%dma_wait3A_181 : memref<20480x64xf32, #tpu.memory_space<hbm>>) dst(%arg11 : memref<125x64xf32, #tpu.memory_space<vmem>>)
      %add3A_182 = arith.constant 3 : i32
      %add3A_183 = arith.addi %mul3A_100, %add3A_182 : i32
      "tpu.region"() ({
        %run_scoped3A_185 = tpu.sem_alloc : memref<!tpu.dma_semaphore, #tpu.memory_space<semaphore_mem>>
        %dma_start3A_186 = arith.constant 0 : i32
        %dma_start3A_187 = tpu.memref_slice %arg7[%add3A_183, %dma_start3A_186] : memref<160x125xi32, #tpu.memory_space<vmem>> -> memref<1x125xi32, #tpu.memory_space<vmem>>
        %dma_start3A_188 = tpu.memref_squeeze %dma_start3A_187 : memref<1x125xi32, #tpu.memory_space<vmem>> -> memref<125xi32, #tpu.memory_space<vmem>>
        %dma_start3A_189 = arith.constant 0 : i32
        %dma_start3A_190 = arith.constant 0 : i32
        %dma_start3A_191 = tpu.memref_slice %arg13[%dma_start3A_189, %dma_start3A_190] : memref<10240x64xf32, #tpu.memory_space<vmem_shared>> -> memref<10240x64xf32, #tpu.memory_space<vmem_shared>>
        tpu.enqueue_indirect_dma source(%arg11 : memref<125x64xf32, #tpu.memory_space<vmem>>) target(%dma_start3A_191 : memref<10240x64xf32, #tpu.memory_space<vmem_shared>>) offsets(%dma_start3A_188 : memref<125xi32, #tpu.memory_space<vmem>>) semaphore(%run_scoped3A_185 : memref<!tpu.dma_semaphore, #tpu.memory_space<semaphore_mem>>) {add = true}
        %dma_wait3A_192 = arith.constant 0 : i32
        %dma_wait3A_193 = tpu.memref_slice %arg7[%add3A_183, %dma_wait3A_192] : memref<160x125xi32, #tpu.memory_space<vmem>> -> memref<1x125xi32, #tpu.memory_space<vmem>>
        %dma_wait3A_194 = tpu.memref_squeeze %dma_wait3A_193 : memref<1x125xi32, #tpu.memory_space<vmem>> -> memref<125xi32, #tpu.memory_space<vmem>>
        %dma_wait3A_195 = arith.constant 0 : i32
        %dma_wait3A_196 = arith.constant 0 : i32
        %dma_wait3A_197 = tpu.memref_slice %arg13[%dma_wait3A_195, %dma_wait3A_196] : memref<10240x64xf32, #tpu.memory_space<vmem_shared>> -> memref<10240x64xf32, #tpu.memory_space<vmem_shared>>
        tpu.wait_indirect_dma semaphore(%run_scoped3A_185 : memref<!tpu.dma_semaphore, #tpu.memory_space<semaphore_mem>>) src(%arg11 : memref<125x64xf32, #tpu.memory_space<vmem>>) dst(%dma_wait3A_197 : memref<10240x64xf32, #tpu.memory_space<vmem_shared>>)
        tpu.yield
      }) : () -> ()
      %scan3A_184 = arith.constant 0 : i32
      scf.yield %scan3A_184 : i32
    }
    %scan3A_51 = arith.constant 39 : i32
    %dma_start3A_52 = arith.constant 159 : i32
    %dma_start3A_53 = arith.constant 0 : i32
    %dma_start3A_54 = tpu.memref_slice %arg6[%dma_start3A_52, %dma_start3A_53] : memref<160x125xi32, #tpu.memory_space<vmem>> -> memref<1x125xi32, #tpu.memory_space<vmem>>
    %dma_start3A_55 = tpu.memref_squeeze %dma_start3A_54 : memref<1x125xi32, #tpu.memory_space<vmem>> -> memref<125xi32, #tpu.memory_space<vmem>>
    %dma_start3A_56 = arith.constant 0 : i32
    %dma_start3A_57 = arith.constant 0 : i32
    %dma_start3A_58 = tpu.memref_slice %arg2[%dma_start3A_56, %dma_start3A_57] : memref<20480x64xf32, #tpu.memory_space<hbm>> -> memref<20480x64xf32, #tpu.memory_space<hbm>>
    tpu.enqueue_indirect_dma source(%dma_start3A_58 : memref<20480x64xf32, #tpu.memory_space<hbm>>) target(%arg11 : memref<125x64xf32, #tpu.memory_space<vmem>>) offsets(%dma_start3A_55 : memref<125xi32, #tpu.memory_space<vmem>>) semaphore(%arg17 : memref<!tpu.dma_semaphore, #tpu.memory_space<semaphore_mem>>)
    %dma_wait3A = arith.constant 0 : i32
    %dma_wait3A_59 = arith.constant 0 : i32
    %dma_wait3A_60 = tpu.memref_slice %arg6[%dma_wait3A, %dma_wait3A_59] : memref<160x125xi32, #tpu.memory_space<vmem>> -> memref<1x125xi32, #tpu.memory_space<vmem>>
    %dma_wait3A_61 = tpu.memref_squeeze %dma_wait3A_60 : memref<1x125xi32, #tpu.memory_space<vmem>> -> memref<125xi32, #tpu.memory_space<vmem>>
    %dma_wait3A_62 = arith.constant 0 : i32
    %dma_wait3A_63 = arith.constant 0 : i32
    %dma_wait3A_64 = tpu.memref_slice %arg2[%dma_wait3A_62, %dma_wait3A_63] : memref<20480x64xf32, #tpu.memory_space<hbm>> -> memref<20480x64xf32, #tpu.memory_space<hbm>>
    tpu.wait_indirect_dma semaphore(%arg14 : memref<!tpu.dma_semaphore, #tpu.memory_space<semaphore_mem>>) src(%dma_wait3A_64 : memref<20480x64xf32, #tpu.memory_space<hbm>>) dst(%arg8 : memref<125x64xf32, #tpu.memory_space<vmem>>)
    %run_scoped3A = arith.constant 156 : i32
    "tpu.region"() ({
      %run_scoped3A_97 = tpu.sem_alloc : memref<!tpu.dma_semaphore, #tpu.memory_space<semaphore_mem>>
      %dma_start3A_98 = arith.constant 0 : i32
      %dma_start3A_99 = tpu.memref_slice %arg7[%run_scoped3A, %dma_start3A_98] : memref<160x125xi32, #tpu.memory_space<vmem>> -> memref<1x125xi32, #tpu.memory_space<vmem>>
      %dma_start3A_100 = tpu.memref_squeeze %dma_start3A_99 : memref<1x125xi32, #tpu.memory_space<vmem>> -> memref<125xi32, #tpu.memory_space<vmem>>
      %dma_start3A_101 = arith.constant 0 : i32
      %dma_start3A_102 = arith.constant 0 : i32
      %dma_start3A_103 = tpu.memref_slice %arg13[%dma_start3A_101, %dma_start3A_102] : memref<10240x64xf32, #tpu.memory_space<vmem_shared>> -> memref<10240x64xf32, #tpu.memory_space<vmem_shared>>
      tpu.enqueue_indirect_dma source(%arg8 : memref<125x64xf32, #tpu.memory_space<vmem>>) target(%dma_start3A_103 : memref<10240x64xf32, #tpu.memory_space<vmem_shared>>) offsets(%dma_start3A_100 : memref<125xi32, #tpu.memory_space<vmem>>) semaphore(%run_scoped3A_97 : memref<!tpu.dma_semaphore, #tpu.memory_space<semaphore_mem>>) {add = true}
      %dma_wait3A_104 = arith.constant 0 : i32
      %dma_wait3A_105 = tpu.memref_slice %arg7[%run_scoped3A, %dma_wait3A_104] : memref<160x125xi32, #tpu.memory_space<vmem>> -> memref<1x125xi32, #tpu.memory_space<vmem>>
      %dma_wait3A_106 = tpu.memref_squeeze %dma_wait3A_105 : memref<1x125xi32, #tpu.memory_space<vmem>> -> memref<125xi32, #tpu.memory_space<vmem>>
      %dma_wait3A_107 = arith.constant 0 : i32
      %dma_wait3A_108 = arith.constant 0 : i32
      %dma_wait3A_109 = tpu.memref_slice %arg13[%dma_wait3A_107, %dma_wait3A_108] : memref<10240x64xf32, #tpu.memory_space<vmem_shared>> -> memref<10240x64xf32, #tpu.memory_space<vmem_shared>>
      tpu.wait_indirect_dma semaphore(%run_scoped3A_97 : memref<!tpu.dma_semaphore, #tpu.memory_space<semaphore_mem>>) src(%arg8 : memref<125x64xf32, #tpu.memory_space<vmem>>) dst(%dma_wait3A_109 : memref<10240x64xf32, #tpu.memory_space<vmem_shared>>)
      tpu.yield
    }) : () -> ()
    %dma_wait3A_65 = arith.constant 0 : i32
    %dma_wait3A_66 = arith.constant 0 : i32
    %dma_wait3A_67 = tpu.memref_slice %arg6[%dma_wait3A_65, %dma_wait3A_66] : memref<160x125xi32, #tpu.memory_space<vmem>> -> memref<1x125xi32, #tpu.memory_space<vmem>>
    %dma_wait3A_68 = tpu.memref_squeeze %dma_wait3A_67 : memref<1x125xi32, #tpu.memory_space<vmem>> -> memref<125xi32, #tpu.memory_space<vmem>>
    %dma_wait3A_69 = arith.constant 0 : i32
    %dma_wait3A_70 = arith.constant 0 : i32
    %dma_wait3A_71 = tpu.memref_slice %arg2[%dma_wait3A_69, %dma_wait3A_70] : memref<20480x64xf32, #tpu.memory_space<hbm>> -> memref<20480x64xf32, #tpu.memory_space<hbm>>
    tpu.wait_indirect_dma semaphore(%arg15 : memref<!tpu.dma_semaphore, #tpu.memory_space<semaphore_mem>>) src(%dma_wait3A_71 : memref<20480x64xf32, #tpu.memory_space<hbm>>) dst(%arg9 : memref<125x64xf32, #tpu.memory_space<vmem>>)
    %run_scoped3A_72 = arith.constant 157 : i32
    "tpu.region"() ({
      %run_scoped3A_97 = tpu.sem_alloc : memref<!tpu.dma_semaphore, #tpu.memory_space<semaphore_mem>>
      %dma_start3A_98 = arith.constant 0 : i32
      %dma_start3A_99 = tpu.memref_slice %arg7[%run_scoped3A_72, %dma_start3A_98] : memref<160x125xi32, #tpu.memory_space<vmem>> -> memref<1x125xi32, #tpu.memory_space<vmem>>
      %dma_start3A_100 = tpu.memref_squeeze %dma_start3A_99 : memref<1x125xi32, #tpu.memory_space<vmem>> -> memref<125xi32, #tpu.memory_space<vmem>>
      %dma_start3A_101 = arith.constant 0 : i32
      %dma_start3A_102 = arith.constant 0 : i32
      %dma_start3A_103 = tpu.memref_slice %arg13[%dma_start3A_101, %dma_start3A_102] : memref<10240x64xf32, #tpu.memory_space<vmem_shared>> -> memref<10240x64xf32, #tpu.memory_space<vmem_shared>>
      tpu.enqueue_indirect_dma source(%arg9 : memref<125x64xf32, #tpu.memory_space<vmem>>) target(%dma_start3A_103 : memref<10240x64xf32, #tpu.memory_space<vmem_shared>>) offsets(%dma_start3A_100 : memref<125xi32, #tpu.memory_space<vmem>>) semaphore(%run_scoped3A_97 : memref<!tpu.dma_semaphore, #tpu.memory_space<semaphore_mem>>) {add = true}
      %dma_wait3A_104 = arith.constant 0 : i32
      %dma_wait3A_105 = tpu.memref_slice %arg7[%run_scoped3A_72, %dma_wait3A_104] : memref<160x125xi32, #tpu.memory_space<vmem>> -> memref<1x125xi32, #tpu.memory_space<vmem>>
      %dma_wait3A_106 = tpu.memref_squeeze %dma_wait3A_105 : memref<1x125xi32, #tpu.memory_space<vmem>> -> memref<125xi32, #tpu.memory_space<vmem>>
      %dma_wait3A_107 = arith.constant 0 : i32
      %dma_wait3A_108 = arith.constant 0 : i32
      %dma_wait3A_109 = tpu.memref_slice %arg13[%dma_wait3A_107, %dma_wait3A_108] : memref<10240x64xf32, #tpu.memory_space<vmem_shared>> -> memref<10240x64xf32, #tpu.memory_space<vmem_shared>>
      tpu.wait_indirect_dma semaphore(%run_scoped3A_97 : memref<!tpu.dma_semaphore, #tpu.memory_space<semaphore_mem>>) src(%arg9 : memref<125x64xf32, #tpu.memory_space<vmem>>) dst(%dma_wait3A_109 : memref<10240x64xf32, #tpu.memory_space<vmem_shared>>)
      tpu.yield
    }) : () -> ()
    %dma_wait3A_73 = arith.constant 0 : i32
    %dma_wait3A_74 = arith.constant 0 : i32
    %dma_wait3A_75 = tpu.memref_slice %arg6[%dma_wait3A_73, %dma_wait3A_74] : memref<160x125xi32, #tpu.memory_space<vmem>> -> memref<1x125xi32, #tpu.memory_space<vmem>>
    %dma_wait3A_76 = tpu.memref_squeeze %dma_wait3A_75 : memref<1x125xi32, #tpu.memory_space<vmem>> -> memref<125xi32, #tpu.memory_space<vmem>>
    %dma_wait3A_77 = arith.constant 0 : i32
    %dma_wait3A_78 = arith.constant 0 : i32
    %dma_wait3A_79 = tpu.memref_slice %arg2[%dma_wait3A_77, %dma_wait3A_78] : memref<20480x64xf32, #tpu.memory_space<hbm>> -> memref<20480x64xf32, #tpu.memory_space<hbm>>
    tpu.wait_indirect_dma semaphore(%arg16 : memref<!tpu.dma_semaphore, #tpu.memory_space<semaphore_mem>>) src(%dma_wait3A_79 : memref<20480x64xf32, #tpu.memory_space<hbm>>) dst(%arg10 : memref<125x64xf32, #tpu.memory_space<vmem>>)
    %run_scoped3A_80 = arith.constant 158 : i32
    "tpu.region"() ({
      %run_scoped3A_97 = tpu.sem_alloc : memref<!tpu.dma_semaphore, #tpu.memory_space<semaphore_mem>>
      %dma_start3A_98 = arith.constant 0 : i32
      %dma_start3A_99 = tpu.memref_slice %arg7[%run_scoped3A_80, %dma_start3A_98] : memref<160x125xi32, #tpu.memory_space<vmem>> -> memref<1x125xi32, #tpu.memory_space<vmem>>
      %dma_start3A_100 = tpu.memref_squeeze %dma_start3A_99 : memref<1x125xi32, #tpu.memory_space<vmem>> -> memref<125xi32, #tpu.memory_space<vmem>>
      %dma_start3A_101 = arith.constant 0 : i32
      %dma_start3A_102 = arith.constant 0 : i32
      %dma_start3A_103 = tpu.memref_slice %arg13[%dma_start3A_101, %dma_start3A_102] : memref<10240x64xf32, #tpu.memory_space<vmem_shared>> -> memref<10240x64xf32, #tpu.memory_space<vmem_shared>>
      tpu.enqueue_indirect_dma source(%arg10 : memref<125x64xf32, #tpu.memory_space<vmem>>) target(%dma_start3A_103 : memref<10240x64xf32, #tpu.memory_space<vmem_shared>>) offsets(%dma_start3A_100 : memref<125xi32, #tpu.memory_space<vmem>>) semaphore(%run_scoped3A_97 : memref<!tpu.dma_semaphore, #tpu.memory_space<semaphore_mem>>) {add = true}
      %dma_wait3A_104 = arith.constant 0 : i32
      %dma_wait3A_105 = tpu.memref_slice %arg7[%run_scoped3A_80, %dma_wait3A_104] : memref<160x125xi32, #tpu.memory_space<vmem>> -> memref<1x125xi32, #tpu.memory_space<vmem>>
      %dma_wait3A_106 = tpu.memref_squeeze %dma_wait3A_105 : memref<1x125xi32, #tpu.memory_space<vmem>> -> memref<125xi32, #tpu.memory_space<vmem>>
      %dma_wait3A_107 = arith.constant 0 : i32
      %dma_wait3A_108 = arith.constant 0 : i32
      %dma_wait3A_109 = tpu.memref_slice %arg13[%dma_wait3A_107, %dma_wait3A_108] : memref<10240x64xf32, #tpu.memory_space<vmem_shared>> -> memref<10240x64xf32, #tpu.memory_space<vmem_shared>>
      tpu.wait_indirect_dma semaphore(%run_scoped3A_97 : memref<!tpu.dma_semaphore, #tpu.memory_space<semaphore_mem>>) src(%arg10 : memref<125x64xf32, #tpu.memory_space<vmem>>) dst(%dma_wait3A_109 : memref<10240x64xf32, #tpu.memory_space<vmem_shared>>)
      tpu.yield
    }) : () -> ()
    %dma_wait3A_81 = arith.constant 0 : i32
    %dma_wait3A_82 = arith.constant 0 : i32
    %dma_wait3A_83 = tpu.memref_slice %arg6[%dma_wait3A_81, %dma_wait3A_82] : memref<160x125xi32, #tpu.memory_space<vmem>> -> memref<1x125xi32, #tpu.memory_space<vmem>>
    %dma_wait3A_84 = tpu.memref_squeeze %dma_wait3A_83 : memref<1x125xi32, #tpu.memory_space<vmem>> -> memref<125xi32, #tpu.memory_space<vmem>>
    %dma_wait3A_85 = arith.constant 0 : i32
    %dma_wait3A_86 = arith.constant 0 : i32
    %dma_wait3A_87 = tpu.memref_slice %arg2[%dma_wait3A_85, %dma_wait3A_86] : memref<20480x64xf32, #tpu.memory_space<hbm>> -> memref<20480x64xf32, #tpu.memory_space<hbm>>
    tpu.wait_indirect_dma semaphore(%arg17 : memref<!tpu.dma_semaphore, #tpu.memory_space<semaphore_mem>>) src(%dma_wait3A_87 : memref<20480x64xf32, #tpu.memory_space<hbm>>) dst(%arg11 : memref<125x64xf32, #tpu.memory_space<vmem>>)
    %run_scoped3A_88 = arith.constant 159 : i32
    "tpu.region"() ({
      %run_scoped3A_97 = tpu.sem_alloc : memref<!tpu.dma_semaphore, #tpu.memory_space<semaphore_mem>>
      %dma_start3A_98 = arith.constant 0 : i32
      %dma_start3A_99 = tpu.memref_slice %arg7[%run_scoped3A_88, %dma_start3A_98] : memref<160x125xi32, #tpu.memory_space<vmem>> -> memref<1x125xi32, #tpu.memory_space<vmem>>
      %dma_start3A_100 = tpu.memref_squeeze %dma_start3A_99 : memref<1x125xi32, #tpu.memory_space<vmem>> -> memref<125xi32, #tpu.memory_space<vmem>>
      %dma_start3A_101 = arith.constant 0 : i32
      %dma_start3A_102 = arith.constant 0 : i32
      %dma_start3A_103 = tpu.memref_slice %arg13[%dma_start3A_101, %dma_start3A_102] : memref<10240x64xf32, #tpu.memory_space<vmem_shared>> -> memref<10240x64xf32, #tpu.memory_space<vmem_shared>>
      tpu.enqueue_indirect_dma source(%arg11 : memref<125x64xf32, #tpu.memory_space<vmem>>) target(%dma_start3A_103 : memref<10240x64xf32, #tpu.memory_space<vmem_shared>>) offsets(%dma_start3A_100 : memref<125xi32, #tpu.memory_space<vmem>>) semaphore(%run_scoped3A_97 : memref<!tpu.dma_semaphore, #tpu.memory_space<semaphore_mem>>) {add = true}
      %dma_wait3A_104 = arith.constant 0 : i32
      %dma_wait3A_105 = tpu.memref_slice %arg7[%run_scoped3A_88, %dma_wait3A_104] : memref<160x125xi32, #tpu.memory_space<vmem>> -> memref<1x125xi32, #tpu.memory_space<vmem>>
      %dma_wait3A_106 = tpu.memref_squeeze %dma_wait3A_105 : memref<1x125xi32, #tpu.memory_space<vmem>> -> memref<125xi32, #tpu.memory_space<vmem>>
      %dma_wait3A_107 = arith.constant 0 : i32
      %dma_wait3A_108 = arith.constant 0 : i32
      %dma_wait3A_109 = tpu.memref_slice %arg13[%dma_wait3A_107, %dma_wait3A_108] : memref<10240x64xf32, #tpu.memory_space<vmem_shared>> -> memref<10240x64xf32, #tpu.memory_space<vmem_shared>>
      tpu.wait_indirect_dma semaphore(%run_scoped3A_97 : memref<!tpu.dma_semaphore, #tpu.memory_space<semaphore_mem>>) src(%arg11 : memref<125x64xf32, #tpu.memory_space<vmem>>) dst(%dma_wait3A_109 : memref<10240x64xf32, #tpu.memory_space<vmem_shared>>)
      tpu.yield
    }) : () -> ()
    %barrier3A_89 = arith.constant 0 : index
    tpu.barrier barrier_id(%barrier3A_89)
    %eq3A = arith.constant 0 : i32
    %eq3A_90 = arith.cmpi eq, %arg0, %eq3A : i32
    %convert_element_type3A = arith.extui %eq3A_90 : i1 to i32
    %cond3A = arith.constant 0 : i32
    %cond3A_91 = arith.cmpi ne, %convert_element_type3A, %cond3A : i32
    scf.if %cond3A_91 {
      %mul3A_97 = arith.constant 640 : i32
      %mul3A_98 = arith.muli %arg1, %mul3A_97 : i32
      %mul3A_99 = arith.constant 640 : i32
      %mul3A_100 = arith.muli %arg1, %mul3A_99 : i32
      "tpu.region"() ({
        %run_scoped3A_101 = tpu.sem_alloc : memref<!tpu.dma_semaphore, #tpu.memory_space<semaphore_mem>>
        %dma_start3A_102 = arith.constant 0 : i32
        %dma_start3A_103 = tpu.memref_slice %arg5[%mul3A_100, %dma_start3A_102] : memref<10240x128xf32, #tpu.memory_space<hbm>> -> memref<640x64xf32, #tpu.memory_space<hbm>>
        %dma_start3A_104 = arith.constant 0 : i32
        %dma_start3A_105 = tpu.memref_slice %arg13[%mul3A_98, %dma_start3A_104] : memref<10240x64xf32, #tpu.memory_space<vmem_shared>> -> memref<640x64xf32, #tpu.memory_space<vmem_shared>>
        tpu.enqueue_dma source(%dma_start3A_105 : memref<640x64xf32, #tpu.memory_space<vmem_shared>>) target(%dma_start3A_103 : memref<640x64xf32, #tpu.memory_space<hbm>>) target_semaphore(%run_scoped3A_101 : memref<!tpu.dma_semaphore, #tpu.memory_space<semaphore_mem>>)
        %dma_wait3A_106 = arith.constant 0 : i32
        %dma_wait3A_107 = tpu.memref_slice %arg5[%mul3A_100, %dma_wait3A_106] : memref<10240x128xf32, #tpu.memory_space<hbm>> -> memref<640x64xf32, #tpu.memory_space<hbm>>
        %dma_wait3A_108 = arith.constant 0 : i32
        %dma_wait3A_109 = tpu.memref_slice %arg13[%mul3A_98, %dma_wait3A_108] : memref<10240x64xf32, #tpu.memory_space<vmem_shared>> -> memref<640x64xf32, #tpu.memory_space<vmem_shared>>
        tpu.wait_dma2 semaphore(%run_scoped3A_101 : memref<!tpu.dma_semaphore, #tpu.memory_space<semaphore_mem>>) src(%dma_wait3A_109 : memref<640x64xf32, #tpu.memory_space<vmem_shared>>) dst(%dma_wait3A_107 : memref<640x64xf32, #tpu.memory_space<hbm>>)
        tpu.yield
      }) : () -> ()
    } else {
    }
    %eq3A_92 = arith.constant 1 : i32
    %eq3A_93 = arith.cmpi eq, %arg0, %eq3A_92 : i32
    %convert_element_type3A_94 = arith.extui %eq3A_93 : i1 to i32
    %cond3A_95 = arith.constant 0 : i32
    %cond3A_96 = arith.cmpi ne, %convert_element_type3A_94, %cond3A_95 : i32
    scf.if %cond3A_96 {
      %mul3A_97 = arith.constant 640 : i32
      %mul3A_98 = arith.muli %arg1, %mul3A_97 : i32
      %mul3A_99 = arith.constant 640 : i32
      %mul3A_100 = arith.muli %arg1, %mul3A_99 : i32
      "tpu.region"() ({
        %run_scoped3A_101 = tpu.sem_alloc : memref<!tpu.dma_semaphore, #tpu.memory_space<semaphore_mem>>
        %dma_start3A_102 = arith.constant 64 : i32
        %dma_start3A_103 = tpu.memref_slice %arg5[%mul3A_100, %dma_start3A_102] : memref<10240x128xf32, #tpu.memory_space<hbm>> -> memref<640x64xf32, #tpu.memory_space<hbm>>
        %dma_start3A_104 = arith.constant 0 : i32
        %dma_start3A_105 = tpu.memref_slice %arg13[%mul3A_98, %dma_start3A_104] : memref<10240x64xf32, #tpu.memory_space<vmem_shared>> -> memref<640x64xf32, #tpu.memory_space<vmem_shared>>
        tpu.enqueue_dma source(%dma_start3A_105 : memref<640x64xf32, #tpu.memory_space<vmem_shared>>) target(%dma_start3A_103 : memref<640x64xf32, #tpu.memory_space<hbm>>) target_semaphore(%run_scoped3A_101 : memref<!tpu.dma_semaphore, #tpu.memory_space<semaphore_mem>>)
        %dma_wait3A_106 = arith.constant 64 : i32
        %dma_wait3A_107 = tpu.memref_slice %arg5[%mul3A_100, %dma_wait3A_106] : memref<10240x128xf32, #tpu.memory_space<hbm>> -> memref<640x64xf32, #tpu.memory_space<hbm>>
        %dma_wait3A_108 = arith.constant 0 : i32
        %dma_wait3A_109 = tpu.memref_slice %arg13[%mul3A_98, %dma_wait3A_108] : memref<10240x64xf32, #tpu.memory_space<vmem_shared>> -> memref<640x64xf32, #tpu.memory_space<vmem_shared>>
        tpu.wait_dma2 semaphore(%run_scoped3A_101 : memref<!tpu.dma_semaphore, #tpu.memory_space<semaphore_mem>>) src(%dma_wait3A_109 : memref<640x64xf32, #tpu.memory_space<vmem_shared>>) dst(%dma_wait3A_107 : memref<640x64xf32, #tpu.memory_space<hbm>>)
        tpu.yield
      }) : () -> ()
    } else {
    }
    return
  }
}

#map = affine_map<(d0, d1) -> (0, 0)>
#map1 = affine_map<(d0, d1) -> (0, 0, 0, 0)>
#map2 = affine_map<(d0, d1) -> (0, 0, 0)>
module attributes {stable_mosaic.version = 14 : i64} {
  func.func @sc_segsum(%arg0: i32, %arg1: i32, %arg2: memref<20480x64xf32, #tpu.memory_space<hbm>>, %arg3: memref<2x16x160x125xi32, #tpu.memory_space<hbm>>, %arg4: memref<16x160x125xi32, #tpu.memory_space<hbm>>, %arg5: memref<10240x128xf32, #tpu.memory_space<hbm>>, %arg6: memref<160x125xi32, #tpu.memory_space<vmem>>, %arg7: memref<160x125xi32, #tpu.memory_space<vmem>>, %arg8: memref<125x64xf32, #tpu.memory_space<vmem>>, %arg9: memref<125x64xf32, #tpu.memory_space<vmem>>, %arg10: memref<125x64xf32, #tpu.memory_space<vmem>>, %arg11: memref<125x64xf32, #tpu.memory_space<vmem>>, %arg12: memref<128x64xf32, #tpu.memory_space<vmem>>, %arg13: memref<10240x64xf32, #tpu.memory_space<vmem_shared>>, %arg14: memref<!tpu.dma_semaphore, #tpu.memory_space<semaphore_mem>>, %arg15: memref<!tpu.dma_semaphore, #tpu.memory_space<semaphore_mem>>, %arg16: memref<!tpu.dma_semaphore, #tpu.memory_space<semaphore_mem>>, %arg17: memref<!tpu.dma_semaphore, #tpu.memory_space<semaphore_mem>>) attributes {dimension_semantics = [#tpu.dimension_semantics<core_parallel>, #tpu.dimension_semantics<subcore_parallel>], iteration_bounds = array<i64: 2, 16>, scalar_prefetch = 0 : i64, scratch_operands = 12 : i64, tpu.core_type = #tpu.core_type<sc_vector_subcore>, window_params = [{transform_indices = #map}, {transform_indices = #map1}, {transform_indices = #map2}, {transform_indices = #map}]} {
    %broadcast_in_dim3A = arith.constant 0.000000e+00 : f32
    %broadcast_in_dim3A_0 = vector.broadcast %broadcast_in_dim3A : f32 to vector<16xf32>
    %scan3A = arith.constant 0 : i32
    %scan3A_1 = arith.constant 0 : i32
    %scan3A_2 = arith.constant 512 : i32
    %scan3A_3 = arith.addi %scan3A_1, %scan3A_2 : i32
    %scan3A_4 = arith.constant 1 : i32
    %scan3A_5 = scf.for %scan3A_97 = %scan3A_1 to %scan3A_3 step %scan3A_4 iter_args(%scan3A_98 = %scan3A) -> (i32)  : i32 {
      %jit3A = arith.constant 4 : i32
      %div3A = arith.divsi %scan3A_97, %jit3A : i32
      %sign3A = arith.constant 0 : i32
      %sign3A_99 = arith.cmpi sgt, %scan3A_97, %sign3A : i32
      %sign3A_100 = arith.extui %sign3A_99 : i1 to i32
      %sign3A_101 = arith.constant 0 : i32
      %sign3A_102 = arith.cmpi slt, %scan3A_97, %sign3A_101 : i32
      %sign3A_103 = arith.extui %sign3A_102 : i1 to i32
      %sign3A_104 = arith.subi %sign3A_100, %sign3A_103 : i32
      %sign3A_105 = arith.constant 0 : i32
      %sign3A_106 = arith.cmpi sgt, %jit3A, %sign3A_105 : i32
      %sign3A_107 = arith.extui %sign3A_106 : i1 to i32
      %sign3A_108 = arith.constant 0 : i32
      %sign3A_109 = arith.cmpi slt, %jit3A, %sign3A_108 : i32
      %sign3A_110 = arith.extui %sign3A_109 : i1 to i32
      %sign3A_111 = arith.subi %sign3A_107, %sign3A_110 : i32
      %ne3A = arith.cmpi ne, %sign3A_104, %sign3A_111 : i32
      %rem3A = arith.remsi %scan3A_97, %jit3A : i32
      %ne3A_112 = arith.constant 0 : i32
      %ne3A_113 = arith.cmpi ne, %rem3A, %ne3A_112 : i32
      %and3A = arith.andi %ne3A, %ne3A_113 : i1
      %sub3A = arith.constant 1 : i32
      %sub3A_114 = arith.subi %div3A, %sub3A : i32
      %select_n3A = arith.select %and3A, %sub3A_114, %div3A : i32
      %jit3A_115 = arith.constant 4 : i32
      %eq3A_116 = arith.constant 0 : i32
      %eq3A_117 = arith.cmpi eq, %jit3A_115, %eq3A_116 : i32
      %jit3A_118 = arith.constant 1 : i32
      %select_n3A_119 = arith.select %eq3A_117, %jit3A_118, %jit3A_115 : i32
      %rem3A_120 = arith.remsi %scan3A_97, %select_n3A_119 : i32
      %ne3A_121 = arith.constant 0 : i32
      %ne3A_122 = arith.cmpi ne, %rem3A_120, %ne3A_121 : i32
      %lt3A = arith.constant 0 : i32
      %lt3A_123 = arith.cmpi slt, %rem3A_120, %lt3A : i32
      %lt3A_124 = arith.constant 0 : i32
      %lt3A_125 = arith.cmpi slt, %select_n3A_119, %lt3A_124 : i32
      %ne3A_126 = arith.xori %lt3A_123, %lt3A_125 : i1
      %and3A_127 = arith.andi %ne3A_126, %ne3A_122 : i1
      %add3A_128 = arith.addi %rem3A_120, %select_n3A_119 : i32
      %select_n3A_129 = arith.select %and3A_127, %add3A_128, %rem3A_120 : i32
      %mul3A_130 = arith.constant 16 : i32
      %mul3A_131 = arith.muli %select_n3A_129, %mul3A_130 : i32
      %swap3A = arith.index_cast %select_n3A : i32 to index
      %swap3A_132 = arith.index_cast %mul3A_131 : i32 to index
      %swap3A_133 = tpu.vector_load %arg12[%swap3A, %swap3A_132] {strides = array<i32>} : memref<128x64xf32, #tpu.memory_space<vmem>>, vector<1x16xf32>,
      %swap3A_134 = vector.shape_cast %swap3A_133 : vector<1x16xf32> to vector<16xf32>
      %swap3A_135 = vector.shape_cast %broadcast_in_dim3A_0 : vector<16xf32> to vector<1x16xf32>
      tpu.vector_store %arg12[%swap3A, %swap3A_132], %swap3A_135 {strides = array<i32>} : memref<128x64xf32, #tpu.memory_space<vmem>>, vector<1x16xf32>,
      %scan3A_136 = arith.constant 0 : i32
      scf.yield %scan3A_136 : i32
    }
    %scan3A_6 = arith.constant 512 : i32
    %mul3A = arith.constant 640 : i32
    %mul3A_7 = arith.muli %arg1, %mul3A : i32
    %add3A = arith.constant 0 : i32
    %add3A_8 = arith.addi %mul3A_7, %add3A : i32
    "tpu.region"() ({
      %run_scoped3A_97 = tpu.sem_alloc : memref<!tpu.dma_semaphore, #tpu.memory_space<semaphore_mem>>
      %dma_start3A_98 = arith.constant 0 : i32
      %dma_start3A_99 = arith.constant 0 : i32
      %dma_start3A_100 = tpu.memref_slice %arg12[%dma_start3A_98, %dma_start3A_99] : memref<128x64xf32, #tpu.memory_space<vmem>> -> memref<128x64xf32, #tpu.memory_space<vmem>>
      %dma_start3A_101 = arith.constant 0 : i32
      %dma_start3A_102 = tpu.memref_slice %arg13[%add3A_8, %dma_start3A_101] : memref<10240x64xf32, #tpu.memory_space<vmem_shared>> -> memref<128x64xf32, #tpu.memory_space<vmem_shared>>
      %dma_start3A_103 = arith.constant 0 : i32
      %dma_start3A_104 = tpu.memref_slice %arg13[%add3A_8, %dma_start3A_103] : memref<10240x64xf32, #tpu.memory_space<vmem_shared>> -> memref<128x64xf32, #tpu.memory_space<vmem_shared>>
      %dma_start3A_105 = arith.constant 0 : i32
      %dma_start3A_106 = arith.constant 0 : i32
      %dma_start3A_107 = tpu.memref_slice %arg12[%dma_start3A_105, %dma_start3A_106] : memref<128x64xf32, #tpu.memory_space<vmem>> -> memref<128x64xf32, #tpu.memory_space<vmem>>
      tpu.enqueue_dma source(%dma_start3A_107 : memref<128x64xf32, #tpu.memory_space<vmem>>) target(%dma_start3A_104 : memref<128x64xf32, #tpu.memory_space<vmem_shared>>) target_semaphore(%run_scoped3A_97 : memref<!tpu.dma_semaphore, #tpu.memory_space<semaphore_mem>>)
      %dma_wait3A_108 = arith.constant 0 : i32
      %dma_wait3A_109 = arith.constant 0 : i32
      %dma_wait3A_110 = tpu.memref_slice %arg12[%dma_wait3A_108, %dma_wait3A_109] : memref<128x64xf32, #tpu.memory_space<vmem>> -> memref<128x64xf32, #tpu.memory_space<vmem>>
      %dma_wait3A_111 = arith.constant 0 : i32
      %dma_wait3A_112 = tpu.memref_slice %arg13[%add3A_8, %dma_wait3A_111] : memref<10240x64xf32, #tpu.memory_space<vmem_shared>> -> memref<128x64xf32, #tpu.memory_space<vmem_shared>>
      %dma_wait3A_113 = arith.constant 0 : i32
      %dma_wait3A_114 = tpu.memref_slice %arg13[%add3A_8, %dma_wait3A_113] : memref<10240x64xf32, #tpu.memory_space<vmem_shared>> -> memref<128x64xf32, #tpu.memory_space<vmem_shared>>
      %dma_wait3A_115 = arith.constant 0 : i32
      %dma_wait3A_116 = arith.constant 0 : i32
      %dma_wait3A_117 = tpu.memref_slice %arg12[%dma_wait3A_115, %dma_wait3A_116] : memref<128x64xf32, #tpu.memory_space<vmem>> -> memref<128x64xf32, #tpu.memory_space<vmem>>
      tpu.wait_dma2 semaphore(%run_scoped3A_97 : memref<!tpu.dma_semaphore, #tpu.memory_space<semaphore_mem>>) src(%dma_wait3A_117 : memref<128x64xf32, #tpu.memory_space<vmem>>) dst(%dma_wait3A_114 : memref<128x64xf32, #tpu.memory_space<vmem_shared>>)
      tpu.yield
    }) : () -> ()
    %mul3A_9 = arith.constant 640 : i32
    %mul3A_10 = arith.muli %arg1, %mul3A_9 : i32
    %add3A_11 = arith.constant 128 : i32
    %add3A_12 = arith.addi %mul3A_10, %add3A_11 : i32
    "tpu.region"() ({
      %run_scoped3A_97 = tpu.sem_alloc : memref<!tpu.dma_semaphore, #tpu.memory_space<semaphore_mem>>
      %dma_start3A_98 = arith.constant 0 : i32
      %dma_start3A_99 = arith.constant 0 : i32
      %dma_start3A_100 = tpu.memref_slice %arg12[%dma_start3A_98, %dma_start3A_99] : memref<128x64xf32, #tpu.memory_space<vmem>> -> memref<128x64xf32, #tpu.memory_space<vmem>>
      %dma_start3A_101 = arith.constant 0 : i32
      %dma_start3A_102 = tpu.memref_slice %arg13[%add3A_12, %dma_start3A_101] : memref<10240x64xf32, #tpu.memory_space<vmem_shared>> -> memref<128x64xf32, #tpu.memory_space<vmem_shared>>
      %dma_start3A_103 = arith.constant 0 : i32
      %dma_start3A_104 = tpu.memref_slice %arg13[%add3A_12, %dma_start3A_103] : memref<10240x64xf32, #tpu.memory_space<vmem_shared>> -> memref<128x64xf32, #tpu.memory_space<vmem_shared>>
      %dma_start3A_105 = arith.constant 0 : i32
      %dma_start3A_106 = arith.constant 0 : i32
      %dma_start3A_107 = tpu.memref_slice %arg12[%dma_start3A_105, %dma_start3A_106] : memref<128x64xf32, #tpu.memory_space<vmem>> -> memref<128x64xf32, #tpu.memory_space<vmem>>
      tpu.enqueue_dma source(%dma_start3A_107 : memref<128x64xf32, #tpu.memory_space<vmem>>) target(%dma_start3A_104 : memref<128x64xf32, #tpu.memory_space<vmem_shared>>) target_semaphore(%run_scoped3A_97 : memref<!tpu.dma_semaphore, #tpu.memory_space<semaphore_mem>>)
      %dma_wait3A_108 = arith.constant 0 : i32
      %dma_wait3A_109 = arith.constant 0 : i32
      %dma_wait3A_110 = tpu.memref_slice %arg12[%dma_wait3A_108, %dma_wait3A_109] : memref<128x64xf32, #tpu.memory_space<vmem>> -> memref<128x64xf32, #tpu.memory_space<vmem>>
      %dma_wait3A_111 = arith.constant 0 : i32
      %dma_wait3A_112 = tpu.memref_slice %arg13[%add3A_12, %dma_wait3A_111] : memref<10240x64xf32, #tpu.memory_space<vmem_shared>> -> memref<128x64xf32, #tpu.memory_space<vmem_shared>>
      %dma_wait3A_113 = arith.constant 0 : i32
      %dma_wait3A_114 = tpu.memref_slice %arg13[%add3A_12, %dma_wait3A_113] : memref<10240x64xf32, #tpu.memory_space<vmem_shared>> -> memref<128x64xf32, #tpu.memory_space<vmem_shared>>
      %dma_wait3A_115 = arith.constant 0 : i32
      %dma_wait3A_116 = arith.constant 0 : i32
      %dma_wait3A_117 = tpu.memref_slice %arg12[%dma_wait3A_115, %dma_wait3A_116] : memref<128x64xf32, #tpu.memory_space<vmem>> -> memref<128x64xf32, #tpu.memory_space<vmem>>
      tpu.wait_dma2 semaphore(%run_scoped3A_97 : memref<!tpu.dma_semaphore, #tpu.memory_space<semaphore_mem>>) src(%dma_wait3A_117 : memref<128x64xf32, #tpu.memory_space<vmem>>) dst(%dma_wait3A_114 : memref<128x64xf32, #tpu.memory_space<vmem_shared>>)
      tpu.yield
    }) : () -> ()
    %mul3A_13 = arith.constant 640 : i32
    %mul3A_14 = arith.muli %arg1, %mul3A_13 : i32
    %add3A_15 = arith.constant 256 : i32
    %add3A_16 = arith.addi %mul3A_14, %add3A_15 : i32
    "tpu.region"() ({
      %run_scoped3A_97 = tpu.sem_alloc : memref<!tpu.dma_semaphore, #tpu.memory_space<semaphore_mem>>
      %dma_start3A_98 = arith.constant 0 : i32
      %dma_start3A_99 = arith.constant 0 : i32
      %dma_start3A_100 = tpu.memref_slice %arg12[%dma_start3A_98, %dma_start3A_99] : memref<128x64xf32, #tpu.memory_space<vmem>> -> memref<128x64xf32, #tpu.memory_space<vmem>>
      %dma_start3A_101 = arith.constant 0 : i32
      %dma_start3A_102 = tpu.memref_slice %arg13[%add3A_16, %dma_start3A_101] : memref<10240x64xf32, #tpu.memory_space<vmem_shared>> -> memref<128x64xf32, #tpu.memory_space<vmem_shared>>
      %dma_start3A_103 = arith.constant 0 : i32
      %dma_start3A_104 = tpu.memref_slice %arg13[%add3A_16, %dma_start3A_103] : memref<10240x64xf32, #tpu.memory_space<vmem_shared>> -> memref<128x64xf32, #tpu.memory_space<vmem_shared>>
      %dma_start3A_105 = arith.constant 0 : i32
      %dma_start3A_106 = arith.constant 0 : i32
      %dma_start3A_107 = tpu.memref_slice %arg12[%dma_start3A_105, %dma_start3A_106] : memref<128x64xf32, #tpu.memory_space<vmem>> -> memref<128x64xf32, #tpu.memory_space<vmem>>
      tpu.enqueue_dma source(%dma_start3A_107 : memref<128x64xf32, #tpu.memory_space<vmem>>) target(%dma_start3A_104 : memref<128x64xf32, #tpu.memory_space<vmem_shared>>) target_semaphore(%run_scoped3A_97 : memref<!tpu.dma_semaphore, #tpu.memory_space<semaphore_mem>>)
      %dma_wait3A_108 = arith.constant 0 : i32
      %dma_wait3A_109 = arith.constant 0 : i32
      %dma_wait3A_110 = tpu.memref_slice %arg12[%dma_wait3A_108, %dma_wait3A_109] : memref<128x64xf32, #tpu.memory_space<vmem>> -> memref<128x64xf32, #tpu.memory_space<vmem>>
      %dma_wait3A_111 = arith.constant 0 : i32
      %dma_wait3A_112 = tpu.memref_slice %arg13[%add3A_16, %dma_wait3A_111] : memref<10240x64xf32, #tpu.memory_space<vmem_shared>> -> memref<128x64xf32, #tpu.memory_space<vmem_shared>>
      %dma_wait3A_113 = arith.constant 0 : i32
      %dma_wait3A_114 = tpu.memref_slice %arg13[%add3A_16, %dma_wait3A_113] : memref<10240x64xf32, #tpu.memory_space<vmem_shared>> -> memref<128x64xf32, #tpu.memory_space<vmem_shared>>
      %dma_wait3A_115 = arith.constant 0 : i32
      %dma_wait3A_116 = arith.constant 0 : i32
      %dma_wait3A_117 = tpu.memref_slice %arg12[%dma_wait3A_115, %dma_wait3A_116] : memref<128x64xf32, #tpu.memory_space<vmem>> -> memref<128x64xf32, #tpu.memory_space<vmem>>
      tpu.wait_dma2 semaphore(%run_scoped3A_97 : memref<!tpu.dma_semaphore, #tpu.memory_space<semaphore_mem>>) src(%dma_wait3A_117 : memref<128x64xf32, #tpu.memory_space<vmem>>) dst(%dma_wait3A_114 : memref<128x64xf32, #tpu.memory_space<vmem_shared>>)
      tpu.yield
    }) : () -> ()
    %mul3A_17 = arith.constant 640 : i32
    %mul3A_18 = arith.muli %arg1, %mul3A_17 : i32
    %add3A_19 = arith.constant 384 : i32
    %add3A_20 = arith.addi %mul3A_18, %add3A_19 : i32
    "tpu.region"() ({
      %run_scoped3A_97 = tpu.sem_alloc : memref<!tpu.dma_semaphore, #tpu.memory_space<semaphore_mem>>
      %dma_start3A_98 = arith.constant 0 : i32
      %dma_start3A_99 = arith.constant 0 : i32
      %dma_start3A_100 = tpu.memref_slice %arg12[%dma_start3A_98, %dma_start3A_99] : memref<128x64xf32, #tpu.memory_space<vmem>> -> memref<128x64xf32, #tpu.memory_space<vmem>>
      %dma_start3A_101 = arith.constant 0 : i32
      %dma_start3A_102 = tpu.memref_slice %arg13[%add3A_20, %dma_start3A_101] : memref<10240x64xf32, #tpu.memory_space<vmem_shared>> -> memref<128x64xf32, #tpu.memory_space<vmem_shared>>
      %dma_start3A_103 = arith.constant 0 : i32
      %dma_start3A_104 = tpu.memref_slice %arg13[%add3A_20, %dma_start3A_103] : memref<10240x64xf32, #tpu.memory_space<vmem_shared>> -> memref<128x64xf32, #tpu.memory_space<vmem_shared>>
      %dma_start3A_105 = arith.constant 0 : i32
      %dma_start3A_106 = arith.constant 0 : i32
      %dma_start3A_107 = tpu.memref_slice %arg12[%dma_start3A_105, %dma_start3A_106] : memref<128x64xf32, #tpu.memory_space<vmem>> -> memref<128x64xf32, #tpu.memory_space<vmem>>
      tpu.enqueue_dma source(%dma_start3A_107 : memref<128x64xf32, #tpu.memory_space<vmem>>) target(%dma_start3A_104 : memref<128x64xf32, #tpu.memory_space<vmem_shared>>) target_semaphore(%run_scoped3A_97 : memref<!tpu.dma_semaphore, #tpu.memory_space<semaphore_mem>>)
      %dma_wait3A_108 = arith.constant 0 : i32
      %dma_wait3A_109 = arith.constant 0 : i32
      %dma_wait3A_110 = tpu.memref_slice %arg12[%dma_wait3A_108, %dma_wait3A_109] : memref<128x64xf32, #tpu.memory_space<vmem>> -> memref<128x64xf32, #tpu.memory_space<vmem>>
      %dma_wait3A_111 = arith.constant 0 : i32
      %dma_wait3A_112 = tpu.memref_slice %arg13[%add3A_20, %dma_wait3A_111] : memref<10240x64xf32, #tpu.memory_space<vmem_shared>> -> memref<128x64xf32, #tpu.memory_space<vmem_shared>>
      %dma_wait3A_113 = arith.constant 0 : i32
      %dma_wait3A_114 = tpu.memref_slice %arg13[%add3A_20, %dma_wait3A_113] : memref<10240x64xf32, #tpu.memory_space<vmem_shared>> -> memref<128x64xf32, #tpu.memory_space<vmem_shared>>
      %dma_wait3A_115 = arith.constant 0 : i32
      %dma_wait3A_116 = arith.constant 0 : i32
      %dma_wait3A_117 = tpu.memref_slice %arg12[%dma_wait3A_115, %dma_wait3A_116] : memref<128x64xf32, #tpu.memory_space<vmem>> -> memref<128x64xf32, #tpu.memory_space<vmem>>
      tpu.wait_dma2 semaphore(%run_scoped3A_97 : memref<!tpu.dma_semaphore, #tpu.memory_space<semaphore_mem>>) src(%dma_wait3A_117 : memref<128x64xf32, #tpu.memory_space<vmem>>) dst(%dma_wait3A_114 : memref<128x64xf32, #tpu.memory_space<vmem_shared>>)
      tpu.yield
    }) : () -> ()
    %mul3A_21 = arith.constant 640 : i32
    %mul3A_22 = arith.muli %arg1, %mul3A_21 : i32
    %add3A_23 = arith.constant 512 : i32
    %add3A_24 = arith.addi %mul3A_22, %add3A_23 : i32
    "tpu.region"() ({
      %run_scoped3A_97 = tpu.sem_alloc : memref<!tpu.dma_semaphore, #tpu.memory_space<semaphore_mem>>
      %dma_start3A_98 = arith.constant 0 : i32
      %dma_start3A_99 = arith.constant 0 : i32
      %dma_start3A_100 = tpu.memref_slice %arg12[%dma_start3A_98, %dma_start3A_99] : memref<128x64xf32, #tpu.memory_space<vmem>> -> memref<128x64xf32, #tpu.memory_space<vmem>>
      %dma_start3A_101 = arith.constant 0 : i32
      %dma_start3A_102 = tpu.memref_slice %arg13[%add3A_24, %dma_start3A_101] : memref<10240x64xf32, #tpu.memory_space<vmem_shared>> -> memref<128x64xf32, #tpu.memory_space<vmem_shared>>
      %dma_start3A_103 = arith.constant 0 : i32
      %dma_start3A_104 = tpu.memref_slice %arg13[%add3A_24, %dma_start3A_103] : memref<10240x64xf32, #tpu.memory_space<vmem_shared>> -> memref<128x64xf32, #tpu.memory_space<vmem_shared>>
      %dma_start3A_105 = arith.constant 0 : i32
      %dma_start3A_106 = arith.constant 0 : i32
      %dma_start3A_107 = tpu.memref_slice %arg12[%dma_start3A_105, %dma_start3A_106] : memref<128x64xf32, #tpu.memory_space<vmem>> -> memref<128x64xf32, #tpu.memory_space<vmem>>
      tpu.enqueue_dma source(%dma_start3A_107 : memref<128x64xf32, #tpu.memory_space<vmem>>) target(%dma_start3A_104 : memref<128x64xf32, #tpu.memory_space<vmem_shared>>) target_semaphore(%run_scoped3A_97 : memref<!tpu.dma_semaphore, #tpu.memory_space<semaphore_mem>>)
      %dma_wait3A_108 = arith.constant 0 : i32
      %dma_wait3A_109 = arith.constant 0 : i32
      %dma_wait3A_110 = tpu.memref_slice %arg12[%dma_wait3A_108, %dma_wait3A_109] : memref<128x64xf32, #tpu.memory_space<vmem>> -> memref<128x64xf32, #tpu.memory_space<vmem>>
      %dma_wait3A_111 = arith.constant 0 : i32
      %dma_wait3A_112 = tpu.memref_slice %arg13[%add3A_24, %dma_wait3A_111] : memref<10240x64xf32, #tpu.memory_space<vmem_shared>> -> memref<128x64xf32, #tpu.memory_space<vmem_shared>>
      %dma_wait3A_113 = arith.constant 0 : i32
      %dma_wait3A_114 = tpu.memref_slice %arg13[%add3A_24, %dma_wait3A_113] : memref<10240x64xf32, #tpu.memory_space<vmem_shared>> -> memref<128x64xf32, #tpu.memory_space<vmem_shared>>
      %dma_wait3A_115 = arith.constant 0 : i32
      %dma_wait3A_116 = arith.constant 0 : i32
      %dma_wait3A_117 = tpu.memref_slice %arg12[%dma_wait3A_115, %dma_wait3A_116] : memref<128x64xf32, #tpu.memory_space<vmem>> -> memref<128x64xf32, #tpu.memory_space<vmem>>
      tpu.wait_dma2 semaphore(%run_scoped3A_97 : memref<!tpu.dma_semaphore, #tpu.memory_space<semaphore_mem>>) src(%dma_wait3A_117 : memref<128x64xf32, #tpu.memory_space<vmem>>) dst(%dma_wait3A_114 : memref<128x64xf32, #tpu.memory_space<vmem_shared>>)
      tpu.yield
    }) : () -> ()
    %barrier3A = arith.constant 0 : index
    tpu.barrier barrier_id(%barrier3A)
    "tpu.region"() ({
      %run_scoped3A_97 = tpu.sem_alloc : memref<!tpu.dma_semaphore, #tpu.memory_space<semaphore_mem>>
      %dma_start3A_98 = arith.constant 0 : i32
      %dma_start3A_99 = arith.constant 0 : i32
      %dma_start3A_100 = arith.constant 0 : i32
      %dma_start3A_101 = tpu.memref_slice %arg3[%arg0, %dma_start3A_98, %dma_start3A_99, %dma_start3A_100] : memref<2x16x160x125xi32, #tpu.memory_space<hbm>> -> memref<1x16x160x125xi32, #tpu.memory_space<hbm>>
      %dma_start3A_102 = tpu.memref_squeeze %dma_start3A_101 : memref<1x16x160x125xi32, #tpu.memory_space<hbm>> -> memref<16x160x125xi32, #tpu.memory_space<hbm>>
      %dma_start3A_103 = arith.constant 0 : i32
      %dma_start3A_104 = arith.constant 0 : i32
      %dma_start3A_105 = tpu.memref_slice %dma_start3A_102[%arg1, %dma_start3A_103, %dma_start3A_104] : memref<16x160x125xi32, #tpu.memory_space<hbm>> -> memref<1x160x125xi32, #tpu.memory_space<hbm>>
      %dma_start3A_106 = tpu.memref_squeeze %dma_start3A_105 : memref<1x160x125xi32, #tpu.memory_space<hbm>> -> memref<160x125xi32, #tpu.memory_space<hbm>>
      %dma_start3A_107 = arith.constant 0 : i32
      %dma_start3A_108 = arith.constant 0 : i32
      %dma_start3A_109 = arith.constant 0 : i32
      %dma_start3A_110 = tpu.memref_slice %arg3[%arg0, %dma_start3A_107, %dma_start3A_108, %dma_start3A_109] : memref<2x16x160x125xi32, #tpu.memory_space<hbm>> -> memref<1x16x160x125xi32, #tpu.memory_space<hbm>>
      %dma_start3A_111 = tpu.memref_squeeze %dma_start3A_110 : memref<1x16x160x125xi32, #tpu.memory_space<hbm>> -> memref<16x160x125xi32, #tpu.memory_space<hbm>>
      %dma_start3A_112 = arith.constant 0 : i32
      %dma_start3A_113 = arith.constant 0 : i32
      %dma_start3A_114 = tpu.memref_slice %dma_start3A_111[%arg1, %dma_start3A_112, %dma_start3A_113] : memref<16x160x125xi32, #tpu.memory_space<hbm>> -> memref<1x160x125xi32, #tpu.memory_space<hbm>>
      %dma_start3A_115 = tpu.memref_squeeze %dma_start3A_114 : memref<1x160x125xi32, #tpu.memory_space<hbm>> -> memref<160x125xi32, #tpu.memory_space<hbm>>
      tpu.enqueue_dma source(%dma_start3A_115 : memref<160x125xi32, #tpu.memory_space<hbm>>) target(%arg6 : memref<160x125xi32, #tpu.memory_space<vmem>>) target_semaphore(%run_scoped3A_97 : memref<!tpu.dma_semaphore, #tpu.memory_space<semaphore_mem>>)
      %dma_wait3A_116 = arith.constant 0 : i32
      %dma_wait3A_117 = arith.constant 0 : i32
      %dma_wait3A_118 = arith.constant 0 : i32
      %dma_wait3A_119 = tpu.memref_slice %arg3[%arg0, %dma_wait3A_116, %dma_wait3A_117, %dma_wait3A_118] : memref<2x16x160x125xi32, #tpu.memory_space<hbm>> -> memref<1x16x160x125xi32, #tpu.memory_space<hbm>>
      %dma_wait3A_120 = tpu.memref_squeeze %dma_wait3A_119 : memref<1x16x160x125xi32, #tpu.memory_space<hbm>> -> memref<16x160x125xi32, #tpu.memory_space<hbm>>
      %dma_wait3A_121 = arith.constant 0 : i32
      %dma_wait3A_122 = arith.constant 0 : i32
      %dma_wait3A_123 = tpu.memref_slice %dma_wait3A_120[%arg1, %dma_wait3A_121, %dma_wait3A_122] : memref<16x160x125xi32, #tpu.memory_space<hbm>> -> memref<1x160x125xi32, #tpu.memory_space<hbm>>
      %dma_wait3A_124 = tpu.memref_squeeze %dma_wait3A_123 : memref<1x160x125xi32, #tpu.memory_space<hbm>> -> memref<160x125xi32, #tpu.memory_space<hbm>>
      %dma_wait3A_125 = arith.constant 0 : i32
      %dma_wait3A_126 = arith.constant 0 : i32
      %dma_wait3A_127 = arith.constant 0 : i32
      %dma_wait3A_128 = tpu.memref_slice %arg3[%arg0, %dma_wait3A_125, %dma_wait3A_126, %dma_wait3A_127] : memref<2x16x160x125xi32, #tpu.memory_space<hbm>> -> memref<1x16x160x125xi32, #tpu.memory_space<hbm>>
      %dma_wait3A_129 = tpu.memref_squeeze %dma_wait3A_128 : memref<1x16x160x125xi32, #tpu.memory_space<hbm>> -> memref<16x160x125xi32, #tpu.memory_space<hbm>>
      %dma_wait3A_130 = arith.constant 0 : i32
      %dma_wait3A_131 = arith.constant 0 : i32
      %dma_wait3A_132 = tpu.memref_slice %dma_wait3A_129[%arg1, %dma_wait3A_130, %dma_wait3A_131] : memref<16x160x125xi32, #tpu.memory_space<hbm>> -> memref<1x160x125xi32, #tpu.memory_space<hbm>>
      %dma_wait3A_133 = tpu.memref_squeeze %dma_wait3A_132 : memref<1x160x125xi32, #tpu.memory_space<hbm>> -> memref<160x125xi32, #tpu.memory_space<hbm>>
      tpu.wait_dma2 semaphore(%run_scoped3A_97 : memref<!tpu.dma_semaphore, #tpu.memory_space<semaphore_mem>>) src(%dma_wait3A_133 : memref<160x125xi32, #tpu.memory_space<hbm>>) dst(%arg6 : memref<160x125xi32, #tpu.memory_space<vmem>>)
      tpu.yield
    }) : () -> ()
    "tpu.region"() ({
      %run_scoped3A_97 = tpu.sem_alloc : memref<!tpu.dma_semaphore, #tpu.memory_space<semaphore_mem>>
      %dma_start3A_98 = arith.constant 0 : i32
      %dma_start3A_99 = arith.constant 0 : i32
      %dma_start3A_100 = tpu.memref_slice %arg4[%arg1, %dma_start3A_98, %dma_start3A_99] : memref<16x160x125xi32, #tpu.memory_space<hbm>> -> memref<1x160x125xi32, #tpu.memory_space<hbm>>
      %dma_start3A_101 = tpu.memref_squeeze %dma_start3A_100 : memref<1x160x125xi32, #tpu.memory_space<hbm>> -> memref<160x125xi32, #tpu.memory_space<hbm>>
      %dma_start3A_102 = arith.constant 0 : i32
      %dma_start3A_103 = arith.constant 0 : i32
      %dma_start3A_104 = tpu.memref_slice %arg4[%arg1, %dma_start3A_102, %dma_start3A_103] : memref<16x160x125xi32, #tpu.memory_space<hbm>> -> memref<1x160x125xi32, #tpu.memory_space<hbm>>
      %dma_start3A_105 = tpu.memref_squeeze %dma_start3A_104 : memref<1x160x125xi32, #tpu.memory_space<hbm>> -> memref<160x125xi32, #tpu.memory_space<hbm>>
      tpu.enqueue_dma source(%dma_start3A_105 : memref<160x125xi32, #tpu.memory_space<hbm>>) target(%arg7 : memref<160x125xi32, #tpu.memory_space<vmem>>) target_semaphore(%run_scoped3A_97 : memref<!tpu.dma_semaphore, #tpu.memory_space<semaphore_mem>>)
      %dma_wait3A_106 = arith.constant 0 : i32
      %dma_wait3A_107 = arith.constant 0 : i32
      %dma_wait3A_108 = tpu.memref_slice %arg4[%arg1, %dma_wait3A_106, %dma_wait3A_107] : memref<16x160x125xi32, #tpu.memory_space<hbm>> -> memref<1x160x125xi32, #tpu.memory_space<hbm>>
      %dma_wait3A_109 = tpu.memref_squeeze %dma_wait3A_108 : memref<1x160x125xi32, #tpu.memory_space<hbm>> -> memref<160x125xi32, #tpu.memory_space<hbm>>
      %dma_wait3A_110 = arith.constant 0 : i32
      %dma_wait3A_111 = arith.constant 0 : i32
      %dma_wait3A_112 = tpu.memref_slice %arg4[%arg1, %dma_wait3A_110, %dma_wait3A_111] : memref<16x160x125xi32, #tpu.memory_space<hbm>> -> memref<1x160x125xi32, #tpu.memory_space<hbm>>
      %dma_wait3A_113 = tpu.memref_squeeze %dma_wait3A_112 : memref<1x160x125xi32, #tpu.memory_space<hbm>> -> memref<160x125xi32, #tpu.memory_space<hbm>>
      tpu.wait_dma2 semaphore(%run_scoped3A_97 : memref<!tpu.dma_semaphore, #tpu.memory_space<semaphore_mem>>) src(%dma_wait3A_113 : memref<160x125xi32, #tpu.memory_space<hbm>>) dst(%arg7 : memref<160x125xi32, #tpu.memory_space<vmem>>)
      tpu.yield
    }) : () -> ()
    %dma_start3A = arith.constant 0 : i32
    %dma_start3A_25 = arith.constant 0 : i32
    %dma_start3A_26 = tpu.memref_slice %arg6[%dma_start3A, %dma_start3A_25] : memref<160x125xi32, #tpu.memory_space<vmem>> -> memref<1x125xi32, #tpu.memory_space<vmem>>
    %dma_start3A_27 = tpu.memref_squeeze %dma_start3A_26 : memref<1x125xi32, #tpu.memory_space<vmem>> -> memref<125xi32, #tpu.memory_space<vmem>>
    %dma_start3A_28 = arith.constant 0 : i32
    %dma_start3A_29 = arith.constant 0 : i32
    %dma_start3A_30 = tpu.memref_slice %arg2[%dma_start3A_28, %dma_start3A_29] : memref<20480x64xf32, #tpu.memory_space<hbm>> -> memref<20480x64xf32, #tpu.memory_space<hbm>>
    tpu.enqueue_indirect_dma source(%dma_start3A_30 : memref<20480x64xf32, #tpu.memory_space<hbm>>) target(%arg8 : memref<125x64xf32, #tpu.memory_space<vmem>>) offsets(%dma_start3A_27 : memref<125xi32, #tpu.memory_space<vmem>>) semaphore(%arg14 : memref<!tpu.dma_semaphore, #tpu.memory_space<semaphore_mem>>)
    %dma_start3A_31 = arith.constant 1 : i32
    %dma_start3A_32 = arith.constant 0 : i32
    %dma_start3A_33 = tpu.memref_slice %arg6[%dma_start3A_31, %dma_start3A_32] : memref<160x125xi32, #tpu.memory_space<vmem>> -> memref<1x125xi32, #tpu.memory_space<vmem>>
    %dma_start3A_34 = tpu.memref_squeeze %dma_start3A_33 : memref<1x125xi32, #tpu.memory_space<vmem>> -> memref<125xi32, #tpu.memory_space<vmem>>
    %dma_start3A_35 = arith.constant 0 : i32
    %dma_start3A_36 = arith.constant 0 : i32
    %dma_start3A_37 = tpu.memref_slice %arg2[%dma_start3A_35, %dma_start3A_36] : memref<20480x64xf32, #tpu.memory_space<hbm>> -> memref<20480x64xf32, #tpu.memory_space<hbm>>
    tpu.enqueue_indirect_dma source(%dma_start3A_37 : memref<20480x64xf32, #tpu.memory_space<hbm>>) target(%arg9 : memref<125x64xf32, #tpu.memory_space<vmem>>) offsets(%dma_start3A_34 : memref<125xi32, #tpu.memory_space<vmem>>) semaphore(%arg15 : memref<!tpu.dma_semaphore, #tpu.memory_space<semaphore_mem>>)
    %dma_start3A_38 = arith.constant 2 : i32
    %dma_start3A_39 = arith.constant 0 : i32
    %dma_start3A_40 = tpu.memref_slice %arg6[%dma_start3A_38, %dma_start3A_39] : memref<160x125xi32, #tpu.memory_space<vmem>> -> memref<1x125xi32, #tpu.memory_space<vmem>>
    %dma_start3A_41 = tpu.memref_squeeze %dma_start3A_40 : memref<1x125xi32, #tpu.memory_space<vmem>> -> memref<125xi32, #tpu.memory_space<vmem>>
    %dma_start3A_42 = arith.constant 0 : i32
    %dma_start3A_43 = arith.constant 0 : i32
    %dma_start3A_44 = tpu.memref_slice %arg2[%dma_start3A_42, %dma_start3A_43] : memref<20480x64xf32, #tpu.memory_space<hbm>> -> memref<20480x64xf32, #tpu.memory_space<hbm>>
    tpu.enqueue_indirect_dma source(%dma_start3A_44 : memref<20480x64xf32, #tpu.memory_space<hbm>>) target(%arg10 : memref<125x64xf32, #tpu.memory_space<vmem>>) offsets(%dma_start3A_41 : memref<125xi32, #tpu.memory_space<vmem>>) semaphore(%arg16 : memref<!tpu.dma_semaphore, #tpu.memory_space<semaphore_mem>>)
    %scan3A_45 = arith.constant 0 : i32
    %scan3A_46 = arith.constant 0 : i32
    %scan3A_47 = arith.constant 39 : i32
    %scan3A_48 = arith.addi %scan3A_46, %scan3A_47 : i32
    %scan3A_49 = arith.constant 1 : i32
    %scan3A_50 = scf.for %scan3A_97 = %scan3A_46 to %scan3A_48 step %scan3A_49 iter_args(%scan3A_98 = %scan3A_45) -> (i32)  : i32 {
      %mul3A_99 = arith.constant 4 : i32
      %mul3A_100 = arith.muli %scan3A_97, %mul3A_99 : i32
      %add3A_101 = arith.constant 4 : i32
      %add3A_102 = arith.addi %mul3A_100, %add3A_101 : i32
      %sub3A = arith.constant 1 : i32
      %sub3A_103 = arith.subi %add3A_102, %sub3A : i32
      %add3A_104 = arith.constant 0 : i32
      %add3A_105 = arith.addi %sub3A_103, %add3A_104 : i32
      %dma_start3A_106 = arith.constant 0 : i32
      %dma_start3A_107 = tpu.memref_slice %arg6[%add3A_105, %dma_start3A_106] : memref<160x125xi32, #tpu.memory_space<vmem>> -> memref<1x125xi32, #tpu.memory_space<vmem>>
      %dma_start3A_108 = tpu.memref_squeeze %dma_start3A_107 : memref<1x125xi32, #tpu.memory_space<vmem>> -> memref<125xi32, #tpu.memory_space<vmem>>
      %dma_start3A_109 = arith.constant 0 : i32
      %dma_start3A_110 = arith.constant 0 : i32
      %dma_start3A_111 = tpu.memref_slice %arg2[%dma_start3A_109, %dma_start3A_110] : memref<20480x64xf32, #tpu.memory_space<hbm>> -> memref<20480x64xf32, #tpu.memory_space<hbm>>
      tpu.enqueue_indirect_dma source(%dma_start3A_111 : memref<20480x64xf32, #tpu.memory_space<hbm>>) target(%arg11 : memref<125x64xf32, #tpu.memory_space<vmem>>) offsets(%dma_start3A_108 : memref<125xi32, #tpu.memory_space<vmem>>) semaphore(%arg17 : memref<!tpu.dma_semaphore, #tpu.memory_space<semaphore_mem>>)
      %dma_wait3A_112 = arith.constant 0 : i32
      %dma_wait3A_113 = arith.constant 0 : i32
      %dma_wait3A_114 = tpu.memref_slice %arg6[%dma_wait3A_112, %dma_wait3A_113] : memref<160x125xi32, #tpu.memory_space<vmem>> -> memref<1x125xi32, #tpu.memory_space<vmem>>
      %dma_wait3A_115 = tpu.memref_squeeze %dma_wait3A_114 : memref<1x125xi32, #tpu.memory_space<vmem>> -> memref<125xi32, #tpu.memory_space<vmem>>
      %dma_wait3A_116 = arith.constant 0 : i32
      %dma_wait3A_117 = arith.constant 0 : i32
      %dma_wait3A_118 = tpu.memref_slice %arg2[%dma_wait3A_116, %dma_wait3A_117] : memref<20480x64xf32, #tpu.memory_space<hbm>> -> memref<20480x64xf32, #tpu.memory_space<hbm>>
      tpu.wait_indirect_dma semaphore(%arg14 : memref<!tpu.dma_semaphore, #tpu.memory_space<semaphore_mem>>) src(%dma_wait3A_118 : memref<20480x64xf32, #tpu.memory_space<hbm>>) dst(%arg8 : memref<125x64xf32, #tpu.memory_space<vmem>>)
      %add3A_119 = arith.constant 0 : i32
      %add3A_120 = arith.addi %mul3A_100, %add3A_119 : i32
      "tpu.region"() ({
        %run_scoped3A_185 = tpu.sem_alloc : memref<!tpu.dma_semaphore, #tpu.memory_space<semaphore_mem>>
        %dma_start3A_186 = arith.constant 0 : i32
        %dma_start3A_187 = tpu.memref_slice %arg7[%add3A_120, %dma_start3A_186] : memref<160x125xi32, #tpu.memory_space<vmem>> -> memref<1x125xi32, #tpu.memory_space<vmem>>
        %dma_start3A_188 = tpu.memref_squeeze %dma_start3A_187 : memref<1x125xi32, #tpu.memory_space<vmem>> -> memref<125xi32, #tpu.memory_space<vmem>>
        %dma_start3A_189 = arith.constant 0 : i32
        %dma_start3A_190 = arith.constant 0 : i32
        %dma_start3A_191 = tpu.memref_slice %arg13[%dma_start3A_189, %dma_start3A_190] : memref<10240x64xf32, #tpu.memory_space<vmem_shared>> -> memref<10240x64xf32, #tpu.memory_space<vmem_shared>>
        tpu.enqueue_indirect_dma source(%arg8 : memref<125x64xf32, #tpu.memory_space<vmem>>) target(%dma_start3A_191 : memref<10240x64xf32, #tpu.memory_space<vmem_shared>>) offsets(%dma_start3A_188 : memref<125xi32, #tpu.memory_space<vmem>>) semaphore(%run_scoped3A_185 : memref<!tpu.dma_semaphore, #tpu.memory_space<semaphore_mem>>) {add = true}
        %dma_wait3A_192 = arith.constant 0 : i32
        %dma_wait3A_193 = tpu.memref_slice %arg7[%add3A_120, %dma_wait3A_192] : memref<160x125xi32, #tpu.memory_space<vmem>> -> memref<1x125xi32, #tpu.memory_space<vmem>>
        %dma_wait3A_194 = tpu.memref_squeeze %dma_wait3A_193 : memref<1x125xi32, #tpu.memory_space<vmem>> -> memref<125xi32, #tpu.memory_space<vmem>>
        %dma_wait3A_195 = arith.constant 0 : i32
        %dma_wait3A_196 = arith.constant 0 : i32
        %dma_wait3A_197 = tpu.memref_slice %arg13[%dma_wait3A_195, %dma_wait3A_196] : memref<10240x64xf32, #tpu.memory_space<vmem_shared>> -> memref<10240x64xf32, #tpu.memory_space<vmem_shared>>
        tpu.wait_indirect_dma semaphore(%run_scoped3A_185 : memref<!tpu.dma_semaphore, #tpu.memory_space<semaphore_mem>>) src(%arg8 : memref<125x64xf32, #tpu.memory_space<vmem>>) dst(%dma_wait3A_197 : memref<10240x64xf32, #tpu.memory_space<vmem_shared>>)
        tpu.yield
      }) : () -> ()
      %add3A_121 = arith.constant 4 : i32
      %add3A_122 = arith.addi %mul3A_100, %add3A_121 : i32
      %sub3A_123 = arith.constant 1 : i32
      %sub3A_124 = arith.subi %add3A_122, %sub3A_123 : i32
      %add3A_125 = arith.constant 1 : i32
      %add3A_126 = arith.addi %sub3A_124, %add3A_125 : i32
      %dma_start3A_127 = arith.constant 0 : i32
      %dma_start3A_128 = tpu.memref_slice %arg6[%add3A_126, %dma_start3A_127] : memref<160x125xi32, #tpu.memory_space<vmem>> -> memref<1x125xi32, #tpu.memory_space<vmem>>
      %dma_start3A_129 = tpu.memref_squeeze %dma_start3A_128 : memref<1x125xi32, #tpu.memory_space<vmem>> -> memref<125xi32, #tpu.memory_space<vmem>>
      %dma_start3A_130 = arith.constant 0 : i32
      %dma_start3A_131 = arith.constant 0 : i32
      %dma_start3A_132 = tpu.memref_slice %arg2[%dma_start3A_130, %dma_start3A_131] : memref<20480x64xf32, #tpu.memory_space<hbm>> -> memref<20480x64xf32, #tpu.memory_space<hbm>>
      tpu.enqueue_indirect_dma source(%dma_start3A_132 : memref<20480x64xf32, #tpu.memory_space<hbm>>) target(%arg8 : memref<125x64xf32, #tpu.memory_space<vmem>>) offsets(%dma_start3A_129 : memref<125xi32, #tpu.memory_space<vmem>>) semaphore(%arg14 : memref<!tpu.dma_semaphore, #tpu.memory_space<semaphore_mem>>)
      %dma_wait3A_133 = arith.constant 0 : i32
      %dma_wait3A_134 = arith.constant 0 : i32
      %dma_wait3A_135 = tpu.memref_slice %arg6[%dma_wait3A_133, %dma_wait3A_134] : memref<160x125xi32, #tpu.memory_space<vmem>> -> memref<1x125xi32, #tpu.memory_space<vmem>>
      %dma_wait3A_136 = tpu.memref_squeeze %dma_wait3A_135 : memref<1x125xi32, #tpu.memory_space<vmem>> -> memref<125xi32, #tpu.memory_space<vmem>>
      %dma_wait3A_137 = arith.constant 0 : i32
      %dma_wait3A_138 = arith.constant 0 : i32
      %dma_wait3A_139 = tpu.memref_slice %arg2[%dma_wait3A_137, %dma_wait3A_138] : memref<20480x64xf32, #tpu.memory_space<hbm>> -> memref<20480x64xf32, #tpu.memory_space<hbm>>
      tpu.wait_indirect_dma semaphore(%arg15 : memref<!tpu.dma_semaphore, #tpu.memory_space<semaphore_mem>>) src(%dma_wait3A_139 : memref<20480x64xf32, #tpu.memory_space<hbm>>) dst(%arg9 : memref<125x64xf32, #tpu.memory_space<vmem>>)
      %add3A_140 = arith.constant 1 : i32
      %add3A_141 = arith.addi %mul3A_100, %add3A_140 : i32
      "tpu.region"() ({
        %run_scoped3A_185 = tpu.sem_alloc : memref<!tpu.dma_semaphore, #tpu.memory_space<semaphore_mem>>
        %dma_start3A_186 = arith.constant 0 : i32
        %dma_start3A_187 = tpu.memref_slice %arg7[%add3A_141, %dma_start3A_186] : memref<160x125xi32, #tpu.memory_space<vmem>> -> memref<1x125xi32, #tpu.memory_space<vmem>>
        %dma_start3A_188 = tpu.memref_squeeze %dma_start3A_187 : memref<1x125xi32, #tpu.memory_space<vmem>> -> memref<125xi32, #tpu.memory_space<vmem>>
        %dma_start3A_189 = arith.constant 0 : i32
        %dma_start3A_190 = arith.constant 0 : i32
        %dma_start3A_191 = tpu.memref_slice %arg13[%dma_start3A_189, %dma_start3A_190] : memref<10240x64xf32, #tpu.memory_space<vmem_shared>> -> memref<10240x64xf32, #tpu.memory_space<vmem_shared>>
        tpu.enqueue_indirect_dma source(%arg9 : memref<125x64xf32, #tpu.memory_space<vmem>>) target(%dma_start3A_191 : memref<10240x64xf32, #tpu.memory_space<vmem_shared>>) offsets(%dma_start3A_188 : memref<125xi32, #tpu.memory_space<vmem>>) semaphore(%run_scoped3A_185 : memref<!tpu.dma_semaphore, #tpu.memory_space<semaphore_mem>>) {add = true}
        %dma_wait3A_192 = arith.constant 0 : i32
        %dma_wait3A_193 = tpu.memref_slice %arg7[%add3A_141, %dma_wait3A_192] : memref<160x125xi32, #tpu.memory_space<vmem>> -> memref<1x125xi32, #tpu.memory_space<vmem>>
        %dma_wait3A_194 = tpu.memref_squeeze %dma_wait3A_193 : memref<1x125xi32, #tpu.memory_space<vmem>> -> memref<125xi32, #tpu.memory_space<vmem>>
        %dma_wait3A_195 = arith.constant 0 : i32
        %dma_wait3A_196 = arith.constant 0 : i32
        %dma_wait3A_197 = tpu.memref_slice %arg13[%dma_wait3A_195, %dma_wait3A_196] : memref<10240x64xf32, #tpu.memory_space<vmem_shared>> -> memref<10240x64xf32, #tpu.memory_space<vmem_shared>>
        tpu.wait_indirect_dma semaphore(%run_scoped3A_185 : memref<!tpu.dma_semaphore, #tpu.memory_space<semaphore_mem>>) src(%arg9 : memref<125x64xf32, #tpu.memory_space<vmem>>) dst(%dma_wait3A_197 : memref<10240x64xf32, #tpu.memory_space<vmem_shared>>)
        tpu.yield
      }) : () -> ()
      %add3A_142 = arith.constant 4 : i32
      %add3A_143 = arith.addi %mul3A_100, %add3A_142 : i32
      %sub3A_144 = arith.constant 1 : i32
      %sub3A_145 = arith.subi %add3A_143, %sub3A_144 : i32
      %add3A_146 = arith.constant 2 : i32
      %add3A_147 = arith.addi %sub3A_145, %add3A_146 : i32
      %dma_start3A_148 = arith.constant 0 : i32
      %dma_start3A_149 = tpu.memref_slice %arg6[%add3A_147, %dma_start3A_148] : memref<160x125xi32, #tpu.memory_space<vmem>> -> memref<1x125xi32, #tpu.memory_space<vmem>>
      %dma_start3A_150 = tpu.memref_squeeze %dma_start3A_149 : memref<1x125xi32, #tpu.memory_space<vmem>> -> memref<125xi32, #tpu.memory_space<vmem>>
      %dma_start3A_151 = arith.constant 0 : i32
      %dma_start3A_152 = arith.constant 0 : i32
      %dma_start3A_153 = tpu.memref_slice %arg2[%dma_start3A_151, %dma_start3A_152] : memref<20480x64xf32, #tpu.memory_space<hbm>> -> memref<20480x64xf32, #tpu.memory_space<hbm>>
      tpu.enqueue_indirect_dma source(%dma_start3A_153 : memref<20480x64xf32, #tpu.memory_space<hbm>>) target(%arg9 : memref<125x64xf32, #tpu.memory_space<vmem>>) offsets(%dma_start3A_150 : memref<125xi32, #tpu.memory_space<vmem>>) semaphore(%arg15 : memref<!tpu.dma_semaphore, #tpu.memory_space<semaphore_mem>>)
      %dma_wait3A_154 = arith.constant 0 : i32
      %dma_wait3A_155 = arith.constant 0 : i32
      %dma_wait3A_156 = tpu.memref_slice %arg6[%dma_wait3A_154, %dma_wait3A_155] : memref<160x125xi32, #tpu.memory_space<vmem>> -> memref<1x125xi32, #tpu.memory_space<vmem>>
      %dma_wait3A_157 = tpu.memref_squeeze %dma_wait3A_156 : memref<1x125xi32, #tpu.memory_space<vmem>> -> memref<125xi32, #tpu.memory_space<vmem>>
      %dma_wait3A_158 = arith.constant 0 : i32
      %dma_wait3A_159 = arith.constant 0 : i32
      %dma_wait3A_160 = tpu.memref_slice %arg2[%dma_wait3A_158, %dma_wait3A_159] : memref<20480x64xf32, #tpu.memory_space<hbm>> -> memref<20480x64xf32, #tpu.memory_space<hbm>>
      tpu.wait_indirect_dma semaphore(%arg16 : memref<!tpu.dma_semaphore, #tpu.memory_space<semaphore_mem>>) src(%dma_wait3A_160 : memref<20480x64xf32, #tpu.memory_space<hbm>>) dst(%arg10 : memref<125x64xf32, #tpu.memory_space<vmem>>)
      %add3A_161 = arith.constant 2 : i32
      %add3A_162 = arith.addi %mul3A_100, %add3A_161 : i32
      "tpu.region"() ({
        %run_scoped3A_185 = tpu.sem_alloc : memref<!tpu.dma_semaphore, #tpu.memory_space<semaphore_mem>>
        %dma_start3A_186 = arith.constant 0 : i32
        %dma_start3A_187 = tpu.memref_slice %arg7[%add3A_162, %dma_start3A_186] : memref<160x125xi32, #tpu.memory_space<vmem>> -> memref<1x125xi32, #tpu.memory_space<vmem>>
        %dma_start3A_188 = tpu.memref_squeeze %dma_start3A_187 : memref<1x125xi32, #tpu.memory_space<vmem>> -> memref<125xi32, #tpu.memory_space<vmem>>
        %dma_start3A_189 = arith.constant 0 : i32
        %dma_start3A_190 = arith.constant 0 : i32
        %dma_start3A_191 = tpu.memref_slice %arg13[%dma_start3A_189, %dma_start3A_190] : memref<10240x64xf32, #tpu.memory_space<vmem_shared>> -> memref<10240x64xf32, #tpu.memory_space<vmem_shared>>
        tpu.enqueue_indirect_dma source(%arg10 : memref<125x64xf32, #tpu.memory_space<vmem>>) target(%dma_start3A_191 : memref<10240x64xf32, #tpu.memory_space<vmem_shared>>) offsets(%dma_start3A_188 : memref<125xi32, #tpu.memory_space<vmem>>) semaphore(%run_scoped3A_185 : memref<!tpu.dma_semaphore, #tpu.memory_space<semaphore_mem>>) {add = true}
        %dma_wait3A_192 = arith.constant 0 : i32
        %dma_wait3A_193 = tpu.memref_slice %arg7[%add3A_162, %dma_wait3A_192] : memref<160x125xi32, #tpu.memory_space<vmem>> -> memref<1x125xi32, #tpu.memory_space<vmem>>
        %dma_wait3A_194 = tpu.memref_squeeze %dma_wait3A_193 : memref<1x125xi32, #tpu.memory_space<vmem>> -> memref<125xi32, #tpu.memory_space<vmem>>
        %dma_wait3A_195 = arith.constant 0 : i32
        %dma_wait3A_196 = arith.constant 0 : i32
        %dma_wait3A_197 = tpu.memref_slice %arg13[%dma_wait3A_195, %dma_wait3A_196] : memref<10240x64xf32, #tpu.memory_space<vmem_shared>> -> memref<10240x64xf32, #tpu.memory_space<vmem_shared>>
        tpu.wait_indirect_dma semaphore(%run_scoped3A_185 : memref<!tpu.dma_semaphore, #tpu.memory_space<semaphore_mem>>) src(%arg10 : memref<125x64xf32, #tpu.memory_space<vmem>>) dst(%dma_wait3A_197 : memref<10240x64xf32, #tpu.memory_space<vmem_shared>>)
        tpu.yield
      }) : () -> ()
      %add3A_163 = arith.constant 4 : i32
      %add3A_164 = arith.addi %mul3A_100, %add3A_163 : i32
      %sub3A_165 = arith.constant 1 : i32
      %sub3A_166 = arith.subi %add3A_164, %sub3A_165 : i32
      %add3A_167 = arith.constant 3 : i32
      %add3A_168 = arith.addi %sub3A_166, %add3A_167 : i32
      %dma_start3A_169 = arith.constant 0 : i32
      %dma_start3A_170 = tpu.memref_slice %arg6[%add3A_168, %dma_start3A_169] : memref<160x125xi32, #tpu.memory_space<vmem>> -> memref<1x125xi32, #tpu.memory_space<vmem>>
      %dma_start3A_171 = tpu.memref_squeeze %dma_start3A_170 : memref<1x125xi32, #tpu.memory_space<vmem>> -> memref<125xi32, #tpu.memory_space<vmem>>
      %dma_start3A_172 = arith.constant 0 : i32
      %dma_start3A_173 = arith.constant 0 : i32
      %dma_start3A_174 = tpu.memref_slice %arg2[%dma_start3A_172, %dma_start3A_173] : memref<20480x64xf32, #tpu.memory_space<hbm>> -> memref<20480x64xf32, #tpu.memory_space<hbm>>
      tpu.enqueue_indirect_dma source(%dma_start3A_174 : memref<20480x64xf32, #tpu.memory_space<hbm>>) target(%arg10 : memref<125x64xf32, #tpu.memory_space<vmem>>) offsets(%dma_start3A_171 : memref<125xi32, #tpu.memory_space<vmem>>) semaphore(%arg16 : memref<!tpu.dma_semaphore, #tpu.memory_space<semaphore_mem>>)
      %dma_wait3A_175 = arith.constant 0 : i32
      %dma_wait3A_176 = arith.constant 0 : i32
      %dma_wait3A_177 = tpu.memref_slice %arg6[%dma_wait3A_175, %dma_wait3A_176] : memref<160x125xi32, #tpu.memory_space<vmem>> -> memref<1x125xi32, #tpu.memory_space<vmem>>
      %dma_wait3A_178 = tpu.memref_squeeze %dma_wait3A_177 : memref<1x125xi32, #tpu.memory_space<vmem>> -> memref<125xi32, #tpu.memory_space<vmem>>
      %dma_wait3A_179 = arith.constant 0 : i32
      %dma_wait3A_180 = arith.constant 0 : i32
      %dma_wait3A_181 = tpu.memref_slice %arg2[%dma_wait3A_179, %dma_wait3A_180] : memref<20480x64xf32, #tpu.memory_space<hbm>> -> memref<20480x64xf32, #tpu.memory_space<hbm>>
      tpu.wait_indirect_dma semaphore(%arg17 : memref<!tpu.dma_semaphore, #tpu.memory_space<semaphore_mem>>) src(%dma_wait3A_181 : memref<20480x64xf32, #tpu.memory_space<hbm>>) dst(%arg11 : memref<125x64xf32, #tpu.memory_space<vmem>>)
      %add3A_182 = arith.constant 3 : i32
      %add3A_183 = arith.addi %mul3A_100, %add3A_182 : i32
      "tpu.region"() ({
        %run_scoped3A_185 = tpu.sem_alloc : memref<!tpu.dma_semaphore, #tpu.memory_space<semaphore_mem>>
        %dma_start3A_186 = arith.constant 0 : i32
        %dma_start3A_187 = tpu.memref_slice %arg7[%add3A_183, %dma_start3A_186] : memref<160x125xi32, #tpu.memory_space<vmem>> -> memref<1x125xi32, #tpu.memory_space<vmem>>
        %dma_start3A_188 = tpu.memref_squeeze %dma_start3A_187 : memref<1x125xi32, #tpu.memory_space<vmem>> -> memref<125xi32, #tpu.memory_space<vmem>>
        %dma_start3A_189 = arith.constant 0 : i32
        %dma_start3A_190 = arith.constant 0 : i32
        %dma_start3A_191 = tpu.memref_slice %arg13[%dma_start3A_189, %dma_start3A_190] : memref<10240x64xf32, #tpu.memory_space<vmem_shared>> -> memref<10240x64xf32, #tpu.memory_space<vmem_shared>>
        tpu.enqueue_indirect_dma source(%arg11 : memref<125x64xf32, #tpu.memory_space<vmem>>) target(%dma_start3A_191 : memref<10240x64xf32, #tpu.memory_space<vmem_shared>>) offsets(%dma_start3A_188 : memref<125xi32, #tpu.memory_space<vmem>>) semaphore(%run_scoped3A_185 : memref<!tpu.dma_semaphore, #tpu.memory_space<semaphore_mem>>) {add = true}
        %dma_wait3A_192 = arith.constant 0 : i32
        %dma_wait3A_193 = tpu.memref_slice %arg7[%add3A_183, %dma_wait3A_192] : memref<160x125xi32, #tpu.memory_space<vmem>> -> memref<1x125xi32, #tpu.memory_space<vmem>>
        %dma_wait3A_194 = tpu.memref_squeeze %dma_wait3A_193 : memref<1x125xi32, #tpu.memory_space<vmem>> -> memref<125xi32, #tpu.memory_space<vmem>>
        %dma_wait3A_195 = arith.constant 0 : i32
        %dma_wait3A_196 = arith.constant 0 : i32
        %dma_wait3A_197 = tpu.memref_slice %arg13[%dma_wait3A_195, %dma_wait3A_196] : memref<10240x64xf32, #tpu.memory_space<vmem_shared>> -> memref<10240x64xf32, #tpu.memory_space<vmem_shared>>
        tpu.wait_indirect_dma semaphore(%run_scoped3A_185 : memref<!tpu.dma_semaphore, #tpu.memory_space<semaphore_mem>>) src(%arg11 : memref<125x64xf32, #tpu.memory_space<vmem>>) dst(%dma_wait3A_197 : memref<10240x64xf32, #tpu.memory_space<vmem_shared>>)
        tpu.yield
      }) : () -> ()
      %scan3A_184 = arith.constant 0 : i32
      scf.yield %scan3A_184 : i32
    }
    %scan3A_51 = arith.constant 39 : i32
    %dma_start3A_52 = arith.constant 159 : i32
    %dma_start3A_53 = arith.constant 0 : i32
    %dma_start3A_54 = tpu.memref_slice %arg6[%dma_start3A_52, %dma_start3A_53] : memref<160x125xi32, #tpu.memory_space<vmem>> -> memref<1x125xi32, #tpu.memory_space<vmem>>
    %dma_start3A_55 = tpu.memref_squeeze %dma_start3A_54 : memref<1x125xi32, #tpu.memory_space<vmem>> -> memref<125xi32, #tpu.memory_space<vmem>>
    %dma_start3A_56 = arith.constant 0 : i32
    %dma_start3A_57 = arith.constant 0 : i32
    %dma_start3A_58 = tpu.memref_slice %arg2[%dma_start3A_56, %dma_start3A_57] : memref<20480x64xf32, #tpu.memory_space<hbm>> -> memref<20480x64xf32, #tpu.memory_space<hbm>>
    tpu.enqueue_indirect_dma source(%dma_start3A_58 : memref<20480x64xf32, #tpu.memory_space<hbm>>) target(%arg11 : memref<125x64xf32, #tpu.memory_space<vmem>>) offsets(%dma_start3A_55 : memref<125xi32, #tpu.memory_space<vmem>>) semaphore(%arg17 : memref<!tpu.dma_semaphore, #tpu.memory_space<semaphore_mem>>)
    %dma_wait3A = arith.constant 0 : i32
    %dma_wait3A_59 = arith.constant 0 : i32
    %dma_wait3A_60 = tpu.memref_slice %arg6[%dma_wait3A, %dma_wait3A_59] : memref<160x125xi32, #tpu.memory_space<vmem>> -> memref<1x125xi32, #tpu.memory_space<vmem>>
    %dma_wait3A_61 = tpu.memref_squeeze %dma_wait3A_60 : memref<1x125xi32, #tpu.memory_space<vmem>> -> memref<125xi32, #tpu.memory_space<vmem>>
    %dma_wait3A_62 = arith.constant 0 : i32
    %dma_wait3A_63 = arith.constant 0 : i32
    %dma_wait3A_64 = tpu.memref_slice %arg2[%dma_wait3A_62, %dma_wait3A_63] : memref<20480x64xf32, #tpu.memory_space<hbm>> -> memref<20480x64xf32, #tpu.memory_space<hbm>>
    tpu.wait_indirect_dma semaphore(%arg14 : memref<!tpu.dma_semaphore, #tpu.memory_space<semaphore_mem>>) src(%dma_wait3A_64 : memref<20480x64xf32, #tpu.memory_space<hbm>>) dst(%arg8 : memref<125x64xf32, #tpu.memory_space<vmem>>)
    %run_scoped3A = arith.constant 156 : i32
    "tpu.region"() ({
      %run_scoped3A_97 = tpu.sem_alloc : memref<!tpu.dma_semaphore, #tpu.memory_space<semaphore_mem>>
      %dma_start3A_98 = arith.constant 0 : i32
      %dma_start3A_99 = tpu.memref_slice %arg7[%run_scoped3A, %dma_start3A_98] : memref<160x125xi32, #tpu.memory_space<vmem>> -> memref<1x125xi32, #tpu.memory_space<vmem>>
      %dma_start3A_100 = tpu.memref_squeeze %dma_start3A_99 : memref<1x125xi32, #tpu.memory_space<vmem>> -> memref<125xi32, #tpu.memory_space<vmem>>
      %dma_start3A_101 = arith.constant 0 : i32
      %dma_start3A_102 = arith.constant 0 : i32
      %dma_start3A_103 = tpu.memref_slice %arg13[%dma_start3A_101, %dma_start3A_102] : memref<10240x64xf32, #tpu.memory_space<vmem_shared>> -> memref<10240x64xf32, #tpu.memory_space<vmem_shared>>
      tpu.enqueue_indirect_dma source(%arg8 : memref<125x64xf32, #tpu.memory_space<vmem>>) target(%dma_start3A_103 : memref<10240x64xf32, #tpu.memory_space<vmem_shared>>) offsets(%dma_start3A_100 : memref<125xi32, #tpu.memory_space<vmem>>) semaphore(%run_scoped3A_97 : memref<!tpu.dma_semaphore, #tpu.memory_space<semaphore_mem>>) {add = true}
      %dma_wait3A_104 = arith.constant 0 : i32
      %dma_wait3A_105 = tpu.memref_slice %arg7[%run_scoped3A, %dma_wait3A_104] : memref<160x125xi32, #tpu.memory_space<vmem>> -> memref<1x125xi32, #tpu.memory_space<vmem>>
      %dma_wait3A_106 = tpu.memref_squeeze %dma_wait3A_105 : memref<1x125xi32, #tpu.memory_space<vmem>> -> memref<125xi32, #tpu.memory_space<vmem>>
      %dma_wait3A_107 = arith.constant 0 : i32
      %dma_wait3A_108 = arith.constant 0 : i32
      %dma_wait3A_109 = tpu.memref_slice %arg13[%dma_wait3A_107, %dma_wait3A_108] : memref<10240x64xf32, #tpu.memory_space<vmem_shared>> -> memref<10240x64xf32, #tpu.memory_space<vmem_shared>>
      tpu.wait_indirect_dma semaphore(%run_scoped3A_97 : memref<!tpu.dma_semaphore, #tpu.memory_space<semaphore_mem>>) src(%arg8 : memref<125x64xf32, #tpu.memory_space<vmem>>) dst(%dma_wait3A_109 : memref<10240x64xf32, #tpu.memory_space<vmem_shared>>)
      tpu.yield
    }) : () -> ()
    %dma_wait3A_65 = arith.constant 0 : i32
    %dma_wait3A_66 = arith.constant 0 : i32
    %dma_wait3A_67 = tpu.memref_slice %arg6[%dma_wait3A_65, %dma_wait3A_66] : memref<160x125xi32, #tpu.memory_space<vmem>> -> memref<1x125xi32, #tpu.memory_space<vmem>>
    %dma_wait3A_68 = tpu.memref_squeeze %dma_wait3A_67 : memref<1x125xi32, #tpu.memory_space<vmem>> -> memref<125xi32, #tpu.memory_space<vmem>>
    %dma_wait3A_69 = arith.constant 0 : i32
    %dma_wait3A_70 = arith.constant 0 : i32
    %dma_wait3A_71 = tpu.memref_slice %arg2[%dma_wait3A_69, %dma_wait3A_70] : memref<20480x64xf32, #tpu.memory_space<hbm>> -> memref<20480x64xf32, #tpu.memory_space<hbm>>
    tpu.wait_indirect_dma semaphore(%arg15 : memref<!tpu.dma_semaphore, #tpu.memory_space<semaphore_mem>>) src(%dma_wait3A_71 : memref<20480x64xf32, #tpu.memory_space<hbm>>) dst(%arg9 : memref<125x64xf32, #tpu.memory_space<vmem>>)
    %run_scoped3A_72 = arith.constant 157 : i32
    "tpu.region"() ({
      %run_scoped3A_97 = tpu.sem_alloc : memref<!tpu.dma_semaphore, #tpu.memory_space<semaphore_mem>>
      %dma_start3A_98 = arith.constant 0 : i32
      %dma_start3A_99 = tpu.memref_slice %arg7[%run_scoped3A_72, %dma_start3A_98] : memref<160x125xi32, #tpu.memory_space<vmem>> -> memref<1x125xi32, #tpu.memory_space<vmem>>
      %dma_start3A_100 = tpu.memref_squeeze %dma_start3A_99 : memref<1x125xi32, #tpu.memory_space<vmem>> -> memref<125xi32, #tpu.memory_space<vmem>>
      %dma_start3A_101 = arith.constant 0 : i32
      %dma_start3A_102 = arith.constant 0 : i32
      %dma_start3A_103 = tpu.memref_slice %arg13[%dma_start3A_101, %dma_start3A_102] : memref<10240x64xf32, #tpu.memory_space<vmem_shared>> -> memref<10240x64xf32, #tpu.memory_space<vmem_shared>>
      tpu.enqueue_indirect_dma source(%arg9 : memref<125x64xf32, #tpu.memory_space<vmem>>) target(%dma_start3A_103 : memref<10240x64xf32, #tpu.memory_space<vmem_shared>>) offsets(%dma_start3A_100 : memref<125xi32, #tpu.memory_space<vmem>>) semaphore(%run_scoped3A_97 : memref<!tpu.dma_semaphore, #tpu.memory_space<semaphore_mem>>) {add = true}
      %dma_wait3A_104 = arith.constant 0 : i32
      %dma_wait3A_105 = tpu.memref_slice %arg7[%run_scoped3A_72, %dma_wait3A_104] : memref<160x125xi32, #tpu.memory_space<vmem>> -> memref<1x125xi32, #tpu.memory_space<vmem>>
      %dma_wait3A_106 = tpu.memref_squeeze %dma_wait3A_105 : memref<1x125xi32, #tpu.memory_space<vmem>> -> memref<125xi32, #tpu.memory_space<vmem>>
      %dma_wait3A_107 = arith.constant 0 : i32
      %dma_wait3A_108 = arith.constant 0 : i32
      %dma_wait3A_109 = tpu.memref_slice %arg13[%dma_wait3A_107, %dma_wait3A_108] : memref<10240x64xf32, #tpu.memory_space<vmem_shared>> -> memref<10240x64xf32, #tpu.memory_space<vmem_shared>>
      tpu.wait_indirect_dma semaphore(%run_scoped3A_97 : memref<!tpu.dma_semaphore, #tpu.memory_space<semaphore_mem>>) src(%arg9 : memref<125x64xf32, #tpu.memory_space<vmem>>) dst(%dma_wait3A_109 : memref<10240x64xf32, #tpu.memory_space<vmem_shared>>)
      tpu.yield
    }) : () -> ()
    %dma_wait3A_73 = arith.constant 0 : i32
    %dma_wait3A_74 = arith.constant 0 : i32
    %dma_wait3A_75 = tpu.memref_slice %arg6[%dma_wait3A_73, %dma_wait3A_74] : memref<160x125xi32, #tpu.memory_space<vmem>> -> memref<1x125xi32, #tpu.memory_space<vmem>>
    %dma_wait3A_76 = tpu.memref_squeeze %dma_wait3A_75 : memref<1x125xi32, #tpu.memory_space<vmem>> -> memref<125xi32, #tpu.memory_space<vmem>>
    %dma_wait3A_77 = arith.constant 0 : i32
    %dma_wait3A_78 = arith.constant 0 : i32
    %dma_wait3A_79 = tpu.memref_slice %arg2[%dma_wait3A_77, %dma_wait3A_78] : memref<20480x64xf32, #tpu.memory_space<hbm>> -> memref<20480x64xf32, #tpu.memory_space<hbm>>
    tpu.wait_indirect_dma semaphore(%arg16 : memref<!tpu.dma_semaphore, #tpu.memory_space<semaphore_mem>>) src(%dma_wait3A_79 : memref<20480x64xf32, #tpu.memory_space<hbm>>) dst(%arg10 : memref<125x64xf32, #tpu.memory_space<vmem>>)
    %run_scoped3A_80 = arith.constant 158 : i32
    "tpu.region"() ({
      %run_scoped3A_97 = tpu.sem_alloc : memref<!tpu.dma_semaphore, #tpu.memory_space<semaphore_mem>>
      %dma_start3A_98 = arith.constant 0 : i32
      %dma_start3A_99 = tpu.memref_slice %arg7[%run_scoped3A_80, %dma_start3A_98] : memref<160x125xi32, #tpu.memory_space<vmem>> -> memref<1x125xi32, #tpu.memory_space<vmem>>
      %dma_start3A_100 = tpu.memref_squeeze %dma_start3A_99 : memref<1x125xi32, #tpu.memory_space<vmem>> -> memref<125xi32, #tpu.memory_space<vmem>>
      %dma_start3A_101 = arith.constant 0 : i32
      %dma_start3A_102 = arith.constant 0 : i32
      %dma_start3A_103 = tpu.memref_slice %arg13[%dma_start3A_101, %dma_start3A_102] : memref<10240x64xf32, #tpu.memory_space<vmem_shared>> -> memref<10240x64xf32, #tpu.memory_space<vmem_shared>>
      tpu.enqueue_indirect_dma source(%arg10 : memref<125x64xf32, #tpu.memory_space<vmem>>) target(%dma_start3A_103 : memref<10240x64xf32, #tpu.memory_space<vmem_shared>>) offsets(%dma_start3A_100 : memref<125xi32, #tpu.memory_space<vmem>>) semaphore(%run_scoped3A_97 : memref<!tpu.dma_semaphore, #tpu.memory_space<semaphore_mem>>) {add = true}
      %dma_wait3A_104 = arith.constant 0 : i32
      %dma_wait3A_105 = tpu.memref_slice %arg7[%run_scoped3A_80, %dma_wait3A_104] : memref<160x125xi32, #tpu.memory_space<vmem>> -> memref<1x125xi32, #tpu.memory_space<vmem>>
      %dma_wait3A_106 = tpu.memref_squeeze %dma_wait3A_105 : memref<1x125xi32, #tpu.memory_space<vmem>> -> memref<125xi32, #tpu.memory_space<vmem>>
      %dma_wait3A_107 = arith.constant 0 : i32
      %dma_wait3A_108 = arith.constant 0 : i32
      %dma_wait3A_109 = tpu.memref_slice %arg13[%dma_wait3A_107, %dma_wait3A_108] : memref<10240x64xf32, #tpu.memory_space<vmem_shared>> -> memref<10240x64xf32, #tpu.memory_space<vmem_shared>>
      tpu.wait_indirect_dma semaphore(%run_scoped3A_97 : memref<!tpu.dma_semaphore, #tpu.memory_space<semaphore_mem>>) src(%arg10 : memref<125x64xf32, #tpu.memory_space<vmem>>) dst(%dma_wait3A_109 : memref<10240x64xf32, #tpu.memory_space<vmem_shared>>)
      tpu.yield
    }) : () -> ()
    %dma_wait3A_81 = arith.constant 0 : i32
    %dma_wait3A_82 = arith.constant 0 : i32
    %dma_wait3A_83 = tpu.memref_slice %arg6[%dma_wait3A_81, %dma_wait3A_82] : memref<160x125xi32, #tpu.memory_space<vmem>> -> memref<1x125xi32, #tpu.memory_space<vmem>>
    %dma_wait3A_84 = tpu.memref_squeeze %dma_wait3A_83 : memref<1x125xi32, #tpu.memory_space<vmem>> -> memref<125xi32, #tpu.memory_space<vmem>>
    %dma_wait3A_85 = arith.constant 0 : i32
    %dma_wait3A_86 = arith.constant 0 : i32
    %dma_wait3A_87 = tpu.memref_slice %arg2[%dma_wait3A_85, %dma_wait3A_86] : memref<20480x64xf32, #tpu.memory_space<hbm>> -> memref<20480x64xf32, #tpu.memory_space<hbm>>
    tpu.wait_indirect_dma semaphore(%arg17 : memref<!tpu.dma_semaphore, #tpu.memory_space<semaphore_mem>>) src(%dma_wait3A_87 : memref<20480x64xf32, #tpu.memory_space<hbm>>) dst(%arg11 : memref<125x64xf32, #tpu.memory_space<vmem>>)
    %run_scoped3A_88 = arith.constant 159 : i32
    "tpu.region"() ({
      %run_scoped3A_97 = tpu.sem_alloc : memref<!tpu.dma_semaphore, #tpu.memory_space<semaphore_mem>>
      %dma_start3A_98 = arith.constant 0 : i32
      %dma_start3A_99 = tpu.memref_slice %arg7[%run_scoped3A_88, %dma_start3A_98] : memref<160x125xi32, #tpu.memory_space<vmem>> -> memref<1x125xi32, #tpu.memory_space<vmem>>
      %dma_start3A_100 = tpu.memref_squeeze %dma_start3A_99 : memref<1x125xi32, #tpu.memory_space<vmem>> -> memref<125xi32, #tpu.memory_space<vmem>>
      %dma_start3A_101 = arith.constant 0 : i32
      %dma_start3A_102 = arith.constant 0 : i32
      %dma_start3A_103 = tpu.memref_slice %arg13[%dma_start3A_101, %dma_start3A_102] : memref<10240x64xf32, #tpu.memory_space<vmem_shared>> -> memref<10240x64xf32, #tpu.memory_space<vmem_shared>>
      tpu.enqueue_indirect_dma source(%arg11 : memref<125x64xf32, #tpu.memory_space<vmem>>) target(%dma_start3A_103 : memref<10240x64xf32, #tpu.memory_space<vmem_shared>>) offsets(%dma_start3A_100 : memref<125xi32, #tpu.memory_space<vmem>>) semaphore(%run_scoped3A_97 : memref<!tpu.dma_semaphore, #tpu.memory_space<semaphore_mem>>) {add = true}
      %dma_wait3A_104 = arith.constant 0 : i32
      %dma_wait3A_105 = tpu.memref_slice %arg7[%run_scoped3A_88, %dma_wait3A_104] : memref<160x125xi32, #tpu.memory_space<vmem>> -> memref<1x125xi32, #tpu.memory_space<vmem>>
      %dma_wait3A_106 = tpu.memref_squeeze %dma_wait3A_105 : memref<1x125xi32, #tpu.memory_space<vmem>> -> memref<125xi32, #tpu.memory_space<vmem>>
      %dma_wait3A_107 = arith.constant 0 : i32
      %dma_wait3A_108 = arith.constant 0 : i32
      %dma_wait3A_109 = tpu.memref_slice %arg13[%dma_wait3A_107, %dma_wait3A_108] : memref<10240x64xf32, #tpu.memory_space<vmem_shared>> -> memref<10240x64xf32, #tpu.memory_space<vmem_shared>>
      tpu.wait_indirect_dma semaphore(%run_scoped3A_97 : memref<!tpu.dma_semaphore, #tpu.memory_space<semaphore_mem>>) src(%arg11 : memref<125x64xf32, #tpu.memory_space<vmem>>) dst(%dma_wait3A_109 : memref<10240x64xf32, #tpu.memory_space<vmem_shared>>)
      tpu.yield
    }) : () -> ()
    %barrier3A_89 = arith.constant 0 : index
    tpu.barrier barrier_id(%barrier3A_89)
    %eq3A = arith.constant 0 : i32
    %eq3A_90 = arith.cmpi eq, %arg0, %eq3A : i32
    %convert_element_type3A = arith.extui %eq3A_90 : i1 to i32
    %cond3A = arith.constant 0 : i32
    %cond3A_91 = arith.cmpi ne, %convert_element_type3A, %cond3A : i32
    scf.if %cond3A_91 {
      %mul3A_97 = arith.constant 640 : i32
      %mul3A_98 = arith.muli %arg1, %mul3A_97 : i32
      %mul3A_99 = arith.constant 640 : i32
      %mul3A_100 = arith.muli %arg1, %mul3A_99 : i32
      "tpu.region"() ({
        %run_scoped3A_101 = tpu.sem_alloc : memref<!tpu.dma_semaphore, #tpu.memory_space<semaphore_mem>>
        %dma_start3A_102 = arith.constant 0 : i32
        %dma_start3A_103 = tpu.memref_slice %arg5[%mul3A_100, %dma_start3A_102] : memref<10240x128xf32, #tpu.memory_space<hbm>> -> memref<640x64xf32, #tpu.memory_space<hbm>>
        %dma_start3A_104 = arith.constant 0 : i32
        %dma_start3A_105 = tpu.memref_slice %arg13[%mul3A_98, %dma_start3A_104] : memref<10240x64xf32, #tpu.memory_space<vmem_shared>> -> memref<640x64xf32, #tpu.memory_space<vmem_shared>>
        tpu.enqueue_dma source(%dma_start3A_105 : memref<640x64xf32, #tpu.memory_space<vmem_shared>>) target(%dma_start3A_103 : memref<640x64xf32, #tpu.memory_space<hbm>>) target_semaphore(%run_scoped3A_101 : memref<!tpu.dma_semaphore, #tpu.memory_space<semaphore_mem>>)
        %dma_wait3A_106 = arith.constant 0 : i32
        %dma_wait3A_107 = tpu.memref_slice %arg5[%mul3A_100, %dma_wait3A_106] : memref<10240x128xf32, #tpu.memory_space<hbm>> -> memref<640x64xf32, #tpu.memory_space<hbm>>
        %dma_wait3A_108 = arith.constant 0 : i32
        %dma_wait3A_109 = tpu.memref_slice %arg13[%mul3A_98, %dma_wait3A_108] : memref<10240x64xf32, #tpu.memory_space<vmem_shared>> -> memref<640x64xf32, #tpu.memory_space<vmem_shared>>
        tpu.wait_dma2 semaphore(%run_scoped3A_101 : memref<!tpu.dma_semaphore, #tpu.memory_space<semaphore_mem>>) src(%dma_wait3A_109 : memref<640x64xf32, #tpu.memory_space<vmem_shared>>) dst(%dma_wait3A_107 : memref<640x64xf32, #tpu.memory_space<hbm>>)
        tpu.yield
      }) : () -> ()
    } else {
    }
    %eq3A_92 = arith.constant 1 : i32
    %eq3A_93 = arith.cmpi eq, %arg0, %eq3A_92 : i32
    %convert_element_type3A_94 = arith.extui %eq3A_93 : i1 to i32
    %cond3A_95 = arith.constant 0 : i32
    %cond3A_96 = arith.cmpi ne, %convert_element_type3A_94, %cond3A_95 : i32
    scf.if %cond3A_96 {
      %mul3A_97 = arith.constant 640 : i32
      %mul3A_98 = arith.muli %arg1, %mul3A_97 : i32
      %mul3A_99 = arith.constant 640 : i32
      %mul3A_100 = arith.muli %arg1, %mul3A_99 : i32
      "tpu.region"() ({
        %run_scoped3A_101 = tpu.sem_alloc : memref<!tpu.dma_semaphore, #tpu.memory_space<semaphore_mem>>
        %dma_start3A_102 = arith.constant 64 : i32
        %dma_start3A_103 = tpu.memref_slice %arg5[%mul3A_100, %dma_start3A_102] : memref<10240x128xf32, #tpu.memory_space<hbm>> -> memref<640x64xf32, #tpu.memory_space<hbm>>
        %dma_start3A_104 = arith.constant 0 : i32
        %dma_start3A_105 = tpu.memref_slice %arg13[%mul3A_98, %dma_start3A_104] : memref<10240x64xf32, #tpu.memory_space<vmem_shared>> -> memref<640x64xf32, #tpu.memory_space<vmem_shared>>
        tpu.enqueue_dma source(%dma_start3A_105 : memref<640x64xf32, #tpu.memory_space<vmem_shared>>) target(%dma_start3A_103 : memref<640x64xf32, #tpu.memory_space<hbm>>) target_semaphore(%run_scoped3A_101 : memref<!tpu.dma_semaphore, #tpu.memory_space<semaphore_mem>>)
        %dma_wait3A_106 = arith.constant 64 : i32
        %dma_wait3A_107 = tpu.memref_slice %arg5[%mul3A_100, %dma_wait3A_106] : memref<10240x128xf32, #tpu.memory_space<hbm>> -> memref<640x64xf32, #tpu.memory_space<hbm>>
        %dma_wait3A_108 = arith.constant 0 : i32
        %dma_wait3A_109 = tpu.memref_slice %arg13[%mul3A_98, %dma_wait3A_108] : memref<10240x64xf32, #tpu.memory_space<vmem_shared>> -> memref<640x64xf32, #tpu.memory_space<vmem_shared>>
        tpu.wait_dma2 semaphore(%run_scoped3A_101 : memref<!tpu.dma_semaphore, #tpu.memory_space<semaphore_mem>>) src(%dma_wait3A_109 : memref<640x64xf32, #tpu.memory_space<vmem_shared>>) dst(%dma_wait3A_107 : memref<640x64xf32, #tpu.memory_space<hbm>>)
        tpu.yield
      }) : () -> ()
    } else {
    }
    return
  }
}

module attributes {stable_mosaic.version = 14 : i64} {
  func.func @_tc_in_body(%arg0: i32, %arg1: memref<1024x128xf32, #tpu.memory_space<vmem>>, %arg2: memref<128x256xf32, #tpu.memory_space<vmem>>, %arg3: memref<1x128xf32, #tpu.memory_space<vmem>>, %arg4: memref<1024x128xf32, #tpu.memory_space<vmem>>, %arg5: memref<1024x128xf32, #tpu.memory_space<vmem>>) attributes {dimension_semantics = [#tpu.dimension_semantics<arbitrary>], iteration_bounds = array<i64: 10>, scalar_prefetch = 0 : i64, scratch_operands = 0 : i64, tpu.core_type = #tpu.core_type<tc>, window_params = [{transform_indices = @transform_0, window_bounds = array<i64: 1024, 128>}, {pipeline_mode = #tpu.pipeline_mode<synchronous>, transform_indices = @transform_1, window_bounds = array<i64: 128, 256>}, {pipeline_mode = #tpu.pipeline_mode<synchronous>, transform_indices = @transform_2, window_bounds = array<i64: 1, 128>}, {transform_indices = @transform_3, window_bounds = array<i64: 1024, 128>}, {transform_indices = @transform_4, window_bounds = array<i64: 1024, 128>}]} {
    %get3A = arith.constant 0 : index
    %get3A_0 = arith.constant 0 : index
    %get3A_1 = vector.load %arg1[%get3A, %get3A_0] : memref<1024x128xf32, #tpu.memory_space<vmem>>, vector<1024x128xf32>
    %get3A_2 = arith.constant 0 : index
    %get3A_3 = arith.constant 0 : index
    %get3A_4 = vector.load %arg2[%get3A_2, %get3A_3] : memref<128x256xf32, #tpu.memory_space<vmem>>, vector<128x256xf32>
    %dot_general3A = arith.constant dense<0.000000e+00> : vector<1024x256xf32>
    %dot_general3A_5 = tpu.matmul %get3A_1, %get3A_4, %dot_general3A {dimension_numbers = #tpu.dot_dimension_numbers<[1], [0], [0], [1], [0, 0, 1, 1], [], []>, transpose_lhs_hint = false} : vector<1024x128xf32>, vector<128x256xf32>, vector<1024x256xf32> -> vector<1024x256xf32>
    %slice3A = vector.extract_strided_slice %dot_general3A_5 {offsets = [0, 0], sizes = [1024, 128], strides = [1, 1]} : vector<1024x256xf32> to vector<1024x128xf32>
    %swap3A = arith.constant 0 : index
    %swap3A_6 = arith.constant 0 : index
    %swap3A_7 = vector.load %arg4[%swap3A, %swap3A_6] : memref<1024x128xf32, #tpu.memory_space<vmem>>, vector<1024x128xf32>
    tpu.vector_store %arg4[%swap3A, %swap3A_6], %slice3A {strides = array<i32>} : memref<1024x128xf32, #tpu.memory_space<vmem>>, vector<1024x128xf32>,
    %slice3A_8 = vector.extract_strided_slice %dot_general3A_5 {offsets = [0, 128], sizes = [1024, 128], strides = [1, 1]} : vector<1024x256xf32> to vector<1024x128xf32>
    %get3A_9 = arith.constant 0 : index
    %get3A_10 = arith.constant 0 : index
    %get3A_11 = vector.load %arg3[%get3A_9, %get3A_10] : memref<1x128xf32, #tpu.memory_space<vmem>>, vector<1x128xf32>
    %add3A = vector.broadcast %get3A_11 : vector<1x128xf32> to vector<1024x128xf32>
    %add3A_12 = arith.addf %slice3A_8, %add3A : vector<1024x128xf32>
    %swap3A_13 = arith.constant 0 : index
    %swap3A_14 = arith.constant 0 : index
    %swap3A_15 = vector.load %arg5[%swap3A_13, %swap3A_14] : memref<1024x128xf32, #tpu.memory_space<vmem>>, vector<1024x128xf32>
    tpu.vector_store %arg5[%swap3A_13, %swap3A_14], %add3A_12 {strides = array<i32>} : memref<1024x128xf32, #tpu.memory_space<vmem>>, vector<1024x128xf32>,
    return
  }
  func.func @transform_0(%arg0: i32) -> (i32, i32) {
    %c0_i32 = arith.constant 0 : i32
    %c0_i32_0 = arith.constant 0 : i32
    return %arg0, %c0_i32 : i32, i32
  }
  func.func @transform_1(%arg0: i32) -> (i32, i32) {
    %c0_i32 = arith.constant 0 : i32
    %c0_i32_0 = arith.constant 0 : i32
    %c0_i32_1 = arith.constant 0 : i32
    return %c0_i32, %c0_i32_0 : i32, i32
  }
  func.func @transform_2(%arg0: i32) -> (i32, i32) {
    %c0_i32 = arith.constant 0 : i32
    %c0_i32_0 = arith.constant 0 : i32
    %c0_i32_1 = arith.constant 0 : i32
    return %c0_i32, %c0_i32_0 : i32, i32
  }
  func.func @transform_3(%arg0: i32) -> (i32, i32) {
    %c0_i32 = arith.constant 0 : i32
    %c0_i32_0 = arith.constant 0 : i32
    return %arg0, %c0_i32 : i32, i32
  }
  func.func @transform_4(%arg0: i32) -> (i32, i32) {
    %c0_i32 = arith.constant 0 : i32
    %c0_i32_0 = arith.constant 0 : i32
    return %arg0, %c0_i32 : i32, i32
  }
}

module attributes {stable_mosaic.version = 14 : i64} {
  func.func @_tc_mid_body(%arg0: i32, %arg1: memref<1024x128xf32, #tpu.memory_space<vmem>>, %arg2: memref<1024x8xf32, #tpu.memory_space<vmem>>, %arg3: memref<1024x128xf32, #tpu.memory_space<vmem>>, %arg4: memref<128x256xf32, #tpu.memory_space<vmem>>, %arg5: memref<1x128xf32, #tpu.memory_space<vmem>>, %arg6: memref<1024x128xf32, #tpu.memory_space<vmem>>, %arg7: memref<1024x128xf32, #tpu.memory_space<vmem>>) attributes {dimension_semantics = [#tpu.dimension_semantics<arbitrary>], iteration_bounds = array<i64: 10>, scalar_prefetch = 0 : i64, scratch_operands = 0 : i64, tpu.core_type = #tpu.core_type<tc>, window_params = [{transform_indices = @transform_0, window_bounds = array<i64: 1024, 128>}, {transform_indices = @transform_1, window_bounds = array<i64: 1024, 8>}, {transform_indices = @transform_2, window_bounds = array<i64: 1024, 128>}, {pipeline_mode = #tpu.pipeline_mode<synchronous>, transform_indices = @transform_3, window_bounds = array<i64: 128, 256>}, {pipeline_mode = #tpu.pipeline_mode<synchronous>, transform_indices = @transform_4, window_bounds = array<i64: 1, 128>}, {transform_indices = @transform_5, window_bounds = array<i64: 1024, 128>}, {transform_indices = @transform_6, window_bounds = array<i64: 1024, 128>}]} {
    %get3A = arith.constant 0 : index
    %get3A_0 = arith.constant 0 : index
    %get3A_1 = vector.load %arg1[%get3A, %get3A_0] : memref<1024x128xf32, #tpu.memory_space<vmem>>, vector<1024x128xf32>
    %get3A_2 = arith.constant 0 : index
    %get3A_3 = arith.constant 0 : index
    %get3A_4 = vector.load %arg2[%get3A_2, %get3A_3] : memref<1024x8xf32, #tpu.memory_space<vmem>>, vector<1024x1xf32>
    %max3A = arith.constant 1.000000e+00 : f32
    %max3A_5 = vector.broadcast %max3A : f32 to vector<1024x1xf32>
    %max3A_6 = arith.maximumf %get3A_4, %max3A_5 : vector<1024x1xf32>
    %div3A = vector.broadcast %max3A_6 : vector<1024x1xf32> to vector<1024x128xf32>
    %div3A_7 = arith.divf %get3A_1, %div3A : vector<1024x128xf32>
    %get3A_8 = arith.constant 0 : index
    %get3A_9 = arith.constant 0 : index
    %get3A_10 = vector.load %arg3[%get3A_8, %get3A_9] : memref<1024x128xf32, #tpu.memory_space<vmem>>, vector<1024x128xf32>
    %add3A = arith.addf %div3A_7, %get3A_10 : vector<1024x128xf32>
    %max3A_11 = arith.constant 0.000000e+00 : f32
    %max3A_12 = vector.broadcast %max3A_11 : f32 to vector<1024x128xf32>
    %max3A_13 = arith.maximumf %add3A, %max3A_12 : vector<1024x128xf32>
    %get3A_14 = arith.constant 0 : index
    %get3A_15 = arith.constant 0 : index
    %get3A_16 = vector.load %arg4[%get3A_14, %get3A_15] : memref<128x256xf32, #tpu.memory_space<vmem>>, vector<128x256xf32>
    %dot_general3A = arith.constant dense<0.000000e+00> : vector<1024x256xf32>
    %dot_general3A_17 = tpu.matmul %max3A_13, %get3A_16, %dot_general3A {dimension_numbers = #tpu.dot_dimension_numbers<[1], [0], [0], [1], [0, 0, 1, 1], [], []>, transpose_lhs_hint = false} : vector<1024x128xf32>, vector<128x256xf32>, vector<1024x256xf32> -> vector<1024x256xf32>
    %slice3A = vector.extract_strided_slice %dot_general3A_17 {offsets = [0, 0], sizes = [1024, 128], strides = [1, 1]} : vector<1024x256xf32> to vector<1024x128xf32>
    %swap3A = arith.constant 0 : index
    %swap3A_18 = arith.constant 0 : index
    %swap3A_19 = vector.load %arg6[%swap3A, %swap3A_18] : memref<1024x128xf32, #tpu.memory_space<vmem>>, vector<1024x128xf32>
    tpu.vector_store %arg6[%swap3A, %swap3A_18], %slice3A {strides = array<i32>} : memref<1024x128xf32, #tpu.memory_space<vmem>>, vector<1024x128xf32>,
    %slice3A_20 = vector.extract_strided_slice %dot_general3A_17 {offsets = [0, 128], sizes = [1024, 128], strides = [1, 1]} : vector<1024x256xf32> to vector<1024x128xf32>
    %get3A_21 = arith.constant 0 : index
    %get3A_22 = arith.constant 0 : index
    %get3A_23 = vector.load %arg5[%get3A_21, %get3A_22] : memref<1x128xf32, #tpu.memory_space<vmem>>, vector<1x128xf32>
    %add3A_24 = vector.broadcast %get3A_23 : vector<1x128xf32> to vector<1024x128xf32>
    %add3A_25 = arith.addf %slice3A_20, %add3A_24 : vector<1024x128xf32>
    %swap3A_26 = arith.constant 0 : index
    %swap3A_27 = arith.constant 0 : index
    %swap3A_28 = vector.load %arg7[%swap3A_26, %swap3A_27] : memref<1024x128xf32, #tpu.memory_space<vmem>>, vector<1024x128xf32>
    tpu.vector_store %arg7[%swap3A_26, %swap3A_27], %add3A_25 {strides = array<i32>} : memref<1024x128xf32, #tpu.memory_space<vmem>>, vector<1024x128xf32>,
    return
  }
  func.func @transform_0(%arg0: i32) -> (i32, i32) {
    %c0_i32 = arith.constant 0 : i32
    %c0_i32_0 = arith.constant 0 : i32
    return %arg0, %c0_i32 : i32, i32
  }
  func.func @transform_1(%arg0: i32) -> (i32, i32) {
    %c0_i32 = arith.constant 0 : i32
    %c0_i32_0 = arith.constant 0 : i32
    return %arg0, %c0_i32 : i32, i32
  }
  func.func @transform_2(%arg0: i32) -> (i32, i32) {
    %c0_i32 = arith.constant 0 : i32
    %c0_i32_0 = arith.constant 0 : i32
    return %arg0, %c0_i32 : i32, i32
  }
  func.func @transform_3(%arg0: i32) -> (i32, i32) {
    %c0_i32 = arith.constant 0 : i32
    %c0_i32_0 = arith.constant 0 : i32
    %c0_i32_1 = arith.constant 0 : i32
    return %c0_i32, %c0_i32_0 : i32, i32
  }
  func.func @transform_4(%arg0: i32) -> (i32, i32) {
    %c0_i32 = arith.constant 0 : i32
    %c0_i32_0 = arith.constant 0 : i32
    %c0_i32_1 = arith.constant 0 : i32
    return %c0_i32, %c0_i32_0 : i32, i32
  }
  func.func @transform_5(%arg0: i32) -> (i32, i32) {
    %c0_i32 = arith.constant 0 : i32
    %c0_i32_0 = arith.constant 0 : i32
    return %arg0, %c0_i32 : i32, i32
  }
  func.func @transform_6(%arg0: i32) -> (i32, i32) {
    %c0_i32 = arith.constant 0 : i32
    %c0_i32_0 = arith.constant 0 : i32
    return %arg0, %c0_i32 : i32, i32
  }
}

module attributes {stable_mosaic.version = 14 : i64} {
  func.func @_tc_mid_body(%arg0: i32, %arg1: memref<1024x128xf32, #tpu.memory_space<vmem>>, %arg2: memref<1024x8xf32, #tpu.memory_space<vmem>>, %arg3: memref<1024x128xf32, #tpu.memory_space<vmem>>, %arg4: memref<128x256xf32, #tpu.memory_space<vmem>>, %arg5: memref<1x128xf32, #tpu.memory_space<vmem>>, %arg6: memref<1024x128xf32, #tpu.memory_space<vmem>>, %arg7: memref<1024x128xf32, #tpu.memory_space<vmem>>) attributes {dimension_semantics = [#tpu.dimension_semantics<arbitrary>], iteration_bounds = array<i64: 10>, scalar_prefetch = 0 : i64, scratch_operands = 0 : i64, tpu.core_type = #tpu.core_type<tc>, window_params = [{transform_indices = @transform_0, window_bounds = array<i64: 1024, 128>}, {transform_indices = @transform_1, window_bounds = array<i64: 1024, 8>}, {transform_indices = @transform_2, window_bounds = array<i64: 1024, 128>}, {pipeline_mode = #tpu.pipeline_mode<synchronous>, transform_indices = @transform_3, window_bounds = array<i64: 128, 256>}, {pipeline_mode = #tpu.pipeline_mode<synchronous>, transform_indices = @transform_4, window_bounds = array<i64: 1, 128>}, {transform_indices = @transform_5, window_bounds = array<i64: 1024, 128>}, {transform_indices = @transform_6, window_bounds = array<i64: 1024, 128>}]} {
    %get3A = arith.constant 0 : index
    %get3A_0 = arith.constant 0 : index
    %get3A_1 = vector.load %arg1[%get3A, %get3A_0] : memref<1024x128xf32, #tpu.memory_space<vmem>>, vector<1024x128xf32>
    %get3A_2 = arith.constant 0 : index
    %get3A_3 = arith.constant 0 : index
    %get3A_4 = vector.load %arg2[%get3A_2, %get3A_3] : memref<1024x8xf32, #tpu.memory_space<vmem>>, vector<1024x1xf32>
    %max3A = arith.constant 1.000000e+00 : f32
    %max3A_5 = vector.broadcast %max3A : f32 to vector<1024x1xf32>
    %max3A_6 = arith.maximumf %get3A_4, %max3A_5 : vector<1024x1xf32>
    %div3A = vector.broadcast %max3A_6 : vector<1024x1xf32> to vector<1024x128xf32>
    %div3A_7 = arith.divf %get3A_1, %div3A : vector<1024x128xf32>
    %get3A_8 = arith.constant 0 : index
    %get3A_9 = arith.constant 0 : index
    %get3A_10 = vector.load %arg3[%get3A_8, %get3A_9] : memref<1024x128xf32, #tpu.memory_space<vmem>>, vector<1024x128xf32>
    %add3A = arith.addf %div3A_7, %get3A_10 : vector<1024x128xf32>
    %max3A_11 = arith.constant 0.000000e+00 : f32
    %max3A_12 = vector.broadcast %max3A_11 : f32 to vector<1024x128xf32>
    %max3A_13 = arith.maximumf %add3A, %max3A_12 : vector<1024x128xf32>
    %get3A_14 = arith.constant 0 : index
    %get3A_15 = arith.constant 0 : index
    %get3A_16 = vector.load %arg4[%get3A_14, %get3A_15] : memref<128x256xf32, #tpu.memory_space<vmem>>, vector<128x256xf32>
    %dot_general3A = arith.constant dense<0.000000e+00> : vector<1024x256xf32>
    %dot_general3A_17 = tpu.matmul %max3A_13, %get3A_16, %dot_general3A {dimension_numbers = #tpu.dot_dimension_numbers<[1], [0], [0], [1], [0, 0, 1, 1], [], []>, transpose_lhs_hint = false} : vector<1024x128xf32>, vector<128x256xf32>, vector<1024x256xf32> -> vector<1024x256xf32>
    %slice3A = vector.extract_strided_slice %dot_general3A_17 {offsets = [0, 0], sizes = [1024, 128], strides = [1, 1]} : vector<1024x256xf32> to vector<1024x128xf32>
    %swap3A = arith.constant 0 : index
    %swap3A_18 = arith.constant 0 : index
    %swap3A_19 = vector.load %arg6[%swap3A, %swap3A_18] : memref<1024x128xf32, #tpu.memory_space<vmem>>, vector<1024x128xf32>
    tpu.vector_store %arg6[%swap3A, %swap3A_18], %slice3A {strides = array<i32>} : memref<1024x128xf32, #tpu.memory_space<vmem>>, vector<1024x128xf32>,
    %slice3A_20 = vector.extract_strided_slice %dot_general3A_17 {offsets = [0, 128], sizes = [1024, 128], strides = [1, 1]} : vector<1024x256xf32> to vector<1024x128xf32>
    %get3A_21 = arith.constant 0 : index
    %get3A_22 = arith.constant 0 : index
    %get3A_23 = vector.load %arg5[%get3A_21, %get3A_22] : memref<1x128xf32, #tpu.memory_space<vmem>>, vector<1x128xf32>
    %add3A_24 = vector.broadcast %get3A_23 : vector<1x128xf32> to vector<1024x128xf32>
    %add3A_25 = arith.addf %slice3A_20, %add3A_24 : vector<1024x128xf32>
    %swap3A_26 = arith.constant 0 : index
    %swap3A_27 = arith.constant 0 : index
    %swap3A_28 = vector.load %arg7[%swap3A_26, %swap3A_27] : memref<1024x128xf32, #tpu.memory_space<vmem>>, vector<1024x128xf32>
    tpu.vector_store %arg7[%swap3A_26, %swap3A_27], %add3A_25 {strides = array<i32>} : memref<1024x128xf32, #tpu.memory_space<vmem>>, vector<1024x128xf32>,
    return
  }
  func.func @transform_0(%arg0: i32) -> (i32, i32) {
    %c0_i32 = arith.constant 0 : i32
    %c0_i32_0 = arith.constant 0 : i32
    return %arg0, %c0_i32 : i32, i32
  }
  func.func @transform_1(%arg0: i32) -> (i32, i32) {
    %c0_i32 = arith.constant 0 : i32
    %c0_i32_0 = arith.constant 0 : i32
    return %arg0, %c0_i32 : i32, i32
  }
  func.func @transform_2(%arg0: i32) -> (i32, i32) {
    %c0_i32 = arith.constant 0 : i32
    %c0_i32_0 = arith.constant 0 : i32
    return %arg0, %c0_i32 : i32, i32
  }
  func.func @transform_3(%arg0: i32) -> (i32, i32) {
    %c0_i32 = arith.constant 0 : i32
    %c0_i32_0 = arith.constant 0 : i32
    %c0_i32_1 = arith.constant 0 : i32
    return %c0_i32, %c0_i32_0 : i32, i32
  }
  func.func @transform_4(%arg0: i32) -> (i32, i32) {
    %c0_i32 = arith.constant 0 : i32
    %c0_i32_0 = arith.constant 0 : i32
    %c0_i32_1 = arith.constant 0 : i32
    return %c0_i32, %c0_i32_0 : i32, i32
  }
  func.func @transform_5(%arg0: i32) -> (i32, i32) {
    %c0_i32 = arith.constant 0 : i32
    %c0_i32_0 = arith.constant 0 : i32
    return %arg0, %c0_i32 : i32, i32
  }
  func.func @transform_6(%arg0: i32) -> (i32, i32) {
    %c0_i32 = arith.constant 0 : i32
    %c0_i32_0 = arith.constant 0 : i32
    return %arg0, %c0_i32 : i32, i32
  }
}

module attributes {stable_mosaic.version = 14 : i64} {
  func.func @_tc_out_body(%arg0: i32, %arg1: memref<1024x128xf32, #tpu.memory_space<vmem>>, %arg2: memref<1024x8xf32, #tpu.memory_space<vmem>>, %arg3: memref<1024x128xf32, #tpu.memory_space<vmem>>, %arg4: memref<1024x128xf32, #tpu.memory_space<vmem>>) attributes {dimension_semantics = [#tpu.dimension_semantics<arbitrary>], iteration_bounds = array<i64: 10>, scalar_prefetch = 0 : i64, scratch_operands = 0 : i64, tpu.core_type = #tpu.core_type<tc>, window_params = [{transform_indices = @transform_0, window_bounds = array<i64: 1024, 128>}, {transform_indices = @transform_1, window_bounds = array<i64: 1024, 8>}, {transform_indices = @transform_2, window_bounds = array<i64: 1024, 128>}, {transform_indices = @transform_3, window_bounds = array<i64: 1024, 128>}]} {
    %get3A = arith.constant 0 : index
    %get3A_0 = arith.constant 0 : index
    %get3A_1 = vector.load %arg1[%get3A, %get3A_0] : memref<1024x128xf32, #tpu.memory_space<vmem>>, vector<1024x128xf32>
    %get3A_2 = arith.constant 0 : index
    %get3A_3 = arith.constant 0 : index
    %get3A_4 = vector.load %arg2[%get3A_2, %get3A_3] : memref<1024x8xf32, #tpu.memory_space<vmem>>, vector<1024x1xf32>
    %max3A = arith.constant 1.000000e+00 : f32
    %max3A_5 = vector.broadcast %max3A : f32 to vector<1024x1xf32>
    %max3A_6 = arith.maximumf %get3A_4, %max3A_5 : vector<1024x1xf32>
    %div3A = vector.broadcast %max3A_6 : vector<1024x1xf32> to vector<1024x128xf32>
    %div3A_7 = arith.divf %get3A_1, %div3A : vector<1024x128xf32>
    %get3A_8 = arith.constant 0 : index
    %get3A_9 = arith.constant 0 : index
    %get3A_10 = vector.load %arg3[%get3A_8, %get3A_9] : memref<1024x128xf32, #tpu.memory_space<vmem>>, vector<1024x128xf32>
    %add3A = arith.addf %div3A_7, %get3A_10 : vector<1024x128xf32>
    %max3A_11 = arith.constant 0.000000e+00 : f32
    %max3A_12 = vector.broadcast %max3A_11 : f32 to vector<1024x128xf32>
    %max3A_13 = arith.maximumf %add3A, %max3A_12 : vector<1024x128xf32>
    %swap3A = arith.constant 0 : index
    %swap3A_14 = arith.constant 0 : index
    %swap3A_15 = vector.load %arg4[%swap3A, %swap3A_14] : memref<1024x128xf32, #tpu.memory_space<vmem>>, vector<1024x128xf32>
    tpu.vector_store %arg4[%swap3A, %swap3A_14], %max3A_13 {strides = array<i32>} : memref<1024x128xf32, #tpu.memory_space<vmem>>, vector<1024x128xf32>,
    return
  }
  func.func @transform_0(%arg0: i32) -> (i32, i32) {
    %c0_i32 = arith.constant 0 : i32
    %c0_i32_0 = arith.constant 0 : i32
    return %arg0, %c0_i32 : i32, i32
  }
  func.func @transform_1(%arg0: i32) -> (i32, i32) {
    %c0_i32 = arith.constant 0 : i32
    %c0_i32_0 = arith.constant 0 : i32
    return %arg0, %c0_i32 : i32, i32
  }
  func.func @transform_2(%arg0: i32) -> (i32, i32) {
    %c0_i32 = arith.constant 0 : i32
    %c0_i32_0 = arith.constant 0 : i32
    return %arg0, %c0_i32 : i32, i32
  }
  func.func @transform_3(%arg0: i32) -> (i32, i32) {
    %c0_i32 = arith.constant 0 : i32
    %c0_i32_0 = arith.constant 0 : i32
    return %arg0, %c0_i32 : i32, i32
  }
}

</mosaic_0001>

<sc_bundles>
// kernel: sc_segsum.4.cloned.1.call-start
scs
__scs_entry_jumppad:
0x0: {  	(pc) =	sbr.rel $0x88, $3  }
0x1: {  	(tag) =	ssettag $0x0;
	lr =	simm.s32 $0x1  }
0x2: {  	[smem:$0x3F96] =	sst lr;
	_ =	strace $0xD0000000  }
0x3: {  	_ = 	snop  }
0x4: {  	_ = 	snop  }
0x5: {  	_ = 	snop  }
0x6: {  	_ = 	snop  }
0x7: {  	_ = 	snop  }
__scs_overlays_trampoline_lowered:
0x8: {  	[smem:$0x3FA5] =	sst s0  }
0x9: {  	[smem:$0x3FA6] =	sst s1  }
0xa: {  	[smem:$0x3FA7] =	sst s2  }
0xb: {  	[smem:$0x3FA8] =	sst s3  }
0xc: {  	[smem:$0x3FA9] =	sst s4  }
0xd: {  	[smem:$0x3FAA] =	sst s5  }
0xe: {  	[smem:$0x3FAB] =	sst s6  }
0xf: {  	[smem:$0x3FAC] =	sst s7  }
0x10: {  	[smem:$0x3FAD] =	sst s8  }
0x11: {  	[smem:$0x3FAE] =	sst s9;
	s0 =	simm.s32 @!p0 $0x0  }
0x12: {  	s1 =	sld [smem:$0x3F94];
	s0 =	simm.s32 @p0 $0x1  }
0x13: {  	[smem:$0x3FAF] =	sst s0;
	s0 =	simm.s32 @!p1 $0x0  }
0x14: {  	s2 =	sld [smem:$0x3F93];
	s0 =	simm.s32 @p1 $0x1  }
0x15: {  	[smem:$0x3FB0] =	sst s0;
	s0 =	simm.s32 @!p2 $0x0  }
0x16: {  	s3 =	sld [smem:$0x3FDB];
	s0 =	simm.s32 @p2 $0x1  }
0x17: {  	s4 =	simm.s32 $0x1BF5;
	[smem:$0x3FB2] =	sst s0  }
0x18: {  	s0 =	sld [smem:$0x3F95];
	_ =	swait.ge [sflag:s4], $0x0  }
0x19: {  	s7 =	sld [smem:$0x3F96]  }
0x1a: {  	s8 =	sadd.s32 $0xFFFFE003, lr  }
0x1b: {  	s9 =	sadd.s32 $0xFFFFFEF7, lr;
	s5 =	simm.s32 $0xFFFFFFFF;
	p2 =	slt.u32 s8, $0xFFFFF086  }
0x1c: {  	p1 =	slt.u32 s9, $0xF7A;
	s5 =	simm.s32 @!p2 $0x0  }
0x1d: {  	s5 =	simm.s32 @p1 $0x1;
	p0 =	seq.s32 s7, s2  }
0x1e: {  	s7 =	smul.u32 @!p0 $0xF7A, s2;
	p2 =	seq.s32 @!p0 s5, $0x0  }
0x1f: {  	s9 =	smul.u32 $0xF7A, s1;
	s8 =	simm.s32 @!p0 $0x1BF5;
	p2 =	por !p2, p0  }
0x20: {  	[sflag:s8] =	ssyncset.s32 @!p0 $0xFFFFF086;
	s6 =	sadd.s32 @!p0 s3, s7;
	s7 =	simm.s32 @!p0 $0x108  }
0x21: {  	s3 =	sadd.s32 s3, s9;
	s6 =	sadd.s32 @!p0 $0x88, s6;
	s7 =	simm.s32 @p2 $0x1082  }
0x22: {  	[simem:s7], [sflag:s8] =	dma.local @!p0 [hbm:s6], $0xF7A  }
0x23: {  	s9 =	sor.u32 $0xD0000000, s2;
	s6 =	simm.s32 $0x108;
	_ =	swait.ge @!p0 [sflag:s8], $0x0  }
0x24: {  	s3 =	sadd.s32 $0x88, s3;
	s6 =	simm.s32 @!p1 $0x1082;
	[sflag:s4] =	ssyncset.s32 $0xFFFFF086  }
0x25: {  	[simem:s6], [sflag:s4] =	dma.local [hbm:s3], $0xF7A  }
0x26: {  	[smem:$0x3F96] =	sst s1;
	(tag) =	ssettag s2;
	_ =	strace s9  }
0x27: {  	s1 =	sld [smem:$0x3FA6]  }
0x28: {  	s2 =	sld [smem:$0x3FA7]  }
0x29: {  	s4 =	sld [smem:$0x3FA9]  }
0x2a: {  	p0 =	seq.s32 s5, $0x0;
	s5 =	sld [smem:$0x3FAA]  }
0x2b: {  	s6 =	sld [smem:$0x3FAB]  }
0x2c: {  	s7 =	sld [smem:$0x3FAC]  }
0x2d: {  	s3 =	simm.s32 $0x108;
	s8 =	sld [smem:$0x3FAD]  }
0x2e: {  	s3 =	simm.s32 @!p0 $0x1082;
	s9 =	sld [smem:$0x3FAE]  }
0x2f: {  	lr =	sadd.s32 s0, s3;
	s0 =	sld [smem:$0x3FA5]  }
0x30: {  	s3 =	sld [smem:$0x3FA8]  }
0x31: {  	[smem:$0x3FB1] =	sst s10  }
0x32: {  	s10 =	sld [smem:$0x3FAF];
	_ =	sdelay $0x3  }
0x33: {  	p0 =	seq.s32 s10, $0x1;
	s10 =	sld [smem:$0x3FB1];
	_ =	sdelay $0x3  }
0x34: {  	[smem:$0x3FB1] =	sst s10  }
0x35: {  	s10 =	sld [smem:$0x3FB0];
	_ =	sdelay $0x3  }
0x36: {  	p1 =	seq.s32 s10, $0x1;
	s10 =	sld [smem:$0x3FB1];
	_ =	sdelay $0x3  }
0x37: {  	[smem:$0x3FB1] =	sst s10  }
0x38: {  	s10 =	sld [smem:$0x3FB2]  }
0x39: {  	_ = 	snop;
	(pc) =	sbr.ind lr, $3  }
0x3a: {  	_ = 	snop  }
0x3b: {  	_ = 	snop  }
0x3c: {  	p2 =	seq.s32 s10, $0x1;
	s10 =	sld [smem:$0x3FB1]  }
0x3d: {  	_ =	shalt  }
0x3e: {  	_ =	shalt  }
0x3f: {  	_ =	shalt  }
0x40: {  	_ =	shalt  }
0x41: {  	_ =	shalt  }
0x42: {  	_ =	shalt  }
0x43: {  	_ =	shalt  }
0x44: {  	_ =	shalt  }
0x45: {  	_ =	shalt  }
0x46: {  	_ =	shalt  }
0x47: {  	_ =	shalt  }
0x48: {  	_ =	shalt  }
0x49: {  	_ =	shalt  }
0x4a: {  	_ =	shalt  }
0x4b: {  	_ =	shalt  }
0x4c: {  	_ =	shalt  }
0x4d: {  	_ =	shalt  }
0x4e: {  	_ =	shalt  }
0x4f: {  	_ =	shalt  }
0x50: {  	_ =	shalt  }
0x51: {  	_ =	shalt  }
0x52: {  	_ =	shalt  }
0x53: {  	_ =	shalt  }
0x54: {  	_ =	shalt  }
0x55: {  	_ =	shalt  }
0x56: {  	_ =	shalt  }
0x57: {  	_ =	shalt  }
0x58: {  	_ =	shalt  }
0x59: {  	_ =	shalt  }
0x5a: {  	_ =	shalt  }
0x5b: {  	_ =	shalt  }
0x5c: {  	_ =	shalt  }
0x5d: {  	_ =	shalt  }
0x5e: {  	_ =	shalt  }
0x5f: {  	_ =	shalt  }
0x60: {  	_ =	shalt  }
0x61: {  	_ =	shalt  }
0x62: {  	_ =	shalt  }
0x63: {  	_ =	shalt  }
0x64: {  	_ =	shalt  }
0x65: {  	_ =	shalt  }
0x66: {  	_ =	shalt  }
0x67: {  	_ =	shalt  }
0x68: {  	_ =	shalt  }
0x69: {  	_ =	shalt  }
0x6a: {  	_ =	shalt  }
0x6b: {  	_ =	shalt  }
0x6c: {  	_ =	shalt  }
0x6d: {  	_ =	shalt  }
0x6e: {  	_ =	shalt  }
0x6f: {  	_ =	shalt  }
0x70: {  	_ =	shalt  }
0x71: {  	_ =	shalt  }
0x72: {  	_ =	shalt  }
0x73: {  	_ =	shalt  }
0x74: {  	_ =	shalt  }
0x75: {  	_ =	shalt  }
0x76: {  	_ =	shalt  }
0x77: {  	_ =	shalt  }
0x78: {  	_ =	shalt  }
0x79: {  	_ =	shalt  }
0x7a: {  	_ =	shalt  }
0x7b: {  	_ =	shalt  }
0x7c: {  	_ =	shalt  }
0x7d: {  	_ =	shalt  }
0x7e: {  	_ =	shalt  }
0x7f: {  	_ =	shalt  }
0x80: {  	_ =	shalt  }
0x81: {  	_ =	shalt  }
0x82: {  	_ =	shalt  }
0x83: {  	_ =	shalt  }
0x84: {  	_ =	shalt  }
0x85: {  	_ =	shalt  }
0x86: {  	_ =	shalt  }
0x87: {  	_ =	shalt  }
.Lfunc_end0:
.L_simem_size_0:
called_computation.1_lowered:
.L_overlay_start_0:
0x88: {  	s2 =	sld [smem:$0x3FD9]  }
0x89: {  	s3 =	sld [smem:$0x3FFE];
	_ =	sdelay $0x1  }
0x8a: {  	s1 =	srdreg.scid  }
0x8b: {  	s0 =	sand.u32 $0x1, s1  }
0x8c: {  	s17 =	sshll.u32 s0, $0xA;
	s2 =	sadd.s32 s3, s2  }
0x8d: {  	s2 =	sadd.s32 s2, s17  }
0x8e: {  	[smem:$0x3FBD] =	sst s2  }
0x8f: {  	_ = 	snop  }
0x90: {  	s2 =	sld [smem:$0x3FD0];
	(tm) =	ssettm $0x1  }
0x91: {  	s18 =	sld [smem:$0x3FFB];
	_ =	sdelay $0x3  }
0x92: {  	_ =	strace s18  }
0x93: {  	s3 =	sld [smem:$0x3FFC];
	_ =	sdelay $0x3  }
0x94: {  	_ =	strace s3  }
0x95: {  	s3 =	sld [smem:$0x3FFD];
	_ =	sdelay $0x3  }
0x96: {  	_ =	strace s3  }
0x97: {  	_ =	strace $0x8FFFFFFF  }
0x98: {  	s19 =	sld [smem:$0x3FDB];
	_ =	sdelay $0x1  }
0x99: {  	s4 =	simm.s32 $_scs_section_size  }
0x9a: {  	s5 =	simm.s32 $_size__tile_overlayer_lowered;
	s6 =	simm.s32 $_tile_overlayer_lowered  }
0x9b: {  	s22 =	simm.s32 $0x1BFF;
	s21 =	sshll.u32 s6, $0x1;
	s3 =	sadd.s32 s4, s19  }
0x9c: {  	s7 =	simm.s32 $0x0;
	s20 =	sshll.u32 s5, $0x1;
	s5 =	sadd.s32 s21, s3  }
0x9d: {  	[timem:s7], [sflag:s22] =	dma.local [hbm:s5], s20  }
0x9e: {  	_ =	swait.ge [sflag:s22], s20  }
0x9f: {  	s4 =	ssub.s32 $0x0, s20;
	[sflag:s22] =	ssyncset.done $0x0  }
0xa0: {  	[sflag:s22] =	ssyncadd.s32 s4;
	_ =	sdelay $0x1  }
0xa1: {  	s23 =	simm.s32 $0x1B8B  }
0xa2: {  	_ =	swait.ge [sflag:s23], $0x1  }
0xa3: {  	[sflag:s23] =	ssyncset.done $0x0  }
0xa4: {  	s25 =	simm.s32 $0x1B8E;
	s24 =	sld [smem:$0x3FFE];
	[sflag:s23] =	ssyncadd.s32 $0xFFFFFFFF  }
0xa5: {  	s26 =	simm.s32 $execute0_lowered;
	[smem:$0x3FD2] =	sst s25  }
0xa6: {  	s5 =	sshll.u32 s26, $0x1;
	_ =	strace $0x80000049;
	[dreg:$0x1] =	wrdreg $0xFFFFFFFF  }
0xa7: {  	s28 =	simm.s32 $_size_execute0_lowered;
	s3 =	sadd.s32 s3, s5;
	[dreg:$0x0] =	wrdreg $0x0  }
0xa8: {  	s5 =	sshll.u32 s28, $0x1;
	[dreg:$0x2] =	wrdreg s3  }
0xa9: {  	[dreg:$0x3] =	wrdreg s5  }
0xaa: {  	[dreg:$0x4] =	wrdreg $0xC0  }
0xab: {  	_ =	task [dreg:s7], $0x5FFFF  }
0xac: {  	[dreg:$0x1] =	wrdreg $0xFFFFFFFF  }
0xad: {  	[dreg:$0x0] =	wrdreg $0x60  }
0xae: {  	[dreg:$0x2] =	wrdreg s24  }
0xaf: {  	[dreg:$0x3] =	wrdreg s2  }
0xb0: {  	[dreg:$0x4] =	wrdreg $0x13D000  }
0xb1: {  	[dreg:$0x5] =	wrdreg $0x9  }
0xb2: {  	_ =	task.clear_ibuf [dreg:s7], $0x6FFFF;
	_ =	strace $0x90000049  }
0xb3: {  	s29 =	simm.s32 $0x9;
	_ =	strace $0x8000004B  }
0xb4: {  	_ =	swait.ge [sflag:s29], $0x1  }
0xb5: {  	[sflag:s29] =	ssyncadd.s32 $0xFFFFFFFF  }
0xb6: {  	_ =	strace $0x9000004B  }
0xb7: {  	_ =	sfence  }
0xb8: {  	s30 =	sld [smem:$0x0];
	_ =	sdelay $0x2  }
0xb9: {  	s31 =	sshll.u32 s1, $0xD;
	s1 =	sshrl.u32 s1, $0x2  }
0xba: {  	s3 =	sand.u32 $0x4000, s31;
	s1 =	sadd.s32 s1, s30  }
0xbb: {  	s0 =	sor.u32 s3, s0;
	s1 =	sshll.u32 s1, $0x11  }
0xbc: {  	s0 =	sor.u32 s1, s0  }
0xbd: {  	s0 =	sadd.s32 $0x8F2B, s0  }
0xbe: {  	[sflag:s0] =	ssyncadd.remote.s32 $0x1  }
0xbf: {  	_ =	sfence.sel $0xFFFF  }
0xc0: {  	[dreg:$0x0] =	wrdreg $0xFFFFFFFF;
	(pc) =	sbr.abs _section_cstart, $3  }
0xc1: {  	[dreg:$0x1] =	wrdreg $0xFFFFFFFF  }
0xc2: {  	_ =	task.clear_ibuf [dreg:s7], $0x2FFFF;
	_ =	strace $0x9FFFFFFF  }
0xc3: {  	(tm) =	ssettm $0x7FFFFFFF  }
tec
execute0_lowered:
.L_overlay_start_1:
0x0: {  	(tag) =	ssettag $0x1  }
0x1: {  	s0 =	rddreg [dreg:$0x0]  }
0x2: {  	s2 =	rddreg [dreg:$0x1]  }
0x3: {  	s1 =	rddreg [dreg:$0x2];
	s3 =	simm.s32 $0x0;
	s9 =	stileid.u32  }
0x4: {  	s5 =	srdreg.scid;
	s14 =	simm.s32 $0x5;
	s17 =	simm.s32 $0x7D  }
0x5: {  	s18 =	simm.s32 $0xA000;
	s20 =	simm.s32 $0xBF40;
	s22 =	simm.s32 $0xDE80  }
0x6: {  	s23 =	simm.s32 $0xFDC0;
	s24 =	simm.s32 $0x1;
	s25 =	simm.s32 $0x2  }
0x7: {  	s26 =	simm.s32 $0x3;
	s28 =	simm.s32 $0x4;
	s19 =	simm.s32 $0x10  }
0x8: {  	s21 =	simm.s32 $0x0;
	[smem:$0x7FF] =	sst s3;
	s15 =	smul.u32 $0xA00, s9  }
0x9: {  	s4 =	sadd.s32 $0xDA00, s0;
	s6 =	sshll.u32 s5, $0x3;
	s30 =	smul.u32 $0x28000, s9  }
0xa: {  	s7 =	sand.u32 $0x1, s5;
	s13 =	smul.u32 $0x2800, s9;
	_ =	strace $0x8000004A  }
0xb: {  	s6 =	sand.u32 $0x8, s6;
	s8 =	ssub.s32 $0x2, s7;
	s12 =	smul.u32 $0xA000, s7  }
0xc: {  	s10 =	sadd.s32 s15, s0;
	s31 =	sshrl.u32 s8, $0x1;
	s5 =	sshrl.u32 s30, $0x2  }
0xd: {  	s0 =	sadd.s32 s6, s0;
	s11 =	ssub.s32 s8, s31;
	s5 =	sadd.s32 s5, s1  }
0xe: {  	s2 =	sadd.s32 s2, s12;
	s10 =	sadd.s32 $0x3A00, s10;
	s0 =	sadd.s32 s13, s0  }
0xf: {  	s13 =	simm.s32 $0x11D00;
	s6 =	sadd.s32 $0x2000, s5;
	s7 =	sadd.s32 $0x4000, s5  }
0x10: {  	s8 =	sadd.s32 $0x6000, s5;
	s9 =	sadd.s32 $0x8000, s5;
	s11 =	smax.u32 s11, $0x1  }
0x11: {  	v0 =	vimm.f32 $0.0e+00;
	s12 =	sadd.s32 $0x5DA00, s0;
	s15 =	sadd.s32 s15, s2;
	s2 =	simm.s32 $0x8  }
.LBB2_1:
0x12: {  	s0 =	sand.u32 $0x7F00, s3  }
0x13: {  	s30 =	sand.u32 $0x30, s3;
	s0 =	sshrl.u32 s0, $0x2  }
0x14: {  	s29 =	simm.s32 $0x40;
	s0 =	sor.u32 s30, s0;
	s30 =	simm.s32 $0x0  }
.LBB2_2:
0x15: {  	p0 =	sne.s32 s29, $0x7FC0  }
0x16: {  	[tilespmem:s0+$0x11D00] =	vst v0;
	s30 =	sadd.s32 $0x10, s30;
	s0 =	smov.u32 s29;
	s29 =	sadd.s32 $0x40, s29  }
.Ltmp0:
0x17: {  	(pc) =	sbr.rel @p0 .LBB2_2-.Ltmp0, $4  }
0x18: {  	_ = 	snop  }
0x19: {  	s0 =	sand.u32 $0x7F00, s0  }
0x1a: {  	s31 =	sand.u32 $0x30, s30;
	s0 =	sshrl.u32 s0, $0x2  }
0x1b: {  	s0 =	sor.u32 s31, s0  }
0x1c: {  	[tilespmem:s0+$0x11D00] =	vst v0  }
0x1d: {  	[spmem:s5] =	stream.linear.scatter [tilespmem:s13], [sflag:$0x5], $0x2000, $0x38;
	[tilespmem:$0x1DD00] =	vst v63  }
0x1e: {  	_ =	swait.ge [sflag:s14], $0x2000  }
0x1f: {  	[sflag:s14] =	ssyncset.done $0x0  }
0x20: {  	[sflag:s14] =	ssyncadd.s32 $0xFFFFE000  }
0x21: {  	[spmem:s6] =	stream.linear.scatter [tilespmem:s13], [sflag:$0x5], $0x2000, $0x38;
	[tilespmem:$0x1DD00] =	vst v63  }
0x22: {  	_ =	swait.ge [sflag:s14], $0x2000  }
0x23: {  	[sflag:s14] =	ssyncset.done $0x0  }
0x24: {  	[sflag:s14] =	ssyncadd.s32 $0xFFFFE000  }
0x25: {  	[spmem:s7] =	stream.linear.scatter [tilespmem:s13], [sflag:$0x5], $0x2000, $0x38;
	[tilespmem:$0x1DD00] =	vst v63  }
0x26: {  	_ =	swait.ge [sflag:s14], $0x2000  }
0x27: {  	[sflag:s14] =	ssyncset.done $0x0  }
0x28: {  	[sflag:s14] =	ssyncadd.s32 $0xFFFFE000  }
0x29: {  	[spmem:s8] =	stream.linear.scatter [tilespmem:s13], [sflag:$0x5], $0x2000, $0x38;
	[tilespmem:$0x1DD00] =	vst v63  }
0x2a: {  	_ =	swait.ge [sflag:s14], $0x2000  }
0x2b: {  	[sflag:s14] =	ssyncset.done $0x0  }
0x2c: {  	[sflag:s14] =	ssyncadd.s32 $0xFFFFE000  }
0x2d: {  	[spmem:s9] =	stream.linear.scatter [tilespmem:s13], [sflag:$0x5], $0x2000, $0x38;
	[tilespmem:$0x1DD00] =	vst v63  }
0x2e: {  	_ =	swait.ge [sflag:s14], $0x2000  }
0x2f: {  	[sflag:s14] =	ssyncset.done $0x0  }
0x30: {  	[sflag:s14] =	ssyncadd.s32 $0xFFFFE000  }
0x31: {  	s31 =	simm.s32 $0x0;
	[bflag:$0x0] =	sbarrier.arrive $0xFFFF  }
0x32: {  	[tilespmem:s31], [sflag:$0x5] =	stream.linear.gather [hbm4b:s15+s31], $0x5000, $0x38;
	[tilespmem:$0x1DD00] =	vst v63  }
0x33: {  	_ =	swait.ge [sflag:s14], $0x5000  }
0x34: {  	[sflag:s14] =	ssyncset.done $0x0  }
0x35: {  	s16 =	simm.s32 $0x5000;
	[sflag:s14] =	ssyncadd.s32 $0xFFFFB000  }
0x36: {  	[tilespmem:s16], [sflag:$0x5] =	stream.linear.gather [hbm4b:s10+s31], $0x5000, $0x38;
	[tilespmem:$0x1DD00] =	vst v63  }
0x37: {  	_ =	swait.ge [sflag:s14], $0x5000  }
0x38: {  	[sflag:s14] =	ssyncset.done $0x0  }
0x39: {  	[sflag:s14] =	ssyncadd.s32 $0xFFFFB000  }
0x3a: {  	[tilespmem:s18], [sflag:$0x1] =	stream.indirect.gather [hbm4b:s4+s17], $0x40, s31, s17, $0xb8;
	[tilespmem:$0x1DD00] =	vst v63  }
0x3b: {  	s16 =	simm.s32 $0x80  }
0x3c: {  	[tilespmem:s20], [sflag:$0x2] =	stream.indirect.gather [hbm4b:s4+s17], $0x40, s16, s17, $0xb8;
	[tilespmem:$0x1DD00] =	vst v63  }
0x3d: {  	s31 =	simm.s32 $0x100  }
0x3e: {  	[tilespmem:s22], [sflag:$0x3] =	stream.indirect.gather [hbm4b:s4+s17], $0x40, s31, s17, $0xb8;
	[tilespmem:$0x1DD00] =	vst v63  }
0x3f: {  	s16 =	simm.s32 $0x180  }
0x40: {  	[tilespmem:s23], [sflag:$0x4] =	stream.indirect.gather [hbm4b:s4+s17], $0x40, s16, s17, $0xb8;
	[tilespmem:$0x1DD00] =	vst v63  }
0x41: {  	_ =	swait.ge [sflag:s24], $0x1F40  }
0x42: {  	[sflag:s24] =	ssyncset.done $0x0  }
0x43: {  	s31 =	simm.s32 $0x5000;
	[sflag:s24] =	ssyncadd.s32 $0xFFFFE0C0  }
0x44: {  	[spmem:s1] =	stream.indirect.scatter.add.f32 [tilespmem:s18], [sflag:$0x5], $0x40, s31, s17, $0xb8;
	[tilespmem:$0x1DD00] =	vst v63  }
0x45: {  	_ =	swait.ge [sflag:s14], $0x1F40  }
0x46: {  	[sflag:s14] =	ssyncset.done $0x0  }
0x47: {  	s16 =	simm.s32 $0x200;
	[sflag:s14] =	ssyncadd.s32 $0xFFFFE0C0  }
0x48: {  	[tilespmem:s18], [sflag:$0x1] =	stream.indirect.gather [hbm4b:s4+s17], $0x40, s16, s17, $0xb8;
	[tilespmem:$0x1DD00] =	vst v63  }
0x49: {  	_ =	swait.ge [sflag:s25], $0x1F40  }
0x4a: {  	[sflag:s25] =	ssyncset.done $0x0  }
0x4b: {  	s31 =	simm.s32 $0x5080;
	[sflag:s25] =	ssyncadd.s32 $0xFFFFE0C0  }
0x4c: {  	[spmem:s1] =	stream.indirect.scatter.add.f32 [tilespmem:s20], [sflag:$0x5], $0x40, s31, s17, $0xb8;
	[tilespmem:$0x1DD00] =	vst v63  }
0x4d: {  	_ =	swait.ge [sflag:s14], $0x1F40  }
0x4e: {  	[sflag:s14] =	ssyncset.done $0x0  }
0x4f: {  	s16 =	simm.s32 $0x280;
	[sflag:s14] =	ssyncadd.s32 $0xFFFFE0C0  }
0x50: {  	[tilespmem:s20], [sflag:$0x2] =	stream.indirect.gather [hbm4b:s4+s17], $0x40, s16, s17, $0xb8;
	[tilespmem:$0x1DD00] =	vst v63  }
0x51: {  	_ =	swait.ge [sflag:s26], $0x1F40  }
0x52: {  	[sflag:s26] =	ssyncset.done $0x0  }
0x53: {  	s31 =	simm.s32 $0x5100;
	[sflag:s26] =	ssyncadd.s32 $0xFFFFE0C0  }
0x54: {  	[spmem:s1] =	stream.indirect.scatter.add.f32 [tilespmem:s22], [sflag:$0x5], $0x40, s31, s17, $0xb8;
	[tilespmem:$0x1DD00] =	vst v63  }
0x55: {  	_ =	swait.ge [sflag:s14], $0x1F40  }
0x56: {  	[sflag:s14] =	ssyncset.done $0x0  }
0x57: {  	s16 =	simm.s32 $0x300;
	[sflag:s14] =	ssyncadd.s32 $0xFFFFE0C0  }
0x58: {  	[tilespmem:s22], [sflag:$0x3] =	stream.indirect.gather [hbm4b:s4+s17], $0x40, s16, s17, $0xb8;
	[tilespmem:$0x1DD00] =	vst v63  }
0x59: {  	_ =	swait.ge [sflag:s28], $0x1F40  }
0x5a: {  	[sflag:s28] =	ssyncset.done $0x0  }
0x5b: {  	s31 =	simm.s32 $0x5180;
	[sflag:s28] =	ssyncadd.s32 $0xFFFFE0C0  }
0x5c: {  	[spmem:s1] =	stream.indirect.scatter.add.f32 [tilespmem:s23], [sflag:$0x5], $0x40, s31, s17, $0xb8;
	[tilespmem:$0x1DD00] =	vst v63  }
0x5d: {  	_ =	swait.ge [sflag:s14], $0x1F40  }
0x5e: {  	s30 =	simm.s32 $0x1000;
	s29 =	simm.s32 $0x200;
	[sflag:s14] =	ssyncset.done $0x0  }
.LBB2_4:
0x5f: {  	s16 =	sadd.s32 $0x180, s29  }
0x60: {  	[sflag:s14] =	ssyncadd.s32 $0xFFFFE0C0;
	s31 =	smov.u32 s30;
	s0 =	sadd.s32 $0x800, s30  }
0x61: {  	[tilespmem:s23], [sflag:$0x4] =	stream.indirect.gather [hbm4b:s4+s17], $0x40, s16, s17, $0xb8;
	[tilespmem:$0x1DD00] =	vst v63  }
0x62: {  	p0 =	sne.s32 s30, $0x13000;
	_ =	swait.ge [sflag:s24], $0x1F40  }
0x63: {  	[sflag:s24] =	ssyncset.done $0x0  }
0x64: {  	s16 =	sadd.s32 $0x5000, s29;
	[sflag:s24] =	ssyncadd.s32 $0xFFFFE0C0  }
0x65: {  	[spmem:s1] =	stream.indirect.scatter.add.f32 [tilespmem:s18], [sflag:$0x5], $0x40, s16, s17, $0xb8;
	[tilespmem:$0x1DD00] =	vst v63  }
0x66: {  	_ =	swait.ge [sflag:s14], $0x1F40  }
0x67: {  	[sflag:s14] =	ssyncset.done $0x0  }
0x68: {  	s16 =	sadd.s32 $0x200, s29;
	[sflag:s14] =	ssyncadd.s32 $0xFFFFE0C0  }
0x69: {  	[tilespmem:s18], [sflag:$0x1] =	stream.indirect.gather [hbm4b:s4+s17], $0x40, s16, s17, $0xb8;
	[tilespmem:$0x1DD00] =	vst v63  }
0x6a: {  	_ =	swait.ge [sflag:s25], $0x1F40  }
0x6b: {  	[sflag:s25] =	ssyncset.done $0x0  }
0x6c: {  	s16 =	sadd.s32 $0x5080, s29;
	[sflag:s25] =	ssyncadd.s32 $0xFFFFE0C0  }
0x6d: {  	[spmem:s1] =	stream.indirect.scatter.add.f32 [tilespmem:s20], [sflag:$0x5], $0x40, s16, s17, $0xb8;
	[tilespmem:$0x1DD00] =	vst v63  }
0x6e: {  	_ =	swait.ge [sflag:s14], $0x1F40  }
0x6f: {  	[sflag:s14] =	ssyncset.done $0x0  }
0x70: {  	s16 =	sadd.s32 $0x280, s29;
	[sflag:s14] =	ssyncadd.s32 $0xFFFFE0C0  }
0x71: {  	[tilespmem:s20], [sflag:$0x2] =	stream.indirect.gather [hbm4b:s4+s17], $0x40, s16, s17, $0xb8;
	[tilespmem:$0x1DD00] =	vst v63  }
0x72: {  	_ =	swait.ge [sflag:s26], $0x1F40  }
0x73: {  	[sflag:s26] =	ssyncset.done $0x0  }
0x74: {  	s16 =	sadd.s32 $0x5100, s29;
	[sflag:s26] =	ssyncadd.s32 $0xFFFFE0C0  }
0x75: {  	[spmem:s1] =	stream.indirect.scatter.add.f32 [tilespmem:s22], [sflag:$0x5], $0x40, s16, s17, $0xb8;
	[tilespmem:$0x1DD00] =	vst v63  }
0x76: {  	_ =	swait.ge [sflag:s14], $0x1F40  }
0x77: {  	[sflag:s14] =	ssyncset.done $0x0  }
0x78: {  	s16 =	sadd.s32 $0x300, s29;
	[sflag:s14] =	ssyncadd.s32 $0xFFFFE0C0  }
0x79: {  	[tilespmem:s22], [sflag:$0x3] =	stream.indirect.gather [hbm4b:s4+s17], $0x40, s16, s17, $0xb8;
	[tilespmem:$0x1DD00] =	vst v63  }
0x7a: {  	_ =	swait.ge [sflag:s28], $0x1F40  }
.Ltmp1:
0x7b: {  	[sflag:s28] =	ssyncset.done $0x0;
	(pc) =	sbr.rel @p0 .LBB2_4-.Ltmp1, $4  }
0x7c: {  	s16 =	sadd.s32 $0x5180, s29;
	[sflag:s28] =	ssyncadd.s32 $0xFFFFE0C0  }
0x7d: {  	[spmem:s1] =	stream.indirect.scatter.add.f32 [tilespmem:s23], [sflag:$0x5], $0x40, s16, s17, $0xb8;
	[tilespmem:$0x1DD00] =	vst v63  }
0x7e: {  	_ =	swait.ge [sflag:s14], $0x1F40  }
0x7f: {  	s30 =	smov.u32 s0;
	s29 =	sshra.s32 s31, $0x2;
	[sflag:s14] =	ssyncset.done $0x0  }
0x80: {  	s0 =	sadd.s32 $0x180, s29;
	[sflag:s14] =	ssyncadd.s32 $0xFFFFE0C0  }
0x81: {  	[tilespmem:s23], [sflag:$0x4] =	stream.indirect.gather [hbm4b:s4+s17], $0x40, s0, s17, $0xb8;
	[tilespmem:$0x1DD00] =	vst v63  }
0x82: {  	_ =	swait.ge [sflag:s24], $0x1F40  }
0x83: {  	[sflag:s24] =	ssyncset.done $0x0  }
0x84: {  	s30 =	sadd.s32 $0x5000, s29;
	[sflag:s24] =	ssyncadd.s32 $0xFFFFE0C0  }
0x85: {  	[spmem:s1] =	stream.indirect.scatter.add.f32 [tilespmem:s18], [sflag:$0x5], $0x40, s30, s17, $0xb8;
	[tilespmem:$0x1DD00] =	vst v63  }
0x86: {  	_ =	swait.ge [sflag:s14], $0x1F40  }
0x87: {  	[sflag:s14] =	ssyncset.done $0x0  }
0x88: {  	s31 =	sadd.s32 $0x200, s29;
	[sflag:s14] =	ssyncadd.s32 $0xFFFFE0C0  }
0x89: {  	[tilespmem:s18], [sflag:$0x1] =	stream.indirect.gather [hbm4b:s4+s17], $0x40, s31, s17, $0xb8;
	[tilespmem:$0x1DD00] =	vst v63  }
0x8a: {  	_ =	swait.ge [sflag:s25], $0x1F40  }
0x8b: {  	[sflag:s25] =	ssyncset.done $0x0  }
0x8c: {  	s16 =	sadd.s32 $0x5080, s29;
	[sflag:s25] =	ssyncadd.s32 $0xFFFFE0C0  }
0x8d: {  	[spmem:s1] =	stream.indirect.scatter.add.f32 [tilespmem:s20], [sflag:$0x5], $0x40, s16, s17, $0xb8;
	[tilespmem:$0x1DD00] =	vst v63  }
0x8e: {  	_ =	swait.ge [sflag:s14], $0x1F40  }
0x8f: {  	[sflag:s14] =	ssyncset.done $0x0  }
0x90: {  	s30 =	sadd.s32 $0x280, s29;
	[sflag:s14] =	ssyncadd.s32 $0xFFFFE0C0  }
0x91: {  	[tilespmem:s20], [sflag:$0x2] =	stream.indirect.gather [hbm4b:s4+s17], $0x40, s30, s17, $0xb8;
	[tilespmem:$0x1DD00] =	vst v63  }
0x92: {  	_ =	swait.ge [sflag:s26], $0x1F40  }
0x93: {  	[sflag:s26] =	ssyncset.done $0x0  }
0x94: {  	s31 =	sadd.s32 $0x5100, s29;
	[sflag:s26] =	ssyncadd.s32 $0xFFFFE0C0  }
0x95: {  	[spmem:s1] =	stream.indirect.scatter.add.f32 [tilespmem:s22], [sflag:$0x5], $0x40, s31, s17, $0xb8;
	[tilespmem:$0x1DD00] =	vst v63  }
0x96: {  	_ =	swait.ge [sflag:s14], $0x1F40  }
0x97: {  	[sflag:s14] =	ssyncset.done $0x0  }
0x98: {  	s16 =	sadd.s32 $0x300, s29;
	[sflag:s14] =	ssyncadd.s32 $0xFFFFE0C0  }
0x99: {  	[tilespmem:s22], [sflag:$0x3] =	stream.indirect.gather [hbm4b:s4+s17], $0x40, s16, s17, $0xb8;
	[tilespmem:$0x1DD00] =	vst v63  }
0x9a: {  	_ =	swait.ge [sflag:s28], $0x1F40  }
0x9b: {  	[sflag:s28] =	ssyncset.done $0x0  }
0x9c: {  	s29 =	sadd.s32 $0x5180, s29;
	[sflag:s28] =	ssyncadd.s32 $0xFFFFE0C0  }
0x9d: {  	[spmem:s1] =	stream.indirect.scatter.add.f32 [tilespmem:s23], [sflag:$0x5], $0x40, s29, s17, $0xb8;
	[tilespmem:$0x1DD00] =	vst v63  }
0x9e: {  	_ =	swait.ge [sflag:s14], $0x1F40  }
0x9f: {  	[sflag:s14] =	ssyncset.done $0x0  }
0xa0: {  	s30 =	simm.s32 $0x4F80;
	[sflag:s14] =	ssyncadd.s32 $0xFFFFE0C0  }
0xa1: {  	[tilespmem:s23], [sflag:$0x4] =	stream.indirect.gather [hbm4b:s4+s17], $0x40, s30, s17, $0xb8;
	[tilespmem:$0x1DD00] =	vst v63  }
0xa2: {  	_ =	swait.ge [sflag:s24], $0x1F40  }
0xa3: {  	[sflag:s24] =	ssyncset.done $0x0  }
0xa4: {  	s31 =	simm.s32 $0x9E00;
	[sflag:s24] =	ssyncadd.s32 $0xFFFFE0C0  }
0xa5: {  	[spmem:s1] =	stream.indirect.scatter.add.f32 [tilespmem:s18], [sflag:$0x5], $0x40, s31, s17, $0xb8;
	[tilespmem:$0x1DD00] =	vst v63  }
0xa6: {  	_ =	swait.ge [sflag:s14], $0x1F40  }
0xa7: {  	[sflag:s14] =	ssyncset.done $0x0  }
0xa8: {  	[sflag:s14] =	ssyncadd.s32 $0xFFFFE0C0  }
0xa9: {  	_ =	swait.ge [sflag:s25], $0x1F40  }
0xaa: {  	[sflag:s25] =	ssyncset.done $0x0  }
0xab: {  	s16 =	simm.s32 $0x9E80;
	[sflag:s25] =	ssyncadd.s32 $0xFFFFE0C0  }
0xac: {  	[spmem:s1] =	stream.indirect.scatter.add.f32 [tilespmem:s20], [sflag:$0x5], $0x40, s16, s17, $0xb8;
	[tilespmem:$0x1DD00] =	vst v63  }
0xad: {  	_ =	swait.ge [sflag:s14], $0x1F40  }
0xae: {  	[sflag:s14] =	ssyncset.done $0x0  }
0xaf: {  	[sflag:s14] =	ssyncadd.s32 $0xFFFFE0C0  }
0xb0: {  	_ =	swait.ge [sflag:s26], $0x1F40  }
0xb1: {  	[sflag:s26] =	ssyncset.done $0x0  }
0xb2: {  	s29 =	simm.s32 $0x9F00;
	[sflag:s26] =	ssyncadd.s32 $0xFFFFE0C0  }
0xb3: {  	[spmem:s1] =	stream.indirect.scatter.add.f32 [tilespmem:s22], [sflag:$0x5], $0x40, s29, s17, $0xb8;
	[tilespmem:$0x1DD00] =	vst v63  }
0xb4: {  	_ =	swait.ge [sflag:s14], $0x1F40  }
0xb5: {  	[sflag:s14] =	ssyncset.done $0x0  }
0xb6: {  	[sflag:s14] =	ssyncadd.s32 $0xFFFFE0C0  }
0xb7: {  	_ =	swait.ge [sflag:s28], $0x1F40  }
0xb8: {  	[sflag:s28] =	ssyncset.done $0x0  }
0xb9: {  	s30 =	simm.s32 $0x9F80;
	[sflag:s28] =	ssyncadd.s32 $0xFFFFE0C0  }
0xba: {  	[spmem:s1] =	stream.indirect.scatter.add.f32 [tilespmem:s23], [sflag:$0x5], $0x40, s30, s17, $0xb8;
	[tilespmem:$0x1DD00] =	vst v63  }
0xbb: {  	s31 =	stileid.u32;
	_ =	swait.ge [sflag:s14], $0x1F40  }
0xbc: {  	s21 =	sadd.s32 $0x1, s21;
	s0 =	sshll.u32 s31, $0x6;
	[sflag:s14] =	ssyncset.done $0x0  }
0xbd: {  	p0 =	sne.s32 s21, s11;
	s0 =	sor.u32 $0x1C05, s0;
	[sflag:s14] =	ssyncadd.s32 $0xFFFFE0C0  }
.Ltmp2:
0xbe: {  	s16 =	sshrl.u32 s5, $0x3;
	[bflag:$0x0] =	sbarrier.arrive $0xFFFF;
	(pc) =	sbr.rel @p0 .LBB2_1-.Ltmp2, $4  }
0xbf: {  	[hbm:s12@s19], [sflag:s0] =	dma.strided [spmem:s16@s2], $0x1400, s24, $0x8   }
0xc0: {  	_ =	swait.ge [sflag:s14], $0x1400  }
0xc1: {  	[sflag:s14] =	ssyncset.done $0x0  }
0xc2: {  	[sflag:s14] =	ssyncadd.s32 $0xFFFFEC00  }
0xc3: {  	_ =	sfence.sel $0x180000  }
0xc4: {  	[bflag:$0x0] =	sbarrier.arrive $0xFFFF  }
0xc5: {  	_ =	strace $0x9000004A  }
0xc6: {  	s0 =	stileid.u32;
	[bflag:$0x2] =	sbarrier.arrive $0xFFFF  }
0xc7: {  	p0 =	sne.s32 s0, $0x0;
	s0 =	rddreg [dreg:$0x3]  }
0xc8: {  	s0 =	sadd.s32 @!p0 $0x100000, s0  }
0xc9: {  	[sflag:s0] =	ssyncadd.tile.s32 @!p0 $0x1;
	_ =	shalt  }
.Lfunc_end2:
_tile_overlayer_lowered:
.L_overlay_start_2:
0xca: {  	(tag) =	ssettag $0x2  }
0xcb: {  	s0 =	rddreg [dreg:$0x0];
	s2 =	stileid.u32  }
0xcc: {  	s1 =	rddreg [dreg:$0x1];
	p0 =	sne.s32 s2, $0x0  }
0xcd: {  	s3 =	rddreg [dreg:$0x2];
	[bflag:$0x3] =	sbarrier.arrive $0xFFFF;
	s2 =	simm.s32 @!p0 $0x1C05  }
0xce: {  	[timem:s3], [sflag:s2] =	dma.local @!p0 [hbm:s0], s1  }
0xcf: {  	s0 =	simm.s32 @!p0 $0x5  }
0xd0: {  	_ =	swait.ge @!p0 [sflag:s0], s1  }
0xd1: {  	s1 =	ssub.s32 @!p0 $0x0, s1;
	[sflag:s0] =	ssyncset.done @!p0 $0x0  }
0xd2: {  	[sflag:s0] =	ssyncadd.s32 @!p0 s1  }
0xd3: {  	[bflag:$0x3] =	sbarrier.arrive $0xFFFF  }
0xd4: {  	_ =	shalt  }

// kernel: sc_segsum.7.cloned.1.call-start
scs
__scs_entry_jumppad:
0x0: {  	(pc) =	sbr.rel $0x88, $3  }
0x1: {  	(tag) =	ssettag $0x0;
	lr =	simm.s32 $0x1  }
0x2: {  	[smem:$0x3F96] =	sst lr;
	_ =	strace $0xD0000000  }
0x3: {  	_ = 	snop  }
0x4: {  	_ = 	snop  }
0x5: {  	_ = 	snop  }
0x6: {  	_ = 	snop  }
0x7: {  	_ = 	snop  }
__scs_overlays_trampoline_lowered:
0x8: {  	[smem:$0x3FA5] =	sst s0  }
0x9: {  	[smem:$0x3FA6] =	sst s1  }
0xa: {  	[smem:$0x3FA7] =	sst s2  }
0xb: {  	[smem:$0x3FA8] =	sst s3  }
0xc: {  	[smem:$0x3FA9] =	sst s4  }
0xd: {  	[smem:$0x3FAA] =	sst s5  }
0xe: {  	[smem:$0x3FAB] =	sst s6  }
0xf: {  	[smem:$0x3FAC] =	sst s7  }
0x10: {  	[smem:$0x3FAD] =	sst s8  }
0x11: {  	[smem:$0x3FAE] =	sst s9;
	s0 =	simm.s32 @!p0 $0x0  }
0x12: {  	s1 =	sld [smem:$0x3F94];
	s0 =	simm.s32 @p0 $0x1  }
0x13: {  	[smem:$0x3FAF] =	sst s0;
	s0 =	simm.s32 @!p1 $0x0  }
0x14: {  	s2 =	sld [smem:$0x3F93];
	s0 =	simm.s32 @p1 $0x1  }
0x15: {  	[smem:$0x3FB0] =	sst s0;
	s0 =	simm.s32 @!p2 $0x0  }
0x16: {  	s3 =	sld [smem:$0x3FDB];
	s0 =	simm.s32 @p2 $0x1  }
0x17: {  	s4 =	simm.s32 $0x1BF5;
	[smem:$0x3FB2] =	sst s0  }
0x18: {  	s0 =	sld [smem:$0x3F95];
	_ =	swait.ge [sflag:s4], $0x0  }
0x19: {  	s7 =	sld [smem:$0x3F96]  }
0x1a: {  	s8 =	sadd.s32 $0xFFFFE003, lr  }
0x1b: {  	s9 =	sadd.s32 $0xFFFFFEF7, lr;
	s5 =	simm.s32 $0xFFFFFFFF;
	p2 =	slt.u32 s8, $0xFFFFF086  }
0x1c: {  	p1 =	slt.u32 s9, $0xF7A;
	s5 =	simm.s32 @!p2 $0x0  }
0x1d: {  	s5 =	simm.s32 @p1 $0x1;
	p0 =	seq.s32 s7, s2  }
0x1e: {  	s7 =	smul.u32 @!p0 $0xF7A, s2;
	p2 =	seq.s32 @!p0 s5, $0x0  }
0x1f: {  	s9 =	smul.u32 $0xF7A, s1;
	s8 =	simm.s32 @!p0 $0x1BF5;
	p2 =	por !p2, p0  }
0x20: {  	[sflag:s8] =	ssyncset.s32 @!p0 $0xFFFFF086;
	s6 =	sadd.s32 @!p0 s3, s7;
	s7 =	simm.s32 @!p0 $0x108  }
0x21: {  	s3 =	sadd.s32 s3, s9;
	s6 =	sadd.s32 @!p0 $0x88, s6;
	s7 =	simm.s32 @p2 $0x1082  }
0x22: {  	[simem:s7], [sflag:s8] =	dma.local @!p0 [hbm:s6], $0xF7A  }
0x23: {  	s9 =	sor.u32 $0xD0000000, s2;
	s6 =	simm.s32 $0x108;
	_ =	swait.ge @!p0 [sflag:s8], $0x0  }
0x24: {  	s3 =	sadd.s32 $0x88, s3;
	s6 =	simm.s32 @!p1 $0x1082;
	[sflag:s4] =	ssyncset.s32 $0xFFFFF086  }
0x25: {  	[simem:s6], [sflag:s4] =	dma.local [hbm:s3], $0xF7A  }
0x26: {  	[smem:$0x3F96] =	sst s1;
	(tag) =	ssettag s2;
	_ =	strace s9  }
0x27: {  	s1 =	sld [smem:$0x3FA6]  }
0x28: {  	s2 =	sld [smem:$0x3FA7]  }
0x29: {  	s4 =	sld [smem:$0x3FA9]  }
0x2a: {  	p0 =	seq.s32 s5, $0x0;
	s5 =	sld [smem:$0x3FAA]  }
0x2b: {  	s6 =	sld [smem:$0x3FAB]  }
0x2c: {  	s7 =	sld [smem:$0x3FAC]  }
0x2d: {  	s3 =	simm.s32 $0x108;
	s8 =	sld [smem:$0x3FAD]  }
0x2e: {  	s3 =	simm.s32 @!p0 $0x1082;
	s9 =	sld [smem:$0x3FAE]  }
0x2f: {  	lr =	sadd.s32 s0, s3;
	s0 =	sld [smem:$0x3FA5]  }
0x30: {  	s3 =	sld [smem:$0x3FA8]  }
0x31: {  	[smem:$0x3FB1] =	sst s10  }
0x32: {  	s10 =	sld [smem:$0x3FAF];
	_ =	sdelay $0x3  }
0x33: {  	p0 =	seq.s32 s10, $0x1;
	s10 =	sld [smem:$0x3FB1];
	_ =	sdelay $0x3  }
0x34: {  	[smem:$0x3FB1] =	sst s10  }
0x35: {  	s10 =	sld [smem:$0x3FB0];
	_ =	sdelay $0x3  }
0x36: {  	p1 =	seq.s32 s10, $0x1;
	s10 =	sld [smem:$0x3FB1];
	_ =	sdelay $0x3  }
0x37: {  	[smem:$0x3FB1] =	sst s10  }
0x38: {  	s10 =	sld [smem:$0x3FB2]  }
0x39: {  	_ = 	snop;
	(pc) =	sbr.ind lr, $3  }
0x3a: {  	_ = 	snop  }
0x3b: {  	_ = 	snop  }
0x3c: {  	p2 =	seq.s32 s10, $0x1;
	s10 =	sld [smem:$0x3FB1]  }
0x3d: {  	_ =	shalt  }
0x3e: {  	_ =	shalt  }
0x3f: {  	_ =	shalt  }
0x40: {  	_ =	shalt  }
0x41: {  	_ =	shalt  }
0x42: {  	_ =	shalt  }
0x43: {  	_ =	shalt  }
0x44: {  	_ =	shalt  }
0x45: {  	_ =	shalt  }
0x46: {  	_ =	shalt  }
0x47: {  	_ =	shalt  }
0x48: {  	_ =	shalt  }
0x49: {  	_ =	shalt  }
0x4a: {  	_ =	shalt  }
0x4b: {  	_ =	shalt  }
0x4c: {  	_ =	shalt  }
0x4d: {  	_ =	shalt  }
0x4e: {  	_ =	shalt  }
0x4f: {  	_ =	shalt  }
0x50: {  	_ =	shalt  }
0x51: {  	_ =	shalt  }
0x52: {  	_ =	shalt  }
0x53: {  	_ =	shalt  }
0x54: {  	_ =	shalt  }
0x55: {  	_ =	shalt  }
0x56: {  	_ =	shalt  }
0x57: {  	_ =	shalt  }
0x58: {  	_ =	shalt  }
0x59: {  	_ =	shalt  }
0x5a: {  	_ =	shalt  }
0x5b: {  	_ =	shalt  }
0x5c: {  	_ =	shalt  }
0x5d: {  	_ =	shalt  }
0x5e: {  	_ =	shalt  }
0x5f: {  	_ =	shalt  }
0x60: {  	_ =	shalt  }
0x61: {  	_ =	shalt  }
0x62: {  	_ =	shalt  }
0x63: {  	_ =	shalt  }
0x64: {  	_ =	shalt  }
0x65: {  	_ =	shalt  }
0x66: {  	_ =	shalt  }
0x67: {  	_ =	shalt  }
0x68: {  	_ =	shalt  }
0x69: {  	_ =	shalt  }
0x6a: {  	_ =	shalt  }
0x6b: {  	_ =	shalt  }
0x6c: {  	_ =	shalt  }
0x6d: {  	_ =	shalt  }
0x6e: {  	_ =	shalt  }
0x6f: {  	_ =	shalt  }
0x70: {  	_ =	shalt  }
0x71: {  	_ =	shalt  }
0x72: {  	_ =	shalt  }
0x73: {  	_ =	shalt  }
0x74: {  	_ =	shalt  }
0x75: {  	_ =	shalt  }
0x76: {  	_ =	shalt  }
0x77: {  	_ =	shalt  }
0x78: {  	_ =	shalt  }
0x79: {  	_ =	shalt  }
0x7a: {  	_ =	shalt  }
0x7b: {  	_ =	shalt  }
0x7c: {  	_ =	shalt  }
0x7d: {  	_ =	shalt  }
0x7e: {  	_ =	shalt  }
0x7f: {  	_ =	shalt  }
0x80: {  	_ =	shalt  }
0x81: {  	_ =	shalt  }
0x82: {  	_ =	shalt  }
0x83: {  	_ =	shalt  }
0x84: {  	_ =	shalt  }
0x85: {  	_ =	shalt  }
0x86: {  	_ =	shalt  }
0x87: {  	_ =	shalt  }
.Lfunc_end0:
.L_simem_size_0:
called_computation.2_lowered:
.L_overlay_start_0:
0x88: {  	s2 =	sld [smem:$0x3FD9]  }
0x89: {  	s3 =	sld [smem:$0x3FFE];
	_ =	sdelay $0x1  }
0x8a: {  	s1 =	srdreg.scid  }
0x8b: {  	s0 =	sand.u32 $0x1, s1  }
0x8c: {  	s17 =	sshll.u32 s0, $0xA;
	s2 =	sadd.s32 s3, s2  }
0x8d: {  	s2 =	sadd.s32 s2, s17  }
0x8e: {  	[smem:$0x3FBD] =	sst s2  }
0x8f: {  	_ = 	snop  }
0x90: {  	s2 =	sld [smem:$0x3FD0];
	(tm) =	ssettm $0x1  }
0x91: {  	s18 =	sld [smem:$0x3FFB];
	_ =	sdelay $0x3  }
0x92: {  	_ =	strace s18  }
0x93: {  	s3 =	sld [smem:$0x3FFC];
	_ =	sdelay $0x3  }
0x94: {  	_ =	strace s3  }
0x95: {  	s3 =	sld [smem:$0x3FFD];
	_ =	sdelay $0x3  }
0x96: {  	_ =	strace s3  }
0x97: {  	_ =	strace $0x8FFFFFFF  }
0x98: {  	s19 =	sld [smem:$0x3FDB];
	_ =	sdelay $0x1  }
0x99: {  	s4 =	simm.s32 $_scs_section_size  }
0x9a: {  	s5 =	simm.s32 $_size__tile_overlayer_lowered;
	s6 =	simm.s32 $_tile_overlayer_lowered  }
0x9b: {  	s22 =	simm.s32 $0x1BFF;
	s21 =	sshll.u32 s6, $0x1;
	s3 =	sadd.s32 s4, s19  }
0x9c: {  	s7 =	simm.s32 $0x0;
	s20 =	sshll.u32 s5, $0x1;
	s5 =	sadd.s32 s21, s3  }
0x9d: {  	[timem:s7], [sflag:s22] =	dma.local [hbm:s5], s20  }
0x9e: {  	_ =	swait.ge [sflag:s22], s20  }
0x9f: {  	s4 =	ssub.s32 $0x0, s20;
	[sflag:s22] =	ssyncset.done $0x0  }
0xa0: {  	[sflag:s22] =	ssyncadd.s32 s4;
	_ =	sdelay $0x1  }
0xa1: {  	s23 =	simm.s32 $0x1B8B  }
0xa2: {  	_ =	swait.ge [sflag:s23], $0x1  }
0xa3: {  	[sflag:s23] =	ssyncset.done $0x0  }
0xa4: {  	s25 =	simm.s32 $0x1B8E;
	s24 =	sld [smem:$0x3FFE];
	[sflag:s23] =	ssyncadd.s32 $0xFFFFFFFF  }
0xa5: {  	s26 =	simm.s32 $execute0_lowered;
	[smem:$0x3FD2] =	sst s25  }
0xa6: {  	s5 =	sshll.u32 s26, $0x1;
	_ =	strace $0x8000004C;
	[dreg:$0x1] =	wrdreg $0xFFFFFFFF  }
0xa7: {  	s28 =	simm.s32 $_size_execute0_lowered;
	s3 =	sadd.s32 s3, s5;
	[dreg:$0x0] =	wrdreg $0x0  }
0xa8: {  	s5 =	sshll.u32 s28, $0x1;
	[dreg:$0x2] =	wrdreg s3  }
0xa9: {  	[dreg:$0x3] =	wrdreg s5  }
0xaa: {  	[dreg:$0x4] =	wrdreg $0xC0  }
0xab: {  	_ =	task [dreg:s7], $0x5FFFF  }
0xac: {  	[dreg:$0x1] =	wrdreg $0xFFFFFFFF  }
0xad: {  	[dreg:$0x0] =	wrdreg $0x60  }
0xae: {  	[dreg:$0x2] =	wrdreg s24  }
0xaf: {  	[dreg:$0x3] =	wrdreg s2  }
0xb0: {  	[dreg:$0x4] =	wrdreg $0x13D000  }
0xb1: {  	[dreg:$0x5] =	wrdreg $0x9  }
0xb2: {  	_ =	task.clear_ibuf [dreg:s7], $0x6FFFF;
	_ =	strace $0x9000004C  }
0xb3: {  	s29 =	simm.s32 $0x9;
	_ =	strace $0x8000004E  }
0xb4: {  	_ =	swait.ge [sflag:s29], $0x1  }
0xb5: {  	[sflag:s29] =	ssyncadd.s32 $0xFFFFFFFF  }
0xb6: {  	_ =	strace $0x9000004E  }
0xb7: {  	_ =	sfence  }
0xb8: {  	s30 =	sld [smem:$0x0];
	_ =	sdelay $0x2  }
0xb9: {  	s31 =	sshll.u32 s1, $0xD;
	s1 =	sshrl.u32 s1, $0x2  }
0xba: {  	s3 =	sand.u32 $0x4000, s31;
	s1 =	sadd.s32 s1, s30  }
0xbb: {  	s0 =	sor.u32 s3, s0;
	s1 =	sshll.u32 s1, $0x11  }
0xbc: {  	s0 =	sor.u32 s1, s0  }
0xbd: {  	s0 =	sadd.s32 $0x8F2B, s0  }
0xbe: {  	[sflag:s0] =	ssyncadd.remote.s32 $0x1  }
0xbf: {  	_ =	sfence.sel $0xFFFF  }
0xc0: {  	[dreg:$0x0] =	wrdreg $0xFFFFFFFF;
	(pc) =	sbr.abs _section_cstart, $3  }
0xc1: {  	[dreg:$0x1] =	wrdreg $0xFFFFFFFF  }
0xc2: {  	_ =	task.clear_ibuf [dreg:s7], $0x2FFFF;
	_ =	strace $0x9FFFFFFF  }
0xc3: {  	(tm) =	ssettm $0x7FFFFFFF  }
tec
execute0_lowered:
.L_overlay_start_1:
0x0: {  	(tag) =	ssettag $0x1  }
0x1: {  	s0 =	rddreg [dreg:$0x0]  }
0x2: {  	s2 =	rddreg [dreg:$0x1]  }
0x3: {  	s1 =	rddreg [dreg:$0x2];
	s3 =	simm.s32 $0x0;
	s9 =	stileid.u32  }
0x4: {  	s5 =	srdreg.scid;
	s14 =	simm.s32 $0x5;
	s17 =	simm.s32 $0x7D  }
0x5: {  	s18 =	simm.s32 $0xA000;
	s20 =	simm.s32 $0xBF40;
	s22 =	simm.s32 $0xDE80  }
0x6: {  	s23 =	simm.s32 $0xFDC0;
	s24 =	simm.s32 $0x1;
	s25 =	simm.s32 $0x2  }
0x7: {  	s26 =	simm.s32 $0x3;
	s28 =	simm.s32 $0x4;
	s19 =	simm.s32 $0x10  }
0x8: {  	s21 =	simm.s32 $0x0;
	[smem:$0x7FF] =	sst s3;
	s15 =	smul.u32 $0xA00, s9  }
0x9: {  	s4 =	sadd.s32 $0xDA00, s0;
	s6 =	sshll.u32 s5, $0x3;
	s30 =	smul.u32 $0x28000, s9  }
0xa: {  	s7 =	sand.u32 $0x1, s5;
	s13 =	smul.u32 $0x2800, s9;
	_ =	strace $0x8000004D  }
0xb: {  	s6 =	sand.u32 $0x8, s6;
	s8 =	ssub.s32 $0x2, s7;
	s12 =	smul.u32 $0xA000, s7  }
0xc: {  	s10 =	sadd.s32 s15, s0;
	s31 =	sshrl.u32 s8, $0x1;
	s5 =	sshrl.u32 s30, $0x2  }
0xd: {  	s0 =	sadd.s32 s6, s0;
	s11 =	ssub.s32 s8, s31;
	s5 =	sadd.s32 s5, s1  }
0xe: {  	s2 =	sadd.s32 s2, s12;
	s10 =	sadd.s32 $0x3A00, s10;
	s0 =	sadd.s32 s13, s0  }
0xf: {  	s13 =	simm.s32 $0x11D00;
	s6 =	sadd.s32 $0x2000, s5;
	s7 =	sadd.s32 $0x4000, s5  }
0x10: {  	s8 =	sadd.s32 $0x6000, s5;
	s9 =	sadd.s32 $0x8000, s5;
	s11 =	smax.u32 s11, $0x1  }
0x11: {  	v0 =	vimm.f32 $0.0e+00;
	s12 =	sadd.s32 $0x35A00, s0;
	s15 =	sadd.s32 s15, s2;
	s2 =	simm.s32 $0x8  }
.LBB2_1:
0x12: {  	s0 =	sand.u32 $0x7F00, s3  }
0x13: {  	s30 =	sand.u32 $0x30, s3;
	s0 =	sshrl.u32 s0, $0x2  }
0x14: {  	s29 =	simm.s32 $0x40;
	s0 =	sor.u32 s30, s0;
	s30 =	simm.s32 $0x0  }
.LBB2_2:
0x15: {  	p0 =	sne.s32 s29, $0x7FC0  }
0x16: {  	[tilespmem:s0+$0x11D00] =	vst v0;
	s30 =	sadd.s32 $0x10, s30;
	s0 =	smov.u32 s29;
	s29 =	sadd.s32 $0x40, s29  }
.Ltmp0:
0x17: {  	(pc) =	sbr.rel @p0 .LBB2_2-.Ltmp0, $4  }
0x18: {  	_ = 	snop  }
0x19: {  	s0 =	sand.u32 $0x7F00, s0  }
0x1a: {  	s31 =	sand.u32 $0x30, s30;
	s0 =	sshrl.u32 s0, $0x2  }
0x1b: {  	s0 =	sor.u32 s31, s0  }
0x1c: {  	[tilespmem:s0+$0x11D00] =	vst v0  }
0x1d: {  	[spmem:s5] =	stream.linear.scatter [tilespmem:s13], [sflag:$0x5], $0x2000, $0x38;
	[tilespmem:$0x1DD00] =	vst v63  }
0x1e: {  	_ =	swait.ge [sflag:s14], $0x2000  }
0x1f: {  	[sflag:s14] =	ssyncset.done $0x0  }
0x20: {  	[sflag:s14] =	ssyncadd.s32 $0xFFFFE000  }
0x21: {  	[spmem:s6] =	stream.linear.scatter [tilespmem:s13], [sflag:$0x5], $0x2000, $0x38;
	[tilespmem:$0x1DD00] =	vst v63  }
0x22: {  	_ =	swait.ge [sflag:s14], $0x2000  }
0x23: {  	[sflag:s14] =	ssyncset.done $0x0  }
0x24: {  	[sflag:s14] =	ssyncadd.s32 $0xFFFFE000  }
0x25: {  	[spmem:s7] =	stream.linear.scatter [tilespmem:s13], [sflag:$0x5], $0x2000, $0x38;
	[tilespmem:$0x1DD00] =	vst v63  }
0x26: {  	_ =	swait.ge [sflag:s14], $0x2000  }
0x27: {  	[sflag:s14] =	ssyncset.done $0x0  }
0x28: {  	[sflag:s14] =	ssyncadd.s32 $0xFFFFE000  }
0x29: {  	[spmem:s8] =	stream.linear.scatter [tilespmem:s13], [sflag:$0x5], $0x2000, $0x38;
	[tilespmem:$0x1DD00] =	vst v63  }
0x2a: {  	_ =	swait.ge [sflag:s14], $0x2000  }
0x2b: {  	[sflag:s14] =	ssyncset.done $0x0  }
0x2c: {  	[sflag:s14] =	ssyncadd.s32 $0xFFFFE000  }
0x2d: {  	[spmem:s9] =	stream.linear.scatter [tilespmem:s13], [sflag:$0x5], $0x2000, $0x38;
	[tilespmem:$0x1DD00] =	vst v63  }
0x2e: {  	_ =	swait.ge [sflag:s14], $0x2000  }
0x2f: {  	[sflag:s14] =	ssyncset.done $0x0  }
0x30: {  	[sflag:s14] =	ssyncadd.s32 $0xFFFFE000  }
0x31: {  	s31 =	simm.s32 $0x0;
	[bflag:$0x0] =	sbarrier.arrive $0xFFFF  }
0x32: {  	[tilespmem:s31], [sflag:$0x5] =	stream.linear.gather [hbm4b:s15+s31], $0x5000, $0x38;
	[tilespmem:$0x1DD00] =	vst v63  }
0x33: {  	_ =	swait.ge [sflag:s14], $0x5000  }
0x34: {  	[sflag:s14] =	ssyncset.done $0x0  }
0x35: {  	s16 =	simm.s32 $0x5000;
	[sflag:s14] =	ssyncadd.s32 $0xFFFFB000  }
0x36: {  	[tilespmem:s16], [sflag:$0x5] =	stream.linear.gather [hbm4b:s10+s31], $0x5000, $0x38;
	[tilespmem:$0x1DD00] =	vst v63  }
0x37: {  	_ =	swait.ge [sflag:s14], $0x5000  }
0x38: {  	[sflag:s14] =	ssyncset.done $0x0  }
0x39: {  	[sflag:s14] =	ssyncadd.s32 $0xFFFFB000  }
0x3a: {  	[tilespmem:s18], [sflag:$0x1] =	stream.indirect.gather [hbm4b:s4+s17], $0x40, s31, s17, $0xb8;
	[tilespmem:$0x1DD00] =	vst v63  }
0x3b: {  	s16 =	simm.s32 $0x80  }
0x3c: {  	[tilespmem:s20], [sflag:$0x2] =	stream.indirect.gather [hbm4b:s4+s17], $0x40, s16, s17, $0xb8;
	[tilespmem:$0x1DD00] =	vst v63  }
0x3d: {  	s31 =	simm.s32 $0x100  }
0x3e: {  	[tilespmem:s22], [sflag:$0x3] =	stream.indirect.gather [hbm4b:s4+s17], $0x40, s31, s17, $0xb8;
	[tilespmem:$0x1DD00] =	vst v63  }
0x3f: {  	s16 =	simm.s32 $0x180  }
0x40: {  	[tilespmem:s23], [sflag:$0x4] =	stream.indirect.gather [hbm4b:s4+s17], $0x40, s16, s17, $0xb8;
	[tilespmem:$0x1DD00] =	vst v63  }
0x41: {  	_ =	swait.ge [sflag:s24], $0x1F40  }
0x42: {  	[sflag:s24] =	ssyncset.done $0x0  }
0x43: {  	s31 =	simm.s32 $0x5000;
	[sflag:s24] =	ssyncadd.s32 $0xFFFFE0C0  }
0x44: {  	[spmem:s1] =	stream.indirect.scatter.add.f32 [tilespmem:s18], [sflag:$0x5], $0x40, s31, s17, $0xb8;
	[tilespmem:$0x1DD00] =	vst v63  }
0x45: {  	_ =	swait.ge [sflag:s14], $0x1F40  }
0x46: {  	[sflag:s14] =	ssyncset.done $0x0  }
0x47: {  	s16 =	simm.s32 $0x200;
	[sflag:s14] =	ssyncadd.s32 $0xFFFFE0C0  }
0x48: {  	[tilespmem:s18], [sflag:$0x1] =	stream.indirect.gather [hbm4b:s4+s17], $0x40, s16, s17, $0xb8;
	[tilespmem:$0x1DD00] =	vst v63  }
0x49: {  	_ =	swait.ge [sflag:s25], $0x1F40  }
0x4a: {  	[sflag:s25] =	ssyncset.done $0x0  }
0x4b: {  	s31 =	simm.s32 $0x5080;
	[sflag:s25] =	ssyncadd.s32 $0xFFFFE0C0  }
0x4c: {  	[spmem:s1] =	stream.indirect.scatter.add.f32 [tilespmem:s20], [sflag:$0x5], $0x40, s31, s17, $0xb8;
	[tilespmem:$0x1DD00] =	vst v63  }
0x4d: {  	_ =	swait.ge [sflag:s14], $0x1F40  }
0x4e: {  	[sflag:s14] =	ssyncset.done $0x0  }
0x4f: {  	s16 =	simm.s32 $0x280;
	[sflag:s14] =	ssyncadd.s32 $0xFFFFE0C0  }
0x50: {  	[tilespmem:s20], [sflag:$0x2] =	stream.indirect.gather [hbm4b:s4+s17], $0x40, s16, s17, $0xb8;
	[tilespmem:$0x1DD00] =	vst v63  }
0x51: {  	_ =	swait.ge [sflag:s26], $0x1F40  }
0x52: {  	[sflag:s26] =	ssyncset.done $0x0  }
0x53: {  	s31 =	simm.s32 $0x5100;
	[sflag:s26] =	ssyncadd.s32 $0xFFFFE0C0  }
0x54: {  	[spmem:s1] =	stream.indirect.scatter.add.f32 [tilespmem:s22], [sflag:$0x5], $0x40, s31, s17, $0xb8;
	[tilespmem:$0x1DD00] =	vst v63  }
0x55: {  	_ =	swait.ge [sflag:s14], $0x1F40  }
0x56: {  	[sflag:s14] =	ssyncset.done $0x0  }
0x57: {  	s16 =	simm.s32 $0x300;
	[sflag:s14] =	ssyncadd.s32 $0xFFFFE0C0  }
0x58: {  	[tilespmem:s22], [sflag:$0x3] =	stream.indirect.gather [hbm4b:s4+s17], $0x40, s16, s17, $0xb8;
	[tilespmem:$0x1DD00] =	vst v63  }
0x59: {  	_ =	swait.ge [sflag:s28], $0x1F40  }
0x5a: {  	[sflag:s28] =	ssyncset.done $0x0  }
0x5b: {  	s31 =	simm.s32 $0x5180;
	[sflag:s28] =	ssyncadd.s32 $0xFFFFE0C0  }
0x5c: {  	[spmem:s1] =	stream.indirect.scatter.add.f32 [tilespmem:s23], [sflag:$0x5], $0x40, s31, s17, $0xb8;
	[tilespmem:$0x1DD00] =	vst v63  }
0x5d: {  	_ =	swait.ge [sflag:s14], $0x1F40  }
0x5e: {  	s30 =	simm.s32 $0x1000;
	s29 =	simm.s32 $0x200;
	[sflag:s14] =	ssyncset.done $0x0  }
.LBB2_4:
0x5f: {  	s16 =	sadd.s32 $0x180, s29  }
0x60: {  	[sflag:s14] =	ssyncadd.s32 $0xFFFFE0C0;
	s31 =	smov.u32 s30;
	s0 =	sadd.s32 $0x800, s30  }
0x61: {  	[tilespmem:s23], [sflag:$0x4] =	stream.indirect.gather [hbm4b:s4+s17], $0x40, s16, s17, $0xb8;
	[tilespmem:$0x1DD00] =	vst v63  }
0x62: {  	p0 =	sne.s32 s30, $0x13000;
	_ =	swait.ge [sflag:s24], $0x1F40  }
0x63: {  	[sflag:s24] =	ssyncset.done $0x0  }
0x64: {  	s16 =	sadd.s32 $0x5000, s29;
	[sflag:s24] =	ssyncadd.s32 $0xFFFFE0C0  }
0x65: {  	[spmem:s1] =	stream.indirect.scatter.add.f32 [tilespmem:s18], [sflag:$0x5], $0x40, s16, s17, $0xb8;
	[tilespmem:$0x1DD00] =	vst v63  }
0x66: {  	_ =	swait.ge [sflag:s14], $0x1F40  }
0x67: {  	[sflag:s14] =	ssyncset.done $0x0  }
0x68: {  	s16 =	sadd.s32 $0x200, s29;
	[sflag:s14] =	ssyncadd.s32 $0xFFFFE0C0  }
0x69: {  	[tilespmem:s18], [sflag:$0x1] =	stream.indirect.gather [hbm4b:s4+s17], $0x40, s16, s17, $0xb8;
	[tilespmem:$0x1DD00] =	vst v63  }
0x6a: {  	_ =	swait.ge [sflag:s25], $0x1F40  }
0x6b: {  	[sflag:s25] =	ssyncset.done $0x0  }
0x6c: {  	s16 =	sadd.s32 $0x5080, s29;
	[sflag:s25] =	ssyncadd.s32 $0xFFFFE0C0  }
0x6d: {  	[spmem:s1] =	stream.indirect.scatter.add.f32 [tilespmem:s20], [sflag:$0x5], $0x40, s16, s17, $0xb8;
	[tilespmem:$0x1DD00] =	vst v63  }
0x6e: {  	_ =	swait.ge [sflag:s14], $0x1F40  }
0x6f: {  	[sflag:s14] =	ssyncset.done $0x0  }
0x70: {  	s16 =	sadd.s32 $0x280, s29;
	[sflag:s14] =	ssyncadd.s32 $0xFFFFE0C0  }
0x71: {  	[tilespmem:s20], [sflag:$0x2] =	stream.indirect.gather [hbm4b:s4+s17], $0x40, s16, s17, $0xb8;
	[tilespmem:$0x1DD00] =	vst v63  }
0x72: {  	_ =	swait.ge [sflag:s26], $0x1F40  }
0x73: {  	[sflag:s26] =	ssyncset.done $0x0  }
0x74: {  	s16 =	sadd.s32 $0x5100, s29;
	[sflag:s26] =	ssyncadd.s32 $0xFFFFE0C0  }
0x75: {  	[spmem:s1] =	stream.indirect.scatter.add.f32 [tilespmem:s22], [sflag:$0x5], $0x40, s16, s17, $0xb8;
	[tilespmem:$0x1DD00] =	vst v63  }
0x76: {  	_ =	swait.ge [sflag:s14], $0x1F40  }
0x77: {  	[sflag:s14] =	ssyncset.done $0x0  }
0x78: {  	s16 =	sadd.s32 $0x300, s29;
	[sflag:s14] =	ssyncadd.s32 $0xFFFFE0C0  }
0x79: {  	[tilespmem:s22], [sflag:$0x3] =	stream.indirect.gather [hbm4b:s4+s17], $0x40, s16, s17, $0xb8;
	[tilespmem:$0x1DD00] =	vst v63  }
0x7a: {  	_ =	swait.ge [sflag:s28], $0x1F40  }
.Ltmp1:
0x7b: {  	[sflag:s28] =	ssyncset.done $0x0;
	(pc) =	sbr.rel @p0 .LBB2_4-.Ltmp1, $4  }
0x7c: {  	s16 =	sadd.s32 $0x5180, s29;
	[sflag:s28] =	ssyncadd.s32 $0xFFFFE0C0  }
0x7d: {  	[spmem:s1] =	stream.indirect.scatter.add.f32 [tilespmem:s23], [sflag:$0x5], $0x40, s16, s17, $0xb8;
	[tilespmem:$0x1DD00] =	vst v63  }
0x7e: {  	_ =	swait.ge [sflag:s14], $0x1F40  }
0x7f: {  	s30 =	smov.u32 s0;
	s29 =	sshra.s32 s31, $0x2;
	[sflag:s14] =	ssyncset.done $0x0  }
0x80: {  	s0 =	sadd.s32 $0x180, s29;
	[sflag:s14] =	ssyncadd.s32 $0xFFFFE0C0  }
0x81: {  	[tilespmem:s23], [sflag:$0x4] =	stream.indirect.gather [hbm4b:s4+s17], $0x40, s0, s17, $0xb8;
	[tilespmem:$0x1DD00] =	vst v63  }
0x82: {  	_ =	swait.ge [sflag:s24], $0x1F40  }
0x83: {  	[sflag:s24] =	ssyncset.done $0x0  }
0x84: {  	s30 =	sadd.s32 $0x5000, s29;
	[sflag:s24] =	ssyncadd.s32 $0xFFFFE0C0  }
0x85: {  	[spmem:s1] =	stream.indirect.scatter.add.f32 [tilespmem:s18], [sflag:$0x5], $0x40, s30, s17, $0xb8;
	[tilespmem:$0x1DD00] =	vst v63  }
0x86: {  	_ =	swait.ge [sflag:s14], $0x1F40  }
0x87: {  	[sflag:s14] =	ssyncset.done $0x0  }
0x88: {  	s31 =	sadd.s32 $0x200, s29;
	[sflag:s14] =	ssyncadd.s32 $0xFFFFE0C0  }
0x89: {  	[tilespmem:s18], [sflag:$0x1] =	stream.indirect.gather [hbm4b:s4+s17], $0x40, s31, s17, $0xb8;
	[tilespmem:$0x1DD00] =	vst v63  }
0x8a: {  	_ =	swait.ge [sflag:s25], $0x1F40  }
0x8b: {  	[sflag:s25] =	ssyncset.done $0x0  }
0x8c: {  	s16 =	sadd.s32 $0x5080, s29;
	[sflag:s25] =	ssyncadd.s32 $0xFFFFE0C0  }
0x8d: {  	[spmem:s1] =	stream.indirect.scatter.add.f32 [tilespmem:s20], [sflag:$0x5], $0x40, s16, s17, $0xb8;
	[tilespmem:$0x1DD00] =	vst v63  }
0x8e: {  	_ =	swait.ge [sflag:s14], $0x1F40  }
0x8f: {  	[sflag:s14] =	ssyncset.done $0x0  }
0x90: {  	s30 =	sadd.s32 $0x280, s29;
	[sflag:s14] =	ssyncadd.s32 $0xFFFFE0C0  }
0x91: {  	[tilespmem:s20], [sflag:$0x2] =	stream.indirect.gather [hbm4b:s4+s17], $0x40, s30, s17, $0xb8;
	[tilespmem:$0x1DD00] =	vst v63  }
0x92: {  	_ =	swait.ge [sflag:s26], $0x1F40  }
0x93: {  	[sflag:s26] =	ssyncset.done $0x0  }
0x94: {  	s31 =	sadd.s32 $0x5100, s29;
	[sflag:s26] =	ssyncadd.s32 $0xFFFFE0C0  }
0x95: {  	[spmem:s1] =	stream.indirect.scatter.add.f32 [tilespmem:s22], [sflag:$0x5], $0x40, s31, s17, $0xb8;
	[tilespmem:$0x1DD00] =	vst v63  }
0x96: {  	_ =	swait.ge [sflag:s14], $0x1F40  }
0x97: {  	[sflag:s14] =	ssyncset.done $0x0  }
0x98: {  	s16 =	sadd.s32 $0x300, s29;
	[sflag:s14] =	ssyncadd.s32 $0xFFFFE0C0  }
0x99: {  	[tilespmem:s22], [sflag:$0x3] =	stream.indirect.gather [hbm4b:s4+s17], $0x40, s16, s17, $0xb8;
	[tilespmem:$0x1DD00] =	vst v63  }
0x9a: {  	_ =	swait.ge [sflag:s28], $0x1F40  }
0x9b: {  	[sflag:s28] =	ssyncset.done $0x0  }
0x9c: {  	s29 =	sadd.s32 $0x5180, s29;
	[sflag:s28] =	ssyncadd.s32 $0xFFFFE0C0  }
0x9d: {  	[spmem:s1] =	stream.indirect.scatter.add.f32 [tilespmem:s23], [sflag:$0x5], $0x40, s29, s17, $0xb8;
	[tilespmem:$0x1DD00] =	vst v63  }
0x9e: {  	_ =	swait.ge [sflag:s14], $0x1F40  }
0x9f: {  	[sflag:s14] =	ssyncset.done $0x0  }
0xa0: {  	s30 =	simm.s32 $0x4F80;
	[sflag:s14] =	ssyncadd.s32 $0xFFFFE0C0  }
0xa1: {  	[tilespmem:s23], [sflag:$0x4] =	stream.indirect.gather [hbm4b:s4+s17], $0x40, s30, s17, $0xb8;
	[tilespmem:$0x1DD00] =	vst v63  }
0xa2: {  	_ =	swait.ge [sflag:s24], $0x1F40  }
0xa3: {  	[sflag:s24] =	ssyncset.done $0x0  }
0xa4: {  	s31 =	simm.s32 $0x9E00;
	[sflag:s24] =	ssyncadd.s32 $0xFFFFE0C0  }
0xa5: {  	[spmem:s1] =	stream.indirect.scatter.add.f32 [tilespmem:s18], [sflag:$0x5], $0x40, s31, s17, $0xb8;
	[tilespmem:$0x1DD00] =	vst v63  }
0xa6: {  	_ =	swait.ge [sflag:s14], $0x1F40  }
0xa7: {  	[sflag:s14] =	ssyncset.done $0x0  }
0xa8: {  	[sflag:s14] =	ssyncadd.s32 $0xFFFFE0C0  }
0xa9: {  	_ =	swait.ge [sflag:s25], $0x1F40  }
0xaa: {  	[sflag:s25] =	ssyncset.done $0x0  }
0xab: {  	s16 =	simm.s32 $0x9E80;
	[sflag:s25] =	ssyncadd.s32 $0xFFFFE0C0  }
0xac: {  	[spmem:s1] =	stream.indirect.scatter.add.f32 [tilespmem:s20], [sflag:$0x5], $0x40, s16, s17, $0xb8;
	[tilespmem:$0x1DD00] =	vst v63  }
0xad: {  	_ =	swait.ge [sflag:s14], $0x1F40  }
0xae: {  	[sflag:s14] =	ssyncset.done $0x0  }
0xaf: {  	[sflag:s14] =	ssyncadd.s32 $0xFFFFE0C0  }
0xb0: {  	_ =	swait.ge [sflag:s26], $0x1F40  }
0xb1: {  	[sflag:s26] =	ssyncset.done $0x0  }
0xb2: {  	s29 =	simm.s32 $0x9F00;
	[sflag:s26] =	ssyncadd.s32 $0xFFFFE0C0  }
0xb3: {  	[spmem:s1] =	stream.indirect.scatter.add.f32 [tilespmem:s22], [sflag:$0x5], $0x40, s29, s17, $0xb8;
	[tilespmem:$0x1DD00] =	vst v63  }
0xb4: {  	_ =	swait.ge [sflag:s14], $0x1F40  }
0xb5: {  	[sflag:s14] =	ssyncset.done $0x0  }
0xb6: {  	[sflag:s14] =	ssyncadd.s32 $0xFFFFE0C0  }
0xb7: {  	_ =	swait.ge [sflag:s28], $0x1F40  }
0xb8: {  	[sflag:s28] =	ssyncset.done $0x0  }
0xb9: {  	s30 =	simm.s32 $0x9F80;
	[sflag:s28] =	ssyncadd.s32 $0xFFFFE0C0  }
0xba: {  	[spmem:s1] =	stream.indirect.scatter.add.f32 [tilespmem:s23], [sflag:$0x5], $0x40, s30, s17, $0xb8;
	[tilespmem:$0x1DD00] =	vst v63  }
0xbb: {  	s31 =	stileid.u32;
	_ =	swait.ge [sflag:s14], $0x1F40  }
0xbc: {  	s21 =	sadd.s32 $0x1, s21;
	s0 =	sshll.u32 s31, $0x6;
	[sflag:s14] =	ssyncset.done $0x0  }
0xbd: {  	p0 =	sne.s32 s21, s11;
	s0 =	sor.u32 $0x1C05, s0;
	[sflag:s14] =	ssyncadd.s32 $0xFFFFE0C0  }
.Ltmp2:
0xbe: {  	s16 =	sshrl.u32 s5, $0x3;
	[bflag:$0x0] =	sbarrier.arrive $0xFFFF;
	(pc) =	sbr.rel @p0 .LBB2_1-.Ltmp2, $4  }
0xbf: {  	[hbm:s12@s19], [sflag:s0] =	dma.strided [spmem:s16@s2], $0x1400, s24, $0x8   }
0xc0: {  	_ =	swait.ge [sflag:s14], $0x1400  }
0xc1: {  	[sflag:s14] =	ssyncset.done $0x0  }
0xc2: {  	[sflag:s14] =	ssyncadd.s32 $0xFFFFEC00  }
0xc3: {  	_ =	sfence.sel $0x180000  }
0xc4: {  	[bflag:$0x0] =	sbarrier.arrive $0xFFFF  }
0xc5: {  	_ =	strace $0x9000004D  }
0xc6: {  	s0 =	stileid.u32;
	[bflag:$0x2] =	sbarrier.arrive $0xFFFF  }
0xc7: {  	p0 =	sne.s32 s0, $0x0;
	s0 =	rddreg [dreg:$0x3]  }
0xc8: {  	s0 =	sadd.s32 @!p0 $0x100000, s0  }
0xc9: {  	[sflag:s0] =	ssyncadd.tile.s32 @!p0 $0x1;
	_ =	shalt  }
.Lfunc_end2:
_tile_overlayer_lowered:
.L_overlay_start_2:
0xca: {  	(tag) =	ssettag $0x2  }
0xcb: {  	s0 =	rddreg [dreg:$0x0];
	s2 =	stileid.u32  }
0xcc: {  	s1 =	rddreg [dreg:$0x1];
	p0 =	sne.s32 s2, $0x0  }
0xcd: {  	s3 =	rddreg [dreg:$0x2];
	[bflag:$0x3] =	sbarrier.arrive $0xFFFF;
	s2 =	simm.s32 @!p0 $0x1C05  }
0xce: {  	[timem:s3], [sflag:s2] =	dma.local @!p0 [hbm:s0], s1  }
0xcf: {  	s0 =	simm.s32 @!p0 $0x5  }
0xd0: {  	_ =	swait.ge @!p0 [sflag:s0], s1  }
0xd1: {  	s1 =	ssub.s32 @!p0 $0x0, s1;
	[sflag:s0] =	ssyncset.done @!p0 $0x0  }
0xd2: {  	[sflag:s0] =	ssyncadd.s32 @!p0 s1  }
0xd3: {  	[bflag:$0x3] =	sbarrier.arrive $0xFFFF  }
0xd4: {  	_ =	shalt  }

// kernel: sc_segsum_cnt.3.cloned.1.call-start
scs
__scs_entry_jumppad:
0x0: {  	(pc) =	sbr.rel $0x88, $3  }
0x1: {  	(tag) =	ssettag $0x0;
	lr =	simm.s32 $0x1  }
0x2: {  	[smem:$0x3F96] =	sst lr;
	_ =	strace $0xD0000000  }
0x3: {  	_ = 	snop  }
0x4: {  	_ = 	snop  }
0x5: {  	_ = 	snop  }
0x6: {  	_ = 	snop  }
0x7: {  	_ = 	snop  }
__scs_overlays_trampoline_lowered:
0x8: {  	[smem:$0x3FA5] =	sst s0  }
0x9: {  	[smem:$0x3FA6] =	sst s1  }
0xa: {  	[smem:$0x3FA7] =	sst s2  }
0xb: {  	[smem:$0x3FA8] =	sst s3  }
0xc: {  	[smem:$0x3FA9] =	sst s4  }
0xd: {  	[smem:$0x3FAA] =	sst s5  }
0xe: {  	[smem:$0x3FAB] =	sst s6  }
0xf: {  	[smem:$0x3FAC] =	sst s7  }
0x10: {  	[smem:$0x3FAD] =	sst s8  }
0x11: {  	[smem:$0x3FAE] =	sst s9;
	s0 =	simm.s32 @!p0 $0x0  }
0x12: {  	s1 =	sld [smem:$0x3F94];
	s0 =	simm.s32 @p0 $0x1  }
0x13: {  	[smem:$0x3FAF] =	sst s0;
	s0 =	simm.s32 @!p1 $0x0  }
0x14: {  	s2 =	sld [smem:$0x3F93];
	s0 =	simm.s32 @p1 $0x1  }
0x15: {  	[smem:$0x3FB0] =	sst s0;
	s0 =	simm.s32 @!p2 $0x0  }
0x16: {  	s3 =	sld [smem:$0x3FDB];
	s0 =	simm.s32 @p2 $0x1  }
0x17: {  	s4 =	simm.s32 $0x1BF5;
	[smem:$0x3FB2] =	sst s0  }
0x18: {  	s0 =	sld [smem:$0x3F95];
	_ =	swait.ge [sflag:s4], $0x0  }
0x19: {  	s7 =	sld [smem:$0x3F96]  }
0x1a: {  	s8 =	sadd.s32 $0xFFFFE003, lr  }
0x1b: {  	s9 =	sadd.s32 $0xFFFFFEF7, lr;
	s5 =	simm.s32 $0xFFFFFFFF;
	p2 =	slt.u32 s8, $0xFFFFF086  }
0x1c: {  	p1 =	slt.u32 s9, $0xF7A;
	s5 =	simm.s32 @!p2 $0x0  }
0x1d: {  	s5 =	simm.s32 @p1 $0x1;
	p0 =	seq.s32 s7, s2  }
0x1e: {  	s7 =	smul.u32 @!p0 $0xF7A, s2;
	p2 =	seq.s32 @!p0 s5, $0x0  }
0x1f: {  	s9 =	smul.u32 $0xF7A, s1;
	s8 =	simm.s32 @!p0 $0x1BF5;
	p2 =	por !p2, p0  }
0x20: {  	[sflag:s8] =	ssyncset.s32 @!p0 $0xFFFFF086;
	s6 =	sadd.s32 @!p0 s3, s7;
	s7 =	simm.s32 @!p0 $0x108  }
0x21: {  	s3 =	sadd.s32 s3, s9;
	s6 =	sadd.s32 @!p0 $0x88, s6;
	s7 =	simm.s32 @p2 $0x1082  }
0x22: {  	[simem:s7], [sflag:s8] =	dma.local @!p0 [hbm:s6], $0xF7A  }
0x23: {  	s9 =	sor.u32 $0xD0000000, s2;
	s6 =	simm.s32 $0x108;
	_ =	swait.ge @!p0 [sflag:s8], $0x0  }
0x24: {  	s3 =	sadd.s32 $0x88, s3;
	s6 =	simm.s32 @!p1 $0x1082;
	[sflag:s4] =	ssyncset.s32 $0xFFFFF086  }
0x25: {  	[simem:s6], [sflag:s4] =	dma.local [hbm:s3], $0xF7A  }
0x26: {  	[smem:$0x3F96] =	sst s1;
	(tag) =	ssettag s2;
	_ =	strace s9  }
0x27: {  	s1 =	sld [smem:$0x3FA6]  }
0x28: {  	s2 =	sld [smem:$0x3FA7]  }
0x29: {  	s4 =	sld [smem:$0x3FA9]  }
0x2a: {  	p0 =	seq.s32 s5, $0x0;
	s5 =	sld [smem:$0x3FAA]  }
0x2b: {  	s6 =	sld [smem:$0x3FAB]  }
0x2c: {  	s7 =	sld [smem:$0x3FAC]  }
0x2d: {  	s3 =	simm.s32 $0x108;
	s8 =	sld [smem:$0x3FAD]  }
0x2e: {  	s3 =	simm.s32 @!p0 $0x1082;
	s9 =	sld [smem:$0x3FAE]  }
0x2f: {  	lr =	sadd.s32 s0, s3;
	s0 =	sld [smem:$0x3FA5]  }
0x30: {  	s3 =	sld [smem:$0x3FA8]  }
0x31: {  	[smem:$0x3FB1] =	sst s10  }
0x32: {  	s10 =	sld [smem:$0x3FAF];
	_ =	sdelay $0x3  }
0x33: {  	p0 =	seq.s32 s10, $0x1;
	s10 =	sld [smem:$0x3FB1];
	_ =	sdelay $0x3  }
0x34: {  	[smem:$0x3FB1] =	sst s10  }
0x35: {  	s10 =	sld [smem:$0x3FB0];
	_ =	sdelay $0x3  }
0x36: {  	p1 =	seq.s32 s10, $0x1;
	s10 =	sld [smem:$0x3FB1];
	_ =	sdelay $0x3  }
0x37: {  	[smem:$0x3FB1] =	sst s10  }
0x38: {  	s10 =	sld [smem:$0x3FB2]  }
0x39: {  	_ = 	snop;
	(pc) =	sbr.ind lr, $3  }
0x3a: {  	_ = 	snop  }
0x3b: {  	_ = 	snop  }
0x3c: {  	p2 =	seq.s32 s10, $0x1;
	s10 =	sld [smem:$0x3FB1]  }
0x3d: {  	_ =	shalt  }
0x3e: {  	_ =	shalt  }
0x3f: {  	_ =	shalt  }
0x40: {  	_ =	shalt  }
0x41: {  	_ =	shalt  }
0x42: {  	_ =	shalt  }
0x43: {  	_ =	shalt  }
0x44: {  	_ =	shalt  }
0x45: {  	_ =	shalt  }
0x46: {  	_ =	shalt  }
0x47: {  	_ =	shalt  }
0x48: {  	_ =	shalt  }
0x49: {  	_ =	shalt  }
0x4a: {  	_ =	shalt  }
0x4b: {  	_ =	shalt  }
0x4c: {  	_ =	shalt  }
0x4d: {  	_ =	shalt  }
0x4e: {  	_ =	shalt  }
0x4f: {  	_ =	shalt  }
0x50: {  	_ =	shalt  }
0x51: {  	_ =	shalt  }
0x52: {  	_ =	shalt  }
0x53: {  	_ =	shalt  }
0x54: {  	_ =	shalt  }
0x55: {  	_ =	shalt  }
0x56: {  	_ =	shalt  }
0x57: {  	_ =	shalt  }
0x58: {  	_ =	shalt  }
0x59: {  	_ =	shalt  }
0x5a: {  	_ =	shalt  }
0x5b: {  	_ =	shalt  }
0x5c: {  	_ =	shalt  }
0x5d: {  	_ =	shalt  }
0x5e: {  	_ =	shalt  }
0x5f: {  	_ =	shalt  }
0x60: {  	_ =	shalt  }
0x61: {  	_ =	shalt  }
0x62: {  	_ =	shalt  }
0x63: {  	_ =	shalt  }
0x64: {  	_ =	shalt  }
0x65: {  	_ =	shalt  }
0x66: {  	_ =	shalt  }
0x67: {  	_ =	shalt  }
0x68: {  	_ =	shalt  }
0x69: {  	_ =	shalt  }
0x6a: {  	_ =	shalt  }
0x6b: {  	_ =	shalt  }
0x6c: {  	_ =	shalt  }
0x6d: {  	_ =	shalt  }
0x6e: {  	_ =	shalt  }
0x6f: {  	_ =	shalt  }
0x70: {  	_ =	shalt  }
0x71: {  	_ =	shalt  }
0x72: {  	_ =	shalt  }
0x73: {  	_ =	shalt  }
0x74: {  	_ =	shalt  }
0x75: {  	_ =	shalt  }
0x76: {  	_ =	shalt  }
0x77: {  	_ =	shalt  }
0x78: {  	_ =	shalt  }
0x79: {  	_ =	shalt  }
0x7a: {  	_ =	shalt  }
0x7b: {  	_ =	shalt  }
0x7c: {  	_ =	shalt  }
0x7d: {  	_ =	shalt  }
0x7e: {  	_ =	shalt  }
0x7f: {  	_ =	shalt  }
0x80: {  	_ =	shalt  }
0x81: {  	_ =	shalt  }
0x82: {  	_ =	shalt  }
0x83: {  	_ =	shalt  }
0x84: {  	_ =	shalt  }
0x85: {  	_ =	shalt  }
0x86: {  	_ =	shalt  }
0x87: {  	_ =	shalt  }
.Lfunc_end0:
.L_simem_size_0:
called_computation_lowered:
.L_overlay_start_0:
0x88: {  	s2 =	sld [smem:$0x3FD9]  }
0x89: {  	s3 =	sld [smem:$0x3FFE];
	_ =	sdelay $0x1  }
0x8a: {  	s1 =	srdreg.scid  }
0x8b: {  	s0 =	sand.u32 $0x1, s1  }
0x8c: {  	s17 =	sshll.u32 s0, $0xA;
	s2 =	sadd.s32 s3, s2  }
0x8d: {  	s2 =	sadd.s32 s2, s17  }
0x8e: {  	[smem:$0x3FBD] =	sst s2  }
0x8f: {  	_ = 	snop  }
0x90: {  	s2 =	sld [smem:$0x3FD0];
	(tm) =	ssettm $0x1  }
0x91: {  	s18 =	sld [smem:$0x3FFB];
	_ =	sdelay $0x3  }
0x92: {  	_ =	strace s18  }
0x93: {  	s3 =	sld [smem:$0x3FFC];
	_ =	sdelay $0x3  }
0x94: {  	_ =	strace s3  }
0x95: {  	s3 =	sld [smem:$0x3FFD];
	_ =	sdelay $0x3  }
0x96: {  	_ =	strace s3  }
0x97: {  	_ =	strace $0x8FFFFFFF  }
0x98: {  	s19 =	sld [smem:$0x3FDB];
	_ =	sdelay $0x1  }
0x99: {  	s4 =	simm.s32 $_scs_section_size  }
0x9a: {  	s5 =	simm.s32 $_size__tile_overlayer_lowered;
	s6 =	simm.s32 $_tile_overlayer_lowered  }
0x9b: {  	s22 =	simm.s32 $0x1BFF;
	s21 =	sshll.u32 s6, $0x1;
	s3 =	sadd.s32 s4, s19  }
0x9c: {  	s7 =	simm.s32 $0x0;
	s20 =	sshll.u32 s5, $0x1;
	s5 =	sadd.s32 s21, s3  }
0x9d: {  	[timem:s7], [sflag:s22] =	dma.local [hbm:s5], s20  }
0x9e: {  	_ =	swait.ge [sflag:s22], s20  }
0x9f: {  	s4 =	ssub.s32 $0x0, s20;
	[sflag:s22] =	ssyncset.done $0x0  }
0xa0: {  	[sflag:s22] =	ssyncadd.s32 s4;
	_ =	sdelay $0x1  }
0xa1: {  	s23 =	simm.s32 $0x1B8B  }
0xa2: {  	_ =	swait.ge [sflag:s23], $0x1  }
0xa3: {  	[sflag:s23] =	ssyncset.done $0x0  }
0xa4: {  	s25 =	simm.s32 $0x1B8E;
	s24 =	sld [smem:$0x3FFE];
	[sflag:s23] =	ssyncadd.s32 $0xFFFFFFFF  }
0xa5: {  	s26 =	simm.s32 $execute0_lowered;
	[smem:$0x3FD2] =	sst s25  }
0xa6: {  	s5 =	sshll.u32 s26, $0x1;
	_ =	strace $0x80000046;
	[dreg:$0x1] =	wrdreg $0xFFFFFFFF  }
0xa7: {  	s28 =	simm.s32 $_size_execute0_lowered;
	s3 =	sadd.s32 s3, s5;
	[dreg:$0x0] =	wrdreg $0x0  }
0xa8: {  	s5 =	sshll.u32 s28, $0x1;
	[dreg:$0x2] =	wrdreg s3  }
0xa9: {  	[dreg:$0x3] =	wrdreg s5  }
0xaa: {  	[dreg:$0x4] =	wrdreg $0xC0  }
0xab: {  	_ =	task [dreg:s7], $0x5FFFF  }
0xac: {  	[dreg:$0x1] =	wrdreg $0xFFFFFFFF  }
0xad: {  	[dreg:$0x0] =	wrdreg $0x60  }
0xae: {  	[dreg:$0x2] =	wrdreg s24  }
0xaf: {  	[dreg:$0x3] =	wrdreg s2  }
0xb0: {  	[dreg:$0x4] =	wrdreg $0x144E80  }
0xb1: {  	[dreg:$0x5] =	wrdreg $0x1E2E80  }
0xb2: {  	[dreg:$0x6] =	wrdreg $0x9  }
0xb3: {  	_ =	task.clear_ibuf [dreg:s7], $0x7FFFF;
	_ =	strace $0x90000046  }
0xb4: {  	s29 =	simm.s32 $0x9;
	_ =	strace $0x80000048  }
0xb5: {  	_ =	swait.ge [sflag:s29], $0x1  }
0xb6: {  	[sflag:s29] =	ssyncadd.s32 $0xFFFFFFFF  }
0xb7: {  	_ =	strace $0x90000048  }
0xb8: {  	_ =	sfence  }
0xb9: {  	s30 =	sld [smem:$0x0];
	_ =	sdelay $0x2  }
0xba: {  	s31 =	sshll.u32 s1, $0xD;
	s1 =	sshrl.u32 s1, $0x2  }
0xbb: {  	s3 =	sand.u32 $0x4000, s31;
	s1 =	sadd.s32 s1, s30  }
0xbc: {  	s0 =	sor.u32 s3, s0;
	s1 =	sshll.u32 s1, $0x11  }
0xbd: {  	s0 =	sor.u32 s1, s0  }
0xbe: {  	s0 =	sadd.s32 $0x8F2B, s0  }
0xbf: {  	[sflag:s0] =	ssyncadd.remote.s32 $0x1  }
0xc0: {  	_ =	sfence.sel $0xFFFF  }
0xc1: {  	[dreg:$0x0] =	wrdreg $0xFFFFFFFF;
	(pc) =	sbr.abs _section_cstart, $3  }
0xc2: {  	[dreg:$0x1] =	wrdreg $0xFFFFFFFF  }
0xc3: {  	_ =	task.clear_ibuf [dreg:s7], $0x2FFFF;
	_ =	strace $0x9FFFFFFF  }
0xc4: {  	(tm) =	ssettm $0x7FFFFFFF  }
0xc5: {  	_ =	shalt  }
tec
execute0_lowered:
.L_overlay_start_1:
0x0: {  	(tag) =	ssettag $0x1  }
0x1: {  	s0 =	rddreg [dreg:$0x0]  }
0x2: {  	s1 =	rddreg [dreg:$0x1]  }
0x3: {  	s2 =	rddreg [dreg:$0x2]  }
0x4: {  	s3 =	rddreg [dreg:$0x3]  }
0x5: {  	s17 =	simm.s32 $0x0;
	s16 =	stileid.u32;
	s8 =	srdreg.scid  }
0x6: {  	s28 =	simm.s32 $0xA000;
	s30 =	simm.s32 $0xBF40;
	s4 =	smul.u32 $0xA00, s16  }
0x7: {  	s29 =	simm.s32 $0x6;
	s31 =	simm.s32 $0x2;
	s6 =	smul.u32 $0x2780, s16  }
0x8: {  	[smem:$0x7FF] =	sst s17;
	s5 =	sadd.s32 $0xDC00, s0;
	s9 =	smul.u32 $0x278, s16  }
0x9: {  	s10 =	sadd.s32 $0xDA00, s0;
	s8 =	sand.u32 $0x1, s8;
	s22 =	smul.u32 $0x27800, s16  }
0xa: {  	s15 =	smul.u32 $0x4F00, s16;
	_ =	strace $0x80000047;
	[dreg:$0x5] =	wrdreg s10  }
0xb: {  	s23 =	ssub.s32 $0x2, s8;
	p0 =	sne.s32 s8, $0x0;
	s7 =	sadd.s32 s4, s0  }
0xc: {  	s6 =	sadd.s32 s6, s0;
	s0 =	sadd.s32 $0x5DC00, s0;
	s11 =	sshrl.u32 s23, $0x1  }
0xd: {  	s10 =	sshrl.u32 s22, $0x2;
	s12 =	sadd.s32 $0x80, s9;
	s25 =	sadd.s32 $0x100, s9  }
0xe: {  	s26 =	sadd.s32 $0x180, s9;
	s9 =	sadd.s32 $0x200, s9;
	s21 =	sshrl.u32 s15, $0x2  }
0xf: {  	[dreg:$0x6] =	wrdreg s0;
	s0 =	ssub.s32 s23, s11;
	s18 =	sadd.s32 s10, s2  }
0x10: {  	s24 =	sshll.u32 s12, $0x6;
	s13 =	sshll.u32 s25, $0x6;
	s22 =	sadd.s32 s21, s3  }
0x11: {  	s14 =	sshll.u32 s26, $0x6;
	s7 =	sadd.s32 $0x3A00, s7;
	[dreg:$0xc] =	wrdreg s22  }
0x12: {  	s20 =	sshll.u32 s9, $0x6;
	s12 =	sshll.u32 s12, $0x3;
	[dreg:$0x11] =	wrdreg s7  }
0x13: {  	s11 =	sshll.u32 s26, $0x3;
	s10 =	sadd.s32 s24, s2;
	[dreg:$0x7] =	wrdreg s18  }
0x14: {  	s23 =	smul.u32 $0xA000, s8;
	s13 =	sadd.s32 s13, s2;
	[dreg:$0x8] =	wrdreg s10  }
0x15: {  	s9 =	sshll.u32 s9, $0x3;
	s19 =	sadd.s32 s14, s2;
	[dreg:$0x9] =	wrdreg s13  }
0x16: {  	s12 =	sadd.s32 s12, s3;
	s24 =	sadd.s32 s11, s3;
	[dreg:$0xa] =	wrdreg s19  }
0x17: {  	s9 =	sadd.s32 s9, s3;
	s7 =	sadd.s32 $0x60408, s6;
	[dreg:$0xd] =	wrdreg s12  }
0x18: {  	s0 =	smax.u32 s0, $0x1;
	s13 =	sadd.s32 s20, s2;
	[dreg:$0xf] =	wrdreg s24  }
0x19: {  	s10 =	sshll.u32 s25, $0x3;
	[dreg:$0x10] =	wrdreg s9;
	s1 =	sadd.s32 s1, s23  }
0x1a: {  	s9 =	sadd.s32 $0x60400, s6;
	s25 =	sor.u32 s16, s8;
	[dreg:$0x13] =	wrdreg s0  }
0x1b: {  	s12 =	simm.s32 $0x5;
	s0 =	simm.s32 $0xDE80;
	s24 =	simm.s32 $0xFDC0  }
0x1c: {  	[dreg:$0xb] =	wrdreg s13;
	s10 =	sadd.s32 s10, s3;
	s26 =	sadd.s32 s4, s1  }
0x1d: {  	s9 =	smov.u32 @p0 s7;
	p1 =	sne.s32 s25, $0x0;
	[dreg:$0xe] =	wrdreg s10  }
0x1e: {  	s25 =	simm.s32 $0x1;
	s1 =	simm.s32 $0x4;
	[dreg:$0x14] =	wrdreg s26  }
0x1f: {  	v0 =	vimm.f32 $0.0e+00;
	s7 =	simm.s32 $0x0;
	[dreg:$0x12] =	wrdreg s9;
	s26 =	simm.s32 $0x7D  }
.LBB2_1:
0x20: {  	s4 =	sand.u32 $0x7F00, s17  }
0x21: {  	[dreg:$0x15] =	wrdreg s7;
	s6 =	sand.u32 $0x30, s17;
	s8 =	sshrl.u32 s4, $0x2  }
0x22: {  	s4 =	simm.s32 $0x40;
	s8 =	sor.u32 s6, s8;
	s6 =	simm.s32 $0x0  }
.LBB2_2:
0x23: {  	p2 =	sne.s32 s4, $0x7FC0  }
0x24: {  	[tilespmem:s8+$0x11D00] =	vst v0;
	s6 =	sadd.s32 $0x10, s6;
	s8 =	smov.u32 s4;
	s4 =	sadd.s32 $0x40, s4  }
.Ltmp0:
0x25: {  	(pc) =	sbr.rel @p2 .LBB2_2-.Ltmp0, $4  }
0x26: {  	_ = 	snop  }
0x27: {  	s8 =	sand.u32 $0x7F00, s8  }
0x28: {  	s9 =	sand.u32 $0x30, s6;
	s8 =	sshrl.u32 s8, $0x2  }
0x29: {  	s8 =	sor.u32 s9, s8  }
0x2a: {  	[tilespmem:s8+$0x11D00] =	vst v0;
	s6 =	simm.s32 $0x11D00  }
0x2b: {  	[spmem:s18] =	stream.linear.scatter [tilespmem:s6], [sflag:$0x5], $0x2000, $0x38;
	[tilespmem:$0x1F6A8] =	vst v63  }
0x2c: {  	_ =	swait.ge [sflag:s12], $0x2000  }
0x2d: {  	[sflag:s12] =	ssyncset.done $0x0  }
0x2e: {  	s4 =	rddreg [dreg:$0x8];
	[sflag:s12] =	ssyncadd.s32 $0xFFFFE000  }
0x2f: {  	[spmem:s4] =	stream.linear.scatter [tilespmem:s6], [sflag:$0x5], $0x2000, $0x38;
	[tilespmem:$0x1F6A8] =	vst v63  }
0x30: {  	_ =	swait.ge [sflag:s12], $0x2000  }
0x31: {  	[sflag:s12] =	ssyncset.done $0x0  }
0x32: {  	s10 =	rddreg [dreg:$0x9];
	[sflag:s12] =	ssyncadd.s32 $0xFFFFE000  }
0x33: {  	[spmem:s10] =	stream.linear.scatter [tilespmem:s6], [sflag:$0x5], $0x2000, $0x38;
	[tilespmem:$0x1F6A8] =	vst v63  }
0x34: {  	_ =	swait.ge [sflag:s12], $0x2000  }
0x35: {  	[sflag:s12] =	ssyncset.done $0x0  }
0x36: {  	s11 =	rddreg [dreg:$0xa];
	[sflag:s12] =	ssyncadd.s32 $0xFFFFE000  }
0x37: {  	[spmem:s11] =	stream.linear.scatter [tilespmem:s6], [sflag:$0x5], $0x2000, $0x38;
	[tilespmem:$0x1F6A8] =	vst v63  }
0x38: {  	_ =	swait.ge [sflag:s12], $0x2000  }
0x39: {  	[sflag:s12] =	ssyncset.done $0x0  }
0x3a: {  	s13 =	rddreg [dreg:$0xb];
	[sflag:s12] =	ssyncadd.s32 $0xFFFFE000  }
0x3b: {  	[spmem:s13] =	stream.linear.scatter [tilespmem:s6], [sflag:$0x5], $0x1E00, $0x38;
	[tilespmem:$0x1F6A8] =	vst v63  }
0x3c: {  	_ =	swait.ge [sflag:s12], $0x1E00  }
0x3d: {  	[sflag:s12] =	ssyncset.done $0x0  }
0x3e: {  	s15 =	simm.s32 $0x13D00;
	s14 =	rddreg [dreg:$0x5];
	[sflag:s12] =	ssyncadd.s32 $0xFFFFE200  }
0x3f: {  	[tilespmem:s15], [sflag:$0x5] =	stream.linear.gather [hbm4b:s14+s17], $0x7E8, $0x38;
	[tilespmem:$0x1F6A8] =	vst v63  }
0x40: {  	_ =	swait.ge [sflag:s12], $0x7E8  }
0x41: {  	s9 =	simm.s32 @!p0 $0x5;
	[sflag:s12] =	ssyncset.done $0x0  }
0x42: {  	s4 =	simm.s32 @!p0 $0x13D00;
	s6 =	rddreg [dreg:$0xc];
	[sflag:s12] =	ssyncadd.s32 $0xFFFFF818  }
0x43: {  	[spmem:s6] =	stream.linear.scatter @!p0 [tilespmem:s4], [sflag:$0x5], $0x400, $0x38;
	[tilespmem:$0x1F6A8] =	vst v63  }
0x44: {  	_ =	swait.ge @!p0 [sflag:s9], $0x400  }
0x45: {  	[sflag:s9] =	ssyncset.done @!p0 $0x0  }
0x46: {  	s6 =	rddreg [dreg:$0xd];
	[sflag:s9] =	ssyncadd.s32 @!p0 $0xFFFFFC00  }
0x47: {  	[spmem:s6] =	stream.linear.scatter @!p0 [tilespmem:s4], [sflag:$0x5], $0x400, $0x38;
	[tilespmem:$0x1F6A8] =	vst v63  }
0x48: {  	_ =	swait.ge @!p0 [sflag:s9], $0x400  }
0x49: {  	[sflag:s9] =	ssyncset.done @!p0 $0x0  }
0x4a: {  	s6 =	rddreg [dreg:$0xe];
	[sflag:s9] =	ssyncadd.s32 @!p0 $0xFFFFFC00  }
0x4b: {  	[spmem:s6] =	stream.linear.scatter @!p0 [tilespmem:s4], [sflag:$0x5], $0x400, $0x38;
	[tilespmem:$0x1F6A8] =	vst v63  }
0x4c: {  	_ =	swait.ge @!p0 [sflag:s9], $0x400  }
0x4d: {  	[sflag:s9] =	ssyncset.done @!p0 $0x0  }
0x4e: {  	s6 =	rddreg [dreg:$0xf];
	[sflag:s9] =	ssyncadd.s32 @!p0 $0xFFFFFC00  }
0x4f: {  	[spmem:s6] =	stream.linear.scatter @!p0 [tilespmem:s4], [sflag:$0x5], $0x400, $0x38;
	[tilespmem:$0x1F6A8] =	vst v63  }
0x50: {  	_ =	swait.ge @!p0 [sflag:s9], $0x400  }
0x51: {  	[sflag:s9] =	ssyncset.done @!p0 $0x0  }
0x52: {  	s6 =	rddreg [dreg:$0x10];
	[sflag:s9] =	ssyncadd.s32 @!p0 $0xFFFFFC00  }
0x53: {  	[spmem:s6] =	stream.linear.scatter @!p0 [tilespmem:s4], [sflag:$0x5], $0x3C0, $0x38;
	[tilespmem:$0x1F6A8] =	vst v63  }
0x54: {  	_ =	swait.ge @!p0 [sflag:s9], $0x3C0  }
0x55: {  	[sflag:s9] =	ssyncset.done @!p0 $0x0  }
0x56: {  	[sflag:s9] =	ssyncadd.s32 @!p0 $0xFFFFFC40  }
0x57: {  	[bflag:$0x0] =	sbarrier.arrive $0xFFFF  }
0x58: {  	s16 =	simm.s32 $0x0;
	s17 =	rddreg [dreg:$0x14]  }
0x59: {  	[tilespmem:s16], [sflag:$0x5] =	stream.linear.gather [hbm4b:s17+s16], $0x5000, $0x38;
	[tilespmem:$0x1F6A8] =	vst v63  }
0x5a: {  	_ =	swait.ge [sflag:s12], $0x5000  }
0x5b: {  	[sflag:s12] =	ssyncset.done $0x0  }
0x5c: {  	s7 =	simm.s32 $0x5000;
	s18 =	rddreg [dreg:$0x11];
	[sflag:s12] =	ssyncadd.s32 $0xFFFFB000  }
0x5d: {  	[tilespmem:s7], [sflag:$0x5] =	stream.linear.gather [hbm4b:s18+s16], $0x5000, $0x38;
	[tilespmem:$0x1F6A8] =	vst v63  }
0x5e: {  	_ =	swait.ge [sflag:s12], $0x5000  }
0x5f: {  	[sflag:s12] =	ssyncset.done $0x0  }
0x60: {  	[sflag:s12] =	ssyncadd.s32 $0xFFFFB000  }
0x61: {  	[tilespmem:s28], [sflag:$0x1] =	stream.indirect.gather [hbm4b:s5+s26], $0x40, s16, s26, $0xb8;
	[tilespmem:$0x1F6A8] =	vst v63  }
0x62: {  	s19 =	simm.s32 $0x80  }
0x63: {  	[tilespmem:s30], [sflag:$0x2] =	stream.indirect.gather [hbm4b:s5+s26], $0x40, s19, s26, $0xb8;
	[tilespmem:$0x1F6A8] =	vst v63  }
0x64: {  	s20 =	simm.s32 $0x100  }
0x65: {  	[tilespmem:s0], [sflag:$0x3] =	stream.indirect.gather [hbm4b:s5+s26], $0x40, s20, s26, $0xb8;
	[tilespmem:$0x1F6A8] =	vst v63  }
0x66: {  	s21 =	simm.s32 $0x180  }
0x67: {  	[tilespmem:s24], [sflag:$0x4] =	stream.indirect.gather [hbm4b:s5+s26], $0x40, s21, s26, $0xb8;
	[tilespmem:$0x1F6A8] =	vst v63  }
0x68: {  	_ =	swait.ge [sflag:s25], $0x1F40  }
0x69: {  	[sflag:s25] =	ssyncset.done $0x0  }
0x6a: {  	s4 =	simm.s32 $0x5000;
	[sflag:s25] =	ssyncadd.s32 $0xFFFFE0C0  }
0x6b: {  	[spmem:s2] =	stream.indirect.scatter.add.f32 [tilespmem:s28], [sflag:$0x6], $0x40, s4, s26, $0xb8;
	[tilespmem:$0x1F6A8] =	vst v63  }
0x6c: {  	_ =	swait.ge [sflag:s29], $0x1F40  }
0x6d: {  	s10 =	simm.s32 @!p0 $0x6;
	[sflag:s29] =	ssyncset.done $0x0  }
0x6e: {  	s11 =	simm.s32 @!p0 $0x7D;
	s12 =	simm.s32 @!p0 $0x14100;
	[sflag:s29] =	ssyncadd.s32 $0xFFFFE0C0  }
0x6f: {  	[spmem:s3] =	stream.indirect.scatter.add.f32 @!p0 [tilespmem:s12], [sflag:$0x6], $0x8, s4, s11, $0xb8;
	[tilespmem:$0x1F6A8] =	vst v63  }
0x70: {  	_ =	swait.ge @!p0 [sflag:s10], $0x3E8  }
0x71: {  	[sflag:s10] =	ssyncset.done @!p0 $0x0  }
0x72: {  	s22 =	simm.s32 $0x200;
	[sflag:s10] =	ssyncadd.s32 @!p0 $0xFFFFFC18  }
0x73: {  	[tilespmem:s28], [sflag:$0x1] =	stream.indirect.gather [hbm4b:s5+s26], $0x40, s22, s26, $0xb8;
	[tilespmem:$0x1F6A8] =	vst v63  }
0x74: {  	_ =	swait.ge [sflag:s31], $0x1F40  }
0x75: {  	[sflag:s31] =	ssyncset.done $0x0  }
0x76: {  	s4 =	simm.s32 $0x5080;
	[sflag:s31] =	ssyncadd.s32 $0xFFFFE0C0  }
0x77: {  	[spmem:s2] =	stream.indirect.scatter.add.f32 [tilespmem:s30], [sflag:$0x6], $0x40, s4, s26, $0xb8;
	[tilespmem:$0x1F6A8] =	vst v63  }
0x78: {  	_ =	swait.ge [sflag:s29], $0x1F40  }
0x79: {  	s14 =	simm.s32 @p0 $0x3;
	s15 =	simm.s32 @p0 $0xBF40;
	[sflag:s29] =	ssyncset.done $0x0  }
0x7a: {  	s6 =	simm.s32 @p0 $0x280;
	s16 =	simm.s32 @p0 $0x7D;
	[sflag:s29] =	ssyncadd.s32 $0xFFFFE0C0  }
0x7b: {  	[tilespmem:s15], [sflag:$0x2] =	stream.indirect.gather @p0 [hbm4b:s5+s16], $0x40, s6, s16, $0xb8;
	[tilespmem:$0x1F6A8] =	vst v63  }
0x7c: {  	_ =	swait.ge @p0 [sflag:s14], $0x1F40  }
0x7d: {  	s18 =	simm.s32 @p0 $0x6;
	[sflag:s14] =	ssyncset.done @p0 $0x0  }
0x7e: {  	s20 =	simm.s32 @p0 $0xDE80;
	s6 =	simm.s32 @p0 $0x5100;
	[sflag:s14] =	ssyncadd.s32 @p0 $0xFFFFE0C0  }
0x7f: {  	[spmem:s2] =	stream.indirect.scatter.add.f32 @p0 [tilespmem:s20], [sflag:$0x6], $0x40, s6, s16, $0xb8;
	[tilespmem:$0x1F6A8] =	vst v63  }
0x80: {  	_ =	swait.ge @p0 [sflag:s18], $0x1F40  }
0x81: {  	[sflag:s18] =	ssyncset.done @p0 $0x0  }
0x82: {  	[sflag:s18] =	ssyncadd.s32 @p0 $0xFFFFE0C0  }
0x83: {  	[spmem:s3] =	stream.indirect.scatter.add.f32 @!p0 [tilespmem:s12], [sflag:$0x6], $0x8, s4, s11, $0xb8;
	[tilespmem:$0x1F6A8] =	vst v63  }
0x84: {  	_ =	swait.ge @!p0 [sflag:s10], $0x3E8  }
0x85: {  	s19 =	simm.s32 @!p0 $0xBF40;
	[sflag:s10] =	ssyncset.done @!p0 $0x0  }
0x86: {  	s22 =	simm.s32 @!p0 $0x3;
	s4 =	simm.s32 @!p0 $0x280;
	[sflag:s10] =	ssyncadd.s32 @!p0 $0xFFFFFC18  }
0x87: {  	[tilespmem:s19], [sflag:$0x2] =	stream.indirect.gather @!p0 [hbm4b:s5+s11], $0x40, s4, s11, $0xb8;
	[tilespmem:$0x1F6A8] =	vst v63  }
0x88: {  	_ =	swait.ge @!p0 [sflag:s22], $0x1F40  }
0x89: {  	[sflag:s22] =	ssyncset.done @!p0 $0x0  }
0x8a: {  	s6 =	simm.s32 @!p0 $0x5100;
	s4 =	simm.s32 @!p0 $0xDE80;
	[sflag:s22] =	ssyncadd.s32 @!p0 $0xFFFFE0C0  }
0x8b: {  	[spmem:s2] =	stream.indirect.scatter.add.f32 @!p0 [tilespmem:s4], [sflag:$0x6], $0x40, s6, s11, $0xb8;
	[tilespmem:$0x1F6A8] =	vst v63  }
0x8c: {  	_ =	swait.ge @!p0 [sflag:s10], $0x1F40  }
0x8d: {  	[sflag:s10] =	ssyncset.done @!p0 $0x0  }
0x8e: {  	[sflag:s10] =	ssyncadd.s32 @!p0 $0xFFFFE0C0  }
0x8f: {  	[spmem:s3] =	stream.indirect.scatter.add.f32 @!p0 [tilespmem:s12], [sflag:$0x6], $0x8, s6, s11, $0xb8;
	[tilespmem:$0x1F6A8] =	vst v63  }
0x90: {  	_ =	swait.ge @!p0 [sflag:s10], $0x3E8  }
0x91: {  	[sflag:s10] =	ssyncset.done @!p0 $0x0  }
0x92: {  	s23 =	simm.s32 $0x300;
	[sflag:s10] =	ssyncadd.s32 @!p0 $0xFFFFFC18  }
0x93: {  	[tilespmem:s0], [sflag:$0x3] =	stream.indirect.gather [hbm4b:s5+s26], $0x40, s23, s26, $0xb8;
	[tilespmem:$0x1F6A8] =	vst v63  }
0x94: {  	_ =	swait.ge [sflag:s1], $0x1F40  }
0x95: {  	[sflag:s1] =	ssyncset.done $0x0  }
0x96: {  	s6 =	simm.s32 $0x5180;
	[sflag:s1] =	ssyncadd.s32 $0xFFFFE0C0  }
0x97: {  	[spmem:s2] =	stream.indirect.scatter.add.f32 [tilespmem:s24], [sflag:$0x6], $0x40, s6, s26, $0xb8;
	[tilespmem:$0x1F6A8] =	vst v63  }
0x98: {  	_ =	swait.ge [sflag:s29], $0x1F40  }
0x99: {  	[sflag:s29] =	ssyncset.done $0x0  }
0x9a: {  	[sflag:s29] =	ssyncadd.s32 $0xFFFFE0C0  }
0x9b: {  	[spmem:s3] =	stream.indirect.scatter.add.f32 @!p0 [tilespmem:s12], [sflag:$0x5], $0x8, s6, s11, $0xb8;
	[tilespmem:$0x1F6A8] =	vst v63  }
0x9c: {  	s13 =	simm.s32 $0x200;
	_ =	swait.ge @!p0 [sflag:s9], $0x3E8  }
0x9d: {  	s17 =	simm.s32 $0x800;
	s6 =	simm.s32 $0x1000;
	[sflag:s9] =	ssyncset.done @!p0 $0x0  }
.LBB2_4:
0x9e: {  	s21 =	sadd.s32 $0x180, s13  }
0x9f: {  	[sflag:s9] =	ssyncadd.s32 @!p0 $0xFFFFFC18;
	s8 =	smov.u32 s6;
	s6 =	sadd.s32 $0x800, s6  }
0xa0: {  	[tilespmem:s24], [sflag:$0x4] =	stream.indirect.gather [hbm4b:s5+s26], $0x40, s21, s26, $0xb8;
	[tilespmem:$0x1F6A8] =	vst v63  }
0xa1: {  	p2 =	sne.s32 s6, $0x13800;
	_ =	swait.ge [sflag:s25], $0x1F40  }
0xa2: {  	[sflag:s25] =	ssyncset.done $0x0  }
0xa3: {  	s21 =	sadd.s32 $0x5000, s13;
	[sflag:s25] =	ssyncadd.s32 $0xFFFFE0C0  }
0xa4: {  	[spmem:s2] =	stream.indirect.scatter.add.f32 [tilespmem:s28], [sflag:$0x6], $0x40, s21, s26, $0xb8;
	[tilespmem:$0x1F6A8] =	vst v63  }
0xa5: {  	_ =	swait.ge [sflag:s29], $0x1F40  }
0xa6: {  	[sflag:s29] =	ssyncset.done $0x0  }
0xa7: {  	[sflag:s29] =	ssyncadd.s32 $0xFFFFE0C0  }
0xa8: {  	[spmem:s3] =	stream.indirect.scatter.add.f32 @!p0 [tilespmem:s12], [sflag:$0x6], $0x8, s21, s11, $0xb8;
	[tilespmem:$0x1F6A8] =	vst v63  }
0xa9: {  	_ =	swait.ge @!p0 [sflag:s10], $0x3E8  }
0xaa: {  	[sflag:s10] =	ssyncset.done @!p0 $0x0  }
0xab: {  	s21 =	sadd.s32 $0x200, s13;
	[sflag:s10] =	ssyncadd.s32 @!p0 $0xFFFFFC18  }
0xac: {  	[tilespmem:s28], [sflag:$0x1] =	stream.indirect.gather [hbm4b:s5+s26], $0x40, s21, s26, $0xb8;
	[tilespmem:$0x1F6A8] =	vst v63  }
0xad: {  	_ =	swait.ge [sflag:s31], $0x1F40  }
0xae: {  	[sflag:s31] =	ssyncset.done $0x0  }
0xaf: {  	s21 =	sadd.s32 $0x5080, s13;
	[sflag:s31] =	ssyncadd.s32 $0xFFFFE0C0  }
0xb0: {  	[spmem:s2] =	stream.indirect.scatter.add.f32 [tilespmem:s30], [sflag:$0x6], $0x40, s21, s26, $0xb8;
	[tilespmem:$0x1F6A8] =	vst v63  }
0xb1: {  	_ =	swait.ge [sflag:s29], $0x1F40  }
0xb2: {  	s7 =	sshra.s32 @p0 s17, $0x2;
	[sflag:s29] =	ssyncset.done $0x0  }
0xb3: {  	s23 =	sadd.s32 @p0 $0x280, s7;
	[sflag:s29] =	ssyncadd.s32 $0xFFFFE0C0  }
0xb4: {  	[tilespmem:s15], [sflag:$0x2] =	stream.indirect.gather @p0 [hbm4b:s5+s16], $0x40, s23, s16, $0xb8;
	[tilespmem:$0x1F6A8] =	vst v63  }
0xb5: {  	_ =	swait.ge @p0 [sflag:s14], $0x1F40  }
0xb6: {  	[sflag:s14] =	ssyncset.done @p0 $0x0  }
0xb7: {  	s7 =	sadd.s32 @p0 $0x5100, s7;
	[sflag:s14] =	ssyncadd.s32 @p0 $0xFFFFE0C0  }
0xb8: {  	[spmem:s2] =	stream.indirect.scatter.add.f32 @p0 [tilespmem:s20], [sflag:$0x6], $0x40, s7, s16, $0xb8;
	[tilespmem:$0x1F6A8] =	vst v63  }
0xb9: {  	_ =	swait.ge @p0 [sflag:s18], $0x1F40  }
0xba: {  	[sflag:s18] =	ssyncset.done @p0 $0x0  }
0xbb: {  	[sflag:s18] =	ssyncadd.s32 @p0 $0xFFFFE0C0  }
0xbc: {  	[spmem:s3] =	stream.indirect.scatter.add.f32 @!p0 [tilespmem:s12], [sflag:$0x6], $0x8, s21, s11, $0xb8;
	[tilespmem:$0x1F6A8] =	vst v63  }
0xbd: {  	_ =	swait.ge @!p0 [sflag:s10], $0x3E8  }
0xbe: {  	s7 =	sshra.s32 @!p0 s17, $0x2;
	[sflag:s10] =	ssyncset.done @!p0 $0x0  }
0xbf: {  	s17 =	sadd.s32 @!p0 $0x280, s7;
	[sflag:s10] =	ssyncadd.s32 @!p0 $0xFFFFFC18  }
0xc0: {  	[tilespmem:s19], [sflag:$0x2] =	stream.indirect.gather @!p0 [hbm4b:s5+s11], $0x40, s17, s11, $0xb8;
	[tilespmem:$0x1F6A8] =	vst v63  }
0xc1: {  	s17 =	smov.u32 s8;
	_ =	swait.ge @!p0 [sflag:s22], $0x1F40  }
0xc2: {  	[sflag:s22] =	ssyncset.done @!p0 $0x0  }
0xc3: {  	s7 =	sadd.s32 @!p0 $0x5100, s7;
	[sflag:s22] =	ssyncadd.s32 @!p0 $0xFFFFE0C0  }
0xc4: {  	[spmem:s2] =	stream.indirect.scatter.add.f32 @!p0 [tilespmem:s4], [sflag:$0x6], $0x40, s7, s11, $0xb8;
	[tilespmem:$0x1F6A8] =	vst v63  }
0xc5: {  	_ =	swait.ge @!p0 [sflag:s10], $0x1F40  }
0xc6: {  	[sflag:s10] =	ssyncset.done @!p0 $0x0  }
0xc7: {  	[sflag:s10] =	ssyncadd.s32 @!p0 $0xFFFFE0C0  }
0xc8: {  	[spmem:s3] =	stream.indirect.scatter.add.f32 @!p0 [tilespmem:s12], [sflag:$0x6], $0x8, s7, s11, $0xb8;
	[tilespmem:$0x1F6A8] =	vst v63  }
0xc9: {  	_ =	swait.ge @!p0 [sflag:s10], $0x3E8  }
0xca: {  	[sflag:s10] =	ssyncset.done @!p0 $0x0  }
0xcb: {  	s7 =	sadd.s32 $0x300, s13;
	[sflag:s10] =	ssyncadd.s32 @!p0 $0xFFFFFC18  }
0xcc: {  	[tilespmem:s0], [sflag:$0x3] =	stream.indirect.gather [hbm4b:s5+s26], $0x40, s7, s26, $0xb8;
	[tilespmem:$0x1F6A8] =	vst v63  }
0xcd: {  	_ =	swait.ge [sflag:s1], $0x1F40  }
0xce: {  	[sflag:s1] =	ssyncset.done $0x0  }
0xcf: {  	s7 =	sadd.s32 $0x5180, s13;
	[sflag:s1] =	ssyncadd.s32 $0xFFFFE0C0  }
0xd0: {  	[spmem:s2] =	stream.indirect.scatter.add.f32 [tilespmem:s24], [sflag:$0x6], $0x40, s7, s26, $0xb8;
	[tilespmem:$0x1F6A8] =	vst v63  }
0xd1: {  	_ =	swait.ge [sflag:s29], $0x1F40  }
.Ltmp1:
0xd2: {  	[sflag:s29] =	ssyncset.done $0x0;
	(pc) =	sbr.rel @p2 .LBB2_4-.Ltmp1, $4  }
0xd3: {  	[sflag:s29] =	ssyncadd.s32 $0xFFFFE0C0  }
0xd4: {  	[spmem:s3] =	stream.indirect.scatter.add.f32 @!p0 [tilespmem:s12], [sflag:$0x5], $0x8, s7, s11, $0xb8;
	[tilespmem:$0x1F6A8] =	vst v63  }
0xd5: {  	_ =	swait.ge @!p0 [sflag:s9], $0x3E8  }
0xd6: {  	s13 =	sshra.s32 s17, $0x2;
	[sflag:s9] =	ssyncset.done @!p0 $0x0  }
0xd7: {  	s4 =	sadd.s32 $0x180, s13;
	[sflag:s9] =	ssyncadd.s32 @!p0 $0xFFFFFC18  }
0xd8: {  	[tilespmem:s24], [sflag:$0x4] =	stream.indirect.gather [hbm4b:s5+s26], $0x40, s4, s26, $0xb8;
	[tilespmem:$0x1F6A8] =	vst v63  }
0xd9: {  	_ =	swait.ge [sflag:s25], $0x1F40  }
0xda: {  	[sflag:s25] =	ssyncset.done $0x0  }
0xdb: {  	s6 =	sadd.s32 $0x5000, s13;
	[sflag:s25] =	ssyncadd.s32 $0xFFFFE0C0  }
0xdc: {  	[spmem:s2] =	stream.indirect.scatter.add.f32 [tilespmem:s28], [sflag:$0x6], $0x40, s6, s26, $0xb8;
	[tilespmem:$0x1F6A8] =	vst v63  }
0xdd: {  	_ =	swait.ge [sflag:s29], $0x1F40  }
0xde: {  	s7 =	simm.s32 @!p0 $0x6;
	[sflag:s29] =	ssyncset.done $0x0  }
0xdf: {  	s10 =	simm.s32 @!p0 $0x14100;
	s4 =	simm.s32 @!p0 $0x7D;
	[sflag:s29] =	ssyncadd.s32 $0xFFFFE0C0  }
0xe0: {  	[spmem:s3] =	stream.indirect.scatter.add.f32 @!p0 [tilespmem:s10], [sflag:$0x6], $0x8, s6, s4, $0xb8;
	[tilespmem:$0x1F6A8] =	vst v63  }
0xe1: {  	_ =	swait.ge @!p0 [sflag:s7], $0x3E8  }
0xe2: {  	[sflag:s7] =	ssyncset.done @!p0 $0x0  }
0xe3: {  	s8 =	sadd.s32 $0x200, s13;
	[sflag:s7] =	ssyncadd.s32 @!p0 $0xFFFFFC18  }
0xe4: {  	[tilespmem:s28], [sflag:$0x1] =	stream.indirect.gather [hbm4b:s5+s26], $0x40, s8, s26, $0xb8;
	[tilespmem:$0x1F6A8] =	vst v63  }
0xe5: {  	_ =	swait.ge [sflag:s31], $0x1F40  }
0xe6: {  	[sflag:s31] =	ssyncset.done $0x0  }
0xe7: {  	s11 =	sadd.s32 $0x5080, s13;
	[sflag:s31] =	ssyncadd.s32 $0xFFFFE0C0  }
0xe8: {  	[spmem:s2] =	stream.indirect.scatter.add.f32 [tilespmem:s30], [sflag:$0x6], $0x40, s11, s26, $0xb8;
	[tilespmem:$0x1F6A8] =	vst v63  }
0xe9: {  	s12 =	sshra.s32 @p0 s17, $0x2;
	_ =	swait.ge [sflag:s29], $0x1F40  }
0xea: {  	s14 =	sadd.s32 @p0 $0x280, s12;
	[sflag:s29] =	ssyncset.done $0x0  }
0xeb: {  	s6 =	simm.s32 @p0 $0x7D;
	s8 =	simm.s32 @p0 $0xBF40;
	[sflag:s29] =	ssyncadd.s32 $0xFFFFE0C0  }
0xec: {  	[tilespmem:s8], [sflag:$0x2] =	stream.indirect.gather @p0 [hbm4b:s5+s6], $0x40, s14, s6, $0xb8;
	[tilespmem:$0x1F6A8] =	vst v63  }
0xed: {  	s14 =	simm.s32 @p0 $0x3  }
0xee: {  	_ =	swait.ge @p0 [sflag:s14], $0x1F40  }
0xef: {  	[sflag:s14] =	ssyncset.done @p0 $0x0  }
0xf0: {  	s12 =	sadd.s32 @p0 $0x5100, s12;
	[sflag:s14] =	ssyncadd.s32 @p0 $0xFFFFE0C0;
	s14 =	simm.s32 @p0 $0xDE80  }
0xf1: {  	[spmem:s2] =	stream.indirect.scatter.add.f32 @p0 [tilespmem:s14], [sflag:$0x6], $0x40, s12, s6, $0xb8;
	[tilespmem:$0x1F6A8] =	vst v63  }
0xf2: {  	s12 =	simm.s32 @p0 $0x6  }
0xf3: {  	_ =	swait.ge @p0 [sflag:s12], $0x1F40  }
0xf4: {  	[sflag:s12] =	ssyncset.done @p0 $0x0  }
0xf5: {  	[sflag:s12] =	ssyncadd.s32 @p0 $0xFFFFE0C0  }
0xf6: {  	[spmem:s3] =	stream.indirect.scatter.add.f32 @!p0 [tilespmem:s10], [sflag:$0x6], $0x8, s11, s4, $0xb8;
	[tilespmem:$0x1F6A8] =	vst v63  }
0xf7: {  	_ =	swait.ge @!p0 [sflag:s7], $0x3E8  }
0xf8: {  	s11 =	sshra.s32 @!p0 s17, $0x2;
	[sflag:s7] =	ssyncset.done @!p0 $0x0  }
0xf9: {  	s14 =	simm.s32 @!p0 $0xBF40;
	s12 =	sadd.s32 @!p0 $0x280, s11;
	[sflag:s7] =	ssyncadd.s32 @!p0 $0xFFFFFC18  }
0xfa: {  	[tilespmem:s14], [sflag:$0x2] =	stream.indirect.gather @!p0 [hbm4b:s5+s4], $0x40, s12, s4, $0xb8;
	[tilespmem:$0x1F6A8] =	vst v63  }
0xfb: {  	s12 =	simm.s32 @!p0 $0x3  }
0xfc: {  	_ =	swait.ge @!p0 [sflag:s12], $0x1F40  }
0xfd: {  	[sflag:s12] =	ssyncset.done @!p0 $0x0  }
0xfe: {  	s11 =	sadd.s32 @!p0 $0x5100, s11;
	[sflag:s12] =	ssyncadd.s32 @!p0 $0xFFFFE0C0;
	s12 =	simm.s32 @!p0 $0xDE80  }
0xff: {  	[spmem:s2] =	stream.indirect.scatter.add.f32 @!p0 [tilespmem:s12], [sflag:$0x6], $0x40, s11, s4, $0xb8;
	[tilespmem:$0x1F6A8] =	vst v63  }
0x100: {  	_ =	swait.ge @!p0 [sflag:s7], $0x1F40  }
0x101: {  	[sflag:s7] =	ssyncset.done @!p0 $0x0  }
0x102: {  	[sflag:s7] =	ssyncadd.s32 @!p0 $0xFFFFE0C0  }
0x103: {  	[spmem:s3] =	stream.indirect.scatter.add.f32 @!p0 [tilespmem:s10], [sflag:$0x6], $0x8, s11, s4, $0xb8;
	[tilespmem:$0x1F6A8] =	vst v63  }
0x104: {  	_ =	swait.ge @!p0 [sflag:s7], $0x3E8  }
0x105: {  	[sflag:s7] =	ssyncset.done @!p0 $0x0  }
0x106: {  	s11 =	sadd.s32 $0x300, s13;
	[sflag:s7] =	ssyncadd.s32 @!p0 $0xFFFFFC18  }
0x107: {  	[tilespmem:s0], [sflag:$0x3] =	stream.indirect.gather [hbm4b:s5+s26], $0x40, s11, s26, $0xb8;
	[tilespmem:$0x1F6A8] =	vst v63  }
0x108: {  	_ =	swait.ge [sflag:s1], $0x1F40  }
0x109: {  	[sflag:s1] =	ssyncset.done $0x0  }
0x10a: {  	s7 =	sadd.s32 $0x5180, s13;
	[sflag:s1] =	ssyncadd.s32 $0xFFFFE0C0  }
0x10b: {  	[spmem:s2] =	stream.indirect.scatter.add.f32 [tilespmem:s24], [sflag:$0x6], $0x40, s7, s26, $0xb8;
	[tilespmem:$0x1F6A8] =	vst v63  }
0x10c: {  	_ =	swait.ge [sflag:s29], $0x1F40  }
0x10d: {  	[sflag:s29] =	ssyncset.done $0x0  }
0x10e: {  	[sflag:s29] =	ssyncadd.s32 $0xFFFFE0C0  }
0x10f: {  	[spmem:s3] =	stream.indirect.scatter.add.f32 @!p0 [tilespmem:s10], [sflag:$0x5], $0x8, s7, s4, $0xb8;
	[tilespmem:$0x1F6A8] =	vst v63  }
0x110: {  	_ =	swait.ge @!p0 [sflag:s9], $0x3E8  }
0x111: {  	[sflag:s9] =	ssyncset.done @!p0 $0x0  }
0x112: {  	s12 =	simm.s32 $0x4F80;
	[sflag:s9] =	ssyncadd.s32 @!p0 $0xFFFFFC18  }
0x113: {  	[tilespmem:s24], [sflag:$0x4] =	stream.indirect.gather [hbm4b:s5+s26], $0x40, s12, s26, $0xb8;
	[tilespmem:$0x1F6A8] =	vst v63  }
0x114: {  	_ =	swait.ge [sflag:s25], $0x1F40  }
0x115: {  	[sflag:s25] =	ssyncset.done $0x0  }
0x116: {  	s13 =	simm.s32 $0x9E00;
	s12 =	simm.s32 $0x5;
	[sflag:s25] =	ssyncadd.s32 $0xFFFFE0C0  }
0x117: {  	[spmem:s2] =	stream.indirect.scatter.add.f32 [tilespmem:s28], [sflag:$0x5], $0x40, s13, s26, $0xb8;
	[tilespmem:$0x1F6A8] =	vst v63  }
0x118: {  	_ =	swait.ge [sflag:s12], $0x1F40  }
0x119: {  	[sflag:s12] =	ssyncset.done $0x0  }
0x11a: {  	s7 =	simm.s32 @p0 $0x2;
	[sflag:s12] =	ssyncadd.s32 $0xFFFFE0C0  }
0x11b: {  	_ =	swait.ge @p0 [sflag:s7], $0x1F40  }
0x11c: {  	[sflag:s7] =	ssyncset.done @p0 $0x0  }
0x11d: {  	[sflag:s7] =	ssyncadd.s32 @p0 $0xFFFFE0C0;
	s7 =	simm.s32 @p0 $0x9E80  }
0x11e: {  	[spmem:s2] =	stream.indirect.scatter.add.f32 @p0 [tilespmem:s8], [sflag:$0x5], $0x40, s7, s6, $0xb8;
	[tilespmem:$0x1F6A8] =	vst v63  }
0x11f: {  	s7 =	simm.s32 @p0 $0x5  }
0x120: {  	_ =	swait.ge @p0 [sflag:s7], $0x1F40  }
0x121: {  	[sflag:s7] =	ssyncset.done @p0 $0x0  }
0x122: {  	s8 =	simm.s32 @!p0 $0x9E00;
	[sflag:s7] =	ssyncadd.s32 @p0 $0xFFFFE0C0  }
0x123: {  	[spmem:s3] =	stream.indirect.scatter.add.f32 @!p0 [tilespmem:s10], [sflag:$0x5], $0x8, s8, s4, $0xb8;
	[tilespmem:$0x1F6A8] =	vst v63  }
0x124: {  	s8 =	simm.s32 @!p0 $0x5  }
0x125: {  	_ =	swait.ge @!p0 [sflag:s8], $0x3E8  }
0x126: {  	[sflag:s8] =	ssyncset.done @!p0 $0x0  }
0x127: {  	s9 =	simm.s32 @!p0 $0x2;
	[sflag:s8] =	ssyncadd.s32 @!p0 $0xFFFFFC18  }
0x128: {  	_ =	swait.ge @!p0 [sflag:s9], $0x1F40  }
0x129: {  	[sflag:s9] =	ssyncset.done @!p0 $0x0  }
0x12a: {  	[sflag:s9] =	ssyncadd.s32 @!p0 $0xFFFFE0C0;
	s9 =	simm.s32 @!p0 $0x9E80  }
0x12b: {  	[spmem:s2] =	stream.indirect.scatter.add.f32 @!p0 [tilespmem:s14], [sflag:$0x5], $0x40, s9, s4, $0xb8;
	[tilespmem:$0x1F6A8] =	vst v63  }
0x12c: {  	_ =	swait.ge @!p0 [sflag:s8], $0x1F40  }
0x12d: {  	[sflag:s8] =	ssyncset.done @!p0 $0x0  }
0x12e: {  	[sflag:s8] =	ssyncadd.s32 @!p0 $0xFFFFE0C0  }
0x12f: {  	[spmem:s3] =	stream.indirect.scatter.add.f32 @!p0 [tilespmem:s10], [sflag:$0x5], $0x8, s9, s4, $0xb8;
	[tilespmem:$0x1F6A8] =	vst v63  }
0x130: {  	_ =	swait.ge @!p0 [sflag:s8], $0x3E8  }
0x131: {  	[sflag:s8] =	ssyncset.done @!p0 $0x0  }
0x132: {  	s14 =	simm.s32 $0x3;
	[sflag:s8] =	ssyncadd.s32 @!p0 $0xFFFFFC18  }
0x133: {  	_ =	swait.ge [sflag:s14], $0x1F40  }
0x134: {  	[sflag:s14] =	ssyncset.done $0x0  }
0x135: {  	s15 =	simm.s32 $0x9F00;
	[sflag:s14] =	ssyncadd.s32 $0xFFFFE0C0  }
0x136: {  	[spmem:s2] =	stream.indirect.scatter.add.f32 [tilespmem:s0], [sflag:$0x5], $0x40, s15, s26, $0xb8;
	[tilespmem:$0x1F6A8] =	vst v63  }
0x137: {  	_ =	swait.ge [sflag:s12], $0x1F40  }
0x138: {  	[sflag:s12] =	ssyncset.done $0x0  }
0x139: {  	s9 =	simm.s32 @p0 $0x4;
	[sflag:s12] =	ssyncadd.s32 $0xFFFFE0C0  }
0x13a: {  	_ =	swait.ge @p0 [sflag:s9], $0x1F40  }
0x13b: {  	[sflag:s9] =	ssyncset.done @p0 $0x0  }
0x13c: {  	s11 =	simm.s32 @p0 $0xFDC0;
	[sflag:s9] =	ssyncadd.s32 @p0 $0xFFFFE0C0;
	s9 =	simm.s32 @p0 $0x9F80  }
0x13d: {  	[spmem:s2] =	stream.indirect.scatter.add.f32 @p0 [tilespmem:s11], [sflag:$0x5], $0x40, s9, s6, $0xb8;
	[tilespmem:$0x1F6A8] =	vst v63  }
0x13e: {  	_ =	swait.ge @p0 [sflag:s7], $0x1F40  }
0x13f: {  	[sflag:s7] =	ssyncset.done @p0 $0x0  }
0x140: {  	s6 =	simm.s32 @!p0 $0x9F00;
	[sflag:s7] =	ssyncadd.s32 @p0 $0xFFFFE0C0  }
0x141: {  	[spmem:s3] =	stream.indirect.scatter.add.f32 @!p0 [tilespmem:s10], [sflag:$0x5], $0x8, s6, s4, $0xb8;
	[tilespmem:$0x1F6A8] =	vst v63  }
0x142: {  	_ =	swait.ge @!p0 [sflag:s8], $0x3E8  }
0x143: {  	[sflag:s8] =	ssyncset.done @!p0 $0x0  }
0x144: {  	s6 =	simm.s32 @!p0 $0x4;
	[sflag:s8] =	ssyncadd.s32 @!p0 $0xFFFFFC18  }
0x145: {  	_ =	swait.ge @!p0 [sflag:s6], $0x1F40  }
0x146: {  	[sflag:s6] =	ssyncset.done @!p0 $0x0  }
0x147: {  	s7 =	simm.s32 @!p0 $0xFDC0;
	[sflag:s6] =	ssyncadd.s32 @!p0 $0xFFFFE0C0;
	s6 =	simm.s32 @!p0 $0x9F80  }
0x148: {  	[spmem:s2] =	stream.indirect.scatter.add.f32 @!p0 [tilespmem:s7], [sflag:$0x5], $0x40, s6, s4, $0xb8;
	[tilespmem:$0x1F6A8] =	vst v63  }
0x149: {  	_ =	swait.ge @!p0 [sflag:s8], $0x1F40  }
0x14a: {  	[sflag:s8] =	ssyncset.done @!p0 $0x0  }
0x14b: {  	[sflag:s8] =	ssyncadd.s32 @!p0 $0xFFFFE0C0  }
0x14c: {  	[spmem:s3] =	stream.indirect.scatter.add.f32 @!p0 [tilespmem:s10], [sflag:$0x5], $0x8, s6, s4, $0xb8;
	[tilespmem:$0x1F6A8] =	vst v63  }
0x14d: {  	_ =	swait.ge @!p0 [sflag:s8], $0x3E8  }
0x14e: {  	[sflag:s8] =	ssyncset.done @!p0 $0x0  }
0x14f: {  	[sflag:s8] =	ssyncadd.s32 @!p0 $0xFFFFFC18  }
0x150: {  	s16 =	stileid.u32;
	s20 =	simm.s32 $0x10;
	[bflag:$0x0] =	sbarrier.arrive $0xFFFF  }
0x151: {  	s21 =	simm.s32 $0x8;
	s4 =	sshll.u32 s16, $0x6;
	s18 =	rddreg [dreg:$0x7]  }
0x152: {  	s4 =	sor.u32 $0x1C05, s4;
	s19 =	rddreg [dreg:$0x12];
	s17 =	sshrl.u32 s18, $0x3  }
0x153: {  	[hbm:s19@s20], [sflag:s4] =	dma.strided [spmem:s17@s21], $0x13C0, s25, $0x8   }
0x154: {  	_ =	swait.ge [sflag:s12], $0x13C0  }
0x155: {  	[sflag:s12] =	ssyncset.done $0x0  }
0x156: {  	s6 =	sshrl.u32 @!p1 s3, $0x3;
	s7 =	rddreg [dreg:$0x6];
	[sflag:s12] =	ssyncadd.s32 $0xFFFFEC40  }
0x157: {  	[hbm:s7], [sflag:s4] =	dma.local @!p1 [spmem:s6], $0x2780  }
0x158: {  	s4 =	simm.s32 @!p1 $0x5  }
0x159: {  	_ =	swait.ge @!p1 [sflag:s4], $0x2780  }
0x15a: {  	s22 =	rddreg [dreg:$0x15]  }
0x15b: {  	s23 =	rddreg [dreg:$0x13];
	s7 =	sadd.s32 $0x1, s22  }
0x15c: {  	p2 =	sne.s32 s7, s23  }
.Ltmp2:
0x15d: {  	_ = 	snop;
	(pc) =	sbr.rel @p2 .LBB2_1-.Ltmp2, $3  }
0x15e: {  	_ =	sdelay $0x1  }
0x15f: {  	[sflag:s4] =	ssyncset.done @!p1 $0x0  }
0x160: {  	s17 =	simm.s32 $0x0;
	[sflag:s4] =	ssyncadd.s32 @!p1 $0xFFFFD880  }
0x161: {  	_ =	sfence.sel $0x180000  }
0x162: {  	[bflag:$0x0] =	sbarrier.arrive $0xFFFF  }
0x163: {  	_ =	strace $0x90000047  }
0x164: {  	s0 =	stileid.u32;
	[bflag:$0x2] =	sbarrier.arrive $0xFFFF  }
0x165: {  	p0 =	sne.s32 s0, $0x0;
	s0 =	rddreg [dreg:$0x4]  }
0x166: {  	s0 =	sadd.s32 @!p0 $0x100000, s0  }
0x167: {  	[sflag:s0] =	ssyncadd.tile.s32 @!p0 $0x1;
	_ =	shalt  }
.Lfunc_end2:
_tile_overlayer_lowered:
.L_overlay_start_2:
0x168: {  	(tag) =	ssettag $0x2  }
0x169: {  	s0 =	rddreg [dreg:$0x0];
	s2 =	stileid.u32  }
0x16a: {  	s1 =	rddreg [dreg:$0x1];
	p0 =	sne.s32 s2, $0x0  }
0x16b: {  	s3 =	rddreg [dreg:$0x2];
	[bflag:$0x3] =	sbarrier.arrive $0xFFFF;
	s2 =	simm.s32 @!p0 $0x1C05  }
0x16c: {  	[timem:s3], [sflag:s2] =	dma.local @!p0 [hbm:s0], s1  }
0x16d: {  	s0 =	simm.s32 @!p0 $0x5  }
0x16e: {  	_ =	swait.ge @!p0 [sflag:s0], s1  }
0x16f: {  	s1 =	ssub.s32 @!p0 $0x0, s1;
	[sflag:s0] =	ssyncset.done @!p0 $0x0  }
0x170: {  	[sflag:s0] =	ssyncadd.s32 @!p0 s1  }
0x171: {  	[bflag:$0x3] =	sbarrier.arrive $0xFFFF  }
0x172: {  	_ =	shalt  }

</sc_bundles>
